<compile_context>
chip_gen: v7x
topology: tpu7x:2x2x1
jax: 0.10.2.dev20260603
libtpu: 0.0.44.dev20260713+nightly
codegen_flags: <defaults>
</compile_context>

<pallas_src>
import functools

import jax
import jax.numpy as jnp
from jax import lax
from jax.experimental import pallas as pl
from jax.experimental.pallas import tpu as pltpu
from jax.experimental.pallas import tpu_sc as plsc

N_NODES = 10000
D_FEAT = 128

NC = 2
NS = 16
NW = NC * NS
CH = 128
SB = 8
NBUF = 2
DEPTH = 1
LANES = 16

N_PAD = ((N_NODES + NS * CH - 1) // (NS * CH)) * NS * CH
RPS = N_PAD // NS


def _hist_body(idx_hbm, hist_hbm, ibuf0, ibuf1, ones_v, zbuf_v,
               hin_sh, hout_sh, isem0, isem1, *, nsb):
    c = lax.axis_index("c")
    s = lax.axis_index("s")
    wid = c * NS + s

    @pl.loop(0, RPS // LANES)
    def _zero(i):
        zbuf_v[pl.ds(i * LANES, LANES)] = jnp.zeros((LANES,), jnp.float32)

    @pl.loop(0, CH // LANES)
    def _ones(i):
        ones_v[pl.ds(i * LANES, LANES)] = jnp.ones((LANES,), jnp.float32)

    pltpu.sync_copy(zbuf_v, hin_sh.at[pl.ds(s * RPS, RPS)])
    pltpu.sync_copy(zbuf_v, hout_sh.at[pl.ds(s * RPS, RPS)])
    plsc.subcore_barrier()

    ibufs = (ibuf0, ibuf1)
    isems = (isem0, isem1)

    def fetch(si, q):
        pltpu.async_copy(idx_hbm.at[wid, si], ibufs[q], isems[q])

    def wait_fetch(si, q):
        pltpu.make_async_copy(idx_hbm.at[wid, si], ibufs[q], isems[q]).wait()

    def scatter_sc(q):
        for j in range(SB):
            pltpu.sync_copy(ones_v, hin_sh.at[ibufs[q].at[j, 1]], add=True)
            pltpu.sync_copy(ones_v, hout_sh.at[ibufs[q].at[j, 0]], add=True)

    fetch(0, 0)
    fetch(1, 1)

    @pl.loop(0, (nsb - 2) // 2)
    def _main(t):
        si = 2 * t
        wait_fetch(si, 0)
        scatter_sc(0)
        fetch(si + 2, 0)
        wait_fetch(si + 1, 1)
        scatter_sc(1)
        fetch(si + 3, 1)

    wait_fetch(nsb - 2, 0)
    scatter_sc(0)
    wait_fetch(nsb - 1, 1)
    scatter_sc(1)

    plsc.subcore_barrier()

    rr = pl.ds(s * RPS, RPS)
    pltpu.sync_copy(hin_sh.at[rr], hist_hbm.at[c, 0, rr])
    pltpu.sync_copy(hout_sh.at[rr], hist_hbm.at[c, 1, rr])


def _agg_body(g_hbm, idx_hbm, p_hbm, ibuf0, ibuf1, row_a, row_b,
              acc_sh, isem0, isem1, gsem_a, gsem_b, *, nsb):
    c = lax.axis_index("c")
    s = lax.axis_index("s")
    wid = c * NS + s

    ibufs = (ibuf0, ibuf1)
    isems = (isem0, isem1)
    rows = (row_a, row_b)
    gsems = (gsem_a, gsem_b)

    @pl.loop(0, CH)
    def _zr(i):
        @pl.loop(0, D_FEAT // LANES)
        def _zc(j):
            row_a[i, pl.ds(j * LANES, LANES)] = jnp.zeros((LANES,), jnp.float32)

    for r in range(RPS // CH):
        pltpu.async_copy(row_a, acc_sh.at[pl.ds(s * RPS + r * CH, CH)], gsem_a)
    for r in range(RPS // CH):
        pltpu.make_async_copy(
            row_a, acc_sh.at[pl.ds(s * RPS + r * CH, CH)], gsem_a).wait()
    plsc.subcore_barrier()

    def fetch(si, q):
        pltpu.async_copy(idx_hbm.at[wid, si], ibufs[q], isems[q])

    def wait_fetch(si, q):
        pltpu.make_async_copy(idx_hbm.at[wid, si], ibufs[q], isems[q]).wait()

    def start_gather(q, j, p):
        pltpu.async_copy(g_hbm.at[ibufs[q].at[j, 0]], rows[p], gsems[p])

    def wait_gather(q, j, p):
        pltpu.make_async_copy(g_hbm.at[ibufs[q].at[j, 0]], rows[p], gsems[p]).wait()

    def scatter(q, j, p):
        pltpu.sync_copy(rows[p], acc_sh.at[ibufs[q].at[j, 1]], add=True)

    def super_step(si, q, last_sc, tail_fetch):
        for j in range(SB):
            a = j + DEPTH
            if a < SB:
                start_gather(q, a, a % NBUF)
            elif not last_sc:
                if a == SB:
                    wait_fetch(si + 1, 1 - q)
                start_gather(1 - q, a - SB, a % NBUF)
            wait_gather(q, j, j % NBUF)
            scatter(q, j, j % NBUF)
        if tail_fetch:
            fetch(si + 2, q)

    pltpu.sync_copy(idx_hbm.at[wid, 0], ibuf0)
    fetch(1, 1)
    for k in range(DEPTH):
        start_gather(0, k, k)

    @pl.loop(0, (nsb - 2) // 2)
    def _main(t):
        si = 2 * t
        super_step(si, 0, last_sc=False, tail_fetch=True)
        super_step(si + 1, 1, last_sc=False, tail_fetch=True)

    super_step(nsb - 2, 0, last_sc=False, tail_fetch=False)
    super_step(nsb - 1, 1, last_sc=True, tail_fetch=False)

    plsc.subcore_barrier()

    rr = pl.ds(s * RPS, RPS)
    pltpu.sync_copy(acc_sh.at[rr], p_hbm.at[c, rr])


def _scale_body(hist_ref, h_ref, g_ref, *, blk):
    i = pl.program_id(0)
    deg = hist_ref[0, 1, :] + hist_ref[1, 1, :]
    f = jnp.where(deg > 0.0, lax.rsqrt(deg), 0.0)
    row = i * blk + lax.broadcasted_iota(jnp.int32, (blk, 1), 0)
    g_ref[...] = jnp.where(row < N_NODES, h_ref[...] * f[:, None], 0.0)


def _combine_body(hist_ref, p_ref, o_ref):
    deg = hist_ref[0, 0, :] + hist_ref[1, 0, :]
    f = jnp.where(deg > 0.0, lax.rsqrt(deg), 0.0)
    o_ref[...] = (p_ref[0] + p_ref[1]) * f[:, None]


def kernel(node_embeddings, adjacency_list):
    n_edges = adjacency_list.shape[0]
    nsb = -(-n_edges // (NW * CH * SB))
    if nsb % 2:
        nsb += 1
    assert nsb >= 4
    k_chunks = nsb * SB
    e_pad = NW * k_chunks * CH

    pad = N_NODES + (jnp.arange(e_pad - n_edges, dtype=jnp.int32)
                     % (N_PAD - N_NODES))
    ap = jnp.concatenate(
        [adjacency_list.astype(jnp.int32),
         jnp.broadcast_to(pad[:, None], (e_pad - n_edges, 2))])
    idx5 = jnp.swapaxes(ap.reshape(NW, nsb, SB, CH, 2), 3, 4)

    mesh = plsc.VectorSubcoreMesh(core_axis_name="c", subcore_axis_name="s")

    hist = pl.kernel(
        functools.partial(_hist_body, nsb=nsb),
        out_type=jax.ShapeDtypeStruct((NC, 2, N_PAD), jnp.float32),
        mesh=mesh,
        scratch_types=[
            pltpu.VMEM((SB, 2, CH), jnp.int32),
            pltpu.VMEM((SB, 2, CH), jnp.int32),
            pltpu.VMEM((CH,), jnp.float32),
            pltpu.VMEM((RPS,), jnp.float32),
            pltpu.VMEM_SHARED((N_PAD,), jnp.float32),
            pltpu.VMEM_SHARED((N_PAD,), jnp.float32),
            pltpu.SemaphoreType.DMA,
            pltpu.SemaphoreType.DMA,
        ],
    )(idx5)

    blk = N_PAD // 8
    g = pl.pallas_call(
        functools.partial(_scale_body, blk=blk),
        grid=(8,),
        in_specs=[
            pl.BlockSpec((NC, 2, blk), lambda i: (0, 0, i)),
            pl.BlockSpec((blk, D_FEAT), lambda i: (i, 0)),
        ],
        out_specs=pl.BlockSpec((blk, D_FEAT), lambda i: (i, 0)),
        out_shape=jax.ShapeDtypeStruct((N_PAD, D_FEAT), jnp.float32),
    )(hist, node_embeddings)

    partials = pl.kernel(
        functools.partial(_agg_body, nsb=nsb),
        out_type=jax.ShapeDtypeStruct((NC, N_PAD, D_FEAT), jnp.float32),
        mesh=mesh,
        scratch_types=[
            pltpu.VMEM((SB, 2, CH), jnp.int32),
            pltpu.VMEM((SB, 2, CH), jnp.int32),
            pltpu.VMEM((CH, D_FEAT), jnp.float32),
            pltpu.VMEM((CH, D_FEAT), jnp.float32),
            pltpu.VMEM_SHARED((N_PAD, D_FEAT), jnp.float32),
            pltpu.SemaphoreType.DMA,
            pltpu.SemaphoreType.DMA,
            pltpu.SemaphoreType.DMA,
            pltpu.SemaphoreType.DMA,
        ],
    )(g, idx5)

    out = pl.pallas_call(
        _combine_body,
        grid=(8,),
        in_specs=[
            pl.BlockSpec((NC, 2, blk), lambda i: (0, 0, i)),
            pl.BlockSpec((NC, blk, D_FEAT), lambda i: (0, i, 0)),
        ],
        out_specs=pl.BlockSpec((blk, D_FEAT), lambda i: (i, 0)),
        out_shape=jax.ShapeDtypeStruct((N_NODES, D_FEAT), jnp.float32),
    )(hist, partials)

    return out

# --- scband reference (transcript-rebuilt; emitter-appended) ---
"""Pipeline reference for scband-message-passing-47906065220044 (READ-ONLY COPY).

The authoritative reference and input builder live on the scoring server;
editing this copy changes nothing except your own understanding.
"""

import jax, jax.numpy as jnp
import numpy as np

N_NODES = 10000
N_EDGES = 320000
D_FEAT = 128


def setup_inputs(seed: int = 0) -> dict:
    key = jax.random.key(seed)
    k1, k2 = jax.random.split(key)
    node_embeddings = jax.random.normal(k1, (N_NODES, D_FEAT), dtype=jnp.float32)
    adjacency_list = jax.random.randint(k2, (N_EDGES, 2), 0, N_NODES, dtype=jnp.int64)
    return {"node_embeddings": node_embeddings, "adjacency_list": adjacency_list}


def reference(node_embeddings, adjacency_list):
    # Faithful translation of MessagePassing.propagate with a single edge type.
    # message_function is implemented GCN-style:
    #   m_e = h_src / sqrt(num_incoming(tgt) * num_outing(src))
    num_nodes = node_embeddings.shape[0]
    edge_sources = adjacency_list[:, 0]
    edge_targets = adjacency_list[:, 1]

    # _calculate_type_to_incoming_edges_num (scatter_nd add of ones)
    ones = jnp.ones((adjacency_list.shape[0],), dtype=jnp.float32)
    incoming_edges_num = jnp.zeros((num_nodes,), dtype=jnp.float32).at[edge_targets].add(ones)
    outing_edges_num = jnp.zeros((num_nodes,), dtype=jnp.float32).at[edge_sources].add(ones)

    # _calculate_messages_all_type (gathers)
    edge_source_states = jnp.take(node_embeddings, edge_sources, axis=0)
    num_incoming_to_node_per_message = jnp.take(incoming_edges_num, edge_targets, axis=0)
    num_outing_to_node_per_message = jnp.take(outing_edges_num, edge_sources, axis=0)

    # message_function (GCN-style symmetric normalization)
    norm = jax.lax.rsqrt(num_incoming_to_node_per_message * num_outing_to_node_per_message)
    messages = edge_source_states * norm[:, None]

    # _aggregate_function with aggr='sum' -> unsorted_segment_sum
    new_node_states = jax.ops.segment_sum(messages, edge_targets, num_segments=num_nodes)
    return new_node_states

if __name__ == "__main__":
    import jax
    _d = setup_inputs()
    print(jax.jit(kernel)(*tuple(_d.values())))

</pallas_src>

<mosaic_0001>
#map = affine_map<(d0, d1) -> (0, 0)>
#map1 = affine_map<(d0, d1) -> (0, 0, 0, 0, 0)>
#map2 = affine_map<(d0, d1) -> (0, 0, 0)>
module attributes {stable_mosaic.version = 14 : i64} {
  func.func @_agg_body(%arg0: i32, %arg1: i32, %arg2: memref<10240x128xf32, #tpu.memory_space<hbm>>, %arg3: memref<32x10x8x2x128xi32, #tpu.memory_space<hbm>>, %arg4: memref<2x10240x128xf32, #tpu.memory_space<hbm>>, %arg5: memref<8x2x128xi32, #tpu.memory_space<vmem>>, %arg6: memref<8x2x128xi32, #tpu.memory_space<vmem>>, %arg7: memref<128x128xf32, #tpu.memory_space<vmem>>, %arg8: memref<128x128xf32, #tpu.memory_space<vmem>>, %arg9: memref<10240x128xf32, #tpu.memory_space<vmem_shared>>, %arg10: memref<!tpu.dma_semaphore, #tpu.memory_space<semaphore_mem>>, %arg11: memref<!tpu.dma_semaphore, #tpu.memory_space<semaphore_mem>>, %arg12: memref<!tpu.dma_semaphore, #tpu.memory_space<semaphore_mem>>, %arg13: memref<!tpu.dma_semaphore, #tpu.memory_space<semaphore_mem>>) attributes {dimension_semantics = [#tpu.dimension_semantics<core_parallel>, #tpu.dimension_semantics<subcore_parallel>], iteration_bounds = array<i64: 2, 16>, scalar_prefetch = 0 : i64, scratch_operands = 9 : i64, tpu.core_type = #tpu.core_type<sc_vector_subcore>, window_params = [{transform_indices = #map}, {transform_indices = #map1}, {transform_indices = #map2}]} {
    %mul3A = arith.constant 16 : i32
    %mul3A_0 = arith.muli %arg0, %mul3A : i32
    %add3A = arith.addi %mul3A_0, %arg1 : i32
    %scan3A = arith.constant 0 : i32
    %scan3A_1 = arith.constant 128 : i32
    %scan3A_2 = arith.addi %scan3A, %scan3A_1 : i32
    %scan3A_3 = arith.constant 1 : i32
    scf.for %scan3A_401 = %scan3A to %scan3A_2 step %scan3A_3  : i32 {
      %mul3A_402 = arith.constant 1 : i32
      %mul3A_403 = arith.muli %scan3A_401, %mul3A_402 : i32
      %add3A_404 = arith.constant 0 : i32
      %add3A_405 = arith.addi %add3A_404, %mul3A_403 : i32
      %scan3A_406 = arith.constant 0 : i32
      %scan3A_407 = arith.constant 8 : i32
      %scan3A_408 = arith.addi %scan3A_406, %scan3A_407 : i32
      %scan3A_409 = arith.constant 1 : i32
      scf.for %scan3A_411 = %scan3A_406 to %scan3A_408 step %scan3A_409  : i32 {
        %mul3A_412 = arith.constant 1 : i32
        %mul3A_413 = arith.muli %scan3A_411, %mul3A_412 : i32
        %add3A_414 = arith.constant 0 : i32
        %add3A_415 = arith.addi %add3A_414, %mul3A_413 : i32
        %broadcast_in_dim3A = arith.constant 0.000000e+00 : f32
        %broadcast_in_dim3A_416 = vector.broadcast %broadcast_in_dim3A : f32 to vector<16xf32>
        %mul3A_417 = arith.constant 16 : i32
        %mul3A_418 = arith.muli %add3A_415, %mul3A_417 : i32
        %swap3A = arith.index_cast %add3A_405 : i32 to index
        %swap3A_419 = arith.index_cast %mul3A_418 : i32 to index
        %swap3A_420 = tpu.vector_load %arg7[%swap3A, %swap3A_419] {strides = array<i32>} : memref<128x128xf32, #tpu.memory_space<vmem>>, vector<1x16xf32>,
        %swap3A_421 = vector.shape_cast %swap3A_420 : vector<1x16xf32> to vector<16xf32>
        %swap3A_422 = vector.shape_cast %broadcast_in_dim3A_416 : vector<16xf32> to vector<1x16xf32>
        tpu.vector_store %arg7[%swap3A, %swap3A_419], %swap3A_422 {strides = array<i32>} : memref<128x128xf32, #tpu.memory_space<vmem>>, vector<1x16xf32>,
      }
      %scan3A_410 = arith.constant 8 : i32
    }
    %scan3A_4 = arith.constant 128 : i32
    %mul3A_5 = arith.constant 640 : i32
    %mul3A_6 = arith.muli %arg1, %mul3A_5 : i32
    %add3A_7 = arith.constant 0 : i32
    %add3A_8 = arith.addi %mul3A_6, %add3A_7 : i32
    %dma_start3A = arith.constant 0 : i32
    %dma_start3A_9 = tpu.memref_slice %arg9[%add3A_8, %dma_start3A] : memref<10240x128xf32, #tpu.memory_space<vmem_shared>> -> memref<128x128xf32, #tpu.memory_space<vmem_shared>>
    %dma_start3A_10 = arith.constant 0 : i32
    %dma_start3A_11 = tpu.memref_slice %arg9[%add3A_8, %dma_start3A_10] : memref<10240x128xf32, #tpu.memory_space<vmem_shared>> -> memref<128x128xf32, #tpu.memory_space<vmem_shared>>
    tpu.enqueue_dma source(%arg7 : memref<128x128xf32, #tpu.memory_space<vmem>>) target(%dma_start3A_11 : memref<128x128xf32, #tpu.memory_space<vmem_shared>>) target_semaphore(%arg12 : memref<!tpu.dma_semaphore, #tpu.memory_space<semaphore_mem>>)
    %mul3A_12 = arith.constant 640 : i32
    %mul3A_13 = arith.muli %arg1, %mul3A_12 : i32
    %add3A_14 = arith.constant 128 : i32
    %add3A_15 = arith.addi %mul3A_13, %add3A_14 : i32
    %dma_start3A_16 = arith.constant 0 : i32
    %dma_start3A_17 = tpu.memref_slice %arg9[%add3A_15, %dma_start3A_16] : memref<10240x128xf32, #tpu.memory_space<vmem_shared>> -> memref<128x128xf32, #tpu.memory_space<vmem_shared>>
    %dma_start3A_18 = arith.constant 0 : i32
    %dma_start3A_19 = tpu.memref_slice %arg9[%add3A_15, %dma_start3A_18] : memref<10240x128xf32, #tpu.memory_space<vmem_shared>> -> memref<128x128xf32, #tpu.memory_space<vmem_shared>>
    tpu.enqueue_dma source(%arg7 : memref<128x128xf32, #tpu.memory_space<vmem>>) target(%dma_start3A_19 : memref<128x128xf32, #tpu.memory_space<vmem_shared>>) target_semaphore(%arg12 : memref<!tpu.dma_semaphore, #tpu.memory_space<semaphore_mem>>)
    %mul3A_20 = arith.constant 640 : i32
    %mul3A_21 = arith.muli %arg1, %mul3A_20 : i32
    %add3A_22 = arith.constant 256 : i32
    %add3A_23 = arith.addi %mul3A_21, %add3A_22 : i32
    %dma_start3A_24 = arith.constant 0 : i32
    %dma_start3A_25 = tpu.memref_slice %arg9[%add3A_23, %dma_start3A_24] : memref<10240x128xf32, #tpu.memory_space<vmem_shared>> -> memref<128x128xf32, #tpu.memory_space<vmem_shared>>
    %dma_start3A_26 = arith.constant 0 : i32
    %dma_start3A_27 = tpu.memref_slice %arg9[%add3A_23, %dma_start3A_26] : memref<10240x128xf32, #tpu.memory_space<vmem_shared>> -> memref<128x128xf32, #tpu.memory_space<vmem_shared>>
    tpu.enqueue_dma source(%arg7 : memref<128x128xf32, #tpu.memory_space<vmem>>) target(%dma_start3A_27 : memref<128x128xf32, #tpu.memory_space<vmem_shared>>) target_semaphore(%arg12 : memref<!tpu.dma_semaphore, #tpu.memory_space<semaphore_mem>>)
    %mul3A_28 = arith.constant 640 : i32
    %mul3A_29 = arith.muli %arg1, %mul3A_28 : i32
    %add3A_30 = arith.constant 384 : i32
    %add3A_31 = arith.addi %mul3A_29, %add3A_30 : i32
    %dma_start3A_32 = arith.constant 0 : i32
    %dma_start3A_33 = tpu.memref_slice %arg9[%add3A_31, %dma_start3A_32] : memref<10240x128xf32, #tpu.memory_space<vmem_shared>> -> memref<128x128xf32, #tpu.memory_space<vmem_shared>>
    %dma_start3A_34 = arith.constant 0 : i32
    %dma_start3A_35 = tpu.memref_slice %arg9[%add3A_31, %dma_start3A_34] : memref<10240x128xf32, #tpu.memory_space<vmem_shared>> -> memref<128x128xf32, #tpu.memory_space<vmem_shared>>
    tpu.enqueue_dma source(%arg7 : memref<128x128xf32, #tpu.memory_space<vmem>>) target(%dma_start3A_35 : memref<128x128xf32, #tpu.memory_space<vmem_shared>>) target_semaphore(%arg12 : memref<!tpu.dma_semaphore, #tpu.memory_space<semaphore_mem>>)
    %mul3A_36 = arith.constant 640 : i32
    %mul3A_37 = arith.muli %arg1, %mul3A_36 : i32
    %add3A_38 = arith.constant 512 : i32
    %add3A_39 = arith.addi %mul3A_37, %add3A_38 : i32
    %dma_start3A_40 = arith.constant 0 : i32
    %dma_start3A_41 = tpu.memref_slice %arg9[%add3A_39, %dma_start3A_40] : memref<10240x128xf32, #tpu.memory_space<vmem_shared>> -> memref<128x128xf32, #tpu.memory_space<vmem_shared>>
    %dma_start3A_42 = arith.constant 0 : i32
    %dma_start3A_43 = tpu.memref_slice %arg9[%add3A_39, %dma_start3A_42] : memref<10240x128xf32, #tpu.memory_space<vmem_shared>> -> memref<128x128xf32, #tpu.memory_space<vmem_shared>>
    tpu.enqueue_dma source(%arg7 : memref<128x128xf32, #tpu.memory_space<vmem>>) target(%dma_start3A_43 : memref<128x128xf32, #tpu.memory_space<vmem_shared>>) target_semaphore(%arg12 : memref<!tpu.dma_semaphore, #tpu.memory_space<semaphore_mem>>)
    %mul3A_44 = arith.constant 640 : i32
    %mul3A_45 = arith.muli %arg1, %mul3A_44 : i32
    %add3A_46 = arith.constant 0 : i32
    %add3A_47 = arith.addi %mul3A_45, %add3A_46 : i32
    %dma_wait3A = arith.constant 0 : i32
    %dma_wait3A_48 = tpu.memref_slice %arg9[%add3A_47, %dma_wait3A] : memref<10240x128xf32, #tpu.memory_space<vmem_shared>> -> memref<128x128xf32, #tpu.memory_space<vmem_shared>>
    %dma_wait3A_49 = arith.constant 0 : i32
    %dma_wait3A_50 = tpu.memref_slice %arg9[%add3A_47, %dma_wait3A_49] : memref<10240x128xf32, #tpu.memory_space<vmem_shared>> -> memref<128x128xf32, #tpu.memory_space<vmem_shared>>
    tpu.wait_dma2 semaphore(%arg12 : memref<!tpu.dma_semaphore, #tpu.memory_space<semaphore_mem>>) src(%arg7 : memref<128x128xf32, #tpu.memory_space<vmem>>) dst(%dma_wait3A_50 : memref<128x128xf32, #tpu.memory_space<vmem_shared>>)
    %mul3A_51 = arith.constant 640 : i32
    %mul3A_52 = arith.muli %arg1, %mul3A_51 : i32
    %add3A_53 = arith.constant 128 : i32
    %add3A_54 = arith.addi %mul3A_52, %add3A_53 : i32
    %dma_wait3A_55 = arith.constant 0 : i32
    %dma_wait3A_56 = tpu.memref_slice %arg9[%add3A_54, %dma_wait3A_55] : memref<10240x128xf32, #tpu.memory_space<vmem_shared>> -> memref<128x128xf32, #tpu.memory_space<vmem_shared>>
    %dma_wait3A_57 = arith.constant 0 : i32
    %dma_wait3A_58 = tpu.memref_slice %arg9[%add3A_54, %dma_wait3A_57] : memref<10240x128xf32, #tpu.memory_space<vmem_shared>> -> memref<128x128xf32, #tpu.memory_space<vmem_shared>>
    tpu.wait_dma2 semaphore(%arg12 : memref<!tpu.dma_semaphore, #tpu.memory_space<semaphore_mem>>) src(%arg7 : memref<128x128xf32, #tpu.memory_space<vmem>>) dst(%dma_wait3A_58 : memref<128x128xf32, #tpu.memory_space<vmem_shared>>)
    %mul3A_59 = arith.constant 640 : i32
    %mul3A_60 = arith.muli %arg1, %mul3A_59 : i32
    %add3A_61 = arith.constant 256 : i32
    %add3A_62 = arith.addi %mul3A_60, %add3A_61 : i32
    %dma_wait3A_63 = arith.constant 0 : i32
    %dma_wait3A_64 = tpu.memref_slice %arg9[%add3A_62, %dma_wait3A_63] : memref<10240x128xf32, #tpu.memory_space<vmem_shared>> -> memref<128x128xf32, #tpu.memory_space<vmem_shared>>
    %dma_wait3A_65 = arith.constant 0 : i32
    %dma_wait3A_66 = tpu.memref_slice %arg9[%add3A_62, %dma_wait3A_65] : memref<10240x128xf32, #tpu.memory_space<vmem_shared>> -> memref<128x128xf32, #tpu.memory_space<vmem_shared>>
    tpu.wait_dma2 semaphore(%arg12 : memref<!tpu.dma_semaphore, #tpu.memory_space<semaphore_mem>>) src(%arg7 : memref<128x128xf32, #tpu.memory_space<vmem>>) dst(%dma_wait3A_66 : memref<128x128xf32, #tpu.memory_space<vmem_shared>>)
    %mul3A_67 = arith.constant 640 : i32
    %mul3A_68 = arith.muli %arg1, %mul3A_67 : i32
    %add3A_69 = arith.constant 384 : i32
    %add3A_70 = arith.addi %mul3A_68, %add3A_69 : i32
    %dma_wait3A_71 = arith.constant 0 : i32
    %dma_wait3A_72 = tpu.memref_slice %arg9[%add3A_70, %dma_wait3A_71] : memref<10240x128xf32, #tpu.memory_space<vmem_shared>> -> memref<128x128xf32, #tpu.memory_space<vmem_shared>>
    %dma_wait3A_73 = arith.constant 0 : i32
    %dma_wait3A_74 = tpu.memref_slice %arg9[%add3A_70, %dma_wait3A_73] : memref<10240x128xf32, #tpu.memory_space<vmem_shared>> -> memref<128x128xf32, #tpu.memory_space<vmem_shared>>
    tpu.wait_dma2 semaphore(%arg12 : memref<!tpu.dma_semaphore, #tpu.memory_space<semaphore_mem>>) src(%arg7 : memref<128x128xf32, #tpu.memory_space<vmem>>) dst(%dma_wait3A_74 : memref<128x128xf32, #tpu.memory_space<vmem_shared>>)
    %mul3A_75 = arith.constant 640 : i32
    %mul3A_76 = arith.muli %arg1, %mul3A_75 : i32
    %add3A_77 = arith.constant 512 : i32
    %add3A_78 = arith.addi %mul3A_76, %add3A_77 : i32
    %dma_wait3A_79 = arith.constant 0 : i32
    %dma_wait3A_80 = tpu.memref_slice %arg9[%add3A_78, %dma_wait3A_79] : memref<10240x128xf32, #tpu.memory_space<vmem_shared>> -> memref<128x128xf32, #tpu.memory_space<vmem_shared>>
    %dma_wait3A_81 = arith.constant 0 : i32
    %dma_wait3A_82 = tpu.memref_slice %arg9[%add3A_78, %dma_wait3A_81] : memref<10240x128xf32, #tpu.memory_space<vmem_shared>> -> memref<128x128xf32, #tpu.memory_space<vmem_shared>>
    tpu.wait_dma2 semaphore(%arg12 : memref<!tpu.dma_semaphore, #tpu.memory_space<semaphore_mem>>) src(%arg7 : memref<128x128xf32, #tpu.memory_space<vmem>>) dst(%dma_wait3A_82 : memref<128x128xf32, #tpu.memory_space<vmem_shared>>)
    %barrier3A = arith.constant 0 : index
    tpu.barrier barrier_id(%barrier3A)
    %run_scoped3A = arith.constant 0 : i32
    "tpu.region"() ({
      %run_scoped3A_401 = tpu.sem_alloc : memref<!tpu.dma_semaphore, #tpu.memory_space<semaphore_mem>>
      %dma_start3A_402 = arith.constant 0 : i32
      %dma_start3A_403 = arith.constant 0 : i32
      %dma_start3A_404 = arith.constant 0 : i32
      %dma_start3A_405 = tpu.memref_slice %arg3[%add3A, %run_scoped3A, %dma_start3A_402, %dma_start3A_403, %dma_start3A_404] : memref<32x10x8x2x128xi32, #tpu.memory_space<hbm>> -> memref<1x1x8x2x128xi32, #tpu.memory_space<hbm>>
      %dma_start3A_406 = tpu.memref_squeeze %dma_start3A_405 : memref<1x1x8x2x128xi32, #tpu.memory_space<hbm>> -> memref<8x2x128xi32, #tpu.memory_space<hbm>>
      %dma_start3A_407 = arith.constant 0 : i32
      %dma_start3A_408 = arith.constant 0 : i32
      %dma_start3A_409 = arith.constant 0 : i32
      %dma_start3A_410 = tpu.memref_slice %arg3[%add3A, %run_scoped3A, %dma_start3A_407, %dma_start3A_408, %dma_start3A_409] : memref<32x10x8x2x128xi32, #tpu.memory_space<hbm>> -> memref<1x1x8x2x128xi32, #tpu.memory_space<hbm>>
      %dma_start3A_411 = tpu.memref_squeeze %dma_start3A_410 : memref<1x1x8x2x128xi32, #tpu.memory_space<hbm>> -> memref<8x2x128xi32, #tpu.memory_space<hbm>>
      tpu.enqueue_dma source(%dma_start3A_411 : memref<8x2x128xi32, #tpu.memory_space<hbm>>) target(%arg5 : memref<8x2x128xi32, #tpu.memory_space<vmem>>) target_semaphore(%run_scoped3A_401 : memref<!tpu.dma_semaphore, #tpu.memory_space<semaphore_mem>>)
      %dma_wait3A_412 = arith.constant 0 : i32
      %dma_wait3A_413 = arith.constant 0 : i32
      %dma_wait3A_414 = arith.constant 0 : i32
      %dma_wait3A_415 = tpu.memref_slice %arg3[%add3A, %run_scoped3A, %dma_wait3A_412, %dma_wait3A_413, %dma_wait3A_414] : memref<32x10x8x2x128xi32, #tpu.memory_space<hbm>> -> memref<1x1x8x2x128xi32, #tpu.memory_space<hbm>>
      %dma_wait3A_416 = tpu.memref_squeeze %dma_wait3A_415 : memref<1x1x8x2x128xi32, #tpu.memory_space<hbm>> -> memref<8x2x128xi32, #tpu.memory_space<hbm>>
      %dma_wait3A_417 = arith.constant 0 : i32
      %dma_wait3A_418 = arith.constant 0 : i32
      %dma_wait3A_419 = arith.constant 0 : i32
      %dma_wait3A_420 = tpu.memref_slice %arg3[%add3A, %run_scoped3A, %dma_wait3A_417, %dma_wait3A_418, %dma_wait3A_419] : memref<32x10x8x2x128xi32, #tpu.memory_space<hbm>> -> memref<1x1x8x2x128xi32, #tpu.memory_space<hbm>>
      %dma_wait3A_421 = tpu.memref_squeeze %dma_wait3A_420 : memref<1x1x8x2x128xi32, #tpu.memory_space<hbm>> -> memref<8x2x128xi32, #tpu.memory_space<hbm>>
      tpu.wait_dma2 semaphore(%run_scoped3A_401 : memref<!tpu.dma_semaphore, #tpu.memory_space<semaphore_mem>>) src(%dma_wait3A_421 : memref<8x2x128xi32, #tpu.memory_space<hbm>>) dst(%arg5 : memref<8x2x128xi32, #tpu.memory_space<vmem>>)
      tpu.yield
    }) : () -> ()
    %dma_start3A_83 = arith.constant 1 : i32
    %dma_start3A_84 = arith.constant 0 : i32
    %dma_start3A_85 = arith.constant 0 : i32
    %dma_start3A_86 = arith.constant 0 : i32
    %dma_start3A_87 = tpu.memref_slice %arg3[%add3A, %dma_start3A_83, %dma_start3A_84, %dma_start3A_85, %dma_start3A_86] : memref<32x10x8x2x128xi32, #tpu.memory_space<hbm>> -> memref<1x1x8x2x128xi32, #tpu.memory_space<hbm>>
    %dma_start3A_88 = tpu.memref_squeeze %dma_start3A_87 : memref<1x1x8x2x128xi32, #tpu.memory_space<hbm>> -> memref<8x2x128xi32, #tpu.memory_space<hbm>>
    %dma_start3A_89 = arith.constant 0 : i32
    %dma_start3A_90 = arith.constant 0 : i32
    %dma_start3A_91 = arith.constant 0 : i32
    %dma_start3A_92 = tpu.memref_slice %arg3[%add3A, %dma_start3A_83, %dma_start3A_89, %dma_start3A_90, %dma_start3A_91] : memref<32x10x8x2x128xi32, #tpu.memory_space<hbm>> -> memref<1x1x8x2x128xi32, #tpu.memory_space<hbm>>
    %dma_start3A_93 = tpu.memref_squeeze %dma_start3A_92 : memref<1x1x8x2x128xi32, #tpu.memory_space<hbm>> -> memref<8x2x128xi32, #tpu.memory_space<hbm>>
    tpu.enqueue_dma source(%dma_start3A_93 : memref<8x2x128xi32, #tpu.memory_space<hbm>>) target(%arg6 : memref<8x2x128xi32, #tpu.memory_space<vmem>>) target_semaphore(%arg11 : memref<!tpu.dma_semaphore, #tpu.memory_space<semaphore_mem>>)
    %dma_start3A_94 = arith.constant 0 : i32
    %dma_start3A_95 = arith.constant 0 : i32
    %dma_start3A_96 = arith.constant 0 : i32
    %dma_start3A_97 = tpu.memref_slice %arg5[%dma_start3A_94, %dma_start3A_95, %dma_start3A_96] : memref<8x2x128xi32, #tpu.memory_space<vmem>> -> memref<1x1x128xi32, #tpu.memory_space<vmem>>
    %dma_start3A_98 = tpu.memref_squeeze %dma_start3A_97 : memref<1x1x128xi32, #tpu.memory_space<vmem>> -> memref<128xi32, #tpu.memory_space<vmem>>
    %dma_start3A_99 = arith.constant 0 : i32
    %dma_start3A_100 = arith.constant 0 : i32
    %dma_start3A_101 = tpu.memref_slice %arg2[%dma_start3A_99, %dma_start3A_100] : memref<10240x128xf32, #tpu.memory_space<hbm>> -> memref<10240x128xf32, #tpu.memory_space<hbm>>
    tpu.enqueue_indirect_dma source(%dma_start3A_101 : memref<10240x128xf32, #tpu.memory_space<hbm>>) target(%arg7 : memref<128x128xf32, #tpu.memory_space<vmem>>) offsets(%dma_start3A_98 : memref<128xi32, #tpu.memory_space<vmem>>) semaphore(%arg12 : memref<!tpu.dma_semaphore, #tpu.memory_space<semaphore_mem>>)
    %scan3A_102 = arith.constant 0 : i32
    %scan3A_103 = arith.constant 4 : i32
    %scan3A_104 = arith.addi %scan3A_102, %scan3A_103 : i32
    %scan3A_105 = arith.constant 1 : i32
    scf.for %scan3A_401 = %scan3A_102 to %scan3A_104 step %scan3A_105  : i32 {
      %mul3A_402 = arith.constant 1 : i32
      %mul3A_403 = arith.muli %scan3A_401, %mul3A_402 : i32
      %add3A_404 = arith.constant 0 : i32
      %add3A_405 = arith.addi %add3A_404, %mul3A_403 : i32
      %mul3A_406 = arith.constant 2 : i32
      %mul3A_407 = arith.muli %mul3A_406, %add3A_405 : i32
      %dma_start3A_408 = arith.constant 1 : i32
      %dma_start3A_409 = arith.constant 0 : i32
      %dma_start3A_410 = arith.constant 0 : i32
      %dma_start3A_411 = tpu.memref_slice %arg5[%dma_start3A_408, %dma_start3A_409, %dma_start3A_410] : memref<8x2x128xi32, #tpu.memory_space<vmem>> -> memref<1x1x128xi32, #tpu.memory_space<vmem>>
      %dma_start3A_412 = tpu.memref_squeeze %dma_start3A_411 : memref<1x1x128xi32, #tpu.memory_space<vmem>> -> memref<128xi32, #tpu.memory_space<vmem>>
      %dma_start3A_413 = arith.constant 0 : i32
      %dma_start3A_414 = arith.constant 0 : i32
      %dma_start3A_415 = tpu.memref_slice %arg2[%dma_start3A_413, %dma_start3A_414] : memref<10240x128xf32, #tpu.memory_space<hbm>> -> memref<10240x128xf32, #tpu.memory_space<hbm>>
      tpu.enqueue_indirect_dma source(%dma_start3A_415 : memref<10240x128xf32, #tpu.memory_space<hbm>>) target(%arg8 : memref<128x128xf32, #tpu.memory_space<vmem>>) offsets(%dma_start3A_412 : memref<128xi32, #tpu.memory_space<vmem>>) semaphore(%arg13 : memref<!tpu.dma_semaphore, #tpu.memory_space<semaphore_mem>>)
      %dma_wait3A_416 = arith.constant 0 : i32
      %dma_wait3A_417 = arith.constant 0 : i32
      %dma_wait3A_418 = arith.constant 0 : i32
      %dma_wait3A_419 = tpu.memref_slice %arg5[%dma_wait3A_416, %dma_wait3A_417, %dma_wait3A_418] : memref<8x2x128xi32, #tpu.memory_space<vmem>> -> memref<1x1x128xi32, #tpu.memory_space<vmem>>
      %dma_wait3A_420 = tpu.memref_squeeze %dma_wait3A_419 : memref<1x1x128xi32, #tpu.memory_space<vmem>> -> memref<128xi32, #tpu.memory_space<vmem>>
      %dma_wait3A_421 = arith.constant 0 : i32
      %dma_wait3A_422 = arith.constant 0 : i32
      %dma_wait3A_423 = tpu.memref_slice %arg2[%dma_wait3A_421, %dma_wait3A_422] : memref<10240x128xf32, #tpu.memory_space<hbm>> -> memref<10240x128xf32, #tpu.memory_space<hbm>>
      tpu.wait_indirect_dma semaphore(%arg12 : memref<!tpu.dma_semaphore, #tpu.memory_space<semaphore_mem>>) src(%dma_wait3A_423 : memref<10240x128xf32, #tpu.memory_space<hbm>>) dst(%arg7 : memref<128x128xf32, #tpu.memory_space<vmem>>)
      %run_scoped3A_424 = arith.constant 0 : i32
      %run_scoped3A_425 = arith.constant 1 : i32
      "tpu.region"() ({
        %run_scoped3A_746 = tpu.sem_alloc : memref<!tpu.dma_semaphore, #tpu.memory_space<semaphore_mem>>
        %dma_start3A_747 = arith.constant 0 : i32
        %dma_start3A_748 = tpu.memref_slice %arg5[%run_scoped3A_424, %run_scoped3A_425, %dma_start3A_747] : memref<8x2x128xi32, #tpu.memory_space<vmem>> -> memref<1x1x128xi32, #tpu.memory_space<vmem>>
        %dma_start3A_749 = tpu.memref_squeeze %dma_start3A_748 : memref<1x1x128xi32, #tpu.memory_space<vmem>> -> memref<128xi32, #tpu.memory_space<vmem>>
        %dma_start3A_750 = arith.constant 0 : i32
        %dma_start3A_751 = arith.constant 0 : i32
        %dma_start3A_752 = tpu.memref_slice %arg9[%dma_start3A_750, %dma_start3A_751] : memref<10240x128xf32, #tpu.memory_space<vmem_shared>> -> memref<10240x128xf32, #tpu.memory_space<vmem_shared>>
        tpu.enqueue_indirect_dma source(%arg7 : memref<128x128xf32, #tpu.memory_space<vmem>>) target(%dma_start3A_752 : memref<10240x128xf32, #tpu.memory_space<vmem_shared>>) offsets(%dma_start3A_749 : memref<128xi32, #tpu.memory_space<vmem>>) semaphore(%run_scoped3A_746 : memref<!tpu.dma_semaphore, #tpu.memory_space<semaphore_mem>>) {add = true}
        %dma_wait3A_753 = arith.constant 0 : i32
        %dma_wait3A_754 = tpu.memref_slice %arg5[%run_scoped3A_424, %run_scoped3A_425, %dma_wait3A_753] : memref<8x2x128xi32, #tpu.memory_space<vmem>> -> memref<1x1x128xi32, #tpu.memory_space<vmem>>
        %dma_wait3A_755 = tpu.memref_squeeze %dma_wait3A_754 : memref<1x1x128xi32, #tpu.memory_space<vmem>> -> memref<128xi32, #tpu.memory_space<vmem>>
        %dma_wait3A_756 = arith.constant 0 : i32
        %dma_wait3A_757 = arith.constant 0 : i32
        %dma_wait3A_758 = tpu.memref_slice %arg9[%dma_wait3A_756, %dma_wait3A_757] : memref<10240x128xf32, #tpu.memory_space<vmem_shared>> -> memref<10240x128xf32, #tpu.memory_space<vmem_shared>>
        tpu.wait_indirect_dma semaphore(%run_scoped3A_746 : memref<!tpu.dma_semaphore, #tpu.memory_space<semaphore_mem>>) src(%arg7 : memref<128x128xf32, #tpu.memory_space<vmem>>) dst(%dma_wait3A_758 : memref<10240x128xf32, #tpu.memory_space<vmem_shared>>)
        tpu.yield
      }) : () -> ()
      %dma_start3A_426 = arith.constant 2 : i32
      %dma_start3A_427 = arith.constant 0 : i32
      %dma_start3A_428 = arith.constant 0 : i32
      %dma_start3A_429 = tpu.memref_slice %arg5[%dma_start3A_426, %dma_start3A_427, %dma_start3A_428] : memref<8x2x128xi32, #tpu.memory_space<vmem>> -> memref<1x1x128xi32, #tpu.memory_space<vmem>>
      %dma_start3A_430 = tpu.memref_squeeze %dma_start3A_429 : memref<1x1x128xi32, #tpu.memory_space<vmem>> -> memref<128xi32, #tpu.memory_space<vmem>>
      %dma_start3A_431 = arith.constant 0 : i32
      %dma_start3A_432 = arith.constant 0 : i32
      %dma_start3A_433 = tpu.memref_slice %arg2[%dma_start3A_431, %dma_start3A_432] : memref<10240x128xf32, #tpu.memory_space<hbm>> -> memref<10240x128xf32, #tpu.memory_space<hbm>>
      tpu.enqueue_indirect_dma source(%dma_start3A_433 : memref<10240x128xf32, #tpu.memory_space<hbm>>) target(%arg7 : memref<128x128xf32, #tpu.memory_space<vmem>>) offsets(%dma_start3A_430 : memref<128xi32, #tpu.memory_space<vmem>>) semaphore(%arg12 : memref<!tpu.dma_semaphore, #tpu.memory_space<semaphore_mem>>)
      %dma_wait3A_434 = arith.constant 1 : i32
      %dma_wait3A_435 = arith.constant 0 : i32
      %dma_wait3A_436 = arith.constant 0 : i32
      %dma_wait3A_437 = tpu.memref_slice %arg5[%dma_wait3A_434, %dma_wait3A_435, %dma_wait3A_436] : memref<8x2x128xi32, #tpu.memory_space<vmem>> -> memref<1x1x128xi32, #tpu.memory_space<vmem>>
      %dma_wait3A_438 = tpu.memref_squeeze %dma_wait3A_437 : memref<1x1x128xi32, #tpu.memory_space<vmem>> -> memref<128xi32, #tpu.memory_space<vmem>>
      %dma_wait3A_439 = arith.constant 0 : i32
      %dma_wait3A_440 = arith.constant 0 : i32
      %dma_wait3A_441 = tpu.memref_slice %arg2[%dma_wait3A_439, %dma_wait3A_440] : memref<10240x128xf32, #tpu.memory_space<hbm>> -> memref<10240x128xf32, #tpu.memory_space<hbm>>
      tpu.wait_indirect_dma semaphore(%arg13 : memref<!tpu.dma_semaphore, #tpu.memory_space<semaphore_mem>>) src(%dma_wait3A_441 : memref<10240x128xf32, #tpu.memory_space<hbm>>) dst(%arg8 : memref<128x128xf32, #tpu.memory_space<vmem>>)
      %run_scoped3A_442 = arith.constant 1 : i32
      %run_scoped3A_443 = arith.constant 1 : i32
      "tpu.region"() ({
        %run_scoped3A_746 = tpu.sem_alloc : memref<!tpu.dma_semaphore, #tpu.memory_space<semaphore_mem>>
        %dma_start3A_747 = arith.constant 0 : i32
        %dma_start3A_748 = tpu.memref_slice %arg5[%run_scoped3A_442, %run_scoped3A_443, %dma_start3A_747] : memref<8x2x128xi32, #tpu.memory_space<vmem>> -> memref<1x1x128xi32, #tpu.memory_space<vmem>>
        %dma_start3A_749 = tpu.memref_squeeze %dma_start3A_748 : memref<1x1x128xi32, #tpu.memory_space<vmem>> -> memref<128xi32, #tpu.memory_space<vmem>>
        %dma_start3A_750 = arith.constant 0 : i32
        %dma_start3A_751 = arith.constant 0 : i32
        %dma_start3A_752 = tpu.memref_slice %arg9[%dma_start3A_750, %dma_start3A_751] : memref<10240x128xf32, #tpu.memory_space<vmem_shared>> -> memref<10240x128xf32, #tpu.memory_space<vmem_shared>>
        tpu.enqueue_indirect_dma source(%arg8 : memref<128x128xf32, #tpu.memory_space<vmem>>) target(%dma_start3A_752 : memref<10240x128xf32, #tpu.memory_space<vmem_shared>>) offsets(%dma_start3A_749 : memref<128xi32, #tpu.memory_space<vmem>>) semaphore(%run_scoped3A_746 : memref<!tpu.dma_semaphore, #tpu.memory_space<semaphore_mem>>) {add = true}
        %dma_wait3A_753 = arith.constant 0 : i32
        %dma_wait3A_754 = tpu.memref_slice %arg5[%run_scoped3A_442, %run_scoped3A_443, %dma_wait3A_753] : memref<8x2x128xi32, #tpu.memory_space<vmem>> -> memref<1x1x128xi32, #tpu.memory_space<vmem>>
        %dma_wait3A_755 = tpu.memref_squeeze %dma_wait3A_754 : memref<1x1x128xi32, #tpu.memory_space<vmem>> -> memref<128xi32, #tpu.memory_space<vmem>>
        %dma_wait3A_756 = arith.constant 0 : i32
        %dma_wait3A_757 = arith.constant 0 : i32
        %dma_wait3A_758 = tpu.memref_slice %arg9[%dma_wait3A_756, %dma_wait3A_757] : memref<10240x128xf32, #tpu.memory_space<vmem_shared>> -> memref<10240x128xf32, #tpu.memory_space<vmem_shared>>
        tpu.wait_indirect_dma semaphore(%run_scoped3A_746 : memref<!tpu.dma_semaphore, #tpu.memory_space<semaphore_mem>>) src(%arg8 : memref<128x128xf32, #tpu.memory_space<vmem>>) dst(%dma_wait3A_758 : memref<10240x128xf32, #tpu.memory_space<vmem_shared>>)
        tpu.yield
      }) : () -> ()
      %dma_start3A_444 = arith.constant 3 : i32
      %dma_start3A_445 = arith.constant 0 : i32
      %dma_start3A_446 = arith.constant 0 : i32
      %dma_start3A_447 = tpu.memref_slice %arg5[%dma_start3A_444, %dma_start3A_445, %dma_start3A_446] : memref<8x2x128xi32, #tpu.memory_space<vmem>> -> memref<1x1x128xi32, #tpu.memory_space<vmem>>
      %dma_start3A_448 = tpu.memref_squeeze %dma_start3A_447 : memref<1x1x128xi32, #tpu.memory_space<vmem>> -> memref<128xi32, #tpu.memory_space<vmem>>
      %dma_start3A_449 = arith.constant 0 : i32
      %dma_start3A_450 = arith.constant 0 : i32
      %dma_start3A_451 = tpu.memref_slice %arg2[%dma_start3A_449, %dma_start3A_450] : memref<10240x128xf32, #tpu.memory_space<hbm>> -> memref<10240x128xf32, #tpu.memory_space<hbm>>
      tpu.enqueue_indirect_dma source(%dma_start3A_451 : memref<10240x128xf32, #tpu.memory_space<hbm>>) target(%arg8 : memref<128x128xf32, #tpu.memory_space<vmem>>) offsets(%dma_start3A_448 : memref<128xi32, #tpu.memory_space<vmem>>) semaphore(%arg13 : memref<!tpu.dma_semaphore, #tpu.memory_space<semaphore_mem>>)
      %dma_wait3A_452 = arith.constant 2 : i32
      %dma_wait3A_453 = arith.constant 0 : i32
      %dma_wait3A_454 = arith.constant 0 : i32
      %dma_wait3A_455 = tpu.memref_slice %arg5[%dma_wait3A_452, %dma_wait3A_453, %dma_wait3A_454] : memref<8x2x128xi32, #tpu.memory_space<vmem>> -> memref<1x1x128xi32, #tpu.memory_space<vmem>>
      %dma_wait3A_456 = tpu.memref_squeeze %dma_wait3A_455 : memref<1x1x128xi32, #tpu.memory_space<vmem>> -> memref<128xi32, #tpu.memory_space<vmem>>
      %dma_wait3A_457 = arith.constant 0 : i32
      %dma_wait3A_458 = arith.constant 0 : i32
      %dma_wait3A_459 = tpu.memref_slice %arg2[%dma_wait3A_457, %dma_wait3A_458] : memref<10240x128xf32, #tpu.memory_space<hbm>> -> memref<10240x128xf32, #tpu.memory_space<hbm>>
      tpu.wait_indirect_dma semaphore(%arg12 : memref<!tpu.dma_semaphore, #tpu.memory_space<semaphore_mem>>) src(%dma_wait3A_459 : memref<10240x128xf32, #tpu.memory_space<hbm>>) dst(%arg7 : memref<128x128xf32, #tpu.memory_space<vmem>>)
      %run_scoped3A_460 = arith.constant 2 : i32
      %run_scoped3A_461 = arith.constant 1 : i32
      "tpu.region"() ({
        %run_scoped3A_746 = tpu.sem_alloc : memref<!tpu.dma_semaphore, #tpu.memory_space<semaphore_mem>>
        %dma_start3A_747 = arith.constant 0 : i32
        %dma_start3A_748 = tpu.memref_slice %arg5[%run_scoped3A_460, %run_scoped3A_461, %dma_start3A_747] : memref<8x2x128xi32, #tpu.memory_space<vmem>> -> memref<1x1x128xi32, #tpu.memory_space<vmem>>
        %dma_start3A_749 = tpu.memref_squeeze %dma_start3A_748 : memref<1x1x128xi32, #tpu.memory_space<vmem>> -> memref<128xi32, #tpu.memory_space<vmem>>
        %dma_start3A_750 = arith.constant 0 : i32
        %dma_start3A_751 = arith.constant 0 : i32
        %dma_start3A_752 = tpu.memref_slice %arg9[%dma_start3A_750, %dma_start3A_751] : memref<10240x128xf32, #tpu.memory_space<vmem_shared>> -> memref<10240x128xf32, #tpu.memory_space<vmem_shared>>
        tpu.enqueue_indirect_dma source(%arg7 : memref<128x128xf32, #tpu.memory_space<vmem>>) target(%dma_start3A_752 : memref<10240x128xf32, #tpu.memory_space<vmem_shared>>) offsets(%dma_start3A_749 : memref<128xi32, #tpu.memory_space<vmem>>) semaphore(%run_scoped3A_746 : memref<!tpu.dma_semaphore, #tpu.memory_space<semaphore_mem>>) {add = true}
        %dma_wait3A_753 = arith.constant 0 : i32
        %dma_wait3A_754 = tpu.memref_slice %arg5[%run_scoped3A_460, %run_scoped3A_461, %dma_wait3A_753] : memref<8x2x128xi32, #tpu.memory_space<vmem>> -> memref<1x1x128xi32, #tpu.memory_space<vmem>>
        %dma_wait3A_755 = tpu.memref_squeeze %dma_wait3A_754 : memref<1x1x128xi32, #tpu.memory_space<vmem>> -> memref<128xi32, #tpu.memory_space<vmem>>
        %dma_wait3A_756 = arith.constant 0 : i32
        %dma_wait3A_757 = arith.constant 0 : i32
        %dma_wait3A_758 = tpu.memref_slice %arg9[%dma_wait3A_756, %dma_wait3A_757] : memref<10240x128xf32, #tpu.memory_space<vmem_shared>> -> memref<10240x128xf32, #tpu.memory_space<vmem_shared>>
        tpu.wait_indirect_dma semaphore(%run_scoped3A_746 : memref<!tpu.dma_semaphore, #tpu.memory_space<semaphore_mem>>) src(%arg7 : memref<128x128xf32, #tpu.memory_space<vmem>>) dst(%dma_wait3A_758 : memref<10240x128xf32, #tpu.memory_space<vmem_shared>>)
        tpu.yield
      }) : () -> ()
      %dma_start3A_462 = arith.constant 4 : i32
      %dma_start3A_463 = arith.constant 0 : i32
      %dma_start3A_464 = arith.constant 0 : i32
      %dma_start3A_465 = tpu.memref_slice %arg5[%dma_start3A_462, %dma_start3A_463, %dma_start3A_464] : memref<8x2x128xi32, #tpu.memory_space<vmem>> -> memref<1x1x128xi32, #tpu.memory_space<vmem>>
      %dma_start3A_466 = tpu.memref_squeeze %dma_start3A_465 : memref<1x1x128xi32, #tpu.memory_space<vmem>> -> memref<128xi32, #tpu.memory_space<vmem>>
      %dma_start3A_467 = arith.constant 0 : i32
      %dma_start3A_468 = arith.constant 0 : i32
      %dma_start3A_469 = tpu.memref_slice %arg2[%dma_start3A_467, %dma_start3A_468] : memref<10240x128xf32, #tpu.memory_space<hbm>> -> memref<10240x128xf32, #tpu.memory_space<hbm>>
      tpu.enqueue_indirect_dma source(%dma_start3A_469 : memref<10240x128xf32, #tpu.memory_space<hbm>>) target(%arg7 : memref<128x128xf32, #tpu.memory_space<vmem>>) offsets(%dma_start3A_466 : memref<128xi32, #tpu.memory_space<vmem>>) semaphore(%arg12 : memref<!tpu.dma_semaphore, #tpu.memory_space<semaphore_mem>>)
      %dma_wait3A_470 = arith.constant 3 : i32
      %dma_wait3A_471 = arith.constant 0 : i32
      %dma_wait3A_472 = arith.constant 0 : i32
      %dma_wait3A_473 = tpu.memref_slice %arg5[%dma_wait3A_470, %dma_wait3A_471, %dma_wait3A_472] : memref<8x2x128xi32, #tpu.memory_space<vmem>> -> memref<1x1x128xi32, #tpu.memory_space<vmem>>
      %dma_wait3A_474 = tpu.memref_squeeze %dma_wait3A_473 : memref<1x1x128xi32, #tpu.memory_space<vmem>> -> memref<128xi32, #tpu.memory_space<vmem>>
      %dma_wait3A_475 = arith.constant 0 : i32
      %dma_wait3A_476 = arith.constant 0 : i32
      %dma_wait3A_477 = tpu.memref_slice %arg2[%dma_wait3A_475, %dma_wait3A_476] : memref<10240x128xf32, #tpu.memory_space<hbm>> -> memref<10240x128xf32, #tpu.memory_space<hbm>>
      tpu.wait_indirect_dma semaphore(%arg13 : memref<!tpu.dma_semaphore, #tpu.memory_space<semaphore_mem>>) src(%dma_wait3A_477 : memref<10240x128xf32, #tpu.memory_space<hbm>>) dst(%arg8 : memref<128x128xf32, #tpu.memory_space<vmem>>)
      %run_scoped3A_478 = arith.constant 3 : i32
      %run_scoped3A_479 = arith.constant 1 : i32
      "tpu.region"() ({
        %run_scoped3A_746 = tpu.sem_alloc : memref<!tpu.dma_semaphore, #tpu.memory_space<semaphore_mem>>
        %dma_start3A_747 = arith.constant 0 : i32
        %dma_start3A_748 = tpu.memref_slice %arg5[%run_scoped3A_478, %run_scoped3A_479, %dma_start3A_747] : memref<8x2x128xi32, #tpu.memory_space<vmem>> -> memref<1x1x128xi32, #tpu.memory_space<vmem>>
        %dma_start3A_749 = tpu.memref_squeeze %dma_start3A_748 : memref<1x1x128xi32, #tpu.memory_space<vmem>> -> memref<128xi32, #tpu.memory_space<vmem>>
        %dma_start3A_750 = arith.constant 0 : i32
        %dma_start3A_751 = arith.constant 0 : i32
        %dma_start3A_752 = tpu.memref_slice %arg9[%dma_start3A_750, %dma_start3A_751] : memref<10240x128xf32, #tpu.memory_space<vmem_shared>> -> memref<10240x128xf32, #tpu.memory_space<vmem_shared>>
        tpu.enqueue_indirect_dma source(%arg8 : memref<128x128xf32, #tpu.memory_space<vmem>>) target(%dma_start3A_752 : memref<10240x128xf32, #tpu.memory_space<vmem_shared>>) offsets(%dma_start3A_749 : memref<128xi32, #tpu.memory_space<vmem>>) semaphore(%run_scoped3A_746 : memref<!tpu.dma_semaphore, #tpu.memory_space<semaphore_mem>>) {add = true}
        %dma_wait3A_753 = arith.constant 0 : i32
        %dma_wait3A_754 = tpu.memref_slice %arg5[%run_scoped3A_478, %run_scoped3A_479, %dma_wait3A_753] : memref<8x2x128xi32, #tpu.memory_space<vmem>> -> memref<1x1x128xi32, #tpu.memory_space<vmem>>
        %dma_wait3A_755 = tpu.memref_squeeze %dma_wait3A_754 : memref<1x1x128xi32, #tpu.memory_space<vmem>> -> memref<128xi32, #tpu.memory_space<vmem>>
        %dma_wait3A_756 = arith.constant 0 : i32
        %dma_wait3A_757 = arith.constant 0 : i32
        %dma_wait3A_758 = tpu.memref_slice %arg9[%dma_wait3A_756, %dma_wait3A_757] : memref<10240x128xf32, #tpu.memory_space<vmem_shared>> -> memref<10240x128xf32, #tpu.memory_space<vmem_shared>>
        tpu.wait_indirect_dma semaphore(%run_scoped3A_746 : memref<!tpu.dma_semaphore, #tpu.memory_space<semaphore_mem>>) src(%arg8 : memref<128x128xf32, #tpu.memory_space<vmem>>) dst(%dma_wait3A_758 : memref<10240x128xf32, #tpu.memory_space<vmem_shared>>)
        tpu.yield
      }) : () -> ()
      %dma_start3A_480 = arith.constant 5 : i32
      %dma_start3A_481 = arith.constant 0 : i32
      %dma_start3A_482 = arith.constant 0 : i32
      %dma_start3A_483 = tpu.memref_slice %arg5[%dma_start3A_480, %dma_start3A_481, %dma_start3A_482] : memref<8x2x128xi32, #tpu.memory_space<vmem>> -> memref<1x1x128xi32, #tpu.memory_space<vmem>>
      %dma_start3A_484 = tpu.memref_squeeze %dma_start3A_483 : memref<1x1x128xi32, #tpu.memory_space<vmem>> -> memref<128xi32, #tpu.memory_space<vmem>>
      %dma_start3A_485 = arith.constant 0 : i32
      %dma_start3A_486 = arith.constant 0 : i32
      %dma_start3A_487 = tpu.memref_slice %arg2[%dma_start3A_485, %dma_start3A_486] : memref<10240x128xf32, #tpu.memory_space<hbm>> -> memref<10240x128xf32, #tpu.memory_space<hbm>>
      tpu.enqueue_indirect_dma source(%dma_start3A_487 : memref<10240x128xf32, #tpu.memory_space<hbm>>) target(%arg8 : memref<128x128xf32, #tpu.memory_space<vmem>>) offsets(%dma_start3A_484 : memref<128xi32, #tpu.memory_space<vmem>>) semaphore(%arg13 : memref<!tpu.dma_semaphore, #tpu.memory_space<semaphore_mem>>)
      %dma_wait3A_488 = arith.constant 4 : i32
      %dma_wait3A_489 = arith.constant 0 : i32
      %dma_wait3A_490 = arith.constant 0 : i32
      %dma_wait3A_491 = tpu.memref_slice %arg5[%dma_wait3A_488, %dma_wait3A_489, %dma_wait3A_490] : memref<8x2x128xi32, #tpu.memory_space<vmem>> -> memref<1x1x128xi32, #tpu.memory_space<vmem>>
      %dma_wait3A_492 = tpu.memref_squeeze %dma_wait3A_491 : memref<1x1x128xi32, #tpu.memory_space<vmem>> -> memref<128xi32, #tpu.memory_space<vmem>>
      %dma_wait3A_493 = arith.constant 0 : i32
      %dma_wait3A_494 = arith.constant 0 : i32
      %dma_wait3A_495 = tpu.memref_slice %arg2[%dma_wait3A_493, %dma_wait3A_494] : memref<10240x128xf32, #tpu.memory_space<hbm>> -> memref<10240x128xf32, #tpu.memory_space<hbm>>
      tpu.wait_indirect_dma semaphore(%arg12 : memref<!tpu.dma_semaphore, #tpu.memory_space<semaphore_mem>>) src(%dma_wait3A_495 : memref<10240x128xf32, #tpu.memory_space<hbm>>) dst(%arg7 : memref<128x128xf32, #tpu.memory_space<vmem>>)
      %run_scoped3A_496 = arith.constant 4 : i32
      %run_scoped3A_497 = arith.constant 1 : i32
      "tpu.region"() ({
        %run_scoped3A_746 = tpu.sem_alloc : memref<!tpu.dma_semaphore, #tpu.memory_space<semaphore_mem>>
        %dma_start3A_747 = arith.constant 0 : i32
        %dma_start3A_748 = tpu.memref_slice %arg5[%run_scoped3A_496, %run_scoped3A_497, %dma_start3A_747] : memref<8x2x128xi32, #tpu.memory_space<vmem>> -> memref<1x1x128xi32, #tpu.memory_space<vmem>>
        %dma_start3A_749 = tpu.memref_squeeze %dma_start3A_748 : memref<1x1x128xi32, #tpu.memory_space<vmem>> -> memref<128xi32, #tpu.memory_space<vmem>>
        %dma_start3A_750 = arith.constant 0 : i32
        %dma_start3A_751 = arith.constant 0 : i32
        %dma_start3A_752 = tpu.memref_slice %arg9[%dma_start3A_750, %dma_start3A_751] : memref<10240x128xf32, #tpu.memory_space<vmem_shared>> -> memref<10240x128xf32, #tpu.memory_space<vmem_shared>>
        tpu.enqueue_indirect_dma source(%arg7 : memref<128x128xf32, #tpu.memory_space<vmem>>) target(%dma_start3A_752 : memref<10240x128xf32, #tpu.memory_space<vmem_shared>>) offsets(%dma_start3A_749 : memref<128xi32, #tpu.memory_space<vmem>>) semaphore(%run_scoped3A_746 : memref<!tpu.dma_semaphore, #tpu.memory_space<semaphore_mem>>) {add = true}
        %dma_wait3A_753 = arith.constant 0 : i32
        %dma_wait3A_754 = tpu.memref_slice %arg5[%run_scoped3A_496, %run_scoped3A_497, %dma_wait3A_753] : memref<8x2x128xi32, #tpu.memory_space<vmem>> -> memref<1x1x128xi32, #tpu.memory_space<vmem>>
        %dma_wait3A_755 = tpu.memref_squeeze %dma_wait3A_754 : memref<1x1x128xi32, #tpu.memory_space<vmem>> -> memref<128xi32, #tpu.memory_space<vmem>>
        %dma_wait3A_756 = arith.constant 0 : i32
        %dma_wait3A_757 = arith.constant 0 : i32
        %dma_wait3A_758 = tpu.memref_slice %arg9[%dma_wait3A_756, %dma_wait3A_757] : memref<10240x128xf32, #tpu.memory_space<vmem_shared>> -> memref<10240x128xf32, #tpu.memory_space<vmem_shared>>
        tpu.wait_indirect_dma semaphore(%run_scoped3A_746 : memref<!tpu.dma_semaphore, #tpu.memory_space<semaphore_mem>>) src(%arg7 : memref<128x128xf32, #tpu.memory_space<vmem>>) dst(%dma_wait3A_758 : memref<10240x128xf32, #tpu.memory_space<vmem_shared>>)
        tpu.yield
      }) : () -> ()
      %dma_start3A_498 = arith.constant 6 : i32
      %dma_start3A_499 = arith.constant 0 : i32
      %dma_start3A_500 = arith.constant 0 : i32
      %dma_start3A_501 = tpu.memref_slice %arg5[%dma_start3A_498, %dma_start3A_499, %dma_start3A_500] : memref<8x2x128xi32, #tpu.memory_space<vmem>> -> memref<1x1x128xi32, #tpu.memory_space<vmem>>
      %dma_start3A_502 = tpu.memref_squeeze %dma_start3A_501 : memref<1x1x128xi32, #tpu.memory_space<vmem>> -> memref<128xi32, #tpu.memory_space<vmem>>
      %dma_start3A_503 = arith.constant 0 : i32
      %dma_start3A_504 = arith.constant 0 : i32
      %dma_start3A_505 = tpu.memref_slice %arg2[%dma_start3A_503, %dma_start3A_504] : memref<10240x128xf32, #tpu.memory_space<hbm>> -> memref<10240x128xf32, #tpu.memory_space<hbm>>
      tpu.enqueue_indirect_dma source(%dma_start3A_505 : memref<10240x128xf32, #tpu.memory_space<hbm>>) target(%arg7 : memref<128x128xf32, #tpu.memory_space<vmem>>) offsets(%dma_start3A_502 : memref<128xi32, #tpu.memory_space<vmem>>) semaphore(%arg12 : memref<!tpu.dma_semaphore, #tpu.memory_space<semaphore_mem>>)
      %dma_wait3A_506 = arith.constant 5 : i32
      %dma_wait3A_507 = arith.constant 0 : i32
      %dma_wait3A_508 = arith.constant 0 : i32
      %dma_wait3A_509 = tpu.memref_slice %arg5[%dma_wait3A_506, %dma_wait3A_507, %dma_wait3A_508] : memref<8x2x128xi32, #tpu.memory_space<vmem>> -> memref<1x1x128xi32, #tpu.memory_space<vmem>>
      %dma_wait3A_510 = tpu.memref_squeeze %dma_wait3A_509 : memref<1x1x128xi32, #tpu.memory_space<vmem>> -> memref<128xi32, #tpu.memory_space<vmem>>
      %dma_wait3A_511 = arith.constant 0 : i32
      %dma_wait3A_512 = arith.constant 0 : i32
      %dma_wait3A_513 = tpu.memref_slice %arg2[%dma_wait3A_511, %dma_wait3A_512] : memref<10240x128xf32, #tpu.memory_space<hbm>> -> memref<10240x128xf32, #tpu.memory_space<hbm>>
      tpu.wait_indirect_dma semaphore(%arg13 : memref<!tpu.dma_semaphore, #tpu.memory_space<semaphore_mem>>) src(%dma_wait3A_513 : memref<10240x128xf32, #tpu.memory_space<hbm>>) dst(%arg8 : memref<128x128xf32, #tpu.memory_space<vmem>>)
      %run_scoped3A_514 = arith.constant 5 : i32
      %run_scoped3A_515 = arith.constant 1 : i32
      "tpu.region"() ({
        %run_scoped3A_746 = tpu.sem_alloc : memref<!tpu.dma_semaphore, #tpu.memory_space<semaphore_mem>>
        %dma_start3A_747 = arith.constant 0 : i32
        %dma_start3A_748 = tpu.memref_slice %arg5[%run_scoped3A_514, %run_scoped3A_515, %dma_start3A_747] : memref<8x2x128xi32, #tpu.memory_space<vmem>> -> memref<1x1x128xi32, #tpu.memory_space<vmem>>
        %dma_start3A_749 = tpu.memref_squeeze %dma_start3A_748 : memref<1x1x128xi32, #tpu.memory_space<vmem>> -> memref<128xi32, #tpu.memory_space<vmem>>
        %dma_start3A_750 = arith.constant 0 : i32
        %dma_start3A_751 = arith.constant 0 : i32
        %dma_start3A_752 = tpu.memref_slice %arg9[%dma_start3A_750, %dma_start3A_751] : memref<10240x128xf32, #tpu.memory_space<vmem_shared>> -> memref<10240x128xf32, #tpu.memory_space<vmem_shared>>
        tpu.enqueue_indirect_dma source(%arg8 : memref<128x128xf32, #tpu.memory_space<vmem>>) target(%dma_start3A_752 : memref<10240x128xf32, #tpu.memory_space<vmem_shared>>) offsets(%dma_start3A_749 : memref<128xi32, #tpu.memory_space<vmem>>) semaphore(%run_scoped3A_746 : memref<!tpu.dma_semaphore, #tpu.memory_space<semaphore_mem>>) {add = true}
        %dma_wait3A_753 = arith.constant 0 : i32
        %dma_wait3A_754 = tpu.memref_slice %arg5[%run_scoped3A_514, %run_scoped3A_515, %dma_wait3A_753] : memref<8x2x128xi32, #tpu.memory_space<vmem>> -> memref<1x1x128xi32, #tpu.memory_space<vmem>>
        %dma_wait3A_755 = tpu.memref_squeeze %dma_wait3A_754 : memref<1x1x128xi32, #tpu.memory_space<vmem>> -> memref<128xi32, #tpu.memory_space<vmem>>
        %dma_wait3A_756 = arith.constant 0 : i32
        %dma_wait3A_757 = arith.constant 0 : i32
        %dma_wait3A_758 = tpu.memref_slice %arg9[%dma_wait3A_756, %dma_wait3A_757] : memref<10240x128xf32, #tpu.memory_space<vmem_shared>> -> memref<10240x128xf32, #tpu.memory_space<vmem_shared>>
        tpu.wait_indirect_dma semaphore(%run_scoped3A_746 : memref<!tpu.dma_semaphore, #tpu.memory_space<semaphore_mem>>) src(%arg8 : memref<128x128xf32, #tpu.memory_space<vmem>>) dst(%dma_wait3A_758 : memref<10240x128xf32, #tpu.memory_space<vmem_shared>>)
        tpu.yield
      }) : () -> ()
      %dma_start3A_516 = arith.constant 7 : i32
      %dma_start3A_517 = arith.constant 0 : i32
      %dma_start3A_518 = arith.constant 0 : i32
      %dma_start3A_519 = tpu.memref_slice %arg5[%dma_start3A_516, %dma_start3A_517, %dma_start3A_518] : memref<8x2x128xi32, #tpu.memory_space<vmem>> -> memref<1x1x128xi32, #tpu.memory_space<vmem>>
      %dma_start3A_520 = tpu.memref_squeeze %dma_start3A_519 : memref<1x1x128xi32, #tpu.memory_space<vmem>> -> memref<128xi32, #tpu.memory_space<vmem>>
      %dma_start3A_521 = arith.constant 0 : i32
      %dma_start3A_522 = arith.constant 0 : i32
      %dma_start3A_523 = tpu.memref_slice %arg2[%dma_start3A_521, %dma_start3A_522] : memref<10240x128xf32, #tpu.memory_space<hbm>> -> memref<10240x128xf32, #tpu.memory_space<hbm>>
      tpu.enqueue_indirect_dma source(%dma_start3A_523 : memref<10240x128xf32, #tpu.memory_space<hbm>>) target(%arg8 : memref<128x128xf32, #tpu.memory_space<vmem>>) offsets(%dma_start3A_520 : memref<128xi32, #tpu.memory_space<vmem>>) semaphore(%arg13 : memref<!tpu.dma_semaphore, #tpu.memory_space<semaphore_mem>>)
      %dma_wait3A_524 = arith.constant 6 : i32
      %dma_wait3A_525 = arith.constant 0 : i32
      %dma_wait3A_526 = arith.constant 0 : i32
      %dma_wait3A_527 = tpu.memref_slice %arg5[%dma_wait3A_524, %dma_wait3A_525, %dma_wait3A_526] : memref<8x2x128xi32, #tpu.memory_space<vmem>> -> memref<1x1x128xi32, #tpu.memory_space<vmem>>
      %dma_wait3A_528 = tpu.memref_squeeze %dma_wait3A_527 : memref<1x1x128xi32, #tpu.memory_space<vmem>> -> memref<128xi32, #tpu.memory_space<vmem>>
      %dma_wait3A_529 = arith.constant 0 : i32
      %dma_wait3A_530 = arith.constant 0 : i32
      %dma_wait3A_531 = tpu.memref_slice %arg2[%dma_wait3A_529, %dma_wait3A_530] : memref<10240x128xf32, #tpu.memory_space<hbm>> -> memref<10240x128xf32, #tpu.memory_space<hbm>>
      tpu.wait_indirect_dma semaphore(%arg12 : memref<!tpu.dma_semaphore, #tpu.memory_space<semaphore_mem>>) src(%dma_wait3A_531 : memref<10240x128xf32, #tpu.memory_space<hbm>>) dst(%arg7 : memref<128x128xf32, #tpu.memory_space<vmem>>)
      %run_scoped3A_532 = arith.constant 6 : i32
      %run_scoped3A_533 = arith.constant 1 : i32
      "tpu.region"() ({
        %run_scoped3A_746 = tpu.sem_alloc : memref<!tpu.dma_semaphore, #tpu.memory_space<semaphore_mem>>
        %dma_start3A_747 = arith.constant 0 : i32
        %dma_start3A_748 = tpu.memref_slice %arg5[%run_scoped3A_532, %run_scoped3A_533, %dma_start3A_747] : memref<8x2x128xi32, #tpu.memory_space<vmem>> -> memref<1x1x128xi32, #tpu.memory_space<vmem>>
        %dma_start3A_749 = tpu.memref_squeeze %dma_start3A_748 : memref<1x1x128xi32, #tpu.memory_space<vmem>> -> memref<128xi32, #tpu.memory_space<vmem>>
        %dma_start3A_750 = arith.constant 0 : i32
        %dma_start3A_751 = arith.constant 0 : i32
        %dma_start3A_752 = tpu.memref_slice %arg9[%dma_start3A_750, %dma_start3A_751] : memref<10240x128xf32, #tpu.memory_space<vmem_shared>> -> memref<10240x128xf32, #tpu.memory_space<vmem_shared>>
        tpu.enqueue_indirect_dma source(%arg7 : memref<128x128xf32, #tpu.memory_space<vmem>>) target(%dma_start3A_752 : memref<10240x128xf32, #tpu.memory_space<vmem_shared>>) offsets(%dma_start3A_749 : memref<128xi32, #tpu.memory_space<vmem>>) semaphore(%run_scoped3A_746 : memref<!tpu.dma_semaphore, #tpu.memory_space<semaphore_mem>>) {add = true}
        %dma_wait3A_753 = arith.constant 0 : i32
        %dma_wait3A_754 = tpu.memref_slice %arg5[%run_scoped3A_532, %run_scoped3A_533, %dma_wait3A_753] : memref<8x2x128xi32, #tpu.memory_space<vmem>> -> memref<1x1x128xi32, #tpu.memory_space<vmem>>
        %dma_wait3A_755 = tpu.memref_squeeze %dma_wait3A_754 : memref<1x1x128xi32, #tpu.memory_space<vmem>> -> memref<128xi32, #tpu.memory_space<vmem>>
        %dma_wait3A_756 = arith.constant 0 : i32
        %dma_wait3A_757 = arith.constant 0 : i32
        %dma_wait3A_758 = tpu.memref_slice %arg9[%dma_wait3A_756, %dma_wait3A_757] : memref<10240x128xf32, #tpu.memory_space<vmem_shared>> -> memref<10240x128xf32, #tpu.memory_space<vmem_shared>>
        tpu.wait_indirect_dma semaphore(%run_scoped3A_746 : memref<!tpu.dma_semaphore, #tpu.memory_space<semaphore_mem>>) src(%arg7 : memref<128x128xf32, #tpu.memory_space<vmem>>) dst(%dma_wait3A_758 : memref<10240x128xf32, #tpu.memory_space<vmem_shared>>)
        tpu.yield
      }) : () -> ()
      %add3A_534 = arith.constant 1 : i32
      %add3A_535 = arith.addi %mul3A_407, %add3A_534 : i32
      %dma_wait3A_536 = arith.constant 0 : i32
      %dma_wait3A_537 = arith.constant 0 : i32
      %dma_wait3A_538 = arith.constant 0 : i32
      %dma_wait3A_539 = tpu.memref_slice %arg3[%add3A, %add3A_535, %dma_wait3A_536, %dma_wait3A_537, %dma_wait3A_538] : memref<32x10x8x2x128xi32, #tpu.memory_space<hbm>> -> memref<1x1x8x2x128xi32, #tpu.memory_space<hbm>>
      %dma_wait3A_540 = tpu.memref_squeeze %dma_wait3A_539 : memref<1x1x8x2x128xi32, #tpu.memory_space<hbm>> -> memref<8x2x128xi32, #tpu.memory_space<hbm>>
      %dma_wait3A_541 = arith.constant 0 : i32
      %dma_wait3A_542 = arith.constant 0 : i32
      %dma_wait3A_543 = arith.constant 0 : i32
      %dma_wait3A_544 = tpu.memref_slice %arg3[%add3A, %add3A_535, %dma_wait3A_541, %dma_wait3A_542, %dma_wait3A_543] : memref<32x10x8x2x128xi32, #tpu.memory_space<hbm>> -> memref<1x1x8x2x128xi32, #tpu.memory_space<hbm>>
      %dma_wait3A_545 = tpu.memref_squeeze %dma_wait3A_544 : memref<1x1x8x2x128xi32, #tpu.memory_space<hbm>> -> memref<8x2x128xi32, #tpu.memory_space<hbm>>
      tpu.wait_dma2 semaphore(%arg11 : memref<!tpu.dma_semaphore, #tpu.memory_space<semaphore_mem>>) src(%dma_wait3A_545 : memref<8x2x128xi32, #tpu.memory_space<hbm>>) dst(%arg6 : memref<8x2x128xi32, #tpu.memory_space<vmem>>)
      %dma_start3A_546 = arith.constant 0 : i32
      %dma_start3A_547 = arith.constant 0 : i32
      %dma_start3A_548 = arith.constant 0 : i32
      %dma_start3A_549 = tpu.memref_slice %arg6[%dma_start3A_546, %dma_start3A_547, %dma_start3A_548] : memref<8x2x128xi32, #tpu.memory_space<vmem>> -> memref<1x1x128xi32, #tpu.memory_space<vmem>>
      %dma_start3A_550 = tpu.memref_squeeze %dma_start3A_549 : memref<1x1x128xi32, #tpu.memory_space<vmem>> -> memref<128xi32, #tpu.memory_space<vmem>>
      %dma_start3A_551 = arith.constant 0 : i32
      %dma_start3A_552 = arith.constant 0 : i32
      %dma_start3A_553 = tpu.memref_slice %arg2[%dma_start3A_551, %dma_start3A_552] : memref<10240x128xf32, #tpu.memory_space<hbm>> -> memref<10240x128xf32, #tpu.memory_space<hbm>>
      tpu.enqueue_indirect_dma source(%dma_start3A_553 : memref<10240x128xf32, #tpu.memory_space<hbm>>) target(%arg7 : memref<128x128xf32, #tpu.memory_space<vmem>>) offsets(%dma_start3A_550 : memref<128xi32, #tpu.memory_space<vmem>>) semaphore(%arg12 : memref<!tpu.dma_semaphore, #tpu.memory_space<semaphore_mem>>)
      %dma_wait3A_554 = arith.constant 7 : i32
      %dma_wait3A_555 = arith.constant 0 : i32
      %dma_wait3A_556 = arith.constant 0 : i32
      %dma_wait3A_557 = tpu.memref_slice %arg5[%dma_wait3A_554, %dma_wait3A_555, %dma_wait3A_556] : memref<8x2x128xi32, #tpu.memory_space<vmem>> -> memref<1x1x128xi32, #tpu.memory_space<vmem>>
      %dma_wait3A_558 = tpu.memref_squeeze %dma_wait3A_557 : memref<1x1x128xi32, #tpu.memory_space<vmem>> -> memref<128xi32, #tpu.memory_space<vmem>>
      %dma_wait3A_559 = arith.constant 0 : i32
      %dma_wait3A_560 = arith.constant 0 : i32
      %dma_wait3A_561 = tpu.memref_slice %arg2[%dma_wait3A_559, %dma_wait3A_560] : memref<10240x128xf32, #tpu.memory_space<hbm>> -> memref<10240x128xf32, #tpu.memory_space<hbm>>
      tpu.wait_indirect_dma semaphore(%arg13 : memref<!tpu.dma_semaphore, #tpu.memory_space<semaphore_mem>>) src(%dma_wait3A_561 : memref<10240x128xf32, #tpu.memory_space<hbm>>) dst(%arg8 : memref<128x128xf32, #tpu.memory_space<vmem>>)
      %run_scoped3A_562 = arith.constant 7 : i32
      %run_scoped3A_563 = arith.constant 1 : i32
      "tpu.region"() ({
        %run_scoped3A_746 = tpu.sem_alloc : memref<!tpu.dma_semaphore, #tpu.memory_space<semaphore_mem>>
        %dma_start3A_747 = arith.constant 0 : i32
        %dma_start3A_748 = tpu.memref_slice %arg5[%run_scoped3A_562, %run_scoped3A_563, %dma_start3A_747] : memref<8x2x128xi32, #tpu.memory_space<vmem>> -> memref<1x1x128xi32, #tpu.memory_space<vmem>>
        %dma_start3A_749 = tpu.memref_squeeze %dma_start3A_748 : memref<1x1x128xi32, #tpu.memory_space<vmem>> -> memref<128xi32, #tpu.memory_space<vmem>>
        %dma_start3A_750 = arith.constant 0 : i32
        %dma_start3A_751 = arith.constant 0 : i32
        %dma_start3A_752 = tpu.memref_slice %arg9[%dma_start3A_750, %dma_start3A_751] : memref<10240x128xf32, #tpu.memory_space<vmem_shared>> -> memref<10240x128xf32, #tpu.memory_space<vmem_shared>>
        tpu.enqueue_indirect_dma source(%arg8 : memref<128x128xf32, #tpu.memory_space<vmem>>) target(%dma_start3A_752 : memref<10240x128xf32, #tpu.memory_space<vmem_shared>>) offsets(%dma_start3A_749 : memref<128xi32, #tpu.memory_space<vmem>>) semaphore(%run_scoped3A_746 : memref<!tpu.dma_semaphore, #tpu.memory_space<semaphore_mem>>) {add = true}
        %dma_wait3A_753 = arith.constant 0 : i32
        %dma_wait3A_754 = tpu.memref_slice %arg5[%run_scoped3A_562, %run_scoped3A_563, %dma_wait3A_753] : memref<8x2x128xi32, #tpu.memory_space<vmem>> -> memref<1x1x128xi32, #tpu.memory_space<vmem>>
        %dma_wait3A_755 = tpu.memref_squeeze %dma_wait3A_754 : memref<1x1x128xi32, #tpu.memory_space<vmem>> -> memref<128xi32, #tpu.memory_space<vmem>>
        %dma_wait3A_756 = arith.constant 0 : i32
        %dma_wait3A_757 = arith.constant 0 : i32
        %dma_wait3A_758 = tpu.memref_slice %arg9[%dma_wait3A_756, %dma_wait3A_757] : memref<10240x128xf32, #tpu.memory_space<vmem_shared>> -> memref<10240x128xf32, #tpu.memory_space<vmem_shared>>
        tpu.wait_indirect_dma semaphore(%run_scoped3A_746 : memref<!tpu.dma_semaphore, #tpu.memory_space<semaphore_mem>>) src(%arg8 : memref<128x128xf32, #tpu.memory_space<vmem>>) dst(%dma_wait3A_758 : memref<10240x128xf32, #tpu.memory_space<vmem_shared>>)
        tpu.yield
      }) : () -> ()
      %add3A_564 = arith.constant 2 : i32
      %add3A_565 = arith.addi %mul3A_407, %add3A_564 : i32
      %dma_start3A_566 = arith.constant 0 : i32
      %dma_start3A_567 = arith.constant 0 : i32
      %dma_start3A_568 = arith.constant 0 : i32
      %dma_start3A_569 = tpu.memref_slice %arg3[%add3A, %add3A_565, %dma_start3A_566, %dma_start3A_567, %dma_start3A_568] : memref<32x10x8x2x128xi32, #tpu.memory_space<hbm>> -> memref<1x1x8x2x128xi32, #tpu.memory_space<hbm>>
      %dma_start3A_570 = tpu.memref_squeeze %dma_start3A_569 : memref<1x1x8x2x128xi32, #tpu.memory_space<hbm>> -> memref<8x2x128xi32, #tpu.memory_space<hbm>>
      %dma_start3A_571 = arith.constant 0 : i32
      %dma_start3A_572 = arith.constant 0 : i32
      %dma_start3A_573 = arith.constant 0 : i32
      %dma_start3A_574 = tpu.memref_slice %arg3[%add3A, %add3A_565, %dma_start3A_571, %dma_start3A_572, %dma_start3A_573] : memref<32x10x8x2x128xi32, #tpu.memory_space<hbm>> -> memref<1x1x8x2x128xi32, #tpu.memory_space<hbm>>
      %dma_start3A_575 = tpu.memref_squeeze %dma_start3A_574 : memref<1x1x8x2x128xi32, #tpu.memory_space<hbm>> -> memref<8x2x128xi32, #tpu.memory_space<hbm>>
      tpu.enqueue_dma source(%dma_start3A_575 : memref<8x2x128xi32, #tpu.memory_space<hbm>>) target(%arg5 : memref<8x2x128xi32, #tpu.memory_space<vmem>>) target_semaphore(%arg10 : memref<!tpu.dma_semaphore, #tpu.memory_space<semaphore_mem>>)
      %add3A_576 = arith.constant 1 : i32
      %add3A_577 = arith.addi %mul3A_407, %add3A_576 : i32
      %dma_start3A_578 = arith.constant 1 : i32
      %dma_start3A_579 = arith.constant 0 : i32
      %dma_start3A_580 = arith.constant 0 : i32
      %dma_start3A_581 = tpu.memref_slice %arg6[%dma_start3A_578, %dma_start3A_579, %dma_start3A_580] : memref<8x2x128xi32, #tpu.memory_space<vmem>> -> memref<1x1x128xi32, #tpu.memory_space<vmem>>
      %dma_start3A_582 = tpu.memref_squeeze %dma_start3A_581 : memref<1x1x128xi32, #tpu.memory_space<vmem>> -> memref<128xi32, #tpu.memory_space<vmem>>
      %dma_start3A_583 = arith.constant 0 : i32
      %dma_start3A_584 = arith.constant 0 : i32
      %dma_start3A_585 = tpu.memref_slice %arg2[%dma_start3A_583, %dma_start3A_584] : memref<10240x128xf32, #tpu.memory_space<hbm>> -> memref<10240x128xf32, #tpu.memory_space<hbm>>
      tpu.enqueue_indirect_dma source(%dma_start3A_585 : memref<10240x128xf32, #tpu.memory_space<hbm>>) target(%arg8 : memref<128x128xf32, #tpu.memory_space<vmem>>) offsets(%dma_start3A_582 : memref<128xi32, #tpu.memory_space<vmem>>) semaphore(%arg13 : memref<!tpu.dma_semaphore, #tpu.memory_space<semaphore_mem>>)
      %dma_wait3A_586 = arith.constant 0 : i32
      %dma_wait3A_587 = arith.constant 0 : i32
      %dma_wait3A_588 = arith.constant 0 : i32
      %dma_wait3A_589 = tpu.memref_slice %arg6[%dma_wait3A_586, %dma_wait3A_587, %dma_wait3A_588] : memref<8x2x128xi32, #tpu.memory_space<vmem>> -> memref<1x1x128xi32, #tpu.memory_space<vmem>>
      %dma_wait3A_590 = tpu.memref_squeeze %dma_wait3A_589 : memref<1x1x128xi32, #tpu.memory_space<vmem>> -> memref<128xi32, #tpu.memory_space<vmem>>
      %dma_wait3A_591 = arith.constant 0 : i32
      %dma_wait3A_592 = arith.constant 0 : i32
      %dma_wait3A_593 = tpu.memref_slice %arg2[%dma_wait3A_591, %dma_wait3A_592] : memref<10240x128xf32, #tpu.memory_space<hbm>> -> memref<10240x128xf32, #tpu.memory_space<hbm>>
      tpu.wait_indirect_dma semaphore(%arg12 : memref<!tpu.dma_semaphore, #tpu.memory_space<semaphore_mem>>) src(%dma_wait3A_593 : memref<10240x128xf32, #tpu.memory_space<hbm>>) dst(%arg7 : memref<128x128xf32, #tpu.memory_space<vmem>>)
      %run_scoped3A_594 = arith.constant 0 : i32
      %run_scoped3A_595 = arith.constant 1 : i32
      "tpu.region"() ({
        %run_scoped3A_746 = tpu.sem_alloc : memref<!tpu.dma_semaphore, #tpu.memory_space<semaphore_mem>>
        %dma_start3A_747 = arith.constant 0 : i32
        %dma_start3A_748 = tpu.memref_slice %arg6[%run_scoped3A_594, %run_scoped3A_595, %dma_start3A_747] : memref<8x2x128xi32, #tpu.memory_space<vmem>> -> memref<1x1x128xi32, #tpu.memory_space<vmem>>
        %dma_start3A_749 = tpu.memref_squeeze %dma_start3A_748 : memref<1x1x128xi32, #tpu.memory_space<vmem>> -> memref<128xi32, #tpu.memory_space<vmem>>
        %dma_start3A_750 = arith.constant 0 : i32
        %dma_start3A_751 = arith.constant 0 : i32
        %dma_start3A_752 = tpu.memref_slice %arg9[%dma_start3A_750, %dma_start3A_751] : memref<10240x128xf32, #tpu.memory_space<vmem_shared>> -> memref<10240x128xf32, #tpu.memory_space<vmem_shared>>
        tpu.enqueue_indirect_dma source(%arg7 : memref<128x128xf32, #tpu.memory_space<vmem>>) target(%dma_start3A_752 : memref<10240x128xf32, #tpu.memory_space<vmem_shared>>) offsets(%dma_start3A_749 : memref<128xi32, #tpu.memory_space<vmem>>) semaphore(%run_scoped3A_746 : memref<!tpu.dma_semaphore, #tpu.memory_space<semaphore_mem>>) {add = true}
        %dma_wait3A_753 = arith.constant 0 : i32
        %dma_wait3A_754 = tpu.memref_slice %arg6[%run_scoped3A_594, %run_scoped3A_595, %dma_wait3A_753] : memref<8x2x128xi32, #tpu.memory_space<vmem>> -> memref<1x1x128xi32, #tpu.memory_space<vmem>>
        %dma_wait3A_755 = tpu.memref_squeeze %dma_wait3A_754 : memref<1x1x128xi32, #tpu.memory_space<vmem>> -> memref<128xi32, #tpu.memory_space<vmem>>
        %dma_wait3A_756 = arith.constant 0 : i32
        %dma_wait3A_757 = arith.constant 0 : i32
        %dma_wait3A_758 = tpu.memref_slice %arg9[%dma_wait3A_756, %dma_wait3A_757] : memref<10240x128xf32, #tpu.memory_space<vmem_shared>> -> memref<10240x128xf32, #tpu.memory_space<vmem_shared>>
        tpu.wait_indirect_dma semaphore(%run_scoped3A_746 : memref<!tpu.dma_semaphore, #tpu.memory_space<semaphore_mem>>) src(%arg7 : memref<128x128xf32, #tpu.memory_space<vmem>>) dst(%dma_wait3A_758 : memref<10240x128xf32, #tpu.memory_space<vmem_shared>>)
        tpu.yield
      }) : () -> ()
      %dma_start3A_596 = arith.constant 2 : i32
      %dma_start3A_597 = arith.constant 0 : i32
      %dma_start3A_598 = arith.constant 0 : i32
      %dma_start3A_599 = tpu.memref_slice %arg6[%dma_start3A_596, %dma_start3A_597, %dma_start3A_598] : memref<8x2x128xi32, #tpu.memory_space<vmem>> -> memref<1x1x128xi32, #tpu.memory_space<vmem>>
      %dma_start3A_600 = tpu.memref_squeeze %dma_start3A_599 : memref<1x1x128xi32, #tpu.memory_space<vmem>> -> memref<128xi32, #tpu.memory_space<vmem>>
      %dma_start3A_601 = arith.constant 0 : i32
      %dma_start3A_602 = arith.constant 0 : i32
      %dma_start3A_603 = tpu.memref_slice %arg2[%dma_start3A_601, %dma_start3A_602] : memref<10240x128xf32, #tpu.memory_space<hbm>> -> memref<10240x128xf32, #tpu.memory_space<hbm>>
      tpu.enqueue_indirect_dma source(%dma_start3A_603 : memref<10240x128xf32, #tpu.memory_space<hbm>>) target(%arg7 : memref<128x128xf32, #tpu.memory_space<vmem>>) offsets(%dma_start3A_600 : memref<128xi32, #tpu.memory_space<vmem>>) semaphore(%arg12 : memref<!tpu.dma_semaphore, #tpu.memory_space<semaphore_mem>>)
      %dma_wait3A_604 = arith.constant 1 : i32
      %dma_wait3A_605 = arith.constant 0 : i32
      %dma_wait3A_606 = arith.constant 0 : i32
      %dma_wait3A_607 = tpu.memref_slice %arg6[%dma_wait3A_604, %dma_wait3A_605, %dma_wait3A_606] : memref<8x2x128xi32, #tpu.memory_space<vmem>> -> memref<1x1x128xi32, #tpu.memory_space<vmem>>
      %dma_wait3A_608 = tpu.memref_squeeze %dma_wait3A_607 : memref<1x1x128xi32, #tpu.memory_space<vmem>> -> memref<128xi32, #tpu.memory_space<vmem>>
      %dma_wait3A_609 = arith.constant 0 : i32
      %dma_wait3A_610 = arith.constant 0 : i32
      %dma_wait3A_611 = tpu.memref_slice %arg2[%dma_wait3A_609, %dma_wait3A_610] : memref<10240x128xf32, #tpu.memory_space<hbm>> -> memref<10240x128xf32, #tpu.memory_space<hbm>>
      tpu.wait_indirect_dma semaphore(%arg13 : memref<!tpu.dma_semaphore, #tpu.memory_space<semaphore_mem>>) src(%dma_wait3A_611 : memref<10240x128xf32, #tpu.memory_space<hbm>>) dst(%arg8 : memref<128x128xf32, #tpu.memory_space<vmem>>)
      %run_scoped3A_612 = arith.constant 1 : i32
      %run_scoped3A_613 = arith.constant 1 : i32
      "tpu.region"() ({
        %run_scoped3A_746 = tpu.sem_alloc : memref<!tpu.dma_semaphore, #tpu.memory_space<semaphore_mem>>
        %dma_start3A_747 = arith.constant 0 : i32
        %dma_start3A_748 = tpu.memref_slice %arg6[%run_scoped3A_612, %run_scoped3A_613, %dma_start3A_747] : memref<8x2x128xi32, #tpu.memory_space<vmem>> -> memref<1x1x128xi32, #tpu.memory_space<vmem>>
        %dma_start3A_749 = tpu.memref_squeeze %dma_start3A_748 : memref<1x1x128xi32, #tpu.memory_space<vmem>> -> memref<128xi32, #tpu.memory_space<vmem>>
        %dma_start3A_750 = arith.constant 0 : i32
        %dma_start3A_751 = arith.constant 0 : i32
        %dma_start3A_752 = tpu.memref_slice %arg9[%dma_start3A_750, %dma_start3A_751] : memref<10240x128xf32, #tpu.memory_space<vmem_shared>> -> memref<10240x128xf32, #tpu.memory_space<vmem_shared>>
        tpu.enqueue_indirect_dma source(%arg8 : memref<128x128xf32, #tpu.memory_space<vmem>>) target(%dma_start3A_752 : memref<10240x128xf32, #tpu.memory_space<vmem_shared>>) offsets(%dma_start3A_749 : memref<128xi32, #tpu.memory_space<vmem>>) semaphore(%run_scoped3A_746 : memref<!tpu.dma_semaphore, #tpu.memory_space<semaphore_mem>>) {add = true}
        %dma_wait3A_753 = arith.constant 0 : i32
        %dma_wait3A_754 = tpu.memref_slice %arg6[%run_scoped3A_612, %run_scoped3A_613, %dma_wait3A_753] : memref<8x2x128xi32, #tpu.memory_space<vmem>> -> memref<1x1x128xi32, #tpu.memory_space<vmem>>
        %dma_wait3A_755 = tpu.memref_squeeze %dma_wait3A_754 : memref<1x1x128xi32, #tpu.memory_space<vmem>> -> memref<128xi32, #tpu.memory_space<vmem>>
        %dma_wait3A_756 = arith.constant 0 : i32
        %dma_wait3A_757 = arith.constant 0 : i32
        %dma_wait3A_758 = tpu.memref_slice %arg9[%dma_wait3A_756, %dma_wait3A_757] : memref<10240x128xf32, #tpu.memory_space<vmem_shared>> -> memref<10240x128xf32, #tpu.memory_space<vmem_shared>>
        tpu.wait_indirect_dma semaphore(%run_scoped3A_746 : memref<!tpu.dma_semaphore, #tpu.memory_space<semaphore_mem>>) src(%arg8 : memref<128x128xf32, #tpu.memory_space<vmem>>) dst(%dma_wait3A_758 : memref<10240x128xf32, #tpu.memory_space<vmem_shared>>)
        tpu.yield
      }) : () -> ()
      %dma_start3A_614 = arith.constant 3 : i32
      %dma_start3A_615 = arith.constant 0 : i32
      %dma_start3A_616 = arith.constant 0 : i32
      %dma_start3A_617 = tpu.memref_slice %arg6[%dma_start3A_614, %dma_start3A_615, %dma_start3A_616] : memref<8x2x128xi32, #tpu.memory_space<vmem>> -> memref<1x1x128xi32, #tpu.memory_space<vmem>>
      %dma_start3A_618 = tpu.memref_squeeze %dma_start3A_617 : memref<1x1x128xi32, #tpu.memory_space<vmem>> -> memref<128xi32, #tpu.memory_space<vmem>>
      %dma_start3A_619 = arith.constant 0 : i32
      %dma_start3A_620 = arith.constant 0 : i32
      %dma_start3A_621 = tpu.memref_slice %arg2[%dma_start3A_619, %dma_start3A_620] : memref<10240x128xf32, #tpu.memory_space<hbm>> -> memref<10240x128xf32, #tpu.memory_space<hbm>>
      tpu.enqueue_indirect_dma source(%dma_start3A_621 : memref<10240x128xf32, #tpu.memory_space<hbm>>) target(%arg8 : memref<128x128xf32, #tpu.memory_space<vmem>>) offsets(%dma_start3A_618 : memref<128xi32, #tpu.memory_space<vmem>>) semaphore(%arg13 : memref<!tpu.dma_semaphore, #tpu.memory_space<semaphore_mem>>)
      %dma_wait3A_622 = arith.constant 2 : i32
      %dma_wait3A_623 = arith.constant 0 : i32
      %dma_wait3A_624 = arith.constant 0 : i32
      %dma_wait3A_625 = tpu.memref_slice %arg6[%dma_wait3A_622, %dma_wait3A_623, %dma_wait3A_624] : memref<8x2x128xi32, #tpu.memory_space<vmem>> -> memref<1x1x128xi32, #tpu.memory_space<vmem>>
      %dma_wait3A_626 = tpu.memref_squeeze %dma_wait3A_625 : memref<1x1x128xi32, #tpu.memory_space<vmem>> -> memref<128xi32, #tpu.memory_space<vmem>>
      %dma_wait3A_627 = arith.constant 0 : i32
      %dma_wait3A_628 = arith.constant 0 : i32
      %dma_wait3A_629 = tpu.memref_slice %arg2[%dma_wait3A_627, %dma_wait3A_628] : memref<10240x128xf32, #tpu.memory_space<hbm>> -> memref<10240x128xf32, #tpu.memory_space<hbm>>
      tpu.wait_indirect_dma semaphore(%arg12 : memref<!tpu.dma_semaphore, #tpu.memory_space<semaphore_mem>>) src(%dma_wait3A_629 : memref<10240x128xf32, #tpu.memory_space<hbm>>) dst(%arg7 : memref<128x128xf32, #tpu.memory_space<vmem>>)
      %run_scoped3A_630 = arith.constant 2 : i32
      %run_scoped3A_631 = arith.constant 1 : i32
      "tpu.region"() ({
        %run_scoped3A_746 = tpu.sem_alloc : memref<!tpu.dma_semaphore, #tpu.memory_space<semaphore_mem>>
        %dma_start3A_747 = arith.constant 0 : i32
        %dma_start3A_748 = tpu.memref_slice %arg6[%run_scoped3A_630, %run_scoped3A_631, %dma_start3A_747] : memref<8x2x128xi32, #tpu.memory_space<vmem>> -> memref<1x1x128xi32, #tpu.memory_space<vmem>>
        %dma_start3A_749 = tpu.memref_squeeze %dma_start3A_748 : memref<1x1x128xi32, #tpu.memory_space<vmem>> -> memref<128xi32, #tpu.memory_space<vmem>>
        %dma_start3A_750 = arith.constant 0 : i32
        %dma_start3A_751 = arith.constant 0 : i32
        %dma_start3A_752 = tpu.memref_slice %arg9[%dma_start3A_750, %dma_start3A_751] : memref<10240x128xf32, #tpu.memory_space<vmem_shared>> -> memref<10240x128xf32, #tpu.memory_space<vmem_shared>>
        tpu.enqueue_indirect_dma source(%arg7 : memref<128x128xf32, #tpu.memory_space<vmem>>) target(%dma_start3A_752 : memref<10240x128xf32, #tpu.memory_space<vmem_shared>>) offsets(%dma_start3A_749 : memref<128xi32, #tpu.memory_space<vmem>>) semaphore(%run_scoped3A_746 : memref<!tpu.dma_semaphore, #tpu.memory_space<semaphore_mem>>) {add = true}
        %dma_wait3A_753 = arith.constant 0 : i32
        %dma_wait3A_754 = tpu.memref_slice %arg6[%run_scoped3A_630, %run_scoped3A_631, %dma_wait3A_753] : memref<8x2x128xi32, #tpu.memory_space<vmem>> -> memref<1x1x128xi32, #tpu.memory_space<vmem>>
        %dma_wait3A_755 = tpu.memref_squeeze %dma_wait3A_754 : memref<1x1x128xi32, #tpu.memory_space<vmem>> -> memref<128xi32, #tpu.memory_space<vmem>>
        %dma_wait3A_756 = arith.constant 0 : i32
        %dma_wait3A_757 = arith.constant 0 : i32
        %dma_wait3A_758 = tpu.memref_slice %arg9[%dma_wait3A_756, %dma_wait3A_757] : memref<10240x128xf32, #tpu.memory_space<vmem_shared>> -> memref<10240x128xf32, #tpu.memory_space<vmem_shared>>
        tpu.wait_indirect_dma semaphore(%run_scoped3A_746 : memref<!tpu.dma_semaphore, #tpu.memory_space<semaphore_mem>>) src(%arg7 : memref<128x128xf32, #tpu.memory_space<vmem>>) dst(%dma_wait3A_758 : memref<10240x128xf32, #tpu.memory_space<vmem_shared>>)
        tpu.yield
      }) : () -> ()
      %dma_start3A_632 = arith.constant 4 : i32
      %dma_start3A_633 = arith.constant 0 : i32
      %dma_start3A_634 = arith.constant 0 : i32
      %dma_start3A_635 = tpu.memref_slice %arg6[%dma_start3A_632, %dma_start3A_633, %dma_start3A_634] : memref<8x2x128xi32, #tpu.memory_space<vmem>> -> memref<1x1x128xi32, #tpu.memory_space<vmem>>
      %dma_start3A_636 = tpu.memref_squeeze %dma_start3A_635 : memref<1x1x128xi32, #tpu.memory_space<vmem>> -> memref<128xi32, #tpu.memory_space<vmem>>
      %dma_start3A_637 = arith.constant 0 : i32
      %dma_start3A_638 = arith.constant 0 : i32
      %dma_start3A_639 = tpu.memref_slice %arg2[%dma_start3A_637, %dma_start3A_638] : memref<10240x128xf32, #tpu.memory_space<hbm>> -> memref<10240x128xf32, #tpu.memory_space<hbm>>
      tpu.enqueue_indirect_dma source(%dma_start3A_639 : memref<10240x128xf32, #tpu.memory_space<hbm>>) target(%arg7 : memref<128x128xf32, #tpu.memory_space<vmem>>) offsets(%dma_start3A_636 : memref<128xi32, #tpu.memory_space<vmem>>) semaphore(%arg12 : memref<!tpu.dma_semaphore, #tpu.memory_space<semaphore_mem>>)
      %dma_wait3A_640 = arith.constant 3 : i32
      %dma_wait3A_641 = arith.constant 0 : i32
      %dma_wait3A_642 = arith.constant 0 : i32
      %dma_wait3A_643 = tpu.memref_slice %arg6[%dma_wait3A_640, %dma_wait3A_641, %dma_wait3A_642] : memref<8x2x128xi32, #tpu.memory_space<vmem>> -> memref<1x1x128xi32, #tpu.memory_space<vmem>>
      %dma_wait3A_644 = tpu.memref_squeeze %dma_wait3A_643 : memref<1x1x128xi32, #tpu.memory_space<vmem>> -> memref<128xi32, #tpu.memory_space<vmem>>
      %dma_wait3A_645 = arith.constant 0 : i32
      %dma_wait3A_646 = arith.constant 0 : i32
      %dma_wait3A_647 = tpu.memref_slice %arg2[%dma_wait3A_645, %dma_wait3A_646] : memref<10240x128xf32, #tpu.memory_space<hbm>> -> memref<10240x128xf32, #tpu.memory_space<hbm>>
      tpu.wait_indirect_dma semaphore(%arg13 : memref<!tpu.dma_semaphore, #tpu.memory_space<semaphore_mem>>) src(%dma_wait3A_647 : memref<10240x128xf32, #tpu.memory_space<hbm>>) dst(%arg8 : memref<128x128xf32, #tpu.memory_space<vmem>>)
      %run_scoped3A_648 = arith.constant 3 : i32
      %run_scoped3A_649 = arith.constant 1 : i32
      "tpu.region"() ({
        %run_scoped3A_746 = tpu.sem_alloc : memref<!tpu.dma_semaphore, #tpu.memory_space<semaphore_mem>>
        %dma_start3A_747 = arith.constant 0 : i32
        %dma_start3A_748 = tpu.memref_slice %arg6[%run_scoped3A_648, %run_scoped3A_649, %dma_start3A_747] : memref<8x2x128xi32, #tpu.memory_space<vmem>> -> memref<1x1x128xi32, #tpu.memory_space<vmem>>
        %dma_start3A_749 = tpu.memref_squeeze %dma_start3A_748 : memref<1x1x128xi32, #tpu.memory_space<vmem>> -> memref<128xi32, #tpu.memory_space<vmem>>
        %dma_start3A_750 = arith.constant 0 : i32
        %dma_start3A_751 = arith.constant 0 : i32
        %dma_start3A_752 = tpu.memref_slice %arg9[%dma_start3A_750, %dma_start3A_751] : memref<10240x128xf32, #tpu.memory_space<vmem_shared>> -> memref<10240x128xf32, #tpu.memory_space<vmem_shared>>
        tpu.enqueue_indirect_dma source(%arg8 : memref<128x128xf32, #tpu.memory_space<vmem>>) target(%dma_start3A_752 : memref<10240x128xf32, #tpu.memory_space<vmem_shared>>) offsets(%dma_start3A_749 : memref<128xi32, #tpu.memory_space<vmem>>) semaphore(%run_scoped3A_746 : memref<!tpu.dma_semaphore, #tpu.memory_space<semaphore_mem>>) {add = true}
        %dma_wait3A_753 = arith.constant 0 : i32
        %dma_wait3A_754 = tpu.memref_slice %arg6[%run_scoped3A_648, %run_scoped3A_649, %dma_wait3A_753] : memref<8x2x128xi32, #tpu.memory_space<vmem>> -> memref<1x1x128xi32, #tpu.memory_space<vmem>>
        %dma_wait3A_755 = tpu.memref_squeeze %dma_wait3A_754 : memref<1x1x128xi32, #tpu.memory_space<vmem>> -> memref<128xi32, #tpu.memory_space<vmem>>
        %dma_wait3A_756 = arith.constant 0 : i32
        %dma_wait3A_757 = arith.constant 0 : i32
        %dma_wait3A_758 = tpu.memref_slice %arg9[%dma_wait3A_756, %dma_wait3A_757] : memref<10240x128xf32, #tpu.memory_space<vmem_shared>> -> memref<10240x128xf32, #tpu.memory_space<vmem_shared>>
        tpu.wait_indirect_dma semaphore(%run_scoped3A_746 : memref<!tpu.dma_semaphore, #tpu.memory_space<semaphore_mem>>) src(%arg8 : memref<128x128xf32, #tpu.memory_space<vmem>>) dst(%dma_wait3A_758 : memref<10240x128xf32, #tpu.memory_space<vmem_shared>>)
        tpu.yield
      }) : () -> ()
      %dma_start3A_650 = arith.constant 5 : i32
      %dma_start3A_651 = arith.constant 0 : i32
      %dma_start3A_652 = arith.constant 0 : i32
      %dma_start3A_653 = tpu.memref_slice %arg6[%dma_start3A_650, %dma_start3A_651, %dma_start3A_652] : memref<8x2x128xi32, #tpu.memory_space<vmem>> -> memref<1x1x128xi32, #tpu.memory_space<vmem>>
      %dma_start3A_654 = tpu.memref_squeeze %dma_start3A_653 : memref<1x1x128xi32, #tpu.memory_space<vmem>> -> memref<128xi32, #tpu.memory_space<vmem>>
      %dma_start3A_655 = arith.constant 0 : i32
      %dma_start3A_656 = arith.constant 0 : i32
      %dma_start3A_657 = tpu.memref_slice %arg2[%dma_start3A_655, %dma_start3A_656] : memref<10240x128xf32, #tpu.memory_space<hbm>> -> memref<10240x128xf32, #tpu.memory_space<hbm>>
      tpu.enqueue_indirect_dma source(%dma_start3A_657 : memref<10240x128xf32, #tpu.memory_space<hbm>>) target(%arg8 : memref<128x128xf32, #tpu.memory_space<vmem>>) offsets(%dma_start3A_654 : memref<128xi32, #tpu.memory_space<vmem>>) semaphore(%arg13 : memref<!tpu.dma_semaphore, #tpu.memory_space<semaphore_mem>>)
      %dma_wait3A_658 = arith.constant 4 : i32
      %dma_wait3A_659 = arith.constant 0 : i32
      %dma_wait3A_660 = arith.constant 0 : i32
      %dma_wait3A_661 = tpu.memref_slice %arg6[%dma_wait3A_658, %dma_wait3A_659, %dma_wait3A_660] : memref<8x2x128xi32, #tpu.memory_space<vmem>> -> memref<1x1x128xi32, #tpu.memory_space<vmem>>
      %dma_wait3A_662 = tpu.memref_squeeze %dma_wait3A_661 : memref<1x1x128xi32, #tpu.memory_space<vmem>> -> memref<128xi32, #tpu.memory_space<vmem>>
      %dma_wait3A_663 = arith.constant 0 : i32
      %dma_wait3A_664 = arith.constant 0 : i32
      %dma_wait3A_665 = tpu.memref_slice %arg2[%dma_wait3A_663, %dma_wait3A_664] : memref<10240x128xf32, #tpu.memory_space<hbm>> -> memref<10240x128xf32, #tpu.memory_space<hbm>>
      tpu.wait_indirect_dma semaphore(%arg12 : memref<!tpu.dma_semaphore, #tpu.memory_space<semaphore_mem>>) src(%dma_wait3A_665 : memref<10240x128xf32, #tpu.memory_space<hbm>>) dst(%arg7 : memref<128x128xf32, #tpu.memory_space<vmem>>)
      %run_scoped3A_666 = arith.constant 4 : i32
      %run_scoped3A_667 = arith.constant 1 : i32
      "tpu.region"() ({
        %run_scoped3A_746 = tpu.sem_alloc : memref<!tpu.dma_semaphore, #tpu.memory_space<semaphore_mem>>
        %dma_start3A_747 = arith.constant 0 : i32
        %dma_start3A_748 = tpu.memref_slice %arg6[%run_scoped3A_666, %run_scoped3A_667, %dma_start3A_747] : memref<8x2x128xi32, #tpu.memory_space<vmem>> -> memref<1x1x128xi32, #tpu.memory_space<vmem>>
        %dma_start3A_749 = tpu.memref_squeeze %dma_start3A_748 : memref<1x1x128xi32, #tpu.memory_space<vmem>> -> memref<128xi32, #tpu.memory_space<vmem>>
        %dma_start3A_750 = arith.constant 0 : i32
        %dma_start3A_751 = arith.constant 0 : i32
        %dma_start3A_752 = tpu.memref_slice %arg9[%dma_start3A_750, %dma_start3A_751] : memref<10240x128xf32, #tpu.memory_space<vmem_shared>> -> memref<10240x128xf32, #tpu.memory_space<vmem_shared>>
        tpu.enqueue_indirect_dma source(%arg7 : memref<128x128xf32, #tpu.memory_space<vmem>>) target(%dma_start3A_752 : memref<10240x128xf32, #tpu.memory_space<vmem_shared>>) offsets(%dma_start3A_749 : memref<128xi32, #tpu.memory_space<vmem>>) semaphore(%run_scoped3A_746 : memref<!tpu.dma_semaphore, #tpu.memory_space<semaphore_mem>>) {add = true}
        %dma_wait3A_753 = arith.constant 0 : i32
        %dma_wait3A_754 = tpu.memref_slice %arg6[%run_scoped3A_666, %run_scoped3A_667, %dma_wait3A_753] : memref<8x2x128xi32, #tpu.memory_space<vmem>> -> memref<1x1x128xi32, #tpu.memory_space<vmem>>
        %dma_wait3A_755 = tpu.memref_squeeze %dma_wait3A_754 : memref<1x1x128xi32, #tpu.memory_space<vmem>> -> memref<128xi32, #tpu.memory_space<vmem>>
        %dma_wait3A_756 = arith.constant 0 : i32
        %dma_wait3A_757 = arith.constant 0 : i32
        %dma_wait3A_758 = tpu.memref_slice %arg9[%dma_wait3A_756, %dma_wait3A_757] : memref<10240x128xf32, #tpu.memory_space<vmem_shared>> -> memref<10240x128xf32, #tpu.memory_space<vmem_shared>>
        tpu.wait_indirect_dma semaphore(%run_scoped3A_746 : memref<!tpu.dma_semaphore, #tpu.memory_space<semaphore_mem>>) src(%arg7 : memref<128x128xf32, #tpu.memory_space<vmem>>) dst(%dma_wait3A_758 : memref<10240x128xf32, #tpu.memory_space<vmem_shared>>)
        tpu.yield
      }) : () -> ()
      %dma_start3A_668 = arith.constant 6 : i32
      %dma_start3A_669 = arith.constant 0 : i32
      %dma_start3A_670 = arith.constant 0 : i32
      %dma_start3A_671 = tpu.memref_slice %arg6[%dma_start3A_668, %dma_start3A_669, %dma_start3A_670] : memref<8x2x128xi32, #tpu.memory_space<vmem>> -> memref<1x1x128xi32, #tpu.memory_space<vmem>>
      %dma_start3A_672 = tpu.memref_squeeze %dma_start3A_671 : memref<1x1x128xi32, #tpu.memory_space<vmem>> -> memref<128xi32, #tpu.memory_space<vmem>>
      %dma_start3A_673 = arith.constant 0 : i32
      %dma_start3A_674 = arith.constant 0 : i32
      %dma_start3A_675 = tpu.memref_slice %arg2[%dma_start3A_673, %dma_start3A_674] : memref<10240x128xf32, #tpu.memory_space<hbm>> -> memref<10240x128xf32, #tpu.memory_space<hbm>>
      tpu.enqueue_indirect_dma source(%dma_start3A_675 : memref<10240x128xf32, #tpu.memory_space<hbm>>) target(%arg7 : memref<128x128xf32, #tpu.memory_space<vmem>>) offsets(%dma_start3A_672 : memref<128xi32, #tpu.memory_space<vmem>>) semaphore(%arg12 : memref<!tpu.dma_semaphore, #tpu.memory_space<semaphore_mem>>)
      %dma_wait3A_676 = arith.constant 5 : i32
      %dma_wait3A_677 = arith.constant 0 : i32
      %dma_wait3A_678 = arith.constant 0 : i32
      %dma_wait3A_679 = tpu.memref_slice %arg6[%dma_wait3A_676, %dma_wait3A_677, %dma_wait3A_678] : memref<8x2x128xi32, #tpu.memory_space<vmem>> -> memref<1x1x128xi32, #tpu.memory_space<vmem>>
      %dma_wait3A_680 = tpu.memref_squeeze %dma_wait3A_679 : memref<1x1x128xi32, #tpu.memory_space<vmem>> -> memref<128xi32, #tpu.memory_space<vmem>>
      %dma_wait3A_681 = arith.constant 0 : i32
      %dma_wait3A_682 = arith.constant 0 : i32
      %dma_wait3A_683 = tpu.memref_slice %arg2[%dma_wait3A_681, %dma_wait3A_682] : memref<10240x128xf32, #tpu.memory_space<hbm>> -> memref<10240x128xf32, #tpu.memory_space<hbm>>
      tpu.wait_indirect_dma semaphore(%arg13 : memref<!tpu.dma_semaphore, #tpu.memory_space<semaphore_mem>>) src(%dma_wait3A_683 : memref<10240x128xf32, #tpu.memory_space<hbm>>) dst(%arg8 : memref<128x128xf32, #tpu.memory_space<vmem>>)
      %run_scoped3A_684 = arith.constant 5 : i32
      %run_scoped3A_685 = arith.constant 1 : i32
      "tpu.region"() ({
        %run_scoped3A_746 = tpu.sem_alloc : memref<!tpu.dma_semaphore, #tpu.memory_space<semaphore_mem>>
        %dma_start3A_747 = arith.constant 0 : i32
        %dma_start3A_748 = tpu.memref_slice %arg6[%run_scoped3A_684, %run_scoped3A_685, %dma_start3A_747] : memref<8x2x128xi32, #tpu.memory_space<vmem>> -> memref<1x1x128xi32, #tpu.memory_space<vmem>>
        %dma_start3A_749 = tpu.memref_squeeze %dma_start3A_748 : memref<1x1x128xi32, #tpu.memory_space<vmem>> -> memref<128xi32, #tpu.memory_space<vmem>>
        %dma_start3A_750 = arith.constant 0 : i32
        %dma_start3A_751 = arith.constant 0 : i32
        %dma_start3A_752 = tpu.memref_slice %arg9[%dma_start3A_750, %dma_start3A_751] : memref<10240x128xf32, #tpu.memory_space<vmem_shared>> -> memref<10240x128xf32, #tpu.memory_space<vmem_shared>>
        tpu.enqueue_indirect_dma source(%arg8 : memref<128x128xf32, #tpu.memory_space<vmem>>) target(%dma_start3A_752 : memref<10240x128xf32, #tpu.memory_space<vmem_shared>>) offsets(%dma_start3A_749 : memref<128xi32, #tpu.memory_space<vmem>>) semaphore(%run_scoped3A_746 : memref<!tpu.dma_semaphore, #tpu.memory_space<semaphore_mem>>) {add = true}
        %dma_wait3A_753 = arith.constant 0 : i32
        %dma_wait3A_754 = tpu.memref_slice %arg6[%run_scoped3A_684, %run_scoped3A_685, %dma_wait3A_753] : memref<8x2x128xi32, #tpu.memory_space<vmem>> -> memref<1x1x128xi32, #tpu.memory_space<vmem>>
        %dma_wait3A_755 = tpu.memref_squeeze %dma_wait3A_754 : memref<1x1x128xi32, #tpu.memory_space<vmem>> -> memref<128xi32, #tpu.memory_space<vmem>>
        %dma_wait3A_756 = arith.constant 0 : i32
        %dma_wait3A_757 = arith.constant 0 : i32
        %dma_wait3A_758 = tpu.memref_slice %arg9[%dma_wait3A_756, %dma_wait3A_757] : memref<10240x128xf32, #tpu.memory_space<vmem_shared>> -> memref<10240x128xf32, #tpu.memory_space<vmem_shared>>
        tpu.wait_indirect_dma semaphore(%run_scoped3A_746 : memref<!tpu.dma_semaphore, #tpu.memory_space<semaphore_mem>>) src(%arg8 : memref<128x128xf32, #tpu.memory_space<vmem>>) dst(%dma_wait3A_758 : memref<10240x128xf32, #tpu.memory_space<vmem_shared>>)
        tpu.yield
      }) : () -> ()
      %dma_start3A_686 = arith.constant 7 : i32
      %dma_start3A_687 = arith.constant 0 : i32
      %dma_start3A_688 = arith.constant 0 : i32
      %dma_start3A_689 = tpu.memref_slice %arg6[%dma_start3A_686, %dma_start3A_687, %dma_start3A_688] : memref<8x2x128xi32, #tpu.memory_space<vmem>> -> memref<1x1x128xi32, #tpu.memory_space<vmem>>
      %dma_start3A_690 = tpu.memref_squeeze %dma_start3A_689 : memref<1x1x128xi32, #tpu.memory_space<vmem>> -> memref<128xi32, #tpu.memory_space<vmem>>
      %dma_start3A_691 = arith.constant 0 : i32
      %dma_start3A_692 = arith.constant 0 : i32
      %dma_start3A_693 = tpu.memref_slice %arg2[%dma_start3A_691, %dma_start3A_692] : memref<10240x128xf32, #tpu.memory_space<hbm>> -> memref<10240x128xf32, #tpu.memory_space<hbm>>
      tpu.enqueue_indirect_dma source(%dma_start3A_693 : memref<10240x128xf32, #tpu.memory_space<hbm>>) target(%arg8 : memref<128x128xf32, #tpu.memory_space<vmem>>) offsets(%dma_start3A_690 : memref<128xi32, #tpu.memory_space<vmem>>) semaphore(%arg13 : memref<!tpu.dma_semaphore, #tpu.memory_space<semaphore_mem>>)
      %dma_wait3A_694 = arith.constant 6 : i32
      %dma_wait3A_695 = arith.constant 0 : i32
      %dma_wait3A_696 = arith.constant 0 : i32
      %dma_wait3A_697 = tpu.memref_slice %arg6[%dma_wait3A_694, %dma_wait3A_695, %dma_wait3A_696] : memref<8x2x128xi32, #tpu.memory_space<vmem>> -> memref<1x1x128xi32, #tpu.memory_space<vmem>>
      %dma_wait3A_698 = tpu.memref_squeeze %dma_wait3A_697 : memref<1x1x128xi32, #tpu.memory_space<vmem>> -> memref<128xi32, #tpu.memory_space<vmem>>
      %dma_wait3A_699 = arith.constant 0 : i32
      %dma_wait3A_700 = arith.constant 0 : i32
      %dma_wait3A_701 = tpu.memref_slice %arg2[%dma_wait3A_699, %dma_wait3A_700] : memref<10240x128xf32, #tpu.memory_space<hbm>> -> memref<10240x128xf32, #tpu.memory_space<hbm>>
      tpu.wait_indirect_dma semaphore(%arg12 : memref<!tpu.dma_semaphore, #tpu.memory_space<semaphore_mem>>) src(%dma_wait3A_701 : memref<10240x128xf32, #tpu.memory_space<hbm>>) dst(%arg7 : memref<128x128xf32, #tpu.memory_space<vmem>>)
      %run_scoped3A_702 = arith.constant 6 : i32
      %run_scoped3A_703 = arith.constant 1 : i32
      "tpu.region"() ({
        %run_scoped3A_746 = tpu.sem_alloc : memref<!tpu.dma_semaphore, #tpu.memory_space<semaphore_mem>>
        %dma_start3A_747 = arith.constant 0 : i32
        %dma_start3A_748 = tpu.memref_slice %arg6[%run_scoped3A_702, %run_scoped3A_703, %dma_start3A_747] : memref<8x2x128xi32, #tpu.memory_space<vmem>> -> memref<1x1x128xi32, #tpu.memory_space<vmem>>
        %dma_start3A_749 = tpu.memref_squeeze %dma_start3A_748 : memref<1x1x128xi32, #tpu.memory_space<vmem>> -> memref<128xi32, #tpu.memory_space<vmem>>
        %dma_start3A_750 = arith.constant 0 : i32
        %dma_start3A_751 = arith.constant 0 : i32
        %dma_start3A_752 = tpu.memref_slice %arg9[%dma_start3A_750, %dma_start3A_751] : memref<10240x128xf32, #tpu.memory_space<vmem_shared>> -> memref<10240x128xf32, #tpu.memory_space<vmem_shared>>
        tpu.enqueue_indirect_dma source(%arg7 : memref<128x128xf32, #tpu.memory_space<vmem>>) target(%dma_start3A_752 : memref<10240x128xf32, #tpu.memory_space<vmem_shared>>) offsets(%dma_start3A_749 : memref<128xi32, #tpu.memory_space<vmem>>) semaphore(%run_scoped3A_746 : memref<!tpu.dma_semaphore, #tpu.memory_space<semaphore_mem>>) {add = true}
        %dma_wait3A_753 = arith.constant 0 : i32
        %dma_wait3A_754 = tpu.memref_slice %arg6[%run_scoped3A_702, %run_scoped3A_703, %dma_wait3A_753] : memref<8x2x128xi32, #tpu.memory_space<vmem>> -> memref<1x1x128xi32, #tpu.memory_space<vmem>>
        %dma_wait3A_755 = tpu.memref_squeeze %dma_wait3A_754 : memref<1x1x128xi32, #tpu.memory_space<vmem>> -> memref<128xi32, #tpu.memory_space<vmem>>
        %dma_wait3A_756 = arith.constant 0 : i32
        %dma_wait3A_757 = arith.constant 0 : i32
        %dma_wait3A_758 = tpu.memref_slice %arg9[%dma_wait3A_756, %dma_wait3A_757] : memref<10240x128xf32, #tpu.memory_space<vmem_shared>> -> memref<10240x128xf32, #tpu.memory_space<vmem_shared>>
        tpu.wait_indirect_dma semaphore(%run_scoped3A_746 : memref<!tpu.dma_semaphore, #tpu.memory_space<semaphore_mem>>) src(%arg7 : memref<128x128xf32, #tpu.memory_space<vmem>>) dst(%dma_wait3A_758 : memref<10240x128xf32, #tpu.memory_space<vmem_shared>>)
        tpu.yield
      }) : () -> ()
      %add3A_704 = arith.constant 1 : i32
      %add3A_705 = arith.addi %add3A_577, %add3A_704 : i32
      %dma_wait3A_706 = arith.constant 0 : i32
      %dma_wait3A_707 = arith.constant 0 : i32
      %dma_wait3A_708 = arith.constant 0 : i32
      %dma_wait3A_709 = tpu.memref_slice %arg3[%add3A, %add3A_705, %dma_wait3A_706, %dma_wait3A_707, %dma_wait3A_708] : memref<32x10x8x2x128xi32, #tpu.memory_space<hbm>> -> memref<1x1x8x2x128xi32, #tpu.memory_space<hbm>>
      %dma_wait3A_710 = tpu.memref_squeeze %dma_wait3A_709 : memref<1x1x8x2x128xi32, #tpu.memory_space<hbm>> -> memref<8x2x128xi32, #tpu.memory_space<hbm>>
      %dma_wait3A_711 = arith.constant 0 : i32
      %dma_wait3A_712 = arith.constant 0 : i32
      %dma_wait3A_713 = arith.constant 0 : i32
      %dma_wait3A_714 = tpu.memref_slice %arg3[%add3A, %add3A_705, %dma_wait3A_711, %dma_wait3A_712, %dma_wait3A_713] : memref<32x10x8x2x128xi32, #tpu.memory_space<hbm>> -> memref<1x1x8x2x128xi32, #tpu.memory_space<hbm>>
      %dma_wait3A_715 = tpu.memref_squeeze %dma_wait3A_714 : memref<1x1x8x2x128xi32, #tpu.memory_space<hbm>> -> memref<8x2x128xi32, #tpu.memory_space<hbm>>
      tpu.wait_dma2 semaphore(%arg10 : memref<!tpu.dma_semaphore, #tpu.memory_space<semaphore_mem>>) src(%dma_wait3A_715 : memref<8x2x128xi32, #tpu.memory_space<hbm>>) dst(%arg5 : memref<8x2x128xi32, #tpu.memory_space<vmem>>)
      %dma_start3A_716 = arith.constant 0 : i32
      %dma_start3A_717 = arith.constant 0 : i32
      %dma_start3A_718 = arith.constant 0 : i32
      %dma_start3A_719 = tpu.memref_slice %arg5[%dma_start3A_716, %dma_start3A_717, %dma_start3A_718] : memref<8x2x128xi32, #tpu.memory_space<vmem>> -> memref<1x1x128xi32, #tpu.memory_space<vmem>>
      %dma_start3A_720 = tpu.memref_squeeze %dma_start3A_719 : memref<1x1x128xi32, #tpu.memory_space<vmem>> -> memref<128xi32, #tpu.memory_space<vmem>>
      %dma_start3A_721 = arith.constant 0 : i32
      %dma_start3A_722 = arith.constant 0 : i32
      %dma_start3A_723 = tpu.memref_slice %arg2[%dma_start3A_721, %dma_start3A_722] : memref<10240x128xf32, #tpu.memory_space<hbm>> -> memref<10240x128xf32, #tpu.memory_space<hbm>>
      tpu.enqueue_indirect_dma source(%dma_start3A_723 : memref<10240x128xf32, #tpu.memory_space<hbm>>) target(%arg7 : memref<128x128xf32, #tpu.memory_space<vmem>>) offsets(%dma_start3A_720 : memref<128xi32, #tpu.memory_space<vmem>>) semaphore(%arg12 : memref<!tpu.dma_semaphore, #tpu.memory_space<semaphore_mem>>)
      %dma_wait3A_724 = arith.constant 7 : i32
      %dma_wait3A_725 = arith.constant 0 : i32
      %dma_wait3A_726 = arith.constant 0 : i32
      %dma_wait3A_727 = tpu.memref_slice %arg6[%dma_wait3A_724, %dma_wait3A_725, %dma_wait3A_726] : memref<8x2x128xi32, #tpu.memory_space<vmem>> -> memref<1x1x128xi32, #tpu.memory_space<vmem>>
      %dma_wait3A_728 = tpu.memref_squeeze %dma_wait3A_727 : memref<1x1x128xi32, #tpu.memory_space<vmem>> -> memref<128xi32, #tpu.memory_space<vmem>>
      %dma_wait3A_729 = arith.constant 0 : i32
      %dma_wait3A_730 = arith.constant 0 : i32
      %dma_wait3A_731 = tpu.memref_slice %arg2[%dma_wait3A_729, %dma_wait3A_730] : memref<10240x128xf32, #tpu.memory_space<hbm>> -> memref<10240x128xf32, #tpu.memory_space<hbm>>
      tpu.wait_indirect_dma semaphore(%arg13 : memref<!tpu.dma_semaphore, #tpu.memory_space<semaphore_mem>>) src(%dma_wait3A_731 : memref<10240x128xf32, #tpu.memory_space<hbm>>) dst(%arg8 : memref<128x128xf32, #tpu.memory_space<vmem>>)
      %run_scoped3A_732 = arith.constant 7 : i32
      %run_scoped3A_733 = arith.constant 1 : i32
      "tpu.region"() ({
        %run_scoped3A_746 = tpu.sem_alloc : memref<!tpu.dma_semaphore, #tpu.memory_space<semaphore_mem>>
        %dma_start3A_747 = arith.constant 0 : i32
        %dma_start3A_748 = tpu.memref_slice %arg6[%run_scoped3A_732, %run_scoped3A_733, %dma_start3A_747] : memref<8x2x128xi32, #tpu.memory_space<vmem>> -> memref<1x1x128xi32, #tpu.memory_space<vmem>>
        %dma_start3A_749 = tpu.memref_squeeze %dma_start3A_748 : memref<1x1x128xi32, #tpu.memory_space<vmem>> -> memref<128xi32, #tpu.memory_space<vmem>>
        %dma_start3A_750 = arith.constant 0 : i32
        %dma_start3A_751 = arith.constant 0 : i32
        %dma_start3A_752 = tpu.memref_slice %arg9[%dma_start3A_750, %dma_start3A_751] : memref<10240x128xf32, #tpu.memory_space<vmem_shared>> -> memref<10240x128xf32, #tpu.memory_space<vmem_shared>>
        tpu.enqueue_indirect_dma source(%arg8 : memref<128x128xf32, #tpu.memory_space<vmem>>) target(%dma_start3A_752 : memref<10240x128xf32, #tpu.memory_space<vmem_shared>>) offsets(%dma_start3A_749 : memref<128xi32, #tpu.memory_space<vmem>>) semaphore(%run_scoped3A_746 : memref<!tpu.dma_semaphore, #tpu.memory_space<semaphore_mem>>) {add = true}
        %dma_wait3A_753 = arith.constant 0 : i32
        %dma_wait3A_754 = tpu.memref_slice %arg6[%run_scoped3A_732, %run_scoped3A_733, %dma_wait3A_753] : memref<8x2x128xi32, #tpu.memory_space<vmem>> -> memref<1x1x128xi32, #tpu.memory_space<vmem>>
        %dma_wait3A_755 = tpu.memref_squeeze %dma_wait3A_754 : memref<1x1x128xi32, #tpu.memory_space<vmem>> -> memref<128xi32, #tpu.memory_space<vmem>>
        %dma_wait3A_756 = arith.constant 0 : i32
        %dma_wait3A_757 = arith.constant 0 : i32
        %dma_wait3A_758 = tpu.memref_slice %arg9[%dma_wait3A_756, %dma_wait3A_757] : memref<10240x128xf32, #tpu.memory_space<vmem_shared>> -> memref<10240x128xf32, #tpu.memory_space<vmem_shared>>
        tpu.wait_indirect_dma semaphore(%run_scoped3A_746 : memref<!tpu.dma_semaphore, #tpu.memory_space<semaphore_mem>>) src(%arg8 : memref<128x128xf32, #tpu.memory_space<vmem>>) dst(%dma_wait3A_758 : memref<10240x128xf32, #tpu.memory_space<vmem_shared>>)
        tpu.yield
      }) : () -> ()
      %add3A_734 = arith.constant 2 : i32
      %add3A_735 = arith.addi %add3A_577, %add3A_734 : i32
      %dma_start3A_736 = arith.constant 0 : i32
      %dma_start3A_737 = arith.constant 0 : i32
      %dma_start3A_738 = arith.constant 0 : i32
      %dma_start3A_739 = tpu.memref_slice %arg3[%add3A, %add3A_735, %dma_start3A_736, %dma_start3A_737, %dma_start3A_738] : memref<32x10x8x2x128xi32, #tpu.memory_space<hbm>> -> memref<1x1x8x2x128xi32, #tpu.memory_space<hbm>>
      %dma_start3A_740 = tpu.memref_squeeze %dma_start3A_739 : memref<1x1x8x2x128xi32, #tpu.memory_space<hbm>> -> memref<8x2x128xi32, #tpu.memory_space<hbm>>
      %dma_start3A_741 = arith.constant 0 : i32
      %dma_start3A_742 = arith.constant 0 : i32
      %dma_start3A_743 = arith.constant 0 : i32
      %dma_start3A_744 = tpu.memref_slice %arg3[%add3A, %add3A_735, %dma_start3A_741, %dma_start3A_742, %dma_start3A_743] : memref<32x10x8x2x128xi32, #tpu.memory_space<hbm>> -> memref<1x1x8x2x128xi32, #tpu.memory_space<hbm>>
      %dma_start3A_745 = tpu.memref_squeeze %dma_start3A_744 : memref<1x1x8x2x128xi32, #tpu.memory_space<hbm>> -> memref<8x2x128xi32, #tpu.memory_space<hbm>>
      tpu.enqueue_dma source(%dma_start3A_745 : memref<8x2x128xi32, #tpu.memory_space<hbm>>) target(%arg6 : memref<8x2x128xi32, #tpu.memory_space<vmem>>) target_semaphore(%arg11 : memref<!tpu.dma_semaphore, #tpu.memory_space<semaphore_mem>>)
    }
    %scan3A_106 = arith.constant 4 : i32
    %dma_start3A_107 = arith.constant 1 : i32
    %dma_start3A_108 = arith.constant 0 : i32
    %dma_start3A_109 = arith.constant 0 : i32
    %dma_start3A_110 = tpu.memref_slice %arg5[%dma_start3A_107, %dma_start3A_108, %dma_start3A_109] : memref<8x2x128xi32, #tpu.memory_space<vmem>> -> memref<1x1x128xi32, #tpu.memory_space<vmem>>
    %dma_start3A_111 = tpu.memref_squeeze %dma_start3A_110 : memref<1x1x128xi32, #tpu.memory_space<vmem>> -> memref<128xi32, #tpu.memory_space<vmem>>
    %dma_start3A_112 = arith.constant 0 : i32
    %dma_start3A_113 = arith.constant 0 : i32
    %dma_start3A_114 = tpu.memref_slice %arg2[%dma_start3A_112, %dma_start3A_113] : memref<10240x128xf32, #tpu.memory_space<hbm>> -> memref<10240x128xf32, #tpu.memory_space<hbm>>
    tpu.enqueue_indirect_dma source(%dma_start3A_114 : memref<10240x128xf32, #tpu.memory_space<hbm>>) target(%arg8 : memref<128x128xf32, #tpu.memory_space<vmem>>) offsets(%dma_start3A_111 : memref<128xi32, #tpu.memory_space<vmem>>) semaphore(%arg13 : memref<!tpu.dma_semaphore, #tpu.memory_space<semaphore_mem>>)
    %dma_wait3A_115 = arith.constant 0 : i32
    %dma_wait3A_116 = arith.constant 0 : i32
    %dma_wait3A_117 = arith.constant 0 : i32
    %dma_wait3A_118 = tpu.memref_slice %arg5[%dma_wait3A_115, %dma_wait3A_116, %dma_wait3A_117] : memref<8x2x128xi32, #tpu.memory_space<vmem>> -> memref<1x1x128xi32, #tpu.memory_space<vmem>>
    %dma_wait3A_119 = tpu.memref_squeeze %dma_wait3A_118 : memref<1x1x128xi32, #tpu.memory_space<vmem>> -> memref<128xi32, #tpu.memory_space<vmem>>
    %dma_wait3A_120 = arith.constant 0 : i32
    %dma_wait3A_121 = arith.constant 0 : i32
    %dma_wait3A_122 = tpu.memref_slice %arg2[%dma_wait3A_120, %dma_wait3A_121] : memref<10240x128xf32, #tpu.memory_space<hbm>> -> memref<10240x128xf32, #tpu.memory_space<hbm>>
    tpu.wait_indirect_dma semaphore(%arg12 : memref<!tpu.dma_semaphore, #tpu.memory_space<semaphore_mem>>) src(%dma_wait3A_122 : memref<10240x128xf32, #tpu.memory_space<hbm>>) dst(%arg7 : memref<128x128xf32, #tpu.memory_space<vmem>>)
    %run_scoped3A_123 = arith.constant 0 : i32
    %run_scoped3A_124 = arith.constant 1 : i32
    "tpu.region"() ({
      %run_scoped3A_401 = tpu.sem_alloc : memref<!tpu.dma_semaphore, #tpu.memory_space<semaphore_mem>>
      %dma_start3A_402 = arith.constant 0 : i32
      %dma_start3A_403 = tpu.memref_slice %arg5[%run_scoped3A_123, %run_scoped3A_124, %dma_start3A_402] : memref<8x2x128xi32, #tpu.memory_space<vmem>> -> memref<1x1x128xi32, #tpu.memory_space<vmem>>
      %dma_start3A_404 = tpu.memref_squeeze %dma_start3A_403 : memref<1x1x128xi32, #tpu.memory_space<vmem>> -> memref<128xi32, #tpu.memory_space<vmem>>
      %dma_start3A_405 = arith.constant 0 : i32
      %dma_start3A_406 = arith.constant 0 : i32
      %dma_start3A_407 = tpu.memref_slice %arg9[%dma_start3A_405, %dma_start3A_406] : memref<10240x128xf32, #tpu.memory_space<vmem_shared>> -> memref<10240x128xf32, #tpu.memory_space<vmem_shared>>
      tpu.enqueue_indirect_dma source(%arg7 : memref<128x128xf32, #tpu.memory_space<vmem>>) target(%dma_start3A_407 : memref<10240x128xf32, #tpu.memory_space<vmem_shared>>) offsets(%dma_start3A_404 : memref<128xi32, #tpu.memory_space<vmem>>) semaphore(%run_scoped3A_401 : memref<!tpu.dma_semaphore, #tpu.memory_space<semaphore_mem>>) {add = true}
      %dma_wait3A_408 = arith.constant 0 : i32
      %dma_wait3A_409 = tpu.memref_slice %arg5[%run_scoped3A_123, %run_scoped3A_124, %dma_wait3A_408] : memref<8x2x128xi32, #tpu.memory_space<vmem>> -> memref<1x1x128xi32, #tpu.memory_space<vmem>>
      %dma_wait3A_410 = tpu.memref_squeeze %dma_wait3A_409 : memref<1x1x128xi32, #tpu.memory_space<vmem>> -> memref<128xi32, #tpu.memory_space<vmem>>
      %dma_wait3A_411 = arith.constant 0 : i32
      %dma_wait3A_412 = arith.constant 0 : i32
      %dma_wait3A_413 = tpu.memref_slice %arg9[%dma_wait3A_411, %dma_wait3A_412] : memref<10240x128xf32, #tpu.memory_space<vmem_shared>> -> memref<10240x128xf32, #tpu.memory_space<vmem_shared>>
      tpu.wait_indirect_dma semaphore(%run_scoped3A_401 : memref<!tpu.dma_semaphore, #tpu.memory_space<semaphore_mem>>) src(%arg7 : memref<128x128xf32, #tpu.memory_space<vmem>>) dst(%dma_wait3A_413 : memref<10240x128xf32, #tpu.memory_space<vmem_shared>>)
      tpu.yield
    }) : () -> ()
    %dma_start3A_125 = arith.constant 2 : i32
    %dma_start3A_126 = arith.constant 0 : i32
    %dma_start3A_127 = arith.constant 0 : i32
    %dma_start3A_128 = tpu.memref_slice %arg5[%dma_start3A_125, %dma_start3A_126, %dma_start3A_127] : memref<8x2x128xi32, #tpu.memory_space<vmem>> -> memref<1x1x128xi32, #tpu.memory_space<vmem>>
    %dma_start3A_129 = tpu.memref_squeeze %dma_start3A_128 : memref<1x1x128xi32, #tpu.memory_space<vmem>> -> memref<128xi32, #tpu.memory_space<vmem>>
    %dma_start3A_130 = arith.constant 0 : i32
    %dma_start3A_131 = arith.constant 0 : i32
    %dma_start3A_132 = tpu.memref_slice %arg2[%dma_start3A_130, %dma_start3A_131] : memref<10240x128xf32, #tpu.memory_space<hbm>> -> memref<10240x128xf32, #tpu.memory_space<hbm>>
    tpu.enqueue_indirect_dma source(%dma_start3A_132 : memref<10240x128xf32, #tpu.memory_space<hbm>>) target(%arg7 : memref<128x128xf32, #tpu.memory_space<vmem>>) offsets(%dma_start3A_129 : memref<128xi32, #tpu.memory_space<vmem>>) semaphore(%arg12 : memref<!tpu.dma_semaphore, #tpu.memory_space<semaphore_mem>>)
    %dma_wait3A_133 = arith.constant 1 : i32
    %dma_wait3A_134 = arith.constant 0 : i32
    %dma_wait3A_135 = arith.constant 0 : i32
    %dma_wait3A_136 = tpu.memref_slice %arg5[%dma_wait3A_133, %dma_wait3A_134, %dma_wait3A_135] : memref<8x2x128xi32, #tpu.memory_space<vmem>> -> memref<1x1x128xi32, #tpu.memory_space<vmem>>
    %dma_wait3A_137 = tpu.memref_squeeze %dma_wait3A_136 : memref<1x1x128xi32, #tpu.memory_space<vmem>> -> memref<128xi32, #tpu.memory_space<vmem>>
    %dma_wait3A_138 = arith.constant 0 : i32
    %dma_wait3A_139 = arith.constant 0 : i32
    %dma_wait3A_140 = tpu.memref_slice %arg2[%dma_wait3A_138, %dma_wait3A_139] : memref<10240x128xf32, #tpu.memory_space<hbm>> -> memref<10240x128xf32, #tpu.memory_space<hbm>>
    tpu.wait_indirect_dma semaphore(%arg13 : memref<!tpu.dma_semaphore, #tpu.memory_space<semaphore_mem>>) src(%dma_wait3A_140 : memref<10240x128xf32, #tpu.memory_space<hbm>>) dst(%arg8 : memref<128x128xf32, #tpu.memory_space<vmem>>)
    %run_scoped3A_141 = arith.constant 1 : i32
    %run_scoped3A_142 = arith.constant 1 : i32
    "tpu.region"() ({
      %run_scoped3A_401 = tpu.sem_alloc : memref<!tpu.dma_semaphore, #tpu.memory_space<semaphore_mem>>
      %dma_start3A_402 = arith.constant 0 : i32
      %dma_start3A_403 = tpu.memref_slice %arg5[%run_scoped3A_141, %run_scoped3A_142, %dma_start3A_402] : memref<8x2x128xi32, #tpu.memory_space<vmem>> -> memref<1x1x128xi32, #tpu.memory_space<vmem>>
      %dma_start3A_404 = tpu.memref_squeeze %dma_start3A_403 : memref<1x1x128xi32, #tpu.memory_space<vmem>> -> memref<128xi32, #tpu.memory_space<vmem>>
      %dma_start3A_405 = arith.constant 0 : i32
      %dma_start3A_406 = arith.constant 0 : i32
      %dma_start3A_407 = tpu.memref_slice %arg9[%dma_start3A_405, %dma_start3A_406] : memref<10240x128xf32, #tpu.memory_space<vmem_shared>> -> memref<10240x128xf32, #tpu.memory_space<vmem_shared>>
      tpu.enqueue_indirect_dma source(%arg8 : memref<128x128xf32, #tpu.memory_space<vmem>>) target(%dma_start3A_407 : memref<10240x128xf32, #tpu.memory_space<vmem_shared>>) offsets(%dma_start3A_404 : memref<128xi32, #tpu.memory_space<vmem>>) semaphore(%run_scoped3A_401 : memref<!tpu.dma_semaphore, #tpu.memory_space<semaphore_mem>>) {add = true}
      %dma_wait3A_408 = arith.constant 0 : i32
      %dma_wait3A_409 = tpu.memref_slice %arg5[%run_scoped3A_141, %run_scoped3A_142, %dma_wait3A_408] : memref<8x2x128xi32, #tpu.memory_space<vmem>> -> memref<1x1x128xi32, #tpu.memory_space<vmem>>
      %dma_wait3A_410 = tpu.memref_squeeze %dma_wait3A_409 : memref<1x1x128xi32, #tpu.memory_space<vmem>> -> memref<128xi32, #tpu.memory_space<vmem>>
      %dma_wait3A_411 = arith.constant 0 : i32
      %dma_wait3A_412 = arith.constant 0 : i32
      %dma_wait3A_413 = tpu.memref_slice %arg9[%dma_wait3A_411, %dma_wait3A_412] : memref<10240x128xf32, #tpu.memory_space<vmem_shared>> -> memref<10240x128xf32, #tpu.memory_space<vmem_shared>>
      tpu.wait_indirect_dma semaphore(%run_scoped3A_401 : memref<!tpu.dma_semaphore, #tpu.memory_space<semaphore_mem>>) src(%arg8 : memref<128x128xf32, #tpu.memory_space<vmem>>) dst(%dma_wait3A_413 : memref<10240x128xf32, #tpu.memory_space<vmem_shared>>)
      tpu.yield
    }) : () -> ()
    %dma_start3A_143 = arith.constant 3 : i32
    %dma_start3A_144 = arith.constant 0 : i32
    %dma_start3A_145 = arith.constant 0 : i32
    %dma_start3A_146 = tpu.memref_slice %arg5[%dma_start3A_143, %dma_start3A_144, %dma_start3A_145] : memref<8x2x128xi32, #tpu.memory_space<vmem>> -> memref<1x1x128xi32, #tpu.memory_space<vmem>>
    %dma_start3A_147 = tpu.memref_squeeze %dma_start3A_146 : memref<1x1x128xi32, #tpu.memory_space<vmem>> -> memref<128xi32, #tpu.memory_space<vmem>>
    %dma_start3A_148 = arith.constant 0 : i32
    %dma_start3A_149 = arith.constant 0 : i32
    %dma_start3A_150 = tpu.memref_slice %arg2[%dma_start3A_148, %dma_start3A_149] : memref<10240x128xf32, #tpu.memory_space<hbm>> -> memref<10240x128xf32, #tpu.memory_space<hbm>>
    tpu.enqueue_indirect_dma source(%dma_start3A_150 : memref<10240x128xf32, #tpu.memory_space<hbm>>) target(%arg8 : memref<128x128xf32, #tpu.memory_space<vmem>>) offsets(%dma_start3A_147 : memref<128xi32, #tpu.memory_space<vmem>>) semaphore(%arg13 : memref<!tpu.dma_semaphore, #tpu.memory_space<semaphore_mem>>)
    %dma_wait3A_151 = arith.constant 2 : i32
    %dma_wait3A_152 = arith.constant 0 : i32
    %dma_wait3A_153 = arith.constant 0 : i32
    %dma_wait3A_154 = tpu.memref_slice %arg5[%dma_wait3A_151, %dma_wait3A_152, %dma_wait3A_153] : memref<8x2x128xi32, #tpu.memory_space<vmem>> -> memref<1x1x128xi32, #tpu.memory_space<vmem>>
    %dma_wait3A_155 = tpu.memref_squeeze %dma_wait3A_154 : memref<1x1x128xi32, #tpu.memory_space<vmem>> -> memref<128xi32, #tpu.memory_space<vmem>>
    %dma_wait3A_156 = arith.constant 0 : i32
    %dma_wait3A_157 = arith.constant 0 : i32
    %dma_wait3A_158 = tpu.memref_slice %arg2[%dma_wait3A_156, %dma_wait3A_157] : memref<10240x128xf32, #tpu.memory_space<hbm>> -> memref<10240x128xf32, #tpu.memory_space<hbm>>
    tpu.wait_indirect_dma semaphore(%arg12 : memref<!tpu.dma_semaphore, #tpu.memory_space<semaphore_mem>>) src(%dma_wait3A_158 : memref<10240x128xf32, #tpu.memory_space<hbm>>) dst(%arg7 : memref<128x128xf32, #tpu.memory_space<vmem>>)
    %run_scoped3A_159 = arith.constant 2 : i32
    %run_scoped3A_160 = arith.constant 1 : i32
    "tpu.region"() ({
      %run_scoped3A_401 = tpu.sem_alloc : memref<!tpu.dma_semaphore, #tpu.memory_space<semaphore_mem>>
      %dma_start3A_402 = arith.constant 0 : i32
      %dma_start3A_403 = tpu.memref_slice %arg5[%run_scoped3A_159, %run_scoped3A_160, %dma_start3A_402] : memref<8x2x128xi32, #tpu.memory_space<vmem>> -> memref<1x1x128xi32, #tpu.memory_space<vmem>>
      %dma_start3A_404 = tpu.memref_squeeze %dma_start3A_403 : memref<1x1x128xi32, #tpu.memory_space<vmem>> -> memref<128xi32, #tpu.memory_space<vmem>>
      %dma_start3A_405 = arith.constant 0 : i32
      %dma_start3A_406 = arith.constant 0 : i32
      %dma_start3A_407 = tpu.memref_slice %arg9[%dma_start3A_405, %dma_start3A_406] : memref<10240x128xf32, #tpu.memory_space<vmem_shared>> -> memref<10240x128xf32, #tpu.memory_space<vmem_shared>>
      tpu.enqueue_indirect_dma source(%arg7 : memref<128x128xf32, #tpu.memory_space<vmem>>) target(%dma_start3A_407 : memref<10240x128xf32, #tpu.memory_space<vmem_shared>>) offsets(%dma_start3A_404 : memref<128xi32, #tpu.memory_space<vmem>>) semaphore(%run_scoped3A_401 : memref<!tpu.dma_semaphore, #tpu.memory_space<semaphore_mem>>) {add = true}
      %dma_wait3A_408 = arith.constant 0 : i32
      %dma_wait3A_409 = tpu.memref_slice %arg5[%run_scoped3A_159, %run_scoped3A_160, %dma_wait3A_408] : memref<8x2x128xi32, #tpu.memory_space<vmem>> -> memref<1x1x128xi32, #tpu.memory_space<vmem>>
      %dma_wait3A_410 = tpu.memref_squeeze %dma_wait3A_409 : memref<1x1x128xi32, #tpu.memory_space<vmem>> -> memref<128xi32, #tpu.memory_space<vmem>>
      %dma_wait3A_411 = arith.constant 0 : i32
      %dma_wait3A_412 = arith.constant 0 : i32
      %dma_wait3A_413 = tpu.memref_slice %arg9[%dma_wait3A_411, %dma_wait3A_412] : memref<10240x128xf32, #tpu.memory_space<vmem_shared>> -> memref<10240x128xf32, #tpu.memory_space<vmem_shared>>
      tpu.wait_indirect_dma semaphore(%run_scoped3A_401 : memref<!tpu.dma_semaphore, #tpu.memory_space<semaphore_mem>>) src(%arg7 : memref<128x128xf32, #tpu.memory_space<vmem>>) dst(%dma_wait3A_413 : memref<10240x128xf32, #tpu.memory_space<vmem_shared>>)
      tpu.yield
    }) : () -> ()
    %dma_start3A_161 = arith.constant 4 : i32
    %dma_start3A_162 = arith.constant 0 : i32
    %dma_start3A_163 = arith.constant 0 : i32
    %dma_start3A_164 = tpu.memref_slice %arg5[%dma_start3A_161, %dma_start3A_162, %dma_start3A_163] : memref<8x2x128xi32, #tpu.memory_space<vmem>> -> memref<1x1x128xi32, #tpu.memory_space<vmem>>
    %dma_start3A_165 = tpu.memref_squeeze %dma_start3A_164 : memref<1x1x128xi32, #tpu.memory_space<vmem>> -> memref<128xi32, #tpu.memory_space<vmem>>
    %dma_start3A_166 = arith.constant 0 : i32
    %dma_start3A_167 = arith.constant 0 : i32
    %dma_start3A_168 = tpu.memref_slice %arg2[%dma_start3A_166, %dma_start3A_167] : memref<10240x128xf32, #tpu.memory_space<hbm>> -> memref<10240x128xf32, #tpu.memory_space<hbm>>
    tpu.enqueue_indirect_dma source(%dma_start3A_168 : memref<10240x128xf32, #tpu.memory_space<hbm>>) target(%arg7 : memref<128x128xf32, #tpu.memory_space<vmem>>) offsets(%dma_start3A_165 : memref<128xi32, #tpu.memory_space<vmem>>) semaphore(%arg12 : memref<!tpu.dma_semaphore, #tpu.memory_space<semaphore_mem>>)
    %dma_wait3A_169 = arith.constant 3 : i32
    %dma_wait3A_170 = arith.constant 0 : i32
    %dma_wait3A_171 = arith.constant 0 : i32
    %dma_wait3A_172 = tpu.memref_slice %arg5[%dma_wait3A_169, %dma_wait3A_170, %dma_wait3A_171] : memref<8x2x128xi32, #tpu.memory_space<vmem>> -> memref<1x1x128xi32, #tpu.memory_space<vmem>>
    %dma_wait3A_173 = tpu.memref_squeeze %dma_wait3A_172 : memref<1x1x128xi32, #tpu.memory_space<vmem>> -> memref<128xi32, #tpu.memory_space<vmem>>
    %dma_wait3A_174 = arith.constant 0 : i32
    %dma_wait3A_175 = arith.constant 0 : i32
    %dma_wait3A_176 = tpu.memref_slice %arg2[%dma_wait3A_174, %dma_wait3A_175] : memref<10240x128xf32, #tpu.memory_space<hbm>> -> memref<10240x128xf32, #tpu.memory_space<hbm>>
    tpu.wait_indirect_dma semaphore(%arg13 : memref<!tpu.dma_semaphore, #tpu.memory_space<semaphore_mem>>) src(%dma_wait3A_176 : memref<10240x128xf32, #tpu.memory_space<hbm>>) dst(%arg8 : memref<128x128xf32, #tpu.memory_space<vmem>>)
    %run_scoped3A_177 = arith.constant 3 : i32
    %run_scoped3A_178 = arith.constant 1 : i32
    "tpu.region"() ({
      %run_scoped3A_401 = tpu.sem_alloc : memref<!tpu.dma_semaphore, #tpu.memory_space<semaphore_mem>>
      %dma_start3A_402 = arith.constant 0 : i32
      %dma_start3A_403 = tpu.memref_slice %arg5[%run_scoped3A_177, %run_scoped3A_178, %dma_start3A_402] : memref<8x2x128xi32, #tpu.memory_space<vmem>> -> memref<1x1x128xi32, #tpu.memory_space<vmem>>
      %dma_start3A_404 = tpu.memref_squeeze %dma_start3A_403 : memref<1x1x128xi32, #tpu.memory_space<vmem>> -> memref<128xi32, #tpu.memory_space<vmem>>
      %dma_start3A_405 = arith.constant 0 : i32
      %dma_start3A_406 = arith.constant 0 : i32
      %dma_start3A_407 = tpu.memref_slice %arg9[%dma_start3A_405, %dma_start3A_406] : memref<10240x128xf32, #tpu.memory_space<vmem_shared>> -> memref<10240x128xf32, #tpu.memory_space<vmem_shared>>
      tpu.enqueue_indirect_dma source(%arg8 : memref<128x128xf32, #tpu.memory_space<vmem>>) target(%dma_start3A_407 : memref<10240x128xf32, #tpu.memory_space<vmem_shared>>) offsets(%dma_start3A_404 : memref<128xi32, #tpu.memory_space<vmem>>) semaphore(%run_scoped3A_401 : memref<!tpu.dma_semaphore, #tpu.memory_space<semaphore_mem>>) {add = true}
      %dma_wait3A_408 = arith.constant 0 : i32
      %dma_wait3A_409 = tpu.memref_slice %arg5[%run_scoped3A_177, %run_scoped3A_178, %dma_wait3A_408] : memref<8x2x128xi32, #tpu.memory_space<vmem>> -> memref<1x1x128xi32, #tpu.memory_space<vmem>>
      %dma_wait3A_410 = tpu.memref_squeeze %dma_wait3A_409 : memref<1x1x128xi32, #tpu.memory_space<vmem>> -> memref<128xi32, #tpu.memory_space<vmem>>
      %dma_wait3A_411 = arith.constant 0 : i32
      %dma_wait3A_412 = arith.constant 0 : i32
      %dma_wait3A_413 = tpu.memref_slice %arg9[%dma_wait3A_411, %dma_wait3A_412] : memref<10240x128xf32, #tpu.memory_space<vmem_shared>> -> memref<10240x128xf32, #tpu.memory_space<vmem_shared>>
      tpu.wait_indirect_dma semaphore(%run_scoped3A_401 : memref<!tpu.dma_semaphore, #tpu.memory_space<semaphore_mem>>) src(%arg8 : memref<128x128xf32, #tpu.memory_space<vmem>>) dst(%dma_wait3A_413 : memref<10240x128xf32, #tpu.memory_space<vmem_shared>>)
      tpu.yield
    }) : () -> ()
    %dma_start3A_179 = arith.constant 5 : i32
    %dma_start3A_180 = arith.constant 0 : i32
    %dma_start3A_181 = arith.constant 0 : i32
    %dma_start3A_182 = tpu.memref_slice %arg5[%dma_start3A_179, %dma_start3A_180, %dma_start3A_181] : memref<8x2x128xi32, #tpu.memory_space<vmem>> -> memref<1x1x128xi32, #tpu.memory_space<vmem>>
    %dma_start3A_183 = tpu.memref_squeeze %dma_start3A_182 : memref<1x1x128xi32, #tpu.memory_space<vmem>> -> memref<128xi32, #tpu.memory_space<vmem>>
    %dma_start3A_184 = arith.constant 0 : i32
    %dma_start3A_185 = arith.constant 0 : i32
    %dma_start3A_186 = tpu.memref_slice %arg2[%dma_start3A_184, %dma_start3A_185] : memref<10240x128xf32, #tpu.memory_space<hbm>> -> memref<10240x128xf32, #tpu.memory_space<hbm>>
    tpu.enqueue_indirect_dma source(%dma_start3A_186 : memref<10240x128xf32, #tpu.memory_space<hbm>>) target(%arg8 : memref<128x128xf32, #tpu.memory_space<vmem>>) offsets(%dma_start3A_183 : memref<128xi32, #tpu.memory_space<vmem>>) semaphore(%arg13 : memref<!tpu.dma_semaphore, #tpu.memory_space<semaphore_mem>>)
    %dma_wait3A_187 = arith.constant 4 : i32
    %dma_wait3A_188 = arith.constant 0 : i32
    %dma_wait3A_189 = arith.constant 0 : i32
    %dma_wait3A_190 = tpu.memref_slice %arg5[%dma_wait3A_187, %dma_wait3A_188, %dma_wait3A_189] : memref<8x2x128xi32, #tpu.memory_space<vmem>> -> memref<1x1x128xi32, #tpu.memory_space<vmem>>
    %dma_wait3A_191 = tpu.memref_squeeze %dma_wait3A_190 : memref<1x1x128xi32, #tpu.memory_space<vmem>> -> memref<128xi32, #tpu.memory_space<vmem>>
    %dma_wait3A_192 = arith.constant 0 : i32
    %dma_wait3A_193 = arith.constant 0 : i32
    %dma_wait3A_194 = tpu.memref_slice %arg2[%dma_wait3A_192, %dma_wait3A_193] : memref<10240x128xf32, #tpu.memory_space<hbm>> -> memref<10240x128xf32, #tpu.memory_space<hbm>>
    tpu.wait_indirect_dma semaphore(%arg12 : memref<!tpu.dma_semaphore, #tpu.memory_space<semaphore_mem>>) src(%dma_wait3A_194 : memref<10240x128xf32, #tpu.memory_space<hbm>>) dst(%arg7 : memref<128x128xf32, #tpu.memory_space<vmem>>)
    %run_scoped3A_195 = arith.constant 4 : i32
    %run_scoped3A_196 = arith.constant 1 : i32
    "tpu.region"() ({
      %run_scoped3A_401 = tpu.sem_alloc : memref<!tpu.dma_semaphore, #tpu.memory_space<semaphore_mem>>
      %dma_start3A_402 = arith.constant 0 : i32
      %dma_start3A_403 = tpu.memref_slice %arg5[%run_scoped3A_195, %run_scoped3A_196, %dma_start3A_402] : memref<8x2x128xi32, #tpu.memory_space<vmem>> -> memref<1x1x128xi32, #tpu.memory_space<vmem>>
      %dma_start3A_404 = tpu.memref_squeeze %dma_start3A_403 : memref<1x1x128xi32, #tpu.memory_space<vmem>> -> memref<128xi32, #tpu.memory_space<vmem>>
      %dma_start3A_405 = arith.constant 0 : i32
      %dma_start3A_406 = arith.constant 0 : i32
      %dma_start3A_407 = tpu.memref_slice %arg9[%dma_start3A_405, %dma_start3A_406] : memref<10240x128xf32, #tpu.memory_space<vmem_shared>> -> memref<10240x128xf32, #tpu.memory_space<vmem_shared>>
      tpu.enqueue_indirect_dma source(%arg7 : memref<128x128xf32, #tpu.memory_space<vmem>>) target(%dma_start3A_407 : memref<10240x128xf32, #tpu.memory_space<vmem_shared>>) offsets(%dma_start3A_404 : memref<128xi32, #tpu.memory_space<vmem>>) semaphore(%run_scoped3A_401 : memref<!tpu.dma_semaphore, #tpu.memory_space<semaphore_mem>>) {add = true}
      %dma_wait3A_408 = arith.constant 0 : i32
      %dma_wait3A_409 = tpu.memref_slice %arg5[%run_scoped3A_195, %run_scoped3A_196, %dma_wait3A_408] : memref<8x2x128xi32, #tpu.memory_space<vmem>> -> memref<1x1x128xi32, #tpu.memory_space<vmem>>
      %dma_wait3A_410 = tpu.memref_squeeze %dma_wait3A_409 : memref<1x1x128xi32, #tpu.memory_space<vmem>> -> memref<128xi32, #tpu.memory_space<vmem>>
      %dma_wait3A_411 = arith.constant 0 : i32
      %dma_wait3A_412 = arith.constant 0 : i32
      %dma_wait3A_413 = tpu.memref_slice %arg9[%dma_wait3A_411, %dma_wait3A_412] : memref<10240x128xf32, #tpu.memory_space<vmem_shared>> -> memref<10240x128xf32, #tpu.memory_space<vmem_shared>>
      tpu.wait_indirect_dma semaphore(%run_scoped3A_401 : memref<!tpu.dma_semaphore, #tpu.memory_space<semaphore_mem>>) src(%arg7 : memref<128x128xf32, #tpu.memory_space<vmem>>) dst(%dma_wait3A_413 : memref<10240x128xf32, #tpu.memory_space<vmem_shared>>)
      tpu.yield
    }) : () -> ()
    %dma_start3A_197 = arith.constant 6 : i32
    %dma_start3A_198 = arith.constant 0 : i32
    %dma_start3A_199 = arith.constant 0 : i32
    %dma_start3A_200 = tpu.memref_slice %arg5[%dma_start3A_197, %dma_start3A_198, %dma_start3A_199] : memref<8x2x128xi32, #tpu.memory_space<vmem>> -> memref<1x1x128xi32, #tpu.memory_space<vmem>>
    %dma_start3A_201 = tpu.memref_squeeze %dma_start3A_200 : memref<1x1x128xi32, #tpu.memory_space<vmem>> -> memref<128xi32, #tpu.memory_space<vmem>>
    %dma_start3A_202 = arith.constant 0 : i32
    %dma_start3A_203 = arith.constant 0 : i32
    %dma_start3A_204 = tpu.memref_slice %arg2[%dma_start3A_202, %dma_start3A_203] : memref<10240x128xf32, #tpu.memory_space<hbm>> -> memref<10240x128xf32, #tpu.memory_space<hbm>>
    tpu.enqueue_indirect_dma source(%dma_start3A_204 : memref<10240x128xf32, #tpu.memory_space<hbm>>) target(%arg7 : memref<128x128xf32, #tpu.memory_space<vmem>>) offsets(%dma_start3A_201 : memref<128xi32, #tpu.memory_space<vmem>>) semaphore(%arg12 : memref<!tpu.dma_semaphore, #tpu.memory_space<semaphore_mem>>)
    %dma_wait3A_205 = arith.constant 5 : i32
    %dma_wait3A_206 = arith.constant 0 : i32
    %dma_wait3A_207 = arith.constant 0 : i32
    %dma_wait3A_208 = tpu.memref_slice %arg5[%dma_wait3A_205, %dma_wait3A_206, %dma_wait3A_207] : memref<8x2x128xi32, #tpu.memory_space<vmem>> -> memref<1x1x128xi32, #tpu.memory_space<vmem>>
    %dma_wait3A_209 = tpu.memref_squeeze %dma_wait3A_208 : memref<1x1x128xi32, #tpu.memory_space<vmem>> -> memref<128xi32, #tpu.memory_space<vmem>>
    %dma_wait3A_210 = arith.constant 0 : i32
    %dma_wait3A_211 = arith.constant 0 : i32
    %dma_wait3A_212 = tpu.memref_slice %arg2[%dma_wait3A_210, %dma_wait3A_211] : memref<10240x128xf32, #tpu.memory_space<hbm>> -> memref<10240x128xf32, #tpu.memory_space<hbm>>
    tpu.wait_indirect_dma semaphore(%arg13 : memref<!tpu.dma_semaphore, #tpu.memory_space<semaphore_mem>>) src(%dma_wait3A_212 : memref<10240x128xf32, #tpu.memory_space<hbm>>) dst(%arg8 : memref<128x128xf32, #tpu.memory_space<vmem>>)
    %run_scoped3A_213 = arith.constant 5 : i32
    %run_scoped3A_214 = arith.constant 1 : i32
    "tpu.region"() ({
      %run_scoped3A_401 = tpu.sem_alloc : memref<!tpu.dma_semaphore, #tpu.memory_space<semaphore_mem>>
      %dma_start3A_402 = arith.constant 0 : i32
      %dma_start3A_403 = tpu.memref_slice %arg5[%run_scoped3A_213, %run_scoped3A_214, %dma_start3A_402] : memref<8x2x128xi32, #tpu.memory_space<vmem>> -> memref<1x1x128xi32, #tpu.memory_space<vmem>>
      %dma_start3A_404 = tpu.memref_squeeze %dma_start3A_403 : memref<1x1x128xi32, #tpu.memory_space<vmem>> -> memref<128xi32, #tpu.memory_space<vmem>>
      %dma_start3A_405 = arith.constant 0 : i32
      %dma_start3A_406 = arith.constant 0 : i32
      %dma_start3A_407 = tpu.memref_slice %arg9[%dma_start3A_405, %dma_start3A_406] : memref<10240x128xf32, #tpu.memory_space<vmem_shared>> -> memref<10240x128xf32, #tpu.memory_space<vmem_shared>>
      tpu.enqueue_indirect_dma source(%arg8 : memref<128x128xf32, #tpu.memory_space<vmem>>) target(%dma_start3A_407 : memref<10240x128xf32, #tpu.memory_space<vmem_shared>>) offsets(%dma_start3A_404 : memref<128xi32, #tpu.memory_space<vmem>>) semaphore(%run_scoped3A_401 : memref<!tpu.dma_semaphore, #tpu.memory_space<semaphore_mem>>) {add = true}
      %dma_wait3A_408 = arith.constant 0 : i32
      %dma_wait3A_409 = tpu.memref_slice %arg5[%run_scoped3A_213, %run_scoped3A_214, %dma_wait3A_408] : memref<8x2x128xi32, #tpu.memory_space<vmem>> -> memref<1x1x128xi32, #tpu.memory_space<vmem>>
      %dma_wait3A_410 = tpu.memref_squeeze %dma_wait3A_409 : memref<1x1x128xi32, #tpu.memory_space<vmem>> -> memref<128xi32, #tpu.memory_space<vmem>>
      %dma_wait3A_411 = arith.constant 0 : i32
      %dma_wait3A_412 = arith.constant 0 : i32
      %dma_wait3A_413 = tpu.memref_slice %arg9[%dma_wait3A_411, %dma_wait3A_412] : memref<10240x128xf32, #tpu.memory_space<vmem_shared>> -> memref<10240x128xf32, #tpu.memory_space<vmem_shared>>
      tpu.wait_indirect_dma semaphore(%run_scoped3A_401 : memref<!tpu.dma_semaphore, #tpu.memory_space<semaphore_mem>>) src(%arg8 : memref<128x128xf32, #tpu.memory_space<vmem>>) dst(%dma_wait3A_413 : memref<10240x128xf32, #tpu.memory_space<vmem_shared>>)
      tpu.yield
    }) : () -> ()
    %dma_start3A_215 = arith.constant 7 : i32
    %dma_start3A_216 = arith.constant 0 : i32
    %dma_start3A_217 = arith.constant 0 : i32
    %dma_start3A_218 = tpu.memref_slice %arg5[%dma_start3A_215, %dma_start3A_216, %dma_start3A_217] : memref<8x2x128xi32, #tpu.memory_space<vmem>> -> memref<1x1x128xi32, #tpu.memory_space<vmem>>
    %dma_start3A_219 = tpu.memref_squeeze %dma_start3A_218 : memref<1x1x128xi32, #tpu.memory_space<vmem>> -> memref<128xi32, #tpu.memory_space<vmem>>
    %dma_start3A_220 = arith.constant 0 : i32
    %dma_start3A_221 = arith.constant 0 : i32
    %dma_start3A_222 = tpu.memref_slice %arg2[%dma_start3A_220, %dma_start3A_221] : memref<10240x128xf32, #tpu.memory_space<hbm>> -> memref<10240x128xf32, #tpu.memory_space<hbm>>
    tpu.enqueue_indirect_dma source(%dma_start3A_222 : memref<10240x128xf32, #tpu.memory_space<hbm>>) target(%arg8 : memref<128x128xf32, #tpu.memory_space<vmem>>) offsets(%dma_start3A_219 : memref<128xi32, #tpu.memory_space<vmem>>) semaphore(%arg13 : memref<!tpu.dma_semaphore, #tpu.memory_space<semaphore_mem>>)
    %dma_wait3A_223 = arith.constant 6 : i32
    %dma_wait3A_224 = arith.constant 0 : i32
    %dma_wait3A_225 = arith.constant 0 : i32
    %dma_wait3A_226 = tpu.memref_slice %arg5[%dma_wait3A_223, %dma_wait3A_224, %dma_wait3A_225] : memref<8x2x128xi32, #tpu.memory_space<vmem>> -> memref<1x1x128xi32, #tpu.memory_space<vmem>>
    %dma_wait3A_227 = tpu.memref_squeeze %dma_wait3A_226 : memref<1x1x128xi32, #tpu.memory_space<vmem>> -> memref<128xi32, #tpu.memory_space<vmem>>
    %dma_wait3A_228 = arith.constant 0 : i32
    %dma_wait3A_229 = arith.constant 0 : i32
    %dma_wait3A_230 = tpu.memref_slice %arg2[%dma_wait3A_228, %dma_wait3A_229] : memref<10240x128xf32, #tpu.memory_space<hbm>> -> memref<10240x128xf32, #tpu.memory_space<hbm>>
    tpu.wait_indirect_dma semaphore(%arg12 : memref<!tpu.dma_semaphore, #tpu.memory_space<semaphore_mem>>) src(%dma_wait3A_230 : memref<10240x128xf32, #tpu.memory_space<hbm>>) dst(%arg7 : memref<128x128xf32, #tpu.memory_space<vmem>>)
    %run_scoped3A_231 = arith.constant 6 : i32
    %run_scoped3A_232 = arith.constant 1 : i32
    "tpu.region"() ({
      %run_scoped3A_401 = tpu.sem_alloc : memref<!tpu.dma_semaphore, #tpu.memory_space<semaphore_mem>>
      %dma_start3A_402 = arith.constant 0 : i32
      %dma_start3A_403 = tpu.memref_slice %arg5[%run_scoped3A_231, %run_scoped3A_232, %dma_start3A_402] : memref<8x2x128xi32, #tpu.memory_space<vmem>> -> memref<1x1x128xi32, #tpu.memory_space<vmem>>
      %dma_start3A_404 = tpu.memref_squeeze %dma_start3A_403 : memref<1x1x128xi32, #tpu.memory_space<vmem>> -> memref<128xi32, #tpu.memory_space<vmem>>
      %dma_start3A_405 = arith.constant 0 : i32
      %dma_start3A_406 = arith.constant 0 : i32
      %dma_start3A_407 = tpu.memref_slice %arg9[%dma_start3A_405, %dma_start3A_406] : memref<10240x128xf32, #tpu.memory_space<vmem_shared>> -> memref<10240x128xf32, #tpu.memory_space<vmem_shared>>
      tpu.enqueue_indirect_dma source(%arg7 : memref<128x128xf32, #tpu.memory_space<vmem>>) target(%dma_start3A_407 : memref<10240x128xf32, #tpu.memory_space<vmem_shared>>) offsets(%dma_start3A_404 : memref<128xi32, #tpu.memory_space<vmem>>) semaphore(%run_scoped3A_401 : memref<!tpu.dma_semaphore, #tpu.memory_space<semaphore_mem>>) {add = true}
      %dma_wait3A_408 = arith.constant 0 : i32
      %dma_wait3A_409 = tpu.memref_slice %arg5[%run_scoped3A_231, %run_scoped3A_232, %dma_wait3A_408] : memref<8x2x128xi32, #tpu.memory_space<vmem>> -> memref<1x1x128xi32, #tpu.memory_space<vmem>>
      %dma_wait3A_410 = tpu.memref_squeeze %dma_wait3A_409 : memref<1x1x128xi32, #tpu.memory_space<vmem>> -> memref<128xi32, #tpu.memory_space<vmem>>
      %dma_wait3A_411 = arith.constant 0 : i32
      %dma_wait3A_412 = arith.constant 0 : i32
      %dma_wait3A_413 = tpu.memref_slice %arg9[%dma_wait3A_411, %dma_wait3A_412] : memref<10240x128xf32, #tpu.memory_space<vmem_shared>> -> memref<10240x128xf32, #tpu.memory_space<vmem_shared>>
      tpu.wait_indirect_dma semaphore(%run_scoped3A_401 : memref<!tpu.dma_semaphore, #tpu.memory_space<semaphore_mem>>) src(%arg7 : memref<128x128xf32, #tpu.memory_space<vmem>>) dst(%dma_wait3A_413 : memref<10240x128xf32, #tpu.memory_space<vmem_shared>>)
      tpu.yield
    }) : () -> ()
    %dma_wait3A_233 = arith.constant 9 : i32
    %dma_wait3A_234 = arith.constant 0 : i32
    %dma_wait3A_235 = arith.constant 0 : i32
    %dma_wait3A_236 = arith.constant 0 : i32
    %dma_wait3A_237 = tpu.memref_slice %arg3[%add3A, %dma_wait3A_233, %dma_wait3A_234, %dma_wait3A_235, %dma_wait3A_236] : memref<32x10x8x2x128xi32, #tpu.memory_space<hbm>> -> memref<1x1x8x2x128xi32, #tpu.memory_space<hbm>>
    %dma_wait3A_238 = tpu.memref_squeeze %dma_wait3A_237 : memref<1x1x8x2x128xi32, #tpu.memory_space<hbm>> -> memref<8x2x128xi32, #tpu.memory_space<hbm>>
    %dma_wait3A_239 = arith.constant 0 : i32
    %dma_wait3A_240 = arith.constant 0 : i32
    %dma_wait3A_241 = arith.constant 0 : i32
    %dma_wait3A_242 = tpu.memref_slice %arg3[%add3A, %dma_wait3A_233, %dma_wait3A_239, %dma_wait3A_240, %dma_wait3A_241] : memref<32x10x8x2x128xi32, #tpu.memory_space<hbm>> -> memref<1x1x8x2x128xi32, #tpu.memory_space<hbm>>
    %dma_wait3A_243 = tpu.memref_squeeze %dma_wait3A_242 : memref<1x1x8x2x128xi32, #tpu.memory_space<hbm>> -> memref<8x2x128xi32, #tpu.memory_space<hbm>>
    tpu.wait_dma2 semaphore(%arg11 : memref<!tpu.dma_semaphore, #tpu.memory_space<semaphore_mem>>) src(%dma_wait3A_243 : memref<8x2x128xi32, #tpu.memory_space<hbm>>) dst(%arg6 : memref<8x2x128xi32, #tpu.memory_space<vmem>>)
    %dma_start3A_244 = arith.constant 0 : i32
    %dma_start3A_245 = arith.constant 0 : i32
    %dma_start3A_246 = arith.constant 0 : i32
    %dma_start3A_247 = tpu.memref_slice %arg6[%dma_start3A_244, %dma_start3A_245, %dma_start3A_246] : memref<8x2x128xi32, #tpu.memory_space<vmem>> -> memref<1x1x128xi32, #tpu.memory_space<vmem>>
    %dma_start3A_248 = tpu.memref_squeeze %dma_start3A_247 : memref<1x1x128xi32, #tpu.memory_space<vmem>> -> memref<128xi32, #tpu.memory_space<vmem>>
    %dma_start3A_249 = arith.constant 0 : i32
    %dma_start3A_250 = arith.constant 0 : i32
    %dma_start3A_251 = tpu.memref_slice %arg2[%dma_start3A_249, %dma_start3A_250] : memref<10240x128xf32, #tpu.memory_space<hbm>> -> memref<10240x128xf32, #tpu.memory_space<hbm>>
    tpu.enqueue_indirect_dma source(%dma_start3A_251 : memref<10240x128xf32, #tpu.memory_space<hbm>>) target(%arg7 : memref<128x128xf32, #tpu.memory_space<vmem>>) offsets(%dma_start3A_248 : memref<128xi32, #tpu.memory_space<vmem>>) semaphore(%arg12 : memref<!tpu.dma_semaphore, #tpu.memory_space<semaphore_mem>>)
    %dma_wait3A_252 = arith.constant 7 : i32
    %dma_wait3A_253 = arith.constant 0 : i32
    %dma_wait3A_254 = arith.constant 0 : i32
    %dma_wait3A_255 = tpu.memref_slice %arg5[%dma_wait3A_252, %dma_wait3A_253, %dma_wait3A_254] : memref<8x2x128xi32, #tpu.memory_space<vmem>> -> memref<1x1x128xi32, #tpu.memory_space<vmem>>
    %dma_wait3A_256 = tpu.memref_squeeze %dma_wait3A_255 : memref<1x1x128xi32, #tpu.memory_space<vmem>> -> memref<128xi32, #tpu.memory_space<vmem>>
    %dma_wait3A_257 = arith.constant 0 : i32
    %dma_wait3A_258 = arith.constant 0 : i32
    %dma_wait3A_259 = tpu.memref_slice %arg2[%dma_wait3A_257, %dma_wait3A_258] : memref<10240x128xf32, #tpu.memory_space<hbm>> -> memref<10240x128xf32, #tpu.memory_space<hbm>>
    tpu.wait_indirect_dma semaphore(%arg13 : memref<!tpu.dma_semaphore, #tpu.memory_space<semaphore_mem>>) src(%dma_wait3A_259 : memref<10240x128xf32, #tpu.memory_space<hbm>>) dst(%arg8 : memref<128x128xf32, #tpu.memory_space<vmem>>)
    %run_scoped3A_260 = arith.constant 7 : i32
    %run_scoped3A_261 = arith.constant 1 : i32
    "tpu.region"() ({
      %run_scoped3A_401 = tpu.sem_alloc : memref<!tpu.dma_semaphore, #tpu.memory_space<semaphore_mem>>
      %dma_start3A_402 = arith.constant 0 : i32
      %dma_start3A_403 = tpu.memref_slice %arg5[%run_scoped3A_260, %run_scoped3A_261, %dma_start3A_402] : memref<8x2x128xi32, #tpu.memory_space<vmem>> -> memref<1x1x128xi32, #tpu.memory_space<vmem>>
      %dma_start3A_404 = tpu.memref_squeeze %dma_start3A_403 : memref<1x1x128xi32, #tpu.memory_space<vmem>> -> memref<128xi32, #tpu.memory_space<vmem>>
      %dma_start3A_405 = arith.constant 0 : i32
      %dma_start3A_406 = arith.constant 0 : i32
      %dma_start3A_407 = tpu.memref_slice %arg9[%dma_start3A_405, %dma_start3A_406] : memref<10240x128xf32, #tpu.memory_space<vmem_shared>> -> memref<10240x128xf32, #tpu.memory_space<vmem_shared>>
      tpu.enqueue_indirect_dma source(%arg8 : memref<128x128xf32, #tpu.memory_space<vmem>>) target(%dma_start3A_407 : memref<10240x128xf32, #tpu.memory_space<vmem_shared>>) offsets(%dma_start3A_404 : memref<128xi32, #tpu.memory_space<vmem>>) semaphore(%run_scoped3A_401 : memref<!tpu.dma_semaphore, #tpu.memory_space<semaphore_mem>>) {add = true}
      %dma_wait3A_408 = arith.constant 0 : i32
      %dma_wait3A_409 = tpu.memref_slice %arg5[%run_scoped3A_260, %run_scoped3A_261, %dma_wait3A_408] : memref<8x2x128xi32, #tpu.memory_space<vmem>> -> memref<1x1x128xi32, #tpu.memory_space<vmem>>
      %dma_wait3A_410 = tpu.memref_squeeze %dma_wait3A_409 : memref<1x1x128xi32, #tpu.memory_space<vmem>> -> memref<128xi32, #tpu.memory_space<vmem>>
      %dma_wait3A_411 = arith.constant 0 : i32
      %dma_wait3A_412 = arith.constant 0 : i32
      %dma_wait3A_413 = tpu.memref_slice %arg9[%dma_wait3A_411, %dma_wait3A_412] : memref<10240x128xf32, #tpu.memory_space<vmem_shared>> -> memref<10240x128xf32, #tpu.memory_space<vmem_shared>>
      tpu.wait_indirect_dma semaphore(%run_scoped3A_401 : memref<!tpu.dma_semaphore, #tpu.memory_space<semaphore_mem>>) src(%arg8 : memref<128x128xf32, #tpu.memory_space<vmem>>) dst(%dma_wait3A_413 : memref<10240x128xf32, #tpu.memory_space<vmem_shared>>)
      tpu.yield
    }) : () -> ()
    %dma_start3A_262 = arith.constant 1 : i32
    %dma_start3A_263 = arith.constant 0 : i32
    %dma_start3A_264 = arith.constant 0 : i32
    %dma_start3A_265 = tpu.memref_slice %arg6[%dma_start3A_262, %dma_start3A_263, %dma_start3A_264] : memref<8x2x128xi32, #tpu.memory_space<vmem>> -> memref<1x1x128xi32, #tpu.memory_space<vmem>>
    %dma_start3A_266 = tpu.memref_squeeze %dma_start3A_265 : memref<1x1x128xi32, #tpu.memory_space<vmem>> -> memref<128xi32, #tpu.memory_space<vmem>>
    %dma_start3A_267 = arith.constant 0 : i32
    %dma_start3A_268 = arith.constant 0 : i32
    %dma_start3A_269 = tpu.memref_slice %arg2[%dma_start3A_267, %dma_start3A_268] : memref<10240x128xf32, #tpu.memory_space<hbm>> -> memref<10240x128xf32, #tpu.memory_space<hbm>>
    tpu.enqueue_indirect_dma source(%dma_start3A_269 : memref<10240x128xf32, #tpu.memory_space<hbm>>) target(%arg8 : memref<128x128xf32, #tpu.memory_space<vmem>>) offsets(%dma_start3A_266 : memref<128xi32, #tpu.memory_space<vmem>>) semaphore(%arg13 : memref<!tpu.dma_semaphore, #tpu.memory_space<semaphore_mem>>)
    %dma_wait3A_270 = arith.constant 0 : i32
    %dma_wait3A_271 = arith.constant 0 : i32
    %dma_wait3A_272 = arith.constant 0 : i32
    %dma_wait3A_273 = tpu.memref_slice %arg6[%dma_wait3A_270, %dma_wait3A_271, %dma_wait3A_272] : memref<8x2x128xi32, #tpu.memory_space<vmem>> -> memref<1x1x128xi32, #tpu.memory_space<vmem>>
    %dma_wait3A_274 = tpu.memref_squeeze %dma_wait3A_273 : memref<1x1x128xi32, #tpu.memory_space<vmem>> -> memref<128xi32, #tpu.memory_space<vmem>>
    %dma_wait3A_275 = arith.constant 0 : i32
    %dma_wait3A_276 = arith.constant 0 : i32
    %dma_wait3A_277 = tpu.memref_slice %arg2[%dma_wait3A_275, %dma_wait3A_276] : memref<10240x128xf32, #tpu.memory_space<hbm>> -> memref<10240x128xf32, #tpu.memory_space<hbm>>
    tpu.wait_indirect_dma semaphore(%arg12 : memref<!tpu.dma_semaphore, #tpu.memory_space<semaphore_mem>>) src(%dma_wait3A_277 : memref<10240x128xf32, #tpu.memory_space<hbm>>) dst(%arg7 : memref<128x128xf32, #tpu.memory_space<vmem>>)
    %run_scoped3A_278 = arith.constant 0 : i32
    %run_scoped3A_279 = arith.constant 1 : i32
    "tpu.region"() ({
      %run_scoped3A_401 = tpu.sem_alloc : memref<!tpu.dma_semaphore, #tpu.memory_space<semaphore_mem>>
      %dma_start3A_402 = arith.constant 0 : i32
      %dma_start3A_403 = tpu.memref_slice %arg6[%run_scoped3A_278, %run_scoped3A_279, %dma_start3A_402] : memref<8x2x128xi32, #tpu.memory_space<vmem>> -> memref<1x1x128xi32, #tpu.memory_space<vmem>>
      %dma_start3A_404 = tpu.memref_squeeze %dma_start3A_403 : memref<1x1x128xi32, #tpu.memory_space<vmem>> -> memref<128xi32, #tpu.memory_space<vmem>>
      %dma_start3A_405 = arith.constant 0 : i32
      %dma_start3A_406 = arith.constant 0 : i32
      %dma_start3A_407 = tpu.memref_slice %arg9[%dma_start3A_405, %dma_start3A_406] : memref<10240x128xf32, #tpu.memory_space<vmem_shared>> -> memref<10240x128xf32, #tpu.memory_space<vmem_shared>>
      tpu.enqueue_indirect_dma source(%arg7 : memref<128x128xf32, #tpu.memory_space<vmem>>) target(%dma_start3A_407 : memref<10240x128xf32, #tpu.memory_space<vmem_shared>>) offsets(%dma_start3A_404 : memref<128xi32, #tpu.memory_space<vmem>>) semaphore(%run_scoped3A_401 : memref<!tpu.dma_semaphore, #tpu.memory_space<semaphore_mem>>) {add = true}
      %dma_wait3A_408 = arith.constant 0 : i32
      %dma_wait3A_409 = tpu.memref_slice %arg6[%run_scoped3A_278, %run_scoped3A_279, %dma_wait3A_408] : memref<8x2x128xi32, #tpu.memory_space<vmem>> -> memref<1x1x128xi32, #tpu.memory_space<vmem>>
      %dma_wait3A_410 = tpu.memref_squeeze %dma_wait3A_409 : memref<1x1x128xi32, #tpu.memory_space<vmem>> -> memref<128xi32, #tpu.memory_space<vmem>>
      %dma_wait3A_411 = arith.constant 0 : i32
      %dma_wait3A_412 = arith.constant 0 : i32
      %dma_wait3A_413 = tpu.memref_slice %arg9[%dma_wait3A_411, %dma_wait3A_412] : memref<10240x128xf32, #tpu.memory_space<vmem_shared>> -> memref<10240x128xf32, #tpu.memory_space<vmem_shared>>
      tpu.wait_indirect_dma semaphore(%run_scoped3A_401 : memref<!tpu.dma_semaphore, #tpu.memory_space<semaphore_mem>>) src(%arg7 : memref<128x128xf32, #tpu.memory_space<vmem>>) dst(%dma_wait3A_413 : memref<10240x128xf32, #tpu.memory_space<vmem_shared>>)
      tpu.yield
    }) : () -> ()
    %dma_start3A_280 = arith.constant 2 : i32
    %dma_start3A_281 = arith.constant 0 : i32
    %dma_start3A_282 = arith.constant 0 : i32
    %dma_start3A_283 = tpu.memref_slice %arg6[%dma_start3A_280, %dma_start3A_281, %dma_start3A_282] : memref<8x2x128xi32, #tpu.memory_space<vmem>> -> memref<1x1x128xi32, #tpu.memory_space<vmem>>
    %dma_start3A_284 = tpu.memref_squeeze %dma_start3A_283 : memref<1x1x128xi32, #tpu.memory_space<vmem>> -> memref<128xi32, #tpu.memory_space<vmem>>
    %dma_start3A_285 = arith.constant 0 : i32
    %dma_start3A_286 = arith.constant 0 : i32
    %dma_start3A_287 = tpu.memref_slice %arg2[%dma_start3A_285, %dma_start3A_286] : memref<10240x128xf32, #tpu.memory_space<hbm>> -> memref<10240x128xf32, #tpu.memory_space<hbm>>
    tpu.enqueue_indirect_dma source(%dma_start3A_287 : memref<10240x128xf32, #tpu.memory_space<hbm>>) target(%arg7 : memref<128x128xf32, #tpu.memory_space<vmem>>) offsets(%dma_start3A_284 : memref<128xi32, #tpu.memory_space<vmem>>) semaphore(%arg12 : memref<!tpu.dma_semaphore, #tpu.memory_space<semaphore_mem>>)
    %dma_wait3A_288 = arith.constant 1 : i32
    %dma_wait3A_289 = arith.constant 0 : i32
    %dma_wait3A_290 = arith.constant 0 : i32
    %dma_wait3A_291 = tpu.memref_slice %arg6[%dma_wait3A_288, %dma_wait3A_289, %dma_wait3A_290] : memref<8x2x128xi32, #tpu.memory_space<vmem>> -> memref<1x1x128xi32, #tpu.memory_space<vmem>>
    %dma_wait3A_292 = tpu.memref_squeeze %dma_wait3A_291 : memref<1x1x128xi32, #tpu.memory_space<vmem>> -> memref<128xi32, #tpu.memory_space<vmem>>
    %dma_wait3A_293 = arith.constant 0 : i32
    %dma_wait3A_294 = arith.constant 0 : i32
    %dma_wait3A_295 = tpu.memref_slice %arg2[%dma_wait3A_293, %dma_wait3A_294] : memref<10240x128xf32, #tpu.memory_space<hbm>> -> memref<10240x128xf32, #tpu.memory_space<hbm>>
    tpu.wait_indirect_dma semaphore(%arg13 : memref<!tpu.dma_semaphore, #tpu.memory_space<semaphore_mem>>) src(%dma_wait3A_295 : memref<10240x128xf32, #tpu.memory_space<hbm>>) dst(%arg8 : memref<128x128xf32, #tpu.memory_space<vmem>>)
    %run_scoped3A_296 = arith.constant 1 : i32
    %run_scoped3A_297 = arith.constant 1 : i32
    "tpu.region"() ({
      %run_scoped3A_401 = tpu.sem_alloc : memref<!tpu.dma_semaphore, #tpu.memory_space<semaphore_mem>>
      %dma_start3A_402 = arith.constant 0 : i32
      %dma_start3A_403 = tpu.memref_slice %arg6[%run_scoped3A_296, %run_scoped3A_297, %dma_start3A_402] : memref<8x2x128xi32, #tpu.memory_space<vmem>> -> memref<1x1x128xi32, #tpu.memory_space<vmem>>
      %dma_start3A_404 = tpu.memref_squeeze %dma_start3A_403 : memref<1x1x128xi32, #tpu.memory_space<vmem>> -> memref<128xi32, #tpu.memory_space<vmem>>
      %dma_start3A_405 = arith.constant 0 : i32
      %dma_start3A_406 = arith.constant 0 : i32
      %dma_start3A_407 = tpu.memref_slice %arg9[%dma_start3A_405, %dma_start3A_406] : memref<10240x128xf32, #tpu.memory_space<vmem_shared>> -> memref<10240x128xf32, #tpu.memory_space<vmem_shared>>
      tpu.enqueue_indirect_dma source(%arg8 : memref<128x128xf32, #tpu.memory_space<vmem>>) target(%dma_start3A_407 : memref<10240x128xf32, #tpu.memory_space<vmem_shared>>) offsets(%dma_start3A_404 : memref<128xi32, #tpu.memory_space<vmem>>) semaphore(%run_scoped3A_401 : memref<!tpu.dma_semaphore, #tpu.memory_space<semaphore_mem>>) {add = true}
      %dma_wait3A_408 = arith.constant 0 : i32
      %dma_wait3A_409 = tpu.memref_slice %arg6[%run_scoped3A_296, %run_scoped3A_297, %dma_wait3A_408] : memref<8x2x128xi32, #tpu.memory_space<vmem>> -> memref<1x1x128xi32, #tpu.memory_space<vmem>>
      %dma_wait3A_410 = tpu.memref_squeeze %dma_wait3A_409 : memref<1x1x128xi32, #tpu.memory_space<vmem>> -> memref<128xi32, #tpu.memory_space<vmem>>
      %dma_wait3A_411 = arith.constant 0 : i32
      %dma_wait3A_412 = arith.constant 0 : i32
      %dma_wait3A_413 = tpu.memref_slice %arg9[%dma_wait3A_411, %dma_wait3A_412] : memref<10240x128xf32, #tpu.memory_space<vmem_shared>> -> memref<10240x128xf32, #tpu.memory_space<vmem_shared>>
      tpu.wait_indirect_dma semaphore(%run_scoped3A_401 : memref<!tpu.dma_semaphore, #tpu.memory_space<semaphore_mem>>) src(%arg8 : memref<128x128xf32, #tpu.memory_space<vmem>>) dst(%dma_wait3A_413 : memref<10240x128xf32, #tpu.memory_space<vmem_shared>>)
      tpu.yield
    }) : () -> ()
    %dma_start3A_298 = arith.constant 3 : i32
    %dma_start3A_299 = arith.constant 0 : i32
    %dma_start3A_300 = arith.constant 0 : i32
    %dma_start3A_301 = tpu.memref_slice %arg6[%dma_start3A_298, %dma_start3A_299, %dma_start3A_300] : memref<8x2x128xi32, #tpu.memory_space<vmem>> -> memref<1x1x128xi32, #tpu.memory_space<vmem>>
    %dma_start3A_302 = tpu.memref_squeeze %dma_start3A_301 : memref<1x1x128xi32, #tpu.memory_space<vmem>> -> memref<128xi32, #tpu.memory_space<vmem>>
    %dma_start3A_303 = arith.constant 0 : i32
    %dma_start3A_304 = arith.constant 0 : i32
    %dma_start3A_305 = tpu.memref_slice %arg2[%dma_start3A_303, %dma_start3A_304] : memref<10240x128xf32, #tpu.memory_space<hbm>> -> memref<10240x128xf32, #tpu.memory_space<hbm>>
    tpu.enqueue_indirect_dma source(%dma_start3A_305 : memref<10240x128xf32, #tpu.memory_space<hbm>>) target(%arg8 : memref<128x128xf32, #tpu.memory_space<vmem>>) offsets(%dma_start3A_302 : memref<128xi32, #tpu.memory_space<vmem>>) semaphore(%arg13 : memref<!tpu.dma_semaphore, #tpu.memory_space<semaphore_mem>>)
    %dma_wait3A_306 = arith.constant 2 : i32
    %dma_wait3A_307 = arith.constant 0 : i32
    %dma_wait3A_308 = arith.constant 0 : i32
    %dma_wait3A_309 = tpu.memref_slice %arg6[%dma_wait3A_306, %dma_wait3A_307, %dma_wait3A_308] : memref<8x2x128xi32, #tpu.memory_space<vmem>> -> memref<1x1x128xi32, #tpu.memory_space<vmem>>
    %dma_wait3A_310 = tpu.memref_squeeze %dma_wait3A_309 : memref<1x1x128xi32, #tpu.memory_space<vmem>> -> memref<128xi32, #tpu.memory_space<vmem>>
    %dma_wait3A_311 = arith.constant 0 : i32
    %dma_wait3A_312 = arith.constant 0 : i32
    %dma_wait3A_313 = tpu.memref_slice %arg2[%dma_wait3A_311, %dma_wait3A_312] : memref<10240x128xf32, #tpu.memory_space<hbm>> -> memref<10240x128xf32, #tpu.memory_space<hbm>>
    tpu.wait_indirect_dma semaphore(%arg12 : memref<!tpu.dma_semaphore, #tpu.memory_space<semaphore_mem>>) src(%dma_wait3A_313 : memref<10240x128xf32, #tpu.memory_space<hbm>>) dst(%arg7 : memref<128x128xf32, #tpu.memory_space<vmem>>)
    %run_scoped3A_314 = arith.constant 2 : i32
    %run_scoped3A_315 = arith.constant 1 : i32
    "tpu.region"() ({
      %run_scoped3A_401 = tpu.sem_alloc : memref<!tpu.dma_semaphore, #tpu.memory_space<semaphore_mem>>
      %dma_start3A_402 = arith.constant 0 : i32
      %dma_start3A_403 = tpu.memref_slice %arg6[%run_scoped3A_314, %run_scoped3A_315, %dma_start3A_402] : memref<8x2x128xi32, #tpu.memory_space<vmem>> -> memref<1x1x128xi32, #tpu.memory_space<vmem>>
      %dma_start3A_404 = tpu.memref_squeeze %dma_start3A_403 : memref<1x1x128xi32, #tpu.memory_space<vmem>> -> memref<128xi32, #tpu.memory_space<vmem>>
      %dma_start3A_405 = arith.constant 0 : i32
      %dma_start3A_406 = arith.constant 0 : i32
      %dma_start3A_407 = tpu.memref_slice %arg9[%dma_start3A_405, %dma_start3A_406] : memref<10240x128xf32, #tpu.memory_space<vmem_shared>> -> memref<10240x128xf32, #tpu.memory_space<vmem_shared>>
      tpu.enqueue_indirect_dma source(%arg7 : memref<128x128xf32, #tpu.memory_space<vmem>>) target(%dma_start3A_407 : memref<10240x128xf32, #tpu.memory_space<vmem_shared>>) offsets(%dma_start3A_404 : memref<128xi32, #tpu.memory_space<vmem>>) semaphore(%run_scoped3A_401 : memref<!tpu.dma_semaphore, #tpu.memory_space<semaphore_mem>>) {add = true}
      %dma_wait3A_408 = arith.constant 0 : i32
      %dma_wait3A_409 = tpu.memref_slice %arg6[%run_scoped3A_314, %run_scoped3A_315, %dma_wait3A_408] : memref<8x2x128xi32, #tpu.memory_space<vmem>> -> memref<1x1x128xi32, #tpu.memory_space<vmem>>
      %dma_wait3A_410 = tpu.memref_squeeze %dma_wait3A_409 : memref<1x1x128xi32, #tpu.memory_space<vmem>> -> memref<128xi32, #tpu.memory_space<vmem>>
      %dma_wait3A_411 = arith.constant 0 : i32
      %dma_wait3A_412 = arith.constant 0 : i32
      %dma_wait3A_413 = tpu.memref_slice %arg9[%dma_wait3A_411, %dma_wait3A_412] : memref<10240x128xf32, #tpu.memory_space<vmem_shared>> -> memref<10240x128xf32, #tpu.memory_space<vmem_shared>>
      tpu.wait_indirect_dma semaphore(%run_scoped3A_401 : memref<!tpu.dma_semaphore, #tpu.memory_space<semaphore_mem>>) src(%arg7 : memref<128x128xf32, #tpu.memory_space<vmem>>) dst(%dma_wait3A_413 : memref<10240x128xf32, #tpu.memory_space<vmem_shared>>)
      tpu.yield
    }) : () -> ()
    %dma_start3A_316 = arith.constant 4 : i32
    %dma_start3A_317 = arith.constant 0 : i32
    %dma_start3A_318 = arith.constant 0 : i32
    %dma_start3A_319 = tpu.memref_slice %arg6[%dma_start3A_316, %dma_start3A_317, %dma_start3A_318] : memref<8x2x128xi32, #tpu.memory_space<vmem>> -> memref<1x1x128xi32, #tpu.memory_space<vmem>>
    %dma_start3A_320 = tpu.memref_squeeze %dma_start3A_319 : memref<1x1x128xi32, #tpu.memory_space<vmem>> -> memref<128xi32, #tpu.memory_space<vmem>>
    %dma_start3A_321 = arith.constant 0 : i32
    %dma_start3A_322 = arith.constant 0 : i32
    %dma_start3A_323 = tpu.memref_slice %arg2[%dma_start3A_321, %dma_start3A_322] : memref<10240x128xf32, #tpu.memory_space<hbm>> -> memref<10240x128xf32, #tpu.memory_space<hbm>>
    tpu.enqueue_indirect_dma source(%dma_start3A_323 : memref<10240x128xf32, #tpu.memory_space<hbm>>) target(%arg7 : memref<128x128xf32, #tpu.memory_space<vmem>>) offsets(%dma_start3A_320 : memref<128xi32, #tpu.memory_space<vmem>>) semaphore(%arg12 : memref<!tpu.dma_semaphore, #tpu.memory_space<semaphore_mem>>)
    %dma_wait3A_324 = arith.constant 3 : i32
    %dma_wait3A_325 = arith.constant 0 : i32
    %dma_wait3A_326 = arith.constant 0 : i32
    %dma_wait3A_327 = tpu.memref_slice %arg6[%dma_wait3A_324, %dma_wait3A_325, %dma_wait3A_326] : memref<8x2x128xi32, #tpu.memory_space<vmem>> -> memref<1x1x128xi32, #tpu.memory_space<vmem>>
    %dma_wait3A_328 = tpu.memref_squeeze %dma_wait3A_327 : memref<1x1x128xi32, #tpu.memory_space<vmem>> -> memref<128xi32, #tpu.memory_space<vmem>>
    %dma_wait3A_329 = arith.constant 0 : i32
    %dma_wait3A_330 = arith.constant 0 : i32
    %dma_wait3A_331 = tpu.memref_slice %arg2[%dma_wait3A_329, %dma_wait3A_330] : memref<10240x128xf32, #tpu.memory_space<hbm>> -> memref<10240x128xf32, #tpu.memory_space<hbm>>
    tpu.wait_indirect_dma semaphore(%arg13 : memref<!tpu.dma_semaphore, #tpu.memory_space<semaphore_mem>>) src(%dma_wait3A_331 : memref<10240x128xf32, #tpu.memory_space<hbm>>) dst(%arg8 : memref<128x128xf32, #tpu.memory_space<vmem>>)
    %run_scoped3A_332 = arith.constant 3 : i32
    %run_scoped3A_333 = arith.constant 1 : i32
    "tpu.region"() ({
      %run_scoped3A_401 = tpu.sem_alloc : memref<!tpu.dma_semaphore, #tpu.memory_space<semaphore_mem>>
      %dma_start3A_402 = arith.constant 0 : i32
      %dma_start3A_403 = tpu.memref_slice %arg6[%run_scoped3A_332, %run_scoped3A_333, %dma_start3A_402] : memref<8x2x128xi32, #tpu.memory_space<vmem>> -> memref<1x1x128xi32, #tpu.memory_space<vmem>>
      %dma_start3A_404 = tpu.memref_squeeze %dma_start3A_403 : memref<1x1x128xi32, #tpu.memory_space<vmem>> -> memref<128xi32, #tpu.memory_space<vmem>>
      %dma_start3A_405 = arith.constant 0 : i32
      %dma_start3A_406 = arith.constant 0 : i32
      %dma_start3A_407 = tpu.memref_slice %arg9[%dma_start3A_405, %dma_start3A_406] : memref<10240x128xf32, #tpu.memory_space<vmem_shared>> -> memref<10240x128xf32, #tpu.memory_space<vmem_shared>>
      tpu.enqueue_indirect_dma source(%arg8 : memref<128x128xf32, #tpu.memory_space<vmem>>) target(%dma_start3A_407 : memref<10240x128xf32, #tpu.memory_space<vmem_shared>>) offsets(%dma_start3A_404 : memref<128xi32, #tpu.memory_space<vmem>>) semaphore(%run_scoped3A_401 : memref<!tpu.dma_semaphore, #tpu.memory_space<semaphore_mem>>) {add = true}
      %dma_wait3A_408 = arith.constant 0 : i32
      %dma_wait3A_409 = tpu.memref_slice %arg6[%run_scoped3A_332, %run_scoped3A_333, %dma_wait3A_408] : memref<8x2x128xi32, #tpu.memory_space<vmem>> -> memref<1x1x128xi32, #tpu.memory_space<vmem>>
      %dma_wait3A_410 = tpu.memref_squeeze %dma_wait3A_409 : memref<1x1x128xi32, #tpu.memory_space<vmem>> -> memref<128xi32, #tpu.memory_space<vmem>>
      %dma_wait3A_411 = arith.constant 0 : i32
      %dma_wait3A_412 = arith.constant 0 : i32
      %dma_wait3A_413 = tpu.memref_slice %arg9[%dma_wait3A_411, %dma_wait3A_412] : memref<10240x128xf32, #tpu.memory_space<vmem_shared>> -> memref<10240x128xf32, #tpu.memory_space<vmem_shared>>
      tpu.wait_indirect_dma semaphore(%run_scoped3A_401 : memref<!tpu.dma_semaphore, #tpu.memory_space<semaphore_mem>>) src(%arg8 : memref<128x128xf32, #tpu.memory_space<vmem>>) dst(%dma_wait3A_413 : memref<10240x128xf32, #tpu.memory_space<vmem_shared>>)
      tpu.yield
    }) : () -> ()
    %dma_start3A_334 = arith.constant 5 : i32
    %dma_start3A_335 = arith.constant 0 : i32
    %dma_start3A_336 = arith.constant 0 : i32
    %dma_start3A_337 = tpu.memref_slice %arg6[%dma_start3A_334, %dma_start3A_335, %dma_start3A_336] : memref<8x2x128xi32, #tpu.memory_space<vmem>> -> memref<1x1x128xi32, #tpu.memory_space<vmem>>
    %dma_start3A_338 = tpu.memref_squeeze %dma_start3A_337 : memref<1x1x128xi32, #tpu.memory_space<vmem>> -> memref<128xi32, #tpu.memory_space<vmem>>
    %dma_start3A_339 = arith.constant 0 : i32
    %dma_start3A_340 = arith.constant 0 : i32
    %dma_start3A_341 = tpu.memref_slice %arg2[%dma_start3A_339, %dma_start3A_340] : memref<10240x128xf32, #tpu.memory_space<hbm>> -> memref<10240x128xf32, #tpu.memory_space<hbm>>
    tpu.enqueue_indirect_dma source(%dma_start3A_341 : memref<10240x128xf32, #tpu.memory_space<hbm>>) target(%arg8 : memref<128x128xf32, #tpu.memory_space<vmem>>) offsets(%dma_start3A_338 : memref<128xi32, #tpu.memory_space<vmem>>) semaphore(%arg13 : memref<!tpu.dma_semaphore, #tpu.memory_space<semaphore_mem>>)
    %dma_wait3A_342 = arith.constant 4 : i32
    %dma_wait3A_343 = arith.constant 0 : i32
    %dma_wait3A_344 = arith.constant 0 : i32
    %dma_wait3A_345 = tpu.memref_slice %arg6[%dma_wait3A_342, %dma_wait3A_343, %dma_wait3A_344] : memref<8x2x128xi32, #tpu.memory_space<vmem>> -> memref<1x1x128xi32, #tpu.memory_space<vmem>>
    %dma_wait3A_346 = tpu.memref_squeeze %dma_wait3A_345 : memref<1x1x128xi32, #tpu.memory_space<vmem>> -> memref<128xi32, #tpu.memory_space<vmem>>
    %dma_wait3A_347 = arith.constant 0 : i32
    %dma_wait3A_348 = arith.constant 0 : i32
    %dma_wait3A_349 = tpu.memref_slice %arg2[%dma_wait3A_347, %dma_wait3A_348] : memref<10240x128xf32, #tpu.memory_space<hbm>> -> memref<10240x128xf32, #tpu.memory_space<hbm>>
    tpu.wait_indirect_dma semaphore(%arg12 : memref<!tpu.dma_semaphore, #tpu.memory_space<semaphore_mem>>) src(%dma_wait3A_349 : memref<10240x128xf32, #tpu.memory_space<hbm>>) dst(%arg7 : memref<128x128xf32, #tpu.memory_space<vmem>>)
    %run_scoped3A_350 = arith.constant 4 : i32
    %run_scoped3A_351 = arith.constant 1 : i32
    "tpu.region"() ({
      %run_scoped3A_401 = tpu.sem_alloc : memref<!tpu.dma_semaphore, #tpu.memory_space<semaphore_mem>>
      %dma_start3A_402 = arith.constant 0 : i32
      %dma_start3A_403 = tpu.memref_slice %arg6[%run_scoped3A_350, %run_scoped3A_351, %dma_start3A_402] : memref<8x2x128xi32, #tpu.memory_space<vmem>> -> memref<1x1x128xi32, #tpu.memory_space<vmem>>
      %dma_start3A_404 = tpu.memref_squeeze %dma_start3A_403 : memref<1x1x128xi32, #tpu.memory_space<vmem>> -> memref<128xi32, #tpu.memory_space<vmem>>
      %dma_start3A_405 = arith.constant 0 : i32
      %dma_start3A_406 = arith.constant 0 : i32
      %dma_start3A_407 = tpu.memref_slice %arg9[%dma_start3A_405, %dma_start3A_406] : memref<10240x128xf32, #tpu.memory_space<vmem_shared>> -> memref<10240x128xf32, #tpu.memory_space<vmem_shared>>
      tpu.enqueue_indirect_dma source(%arg7 : memref<128x128xf32, #tpu.memory_space<vmem>>) target(%dma_start3A_407 : memref<10240x128xf32, #tpu.memory_space<vmem_shared>>) offsets(%dma_start3A_404 : memref<128xi32, #tpu.memory_space<vmem>>) semaphore(%run_scoped3A_401 : memref<!tpu.dma_semaphore, #tpu.memory_space<semaphore_mem>>) {add = true}
      %dma_wait3A_408 = arith.constant 0 : i32
      %dma_wait3A_409 = tpu.memref_slice %arg6[%run_scoped3A_350, %run_scoped3A_351, %dma_wait3A_408] : memref<8x2x128xi32, #tpu.memory_space<vmem>> -> memref<1x1x128xi32, #tpu.memory_space<vmem>>
      %dma_wait3A_410 = tpu.memref_squeeze %dma_wait3A_409 : memref<1x1x128xi32, #tpu.memory_space<vmem>> -> memref<128xi32, #tpu.memory_space<vmem>>
      %dma_wait3A_411 = arith.constant 0 : i32
      %dma_wait3A_412 = arith.constant 0 : i32
      %dma_wait3A_413 = tpu.memref_slice %arg9[%dma_wait3A_411, %dma_wait3A_412] : memref<10240x128xf32, #tpu.memory_space<vmem_shared>> -> memref<10240x128xf32, #tpu.memory_space<vmem_shared>>
      tpu.wait_indirect_dma semaphore(%run_scoped3A_401 : memref<!tpu.dma_semaphore, #tpu.memory_space<semaphore_mem>>) src(%arg7 : memref<128x128xf32, #tpu.memory_space<vmem>>) dst(%dma_wait3A_413 : memref<10240x128xf32, #tpu.memory_space<vmem_shared>>)
      tpu.yield
    }) : () -> ()
    %dma_start3A_352 = arith.constant 6 : i32
    %dma_start3A_353 = arith.constant 0 : i32
    %dma_start3A_354 = arith.constant 0 : i32
    %dma_start3A_355 = tpu.memref_slice %arg6[%dma_start3A_352, %dma_start3A_353, %dma_start3A_354] : memref<8x2x128xi32, #tpu.memory_space<vmem>> -> memref<1x1x128xi32, #tpu.memory_space<vmem>>
    %dma_start3A_356 = tpu.memref_squeeze %dma_start3A_355 : memref<1x1x128xi32, #tpu.memory_space<vmem>> -> memref<128xi32, #tpu.memory_space<vmem>>
    %dma_start3A_357 = arith.constant 0 : i32
    %dma_start3A_358 = arith.constant 0 : i32
    %dma_start3A_359 = tpu.memref_slice %arg2[%dma_start3A_357, %dma_start3A_358] : memref<10240x128xf32, #tpu.memory_space<hbm>> -> memref<10240x128xf32, #tpu.memory_space<hbm>>
    tpu.enqueue_indirect_dma source(%dma_start3A_359 : memref<10240x128xf32, #tpu.memory_space<hbm>>) target(%arg7 : memref<128x128xf32, #tpu.memory_space<vmem>>) offsets(%dma_start3A_356 : memref<128xi32, #tpu.memory_space<vmem>>) semaphore(%arg12 : memref<!tpu.dma_semaphore, #tpu.memory_space<semaphore_mem>>)
    %dma_wait3A_360 = arith.constant 5 : i32
    %dma_wait3A_361 = arith.constant 0 : i32
    %dma_wait3A_362 = arith.constant 0 : i32
    %dma_wait3A_363 = tpu.memref_slice %arg6[%dma_wait3A_360, %dma_wait3A_361, %dma_wait3A_362] : memref<8x2x128xi32, #tpu.memory_space<vmem>> -> memref<1x1x128xi32, #tpu.memory_space<vmem>>
    %dma_wait3A_364 = tpu.memref_squeeze %dma_wait3A_363 : memref<1x1x128xi32, #tpu.memory_space<vmem>> -> memref<128xi32, #tpu.memory_space<vmem>>
    %dma_wait3A_365 = arith.constant 0 : i32
    %dma_wait3A_366 = arith.constant 0 : i32
    %dma_wait3A_367 = tpu.memref_slice %arg2[%dma_wait3A_365, %dma_wait3A_366] : memref<10240x128xf32, #tpu.memory_space<hbm>> -> memref<10240x128xf32, #tpu.memory_space<hbm>>
    tpu.wait_indirect_dma semaphore(%arg13 : memref<!tpu.dma_semaphore, #tpu.memory_space<semaphore_mem>>) src(%dma_wait3A_367 : memref<10240x128xf32, #tpu.memory_space<hbm>>) dst(%arg8 : memref<128x128xf32, #tpu.memory_space<vmem>>)
    %run_scoped3A_368 = arith.constant 5 : i32
    %run_scoped3A_369 = arith.constant 1 : i32
    "tpu.region"() ({
      %run_scoped3A_401 = tpu.sem_alloc : memref<!tpu.dma_semaphore, #tpu.memory_space<semaphore_mem>>
      %dma_start3A_402 = arith.constant 0 : i32
      %dma_start3A_403 = tpu.memref_slice %arg6[%run_scoped3A_368, %run_scoped3A_369, %dma_start3A_402] : memref<8x2x128xi32, #tpu.memory_space<vmem>> -> memref<1x1x128xi32, #tpu.memory_space<vmem>>
      %dma_start3A_404 = tpu.memref_squeeze %dma_start3A_403 : memref<1x1x128xi32, #tpu.memory_space<vmem>> -> memref<128xi32, #tpu.memory_space<vmem>>
      %dma_start3A_405 = arith.constant 0 : i32
      %dma_start3A_406 = arith.constant 0 : i32
      %dma_start3A_407 = tpu.memref_slice %arg9[%dma_start3A_405, %dma_start3A_406] : memref<10240x128xf32, #tpu.memory_space<vmem_shared>> -> memref<10240x128xf32, #tpu.memory_space<vmem_shared>>
      tpu.enqueue_indirect_dma source(%arg8 : memref<128x128xf32, #tpu.memory_space<vmem>>) target(%dma_start3A_407 : memref<10240x128xf32, #tpu.memory_space<vmem_shared>>) offsets(%dma_start3A_404 : memref<128xi32, #tpu.memory_space<vmem>>) semaphore(%run_scoped3A_401 : memref<!tpu.dma_semaphore, #tpu.memory_space<semaphore_mem>>) {add = true}
      %dma_wait3A_408 = arith.constant 0 : i32
      %dma_wait3A_409 = tpu.memref_slice %arg6[%run_scoped3A_368, %run_scoped3A_369, %dma_wait3A_408] : memref<8x2x128xi32, #tpu.memory_space<vmem>> -> memref<1x1x128xi32, #tpu.memory_space<vmem>>
      %dma_wait3A_410 = tpu.memref_squeeze %dma_wait3A_409 : memref<1x1x128xi32, #tpu.memory_space<vmem>> -> memref<128xi32, #tpu.memory_space<vmem>>
      %dma_wait3A_411 = arith.constant 0 : i32
      %dma_wait3A_412 = arith.constant 0 : i32
      %dma_wait3A_413 = tpu.memref_slice %arg9[%dma_wait3A_411, %dma_wait3A_412] : memref<10240x128xf32, #tpu.memory_space<vmem_shared>> -> memref<10240x128xf32, #tpu.memory_space<vmem_shared>>
      tpu.wait_indirect_dma semaphore(%run_scoped3A_401 : memref<!tpu.dma_semaphore, #tpu.memory_space<semaphore_mem>>) src(%arg8 : memref<128x128xf32, #tpu.memory_space<vmem>>) dst(%dma_wait3A_413 : memref<10240x128xf32, #tpu.memory_space<vmem_shared>>)
      tpu.yield
    }) : () -> ()
    %dma_start3A_370 = arith.constant 7 : i32
    %dma_start3A_371 = arith.constant 0 : i32
    %dma_start3A_372 = arith.constant 0 : i32
    %dma_start3A_373 = tpu.memref_slice %arg6[%dma_start3A_370, %dma_start3A_371, %dma_start3A_372] : memref<8x2x128xi32, #tpu.memory_space<vmem>> -> memref<1x1x128xi32, #tpu.memory_space<vmem>>
    %dma_start3A_374 = tpu.memref_squeeze %dma_start3A_373 : memref<1x1x128xi32, #tpu.memory_space<vmem>> -> memref<128xi32, #tpu.memory_space<vmem>>
    %dma_start3A_375 = arith.constant 0 : i32
    %dma_start3A_376 = arith.constant 0 : i32
    %dma_start3A_377 = tpu.memref_slice %arg2[%dma_start3A_375, %dma_start3A_376] : memref<10240x128xf32, #tpu.memory_space<hbm>> -> memref<10240x128xf32, #tpu.memory_space<hbm>>
    tpu.enqueue_indirect_dma source(%dma_start3A_377 : memref<10240x128xf32, #tpu.memory_space<hbm>>) target(%arg8 : memref<128x128xf32, #tpu.memory_space<vmem>>) offsets(%dma_start3A_374 : memref<128xi32, #tpu.memory_space<vmem>>) semaphore(%arg13 : memref<!tpu.dma_semaphore, #tpu.memory_space<semaphore_mem>>)
    %dma_wait3A_378 = arith.constant 6 : i32
    %dma_wait3A_379 = arith.constant 0 : i32
    %dma_wait3A_380 = arith.constant 0 : i32
    %dma_wait3A_381 = tpu.memref_slice %arg6[%dma_wait3A_378, %dma_wait3A_379, %dma_wait3A_380] : memref<8x2x128xi32, #tpu.memory_space<vmem>> -> memref<1x1x128xi32, #tpu.memory_space<vmem>>
    %dma_wait3A_382 = tpu.memref_squeeze %dma_wait3A_381 : memref<1x1x128xi32, #tpu.memory_space<vmem>> -> memref<128xi32, #tpu.memory_space<vmem>>
    %dma_wait3A_383 = arith.constant 0 : i32
    %dma_wait3A_384 = arith.constant 0 : i32
    %dma_wait3A_385 = tpu.memref_slice %arg2[%dma_wait3A_383, %dma_wait3A_384] : memref<10240x128xf32, #tpu.memory_space<hbm>> -> memref<10240x128xf32, #tpu.memory_space<hbm>>
    tpu.wait_indirect_dma semaphore(%arg12 : memref<!tpu.dma_semaphore, #tpu.memory_space<semaphore_mem>>) src(%dma_wait3A_385 : memref<10240x128xf32, #tpu.memory_space<hbm>>) dst(%arg7 : memref<128x128xf32, #tpu.memory_space<vmem>>)
    %run_scoped3A_386 = arith.constant 6 : i32
    %run_scoped3A_387 = arith.constant 1 : i32
    "tpu.region"() ({
      %run_scoped3A_401 = tpu.sem_alloc : memref<!tpu.dma_semaphore, #tpu.memory_space<semaphore_mem>>
      %dma_start3A_402 = arith.constant 0 : i32
      %dma_start3A_403 = tpu.memref_slice %arg6[%run_scoped3A_386, %run_scoped3A_387, %dma_start3A_402] : memref<8x2x128xi32, #tpu.memory_space<vmem>> -> memref<1x1x128xi32, #tpu.memory_space<vmem>>
      %dma_start3A_404 = tpu.memref_squeeze %dma_start3A_403 : memref<1x1x128xi32, #tpu.memory_space<vmem>> -> memref<128xi32, #tpu.memory_space<vmem>>
      %dma_start3A_405 = arith.constant 0 : i32
      %dma_start3A_406 = arith.constant 0 : i32
      %dma_start3A_407 = tpu.memref_slice %arg9[%dma_start3A_405, %dma_start3A_406] : memref<10240x128xf32, #tpu.memory_space<vmem_shared>> -> memref<10240x128xf32, #tpu.memory_space<vmem_shared>>
      tpu.enqueue_indirect_dma source(%arg7 : memref<128x128xf32, #tpu.memory_space<vmem>>) target(%dma_start3A_407 : memref<10240x128xf32, #tpu.memory_space<vmem_shared>>) offsets(%dma_start3A_404 : memref<128xi32, #tpu.memory_space<vmem>>) semaphore(%run_scoped3A_401 : memref<!tpu.dma_semaphore, #tpu.memory_space<semaphore_mem>>) {add = true}
      %dma_wait3A_408 = arith.constant 0 : i32
      %dma_wait3A_409 = tpu.memref_slice %arg6[%run_scoped3A_386, %run_scoped3A_387, %dma_wait3A_408] : memref<8x2x128xi32, #tpu.memory_space<vmem>> -> memref<1x1x128xi32, #tpu.memory_space<vmem>>
      %dma_wait3A_410 = tpu.memref_squeeze %dma_wait3A_409 : memref<1x1x128xi32, #tpu.memory_space<vmem>> -> memref<128xi32, #tpu.memory_space<vmem>>
      %dma_wait3A_411 = arith.constant 0 : i32
      %dma_wait3A_412 = arith.constant 0 : i32
      %dma_wait3A_413 = tpu.memref_slice %arg9[%dma_wait3A_411, %dma_wait3A_412] : memref<10240x128xf32, #tpu.memory_space<vmem_shared>> -> memref<10240x128xf32, #tpu.memory_space<vmem_shared>>
      tpu.wait_indirect_dma semaphore(%run_scoped3A_401 : memref<!tpu.dma_semaphore, #tpu.memory_space<semaphore_mem>>) src(%arg7 : memref<128x128xf32, #tpu.memory_space<vmem>>) dst(%dma_wait3A_413 : memref<10240x128xf32, #tpu.memory_space<vmem_shared>>)
      tpu.yield
    }) : () -> ()
    %dma_wait3A_388 = arith.constant 7 : i32
    %dma_wait3A_389 = arith.constant 0 : i32
    %dma_wait3A_390 = arith.constant 0 : i32
    %dma_wait3A_391 = tpu.memref_slice %arg6[%dma_wait3A_388, %dma_wait3A_389, %dma_wait3A_390] : memref<8x2x128xi32, #tpu.memory_space<vmem>> -> memref<1x1x128xi32, #tpu.memory_space<vmem>>
    %dma_wait3A_392 = tpu.memref_squeeze %dma_wait3A_391 : memref<1x1x128xi32, #tpu.memory_space<vmem>> -> memref<128xi32, #tpu.memory_space<vmem>>
    %dma_wait3A_393 = arith.constant 0 : i32
    %dma_wait3A_394 = arith.constant 0 : i32
    %dma_wait3A_395 = tpu.memref_slice %arg2[%dma_wait3A_393, %dma_wait3A_394] : memref<10240x128xf32, #tpu.memory_space<hbm>> -> memref<10240x128xf32, #tpu.memory_space<hbm>>
    tpu.wait_indirect_dma semaphore(%arg13 : memref<!tpu.dma_semaphore, #tpu.memory_space<semaphore_mem>>) src(%dma_wait3A_395 : memref<10240x128xf32, #tpu.memory_space<hbm>>) dst(%arg8 : memref<128x128xf32, #tpu.memory_space<vmem>>)
    %run_scoped3A_396 = arith.constant 7 : i32
    %run_scoped3A_397 = arith.constant 1 : i32
    "tpu.region"() ({
      %run_scoped3A_401 = tpu.sem_alloc : memref<!tpu.dma_semaphore, #tpu.memory_space<semaphore_mem>>
      %dma_start3A_402 = arith.constant 0 : i32
      %dma_start3A_403 = tpu.memref_slice %arg6[%run_scoped3A_396, %run_scoped3A_397, %dma_start3A_402] : memref<8x2x128xi32, #tpu.memory_space<vmem>> -> memref<1x1x128xi32, #tpu.memory_space<vmem>>
      %dma_start3A_404 = tpu.memref_squeeze %dma_start3A_403 : memref<1x1x128xi32, #tpu.memory_space<vmem>> -> memref<128xi32, #tpu.memory_space<vmem>>
      %dma_start3A_405 = arith.constant 0 : i32
      %dma_start3A_406 = arith.constant 0 : i32
      %dma_start3A_407 = tpu.memref_slice %arg9[%dma_start3A_405, %dma_start3A_406] : memref<10240x128xf32, #tpu.memory_space<vmem_shared>> -> memref<10240x128xf32, #tpu.memory_space<vmem_shared>>
      tpu.enqueue_indirect_dma source(%arg8 : memref<128x128xf32, #tpu.memory_space<vmem>>) target(%dma_start3A_407 : memref<10240x128xf32, #tpu.memory_space<vmem_shared>>) offsets(%dma_start3A_404 : memref<128xi32, #tpu.memory_space<vmem>>) semaphore(%run_scoped3A_401 : memref<!tpu.dma_semaphore, #tpu.memory_space<semaphore_mem>>) {add = true}
      %dma_wait3A_408 = arith.constant 0 : i32
      %dma_wait3A_409 = tpu.memref_slice %arg6[%run_scoped3A_396, %run_scoped3A_397, %dma_wait3A_408] : memref<8x2x128xi32, #tpu.memory_space<vmem>> -> memref<1x1x128xi32, #tpu.memory_space<vmem>>
      %dma_wait3A_410 = tpu.memref_squeeze %dma_wait3A_409 : memref<1x1x128xi32, #tpu.memory_space<vmem>> -> memref<128xi32, #tpu.memory_space<vmem>>
      %dma_wait3A_411 = arith.constant 0 : i32
      %dma_wait3A_412 = arith.constant 0 : i32
      %dma_wait3A_413 = tpu.memref_slice %arg9[%dma_wait3A_411, %dma_wait3A_412] : memref<10240x128xf32, #tpu.memory_space<vmem_shared>> -> memref<10240x128xf32, #tpu.memory_space<vmem_shared>>
      tpu.wait_indirect_dma semaphore(%run_scoped3A_401 : memref<!tpu.dma_semaphore, #tpu.memory_space<semaphore_mem>>) src(%arg8 : memref<128x128xf32, #tpu.memory_space<vmem>>) dst(%dma_wait3A_413 : memref<10240x128xf32, #tpu.memory_space<vmem_shared>>)
      tpu.yield
    }) : () -> ()
    %barrier3A_398 = arith.constant 0 : index
    tpu.barrier barrier_id(%barrier3A_398)
    %mul3A_399 = arith.constant 640 : i32
    %mul3A_400 = arith.muli %arg1, %mul3A_399 : i32
    "tpu.region"() ({
      %run_scoped3A_401 = tpu.sem_alloc : memref<!tpu.dma_semaphore, #tpu.memory_space<semaphore_mem>>
      %dma_start3A_402 = arith.constant 0 : i32
      %dma_start3A_403 = tpu.memref_slice %arg4[%arg0, %mul3A_400, %dma_start3A_402] : memref<2x10240x128xf32, #tpu.memory_space<hbm>> -> memref<1x640x128xf32, #tpu.memory_space<hbm>>
      %dma_start3A_404 = tpu.memref_squeeze %dma_start3A_403 : memref<1x640x128xf32, #tpu.memory_space<hbm>> -> memref<640x128xf32, #tpu.memory_space<hbm>>
      %dma_start3A_405 = arith.constant 0 : i32
      %dma_start3A_406 = tpu.memref_slice %arg9[%mul3A_400, %dma_start3A_405] : memref<10240x128xf32, #tpu.memory_space<vmem_shared>> -> memref<640x128xf32, #tpu.memory_space<vmem_shared>>
      tpu.enqueue_dma source(%dma_start3A_406 : memref<640x128xf32, #tpu.memory_space<vmem_shared>>) target(%dma_start3A_404 : memref<640x128xf32, #tpu.memory_space<hbm>>) target_semaphore(%run_scoped3A_401 : memref<!tpu.dma_semaphore, #tpu.memory_space<semaphore_mem>>)
      %dma_wait3A_407 = arith.constant 0 : i32
      %dma_wait3A_408 = tpu.memref_slice %arg4[%arg0, %mul3A_400, %dma_wait3A_407] : memref<2x10240x128xf32, #tpu.memory_space<hbm>> -> memref<1x640x128xf32, #tpu.memory_space<hbm>>
      %dma_wait3A_409 = tpu.memref_squeeze %dma_wait3A_408 : memref<1x640x128xf32, #tpu.memory_space<hbm>> -> memref<640x128xf32, #tpu.memory_space<hbm>>
      %dma_wait3A_410 = arith.constant 0 : i32
      %dma_wait3A_411 = tpu.memref_slice %arg9[%mul3A_400, %dma_wait3A_410] : memref<10240x128xf32, #tpu.memory_space<vmem_shared>> -> memref<640x128xf32, #tpu.memory_space<vmem_shared>>
      tpu.wait_dma2 semaphore(%run_scoped3A_401 : memref<!tpu.dma_semaphore, #tpu.memory_space<semaphore_mem>>) src(%dma_wait3A_411 : memref<640x128xf32, #tpu.memory_space<vmem_shared>>) dst(%dma_wait3A_409 : memref<640x128xf32, #tpu.memory_space<hbm>>)
      tpu.yield
    }) : () -> ()
    return
  }
}

#map = affine_map<(d0, d1) -> (0, 0, 0, 0, 0)>
#map1 = affine_map<(d0, d1) -> (0, 0, 0)>
module attributes {stable_mosaic.version = 14 : i64} {
  func.func @_hist_body(%arg0: i32, %arg1: i32, %arg2: memref<32x10x8x2x128xi32, #tpu.memory_space<hbm>>, %arg3: memref<2x2x10240xf32, #tpu.memory_space<hbm>>, %arg4: memref<8x2x128xi32, #tpu.memory_space<vmem>>, %arg5: memref<8x2x128xi32, #tpu.memory_space<vmem>>, %arg6: memref<128xf32, #tpu.memory_space<vmem>>, %arg7: memref<640xf32, #tpu.memory_space<vmem>>, %arg8: memref<10240xf32, #tpu.memory_space<vmem_shared>>, %arg9: memref<10240xf32, #tpu.memory_space<vmem_shared>>, %arg10: memref<!tpu.dma_semaphore, #tpu.memory_space<semaphore_mem>>, %arg11: memref<!tpu.dma_semaphore, #tpu.memory_space<semaphore_mem>>) attributes {dimension_semantics = [#tpu.dimension_semantics<core_parallel>, #tpu.dimension_semantics<subcore_parallel>], iteration_bounds = array<i64: 2, 16>, scalar_prefetch = 0 : i64, scratch_operands = 8 : i64, tpu.core_type = #tpu.core_type<sc_vector_subcore>, window_params = [{transform_indices = #map}, {transform_indices = #map1}]} {
    %mul3A = arith.constant 16 : i32
    %mul3A_0 = arith.muli %arg0, %mul3A : i32
    %add3A = arith.addi %mul3A_0, %arg1 : i32
    %scan3A = arith.constant 0 : i32
    %scan3A_1 = arith.constant 40 : i32
    %scan3A_2 = arith.addi %scan3A, %scan3A_1 : i32
    %scan3A_3 = arith.constant 1 : i32
    scf.for %scan3A_129 = %scan3A to %scan3A_2 step %scan3A_3  : i32 {
      %mul3A_130 = arith.constant 1 : i32
      %mul3A_131 = arith.muli %scan3A_129, %mul3A_130 : i32
      %add3A_132 = arith.constant 0 : i32
      %add3A_133 = arith.addi %add3A_132, %mul3A_131 : i32
      %broadcast_in_dim3A = arith.constant 0.000000e+00 : f32
      %broadcast_in_dim3A_134 = vector.broadcast %broadcast_in_dim3A : f32 to vector<16xf32>
      %mul3A_135 = arith.constant 16 : i32
      %mul3A_136 = arith.muli %add3A_133, %mul3A_135 : i32
      %swap3A = arith.index_cast %mul3A_136 : i32 to index
      %swap3A_137 = tpu.vector_load %arg7[%swap3A] {strides = array<i32>} : memref<640xf32, #tpu.memory_space<vmem>>, vector<16xf32>,
      %swap3A_138 = vector.shape_cast %swap3A_137 : vector<16xf32> to vector<16xf32>
      %swap3A_139 = vector.shape_cast %broadcast_in_dim3A_134 : vector<16xf32> to vector<16xf32>
      tpu.vector_store %arg7[%swap3A], %swap3A_139 {strides = array<i32>} : memref<640xf32, #tpu.memory_space<vmem>>, vector<16xf32>,
    }
    %scan3A_4 = arith.constant 40 : i32
    %scan3A_5 = arith.constant 0 : i32
    %scan3A_6 = arith.constant 8 : i32
    %scan3A_7 = arith.addi %scan3A_5, %scan3A_6 : i32
    %scan3A_8 = arith.constant 1 : i32
    scf.for %scan3A_129 = %scan3A_5 to %scan3A_7 step %scan3A_8  : i32 {
      %mul3A_130 = arith.constant 1 : i32
      %mul3A_131 = arith.muli %scan3A_129, %mul3A_130 : i32
      %add3A_132 = arith.constant 0 : i32
      %add3A_133 = arith.addi %add3A_132, %mul3A_131 : i32
      %broadcast_in_dim3A = arith.constant 1.000000e+00 : f32
      %broadcast_in_dim3A_134 = vector.broadcast %broadcast_in_dim3A : f32 to vector<16xf32>
      %mul3A_135 = arith.constant 16 : i32
      %mul3A_136 = arith.muli %add3A_133, %mul3A_135 : i32
      %swap3A = arith.index_cast %mul3A_136 : i32 to index
      %swap3A_137 = tpu.vector_load %arg6[%swap3A] {strides = array<i32>} : memref<128xf32, #tpu.memory_space<vmem>>, vector<16xf32>,
      %swap3A_138 = vector.shape_cast %swap3A_137 : vector<16xf32> to vector<16xf32>
      %swap3A_139 = vector.shape_cast %broadcast_in_dim3A_134 : vector<16xf32> to vector<16xf32>
      tpu.vector_store %arg6[%swap3A], %swap3A_139 {strides = array<i32>} : memref<128xf32, #tpu.memory_space<vmem>>, vector<16xf32>,
    }
    %scan3A_9 = arith.constant 8 : i32
    %mul3A_10 = arith.constant 640 : i32
    %mul3A_11 = arith.muli %arg1, %mul3A_10 : i32
    "tpu.region"() ({
      %run_scoped3A_129 = tpu.sem_alloc : memref<!tpu.dma_semaphore, #tpu.memory_space<semaphore_mem>>
      %dma_start3A_130 = tpu.memref_slice %arg8[%mul3A_11] : memref<10240xf32, #tpu.memory_space<vmem_shared>> -> memref<640xf32, #tpu.memory_space<vmem_shared>>
      %dma_start3A_131 = tpu.memref_slice %arg8[%mul3A_11] : memref<10240xf32, #tpu.memory_space<vmem_shared>> -> memref<640xf32, #tpu.memory_space<vmem_shared>>
      tpu.enqueue_dma source(%arg7 : memref<640xf32, #tpu.memory_space<vmem>>) target(%dma_start3A_131 : memref<640xf32, #tpu.memory_space<vmem_shared>>) target_semaphore(%run_scoped3A_129 : memref<!tpu.dma_semaphore, #tpu.memory_space<semaphore_mem>>)
      %dma_wait3A_132 = tpu.memref_slice %arg8[%mul3A_11] : memref<10240xf32, #tpu.memory_space<vmem_shared>> -> memref<640xf32, #tpu.memory_space<vmem_shared>>
      %dma_wait3A_133 = tpu.memref_slice %arg8[%mul3A_11] : memref<10240xf32, #tpu.memory_space<vmem_shared>> -> memref<640xf32, #tpu.memory_space<vmem_shared>>
      tpu.wait_dma2 semaphore(%run_scoped3A_129 : memref<!tpu.dma_semaphore, #tpu.memory_space<semaphore_mem>>) src(%arg7 : memref<640xf32, #tpu.memory_space<vmem>>) dst(%dma_wait3A_133 : memref<640xf32, #tpu.memory_space<vmem_shared>>)
      tpu.yield
    }) : () -> ()
    %mul3A_12 = arith.constant 640 : i32
    %mul3A_13 = arith.muli %arg1, %mul3A_12 : i32
    "tpu.region"() ({
      %run_scoped3A_129 = tpu.sem_alloc : memref<!tpu.dma_semaphore, #tpu.memory_space<semaphore_mem>>
      %dma_start3A_130 = tpu.memref_slice %arg9[%mul3A_13] : memref<10240xf32, #tpu.memory_space<vmem_shared>> -> memref<640xf32, #tpu.memory_space<vmem_shared>>
      %dma_start3A_131 = tpu.memref_slice %arg9[%mul3A_13] : memref<10240xf32, #tpu.memory_space<vmem_shared>> -> memref<640xf32, #tpu.memory_space<vmem_shared>>
      tpu.enqueue_dma source(%arg7 : memref<640xf32, #tpu.memory_space<vmem>>) target(%dma_start3A_131 : memref<640xf32, #tpu.memory_space<vmem_shared>>) target_semaphore(%run_scoped3A_129 : memref<!tpu.dma_semaphore, #tpu.memory_space<semaphore_mem>>)
      %dma_wait3A_132 = tpu.memref_slice %arg9[%mul3A_13] : memref<10240xf32, #tpu.memory_space<vmem_shared>> -> memref<640xf32, #tpu.memory_space<vmem_shared>>
      %dma_wait3A_133 = tpu.memref_slice %arg9[%mul3A_13] : memref<10240xf32, #tpu.memory_space<vmem_shared>> -> memref<640xf32, #tpu.memory_space<vmem_shared>>
      tpu.wait_dma2 semaphore(%run_scoped3A_129 : memref<!tpu.dma_semaphore, #tpu.memory_space<semaphore_mem>>) src(%arg7 : memref<640xf32, #tpu.memory_space<vmem>>) dst(%dma_wait3A_133 : memref<640xf32, #tpu.memory_space<vmem_shared>>)
      tpu.yield
    }) : () -> ()
    %barrier3A = arith.constant 0 : index
    tpu.barrier barrier_id(%barrier3A)
    %dma_start3A = arith.constant 0 : i32
    %dma_start3A_14 = arith.constant 0 : i32
    %dma_start3A_15 = arith.constant 0 : i32
    %dma_start3A_16 = arith.constant 0 : i32
    %dma_start3A_17 = tpu.memref_slice %arg2[%add3A, %dma_start3A, %dma_start3A_14, %dma_start3A_15, %dma_start3A_16] : memref<32x10x8x2x128xi32, #tpu.memory_space<hbm>> -> memref<1x1x8x2x128xi32, #tpu.memory_space<hbm>>
    %dma_start3A_18 = tpu.memref_squeeze %dma_start3A_17 : memref<1x1x8x2x128xi32, #tpu.memory_space<hbm>> -> memref<8x2x128xi32, #tpu.memory_space<hbm>>
    %dma_start3A_19 = arith.constant 0 : i32
    %dma_start3A_20 = arith.constant 0 : i32
    %dma_start3A_21 = arith.constant 0 : i32
    %dma_start3A_22 = tpu.memref_slice %arg2[%add3A, %dma_start3A, %dma_start3A_19, %dma_start3A_20, %dma_start3A_21] : memref<32x10x8x2x128xi32, #tpu.memory_space<hbm>> -> memref<1x1x8x2x128xi32, #tpu.memory_space<hbm>>
    %dma_start3A_23 = tpu.memref_squeeze %dma_start3A_22 : memref<1x1x8x2x128xi32, #tpu.memory_space<hbm>> -> memref<8x2x128xi32, #tpu.memory_space<hbm>>
    tpu.enqueue_dma source(%dma_start3A_23 : memref<8x2x128xi32, #tpu.memory_space<hbm>>) target(%arg4 : memref<8x2x128xi32, #tpu.memory_space<vmem>>) target_semaphore(%arg10 : memref<!tpu.dma_semaphore, #tpu.memory_space<semaphore_mem>>)
    %dma_start3A_24 = arith.constant 1 : i32
    %dma_start3A_25 = arith.constant 0 : i32
    %dma_start3A_26 = arith.constant 0 : i32
    %dma_start3A_27 = arith.constant 0 : i32
    %dma_start3A_28 = tpu.memref_slice %arg2[%add3A, %dma_start3A_24, %dma_start3A_25, %dma_start3A_26, %dma_start3A_27] : memref<32x10x8x2x128xi32, #tpu.memory_space<hbm>> -> memref<1x1x8x2x128xi32, #tpu.memory_space<hbm>>
    %dma_start3A_29 = tpu.memref_squeeze %dma_start3A_28 : memref<1x1x8x2x128xi32, #tpu.memory_space<hbm>> -> memref<8x2x128xi32, #tpu.memory_space<hbm>>
    %dma_start3A_30 = arith.constant 0 : i32
    %dma_start3A_31 = arith.constant 0 : i32
    %dma_start3A_32 = arith.constant 0 : i32
    %dma_start3A_33 = tpu.memref_slice %arg2[%add3A, %dma_start3A_24, %dma_start3A_30, %dma_start3A_31, %dma_start3A_32] : memref<32x10x8x2x128xi32, #tpu.memory_space<hbm>> -> memref<1x1x8x2x128xi32, #tpu.memory_space<hbm>>
    %dma_start3A_34 = tpu.memref_squeeze %dma_start3A_33 : memref<1x1x8x2x128xi32, #tpu.memory_space<hbm>> -> memref<8x2x128xi32, #tpu.memory_space<hbm>>
    tpu.enqueue_dma source(%dma_start3A_34 : memref<8x2x128xi32, #tpu.memory_space<hbm>>) target(%arg5 : memref<8x2x128xi32, #tpu.memory_space<vmem>>) target_semaphore(%arg11 : memref<!tpu.dma_semaphore, #tpu.memory_space<semaphore_mem>>)
    %scan3A_35 = arith.constant 0 : i32
    %scan3A_36 = arith.constant 4 : i32
    %scan3A_37 = arith.addi %scan3A_35, %scan3A_36 : i32
    %scan3A_38 = arith.constant 1 : i32
    scf.for %scan3A_129 = %scan3A_35 to %scan3A_37 step %scan3A_38  : i32 {
      %mul3A_130 = arith.constant 1 : i32
      %mul3A_131 = arith.muli %scan3A_129, %mul3A_130 : i32
      %add3A_132 = arith.constant 0 : i32
      %add3A_133 = arith.addi %add3A_132, %mul3A_131 : i32
      %mul3A_134 = arith.constant 2 : i32
      %mul3A_135 = arith.muli %mul3A_134, %add3A_133 : i32
      %dma_wait3A_136 = arith.constant 0 : i32
      %dma_wait3A_137 = arith.constant 0 : i32
      %dma_wait3A_138 = arith.constant 0 : i32
      %dma_wait3A_139 = tpu.memref_slice %arg2[%add3A, %mul3A_135, %dma_wait3A_136, %dma_wait3A_137, %dma_wait3A_138] : memref<32x10x8x2x128xi32, #tpu.memory_space<hbm>> -> memref<1x1x8x2x128xi32, #tpu.memory_space<hbm>>
      %dma_wait3A_140 = tpu.memref_squeeze %dma_wait3A_139 : memref<1x1x8x2x128xi32, #tpu.memory_space<hbm>> -> memref<8x2x128xi32, #tpu.memory_space<hbm>>
      %dma_wait3A_141 = arith.constant 0 : i32
      %dma_wait3A_142 = arith.constant 0 : i32
      %dma_wait3A_143 = arith.constant 0 : i32
      %dma_wait3A_144 = tpu.memref_slice %arg2[%add3A, %mul3A_135, %dma_wait3A_141, %dma_wait3A_142, %dma_wait3A_143] : memref<32x10x8x2x128xi32, #tpu.memory_space<hbm>> -> memref<1x1x8x2x128xi32, #tpu.memory_space<hbm>>
      %dma_wait3A_145 = tpu.memref_squeeze %dma_wait3A_144 : memref<1x1x8x2x128xi32, #tpu.memory_space<hbm>> -> memref<8x2x128xi32, #tpu.memory_space<hbm>>
      tpu.wait_dma2 semaphore(%arg10 : memref<!tpu.dma_semaphore, #tpu.memory_space<semaphore_mem>>) src(%dma_wait3A_145 : memref<8x2x128xi32, #tpu.memory_space<hbm>>) dst(%arg4 : memref<8x2x128xi32, #tpu.memory_space<vmem>>)
      %run_scoped3A_146 = arith.constant 0 : i32
      %run_scoped3A_147 = arith.constant 1 : i32
      "tpu.region"() ({
        %run_scoped3A_246 = tpu.sem_alloc : memref<!tpu.dma_semaphore, #tpu.memory_space<semaphore_mem>>
        %dma_start3A_247 = arith.constant 0 : i32
        %dma_start3A_248 = tpu.memref_slice %arg4[%run_scoped3A_146, %run_scoped3A_147, %dma_start3A_247] : memref<8x2x128xi32, #tpu.memory_space<vmem>> -> memref<1x1x128xi32, #tpu.memory_space<vmem>>
        %dma_start3A_249 = tpu.memref_squeeze %dma_start3A_248 : memref<1x1x128xi32, #tpu.memory_space<vmem>> -> memref<128xi32, #tpu.memory_space<vmem>>
        %dma_start3A_250 = arith.constant 0 : i32
        %dma_start3A_251 = tpu.memref_slice %arg8[%dma_start3A_250] : memref<10240xf32, #tpu.memory_space<vmem_shared>> -> memref<10240xf32, #tpu.memory_space<vmem_shared>>
        tpu.enqueue_indirect_dma source(%arg6 : memref<128xf32, #tpu.memory_space<vmem>>) target(%dma_start3A_251 : memref<10240xf32, #tpu.memory_space<vmem_shared>>) offsets(%dma_start3A_249 : memref<128xi32, #tpu.memory_space<vmem>>) semaphore(%run_scoped3A_246 : memref<!tpu.dma_semaphore, #tpu.memory_space<semaphore_mem>>) {add = true}
        %dma_wait3A_252 = arith.constant 0 : i32
        %dma_wait3A_253 = tpu.memref_slice %arg4[%run_scoped3A_146, %run_scoped3A_147, %dma_wait3A_252] : memref<8x2x128xi32, #tpu.memory_space<vmem>> -> memref<1x1x128xi32, #tpu.memory_space<vmem>>
        %dma_wait3A_254 = tpu.memref_squeeze %dma_wait3A_253 : memref<1x1x128xi32, #tpu.memory_space<vmem>> -> memref<128xi32, #tpu.memory_space<vmem>>
        %dma_wait3A_255 = arith.constant 0 : i32
        %dma_wait3A_256 = tpu.memref_slice %arg8[%dma_wait3A_255] : memref<10240xf32, #tpu.memory_space<vmem_shared>> -> memref<10240xf32, #tpu.memory_space<vmem_shared>>
        tpu.wait_indirect_dma semaphore(%run_scoped3A_246 : memref<!tpu.dma_semaphore, #tpu.memory_space<semaphore_mem>>) src(%arg6 : memref<128xf32, #tpu.memory_space<vmem>>) dst(%dma_wait3A_256 : memref<10240xf32, #tpu.memory_space<vmem_shared>>)
        tpu.yield
      }) : () -> ()
      %run_scoped3A_148 = arith.constant 0 : i32
      %run_scoped3A_149 = arith.constant 0 : i32
      "tpu.region"() ({
        %run_scoped3A_246 = tpu.sem_alloc : memref<!tpu.dma_semaphore, #tpu.memory_space<semaphore_mem>>
        %dma_start3A_247 = arith.constant 0 : i32
        %dma_start3A_248 = tpu.memref_slice %arg4[%run_scoped3A_148, %run_scoped3A_149, %dma_start3A_247] : memref<8x2x128xi32, #tpu.memory_space<vmem>> -> memref<1x1x128xi32, #tpu.memory_space<vmem>>
        %dma_start3A_249 = tpu.memref_squeeze %dma_start3A_248 : memref<1x1x128xi32, #tpu.memory_space<vmem>> -> memref<128xi32, #tpu.memory_space<vmem>>
        %dma_start3A_250 = arith.constant 0 : i32
        %dma_start3A_251 = tpu.memref_slice %arg9[%dma_start3A_250] : memref<10240xf32, #tpu.memory_space<vmem_shared>> -> memref<10240xf32, #tpu.memory_space<vmem_shared>>
        tpu.enqueue_indirect_dma source(%arg6 : memref<128xf32, #tpu.memory_space<vmem>>) target(%dma_start3A_251 : memref<10240xf32, #tpu.memory_space<vmem_shared>>) offsets(%dma_start3A_249 : memref<128xi32, #tpu.memory_space<vmem>>) semaphore(%run_scoped3A_246 : memref<!tpu.dma_semaphore, #tpu.memory_space<semaphore_mem>>) {add = true}
        %dma_wait3A_252 = arith.constant 0 : i32
        %dma_wait3A_253 = tpu.memref_slice %arg4[%run_scoped3A_148, %run_scoped3A_149, %dma_wait3A_252] : memref<8x2x128xi32, #tpu.memory_space<vmem>> -> memref<1x1x128xi32, #tpu.memory_space<vmem>>
        %dma_wait3A_254 = tpu.memref_squeeze %dma_wait3A_253 : memref<1x1x128xi32, #tpu.memory_space<vmem>> -> memref<128xi32, #tpu.memory_space<vmem>>
        %dma_wait3A_255 = arith.constant 0 : i32
        %dma_wait3A_256 = tpu.memref_slice %arg9[%dma_wait3A_255] : memref<10240xf32, #tpu.memory_space<vmem_shared>> -> memref<10240xf32, #tpu.memory_space<vmem_shared>>
        tpu.wait_indirect_dma semaphore(%run_scoped3A_246 : memref<!tpu.dma_semaphore, #tpu.memory_space<semaphore_mem>>) src(%arg6 : memref<128xf32, #tpu.memory_space<vmem>>) dst(%dma_wait3A_256 : memref<10240xf32, #tpu.memory_space<vmem_shared>>)
        tpu.yield
      }) : () -> ()
      %run_scoped3A_150 = arith.constant 1 : i32
      %run_scoped3A_151 = arith.constant 1 : i32
      "tpu.region"() ({
        %run_scoped3A_246 = tpu.sem_alloc : memref<!tpu.dma_semaphore, #tpu.memory_space<semaphore_mem>>
        %dma_start3A_247 = arith.constant 0 : i32
        %dma_start3A_248 = tpu.memref_slice %arg4[%run_scoped3A_150, %run_scoped3A_151, %dma_start3A_247] : memref<8x2x128xi32, #tpu.memory_space<vmem>> -> memref<1x1x128xi32, #tpu.memory_space<vmem>>
        %dma_start3A_249 = tpu.memref_squeeze %dma_start3A_248 : memref<1x1x128xi32, #tpu.memory_space<vmem>> -> memref<128xi32, #tpu.memory_space<vmem>>
        %dma_start3A_250 = arith.constant 0 : i32
        %dma_start3A_251 = tpu.memref_slice %arg8[%dma_start3A_250] : memref<10240xf32, #tpu.memory_space<vmem_shared>> -> memref<10240xf32, #tpu.memory_space<vmem_shared>>
        tpu.enqueue_indirect_dma source(%arg6 : memref<128xf32, #tpu.memory_space<vmem>>) target(%dma_start3A_251 : memref<10240xf32, #tpu.memory_space<vmem_shared>>) offsets(%dma_start3A_249 : memref<128xi32, #tpu.memory_space<vmem>>) semaphore(%run_scoped3A_246 : memref<!tpu.dma_semaphore, #tpu.memory_space<semaphore_mem>>) {add = true}
        %dma_wait3A_252 = arith.constant 0 : i32
        %dma_wait3A_253 = tpu.memref_slice %arg4[%run_scoped3A_150, %run_scoped3A_151, %dma_wait3A_252] : memref<8x2x128xi32, #tpu.memory_space<vmem>> -> memref<1x1x128xi32, #tpu.memory_space<vmem>>
        %dma_wait3A_254 = tpu.memref_squeeze %dma_wait3A_253 : memref<1x1x128xi32, #tpu.memory_space<vmem>> -> memref<128xi32, #tpu.memory_space<vmem>>
        %dma_wait3A_255 = arith.constant 0 : i32
        %dma_wait3A_256 = tpu.memref_slice %arg8[%dma_wait3A_255] : memref<10240xf32, #tpu.memory_space<vmem_shared>> -> memref<10240xf32, #tpu.memory_space<vmem_shared>>
        tpu.wait_indirect_dma semaphore(%run_scoped3A_246 : memref<!tpu.dma_semaphore, #tpu.memory_space<semaphore_mem>>) src(%arg6 : memref<128xf32, #tpu.memory_space<vmem>>) dst(%dma_wait3A_256 : memref<10240xf32, #tpu.memory_space<vmem_shared>>)
        tpu.yield
      }) : () -> ()
      %run_scoped3A_152 = arith.constant 1 : i32
      %run_scoped3A_153 = arith.constant 0 : i32
      "tpu.region"() ({
        %run_scoped3A_246 = tpu.sem_alloc : memref<!tpu.dma_semaphore, #tpu.memory_space<semaphore_mem>>
        %dma_start3A_247 = arith.constant 0 : i32
        %dma_start3A_248 = tpu.memref_slice %arg4[%run_scoped3A_152, %run_scoped3A_153, %dma_start3A_247] : memref<8x2x128xi32, #tpu.memory_space<vmem>> -> memref<1x1x128xi32, #tpu.memory_space<vmem>>
        %dma_start3A_249 = tpu.memref_squeeze %dma_start3A_248 : memref<1x1x128xi32, #tpu.memory_space<vmem>> -> memref<128xi32, #tpu.memory_space<vmem>>
        %dma_start3A_250 = arith.constant 0 : i32
        %dma_start3A_251 = tpu.memref_slice %arg9[%dma_start3A_250] : memref<10240xf32, #tpu.memory_space<vmem_shared>> -> memref<10240xf32, #tpu.memory_space<vmem_shared>>
        tpu.enqueue_indirect_dma source(%arg6 : memref<128xf32, #tpu.memory_space<vmem>>) target(%dma_start3A_251 : memref<10240xf32, #tpu.memory_space<vmem_shared>>) offsets(%dma_start3A_249 : memref<128xi32, #tpu.memory_space<vmem>>) semaphore(%run_scoped3A_246 : memref<!tpu.dma_semaphore, #tpu.memory_space<semaphore_mem>>) {add = true}
        %dma_wait3A_252 = arith.constant 0 : i32
        %dma_wait3A_253 = tpu.memref_slice %arg4[%run_scoped3A_152, %run_scoped3A_153, %dma_wait3A_252] : memref<8x2x128xi32, #tpu.memory_space<vmem>> -> memref<1x1x128xi32, #tpu.memory_space<vmem>>
        %dma_wait3A_254 = tpu.memref_squeeze %dma_wait3A_253 : memref<1x1x128xi32, #tpu.memory_space<vmem>> -> memref<128xi32, #tpu.memory_space<vmem>>
        %dma_wait3A_255 = arith.constant 0 : i32
        %dma_wait3A_256 = tpu.memref_slice %arg9[%dma_wait3A_255] : memref<10240xf32, #tpu.memory_space<vmem_shared>> -> memref<10240xf32, #tpu.memory_space<vmem_shared>>
        tpu.wait_indirect_dma semaphore(%run_scoped3A_246 : memref<!tpu.dma_semaphore, #tpu.memory_space<semaphore_mem>>) src(%arg6 : memref<128xf32, #tpu.memory_space<vmem>>) dst(%dma_wait3A_256 : memref<10240xf32, #tpu.memory_space<vmem_shared>>)
        tpu.yield
      }) : () -> ()
      %run_scoped3A_154 = arith.constant 2 : i32
      %run_scoped3A_155 = arith.constant 1 : i32
      "tpu.region"() ({
        %run_scoped3A_246 = tpu.sem_alloc : memref<!tpu.dma_semaphore, #tpu.memory_space<semaphore_mem>>
        %dma_start3A_247 = arith.constant 0 : i32
        %dma_start3A_248 = tpu.memref_slice %arg4[%run_scoped3A_154, %run_scoped3A_155, %dma_start3A_247] : memref<8x2x128xi32, #tpu.memory_space<vmem>> -> memref<1x1x128xi32, #tpu.memory_space<vmem>>
        %dma_start3A_249 = tpu.memref_squeeze %dma_start3A_248 : memref<1x1x128xi32, #tpu.memory_space<vmem>> -> memref<128xi32, #tpu.memory_space<vmem>>
        %dma_start3A_250 = arith.constant 0 : i32
        %dma_start3A_251 = tpu.memref_slice %arg8[%dma_start3A_250] : memref<10240xf32, #tpu.memory_space<vmem_shared>> -> memref<10240xf32, #tpu.memory_space<vmem_shared>>
        tpu.enqueue_indirect_dma source(%arg6 : memref<128xf32, #tpu.memory_space<vmem>>) target(%dma_start3A_251 : memref<10240xf32, #tpu.memory_space<vmem_shared>>) offsets(%dma_start3A_249 : memref<128xi32, #tpu.memory_space<vmem>>) semaphore(%run_scoped3A_246 : memref<!tpu.dma_semaphore, #tpu.memory_space<semaphore_mem>>) {add = true}
        %dma_wait3A_252 = arith.constant 0 : i32
        %dma_wait3A_253 = tpu.memref_slice %arg4[%run_scoped3A_154, %run_scoped3A_155, %dma_wait3A_252] : memref<8x2x128xi32, #tpu.memory_space<vmem>> -> memref<1x1x128xi32, #tpu.memory_space<vmem>>
        %dma_wait3A_254 = tpu.memref_squeeze %dma_wait3A_253 : memref<1x1x128xi32, #tpu.memory_space<vmem>> -> memref<128xi32, #tpu.memory_space<vmem>>
        %dma_wait3A_255 = arith.constant 0 : i32
        %dma_wait3A_256 = tpu.memref_slice %arg8[%dma_wait3A_255] : memref<10240xf32, #tpu.memory_space<vmem_shared>> -> memref<10240xf32, #tpu.memory_space<vmem_shared>>
        tpu.wait_indirect_dma semaphore(%run_scoped3A_246 : memref<!tpu.dma_semaphore, #tpu.memory_space<semaphore_mem>>) src(%arg6 : memref<128xf32, #tpu.memory_space<vmem>>) dst(%dma_wait3A_256 : memref<10240xf32, #tpu.memory_space<vmem_shared>>)
        tpu.yield
      }) : () -> ()
      %run_scoped3A_156 = arith.constant 2 : i32
      %run_scoped3A_157 = arith.constant 0 : i32
      "tpu.region"() ({
        %run_scoped3A_246 = tpu.sem_alloc : memref<!tpu.dma_semaphore, #tpu.memory_space<semaphore_mem>>
        %dma_start3A_247 = arith.constant 0 : i32
        %dma_start3A_248 = tpu.memref_slice %arg4[%run_scoped3A_156, %run_scoped3A_157, %dma_start3A_247] : memref<8x2x128xi32, #tpu.memory_space<vmem>> -> memref<1x1x128xi32, #tpu.memory_space<vmem>>
        %dma_start3A_249 = tpu.memref_squeeze %dma_start3A_248 : memref<1x1x128xi32, #tpu.memory_space<vmem>> -> memref<128xi32, #tpu.memory_space<vmem>>
        %dma_start3A_250 = arith.constant 0 : i32
        %dma_start3A_251 = tpu.memref_slice %arg9[%dma_start3A_250] : memref<10240xf32, #tpu.memory_space<vmem_shared>> -> memref<10240xf32, #tpu.memory_space<vmem_shared>>
        tpu.enqueue_indirect_dma source(%arg6 : memref<128xf32, #tpu.memory_space<vmem>>) target(%dma_start3A_251 : memref<10240xf32, #tpu.memory_space<vmem_shared>>) offsets(%dma_start3A_249 : memref<128xi32, #tpu.memory_space<vmem>>) semaphore(%run_scoped3A_246 : memref<!tpu.dma_semaphore, #tpu.memory_space<semaphore_mem>>) {add = true}
        %dma_wait3A_252 = arith.constant 0 : i32
        %dma_wait3A_253 = tpu.memref_slice %arg4[%run_scoped3A_156, %run_scoped3A_157, %dma_wait3A_252] : memref<8x2x128xi32, #tpu.memory_space<vmem>> -> memref<1x1x128xi32, #tpu.memory_space<vmem>>
        %dma_wait3A_254 = tpu.memref_squeeze %dma_wait3A_253 : memref<1x1x128xi32, #tpu.memory_space<vmem>> -> memref<128xi32, #tpu.memory_space<vmem>>
        %dma_wait3A_255 = arith.constant 0 : i32
        %dma_wait3A_256 = tpu.memref_slice %arg9[%dma_wait3A_255] : memref<10240xf32, #tpu.memory_space<vmem_shared>> -> memref<10240xf32, #tpu.memory_space<vmem_shared>>
        tpu.wait_indirect_dma semaphore(%run_scoped3A_246 : memref<!tpu.dma_semaphore, #tpu.memory_space<semaphore_mem>>) src(%arg6 : memref<128xf32, #tpu.memory_space<vmem>>) dst(%dma_wait3A_256 : memref<10240xf32, #tpu.memory_space<vmem_shared>>)
        tpu.yield
      }) : () -> ()
      %run_scoped3A_158 = arith.constant 3 : i32
      %run_scoped3A_159 = arith.constant 1 : i32
      "tpu.region"() ({
        %run_scoped3A_246 = tpu.sem_alloc : memref<!tpu.dma_semaphore, #tpu.memory_space<semaphore_mem>>
        %dma_start3A_247 = arith.constant 0 : i32
        %dma_start3A_248 = tpu.memref_slice %arg4[%run_scoped3A_158, %run_scoped3A_159, %dma_start3A_247] : memref<8x2x128xi32, #tpu.memory_space<vmem>> -> memref<1x1x128xi32, #tpu.memory_space<vmem>>
        %dma_start3A_249 = tpu.memref_squeeze %dma_start3A_248 : memref<1x1x128xi32, #tpu.memory_space<vmem>> -> memref<128xi32, #tpu.memory_space<vmem>>
        %dma_start3A_250 = arith.constant 0 : i32
        %dma_start3A_251 = tpu.memref_slice %arg8[%dma_start3A_250] : memref<10240xf32, #tpu.memory_space<vmem_shared>> -> memref<10240xf32, #tpu.memory_space<vmem_shared>>
        tpu.enqueue_indirect_dma source(%arg6 : memref<128xf32, #tpu.memory_space<vmem>>) target(%dma_start3A_251 : memref<10240xf32, #tpu.memory_space<vmem_shared>>) offsets(%dma_start3A_249 : memref<128xi32, #tpu.memory_space<vmem>>) semaphore(%run_scoped3A_246 : memref<!tpu.dma_semaphore, #tpu.memory_space<semaphore_mem>>) {add = true}
        %dma_wait3A_252 = arith.constant 0 : i32
        %dma_wait3A_253 = tpu.memref_slice %arg4[%run_scoped3A_158, %run_scoped3A_159, %dma_wait3A_252] : memref<8x2x128xi32, #tpu.memory_space<vmem>> -> memref<1x1x128xi32, #tpu.memory_space<vmem>>
        %dma_wait3A_254 = tpu.memref_squeeze %dma_wait3A_253 : memref<1x1x128xi32, #tpu.memory_space<vmem>> -> memref<128xi32, #tpu.memory_space<vmem>>
        %dma_wait3A_255 = arith.constant 0 : i32
        %dma_wait3A_256 = tpu.memref_slice %arg8[%dma_wait3A_255] : memref<10240xf32, #tpu.memory_space<vmem_shared>> -> memref<10240xf32, #tpu.memory_space<vmem_shared>>
        tpu.wait_indirect_dma semaphore(%run_scoped3A_246 : memref<!tpu.dma_semaphore, #tpu.memory_space<semaphore_mem>>) src(%arg6 : memref<128xf32, #tpu.memory_space<vmem>>) dst(%dma_wait3A_256 : memref<10240xf32, #tpu.memory_space<vmem_shared>>)
        tpu.yield
      }) : () -> ()
      %run_scoped3A_160 = arith.constant 3 : i32
      %run_scoped3A_161 = arith.constant 0 : i32
      "tpu.region"() ({
        %run_scoped3A_246 = tpu.sem_alloc : memref<!tpu.dma_semaphore, #tpu.memory_space<semaphore_mem>>
        %dma_start3A_247 = arith.constant 0 : i32
        %dma_start3A_248 = tpu.memref_slice %arg4[%run_scoped3A_160, %run_scoped3A_161, %dma_start3A_247] : memref<8x2x128xi32, #tpu.memory_space<vmem>> -> memref<1x1x128xi32, #tpu.memory_space<vmem>>
        %dma_start3A_249 = tpu.memref_squeeze %dma_start3A_248 : memref<1x1x128xi32, #tpu.memory_space<vmem>> -> memref<128xi32, #tpu.memory_space<vmem>>
        %dma_start3A_250 = arith.constant 0 : i32
        %dma_start3A_251 = tpu.memref_slice %arg9[%dma_start3A_250] : memref<10240xf32, #tpu.memory_space<vmem_shared>> -> memref<10240xf32, #tpu.memory_space<vmem_shared>>
        tpu.enqueue_indirect_dma source(%arg6 : memref<128xf32, #tpu.memory_space<vmem>>) target(%dma_start3A_251 : memref<10240xf32, #tpu.memory_space<vmem_shared>>) offsets(%dma_start3A_249 : memref<128xi32, #tpu.memory_space<vmem>>) semaphore(%run_scoped3A_246 : memref<!tpu.dma_semaphore, #tpu.memory_space<semaphore_mem>>) {add = true}
        %dma_wait3A_252 = arith.constant 0 : i32
        %dma_wait3A_253 = tpu.memref_slice %arg4[%run_scoped3A_160, %run_scoped3A_161, %dma_wait3A_252] : memref<8x2x128xi32, #tpu.memory_space<vmem>> -> memref<1x1x128xi32, #tpu.memory_space<vmem>>
        %dma_wait3A_254 = tpu.memref_squeeze %dma_wait3A_253 : memref<1x1x128xi32, #tpu.memory_space<vmem>> -> memref<128xi32, #tpu.memory_space<vmem>>
        %dma_wait3A_255 = arith.constant 0 : i32
        %dma_wait3A_256 = tpu.memref_slice %arg9[%dma_wait3A_255] : memref<10240xf32, #tpu.memory_space<vmem_shared>> -> memref<10240xf32, #tpu.memory_space<vmem_shared>>
        tpu.wait_indirect_dma semaphore(%run_scoped3A_246 : memref<!tpu.dma_semaphore, #tpu.memory_space<semaphore_mem>>) src(%arg6 : memref<128xf32, #tpu.memory_space<vmem>>) dst(%dma_wait3A_256 : memref<10240xf32, #tpu.memory_space<vmem_shared>>)
        tpu.yield
      }) : () -> ()
      %run_scoped3A_162 = arith.constant 4 : i32
      %run_scoped3A_163 = arith.constant 1 : i32
      "tpu.region"() ({
        %run_scoped3A_246 = tpu.sem_alloc : memref<!tpu.dma_semaphore, #tpu.memory_space<semaphore_mem>>
        %dma_start3A_247 = arith.constant 0 : i32
        %dma_start3A_248 = tpu.memref_slice %arg4[%run_scoped3A_162, %run_scoped3A_163, %dma_start3A_247] : memref<8x2x128xi32, #tpu.memory_space<vmem>> -> memref<1x1x128xi32, #tpu.memory_space<vmem>>
        %dma_start3A_249 = tpu.memref_squeeze %dma_start3A_248 : memref<1x1x128xi32, #tpu.memory_space<vmem>> -> memref<128xi32, #tpu.memory_space<vmem>>
        %dma_start3A_250 = arith.constant 0 : i32
        %dma_start3A_251 = tpu.memref_slice %arg8[%dma_start3A_250] : memref<10240xf32, #tpu.memory_space<vmem_shared>> -> memref<10240xf32, #tpu.memory_space<vmem_shared>>
        tpu.enqueue_indirect_dma source(%arg6 : memref<128xf32, #tpu.memory_space<vmem>>) target(%dma_start3A_251 : memref<10240xf32, #tpu.memory_space<vmem_shared>>) offsets(%dma_start3A_249 : memref<128xi32, #tpu.memory_space<vmem>>) semaphore(%run_scoped3A_246 : memref<!tpu.dma_semaphore, #tpu.memory_space<semaphore_mem>>) {add = true}
        %dma_wait3A_252 = arith.constant 0 : i32
        %dma_wait3A_253 = tpu.memref_slice %arg4[%run_scoped3A_162, %run_scoped3A_163, %dma_wait3A_252] : memref<8x2x128xi32, #tpu.memory_space<vmem>> -> memref<1x1x128xi32, #tpu.memory_space<vmem>>
        %dma_wait3A_254 = tpu.memref_squeeze %dma_wait3A_253 : memref<1x1x128xi32, #tpu.memory_space<vmem>> -> memref<128xi32, #tpu.memory_space<vmem>>
        %dma_wait3A_255 = arith.constant 0 : i32
        %dma_wait3A_256 = tpu.memref_slice %arg8[%dma_wait3A_255] : memref<10240xf32, #tpu.memory_space<vmem_shared>> -> memref<10240xf32, #tpu.memory_space<vmem_shared>>
        tpu.wait_indirect_dma semaphore(%run_scoped3A_246 : memref<!tpu.dma_semaphore, #tpu.memory_space<semaphore_mem>>) src(%arg6 : memref<128xf32, #tpu.memory_space<vmem>>) dst(%dma_wait3A_256 : memref<10240xf32, #tpu.memory_space<vmem_shared>>)
        tpu.yield
      }) : () -> ()
      %run_scoped3A_164 = arith.constant 4 : i32
      %run_scoped3A_165 = arith.constant 0 : i32
      "tpu.region"() ({
        %run_scoped3A_246 = tpu.sem_alloc : memref<!tpu.dma_semaphore, #tpu.memory_space<semaphore_mem>>
        %dma_start3A_247 = arith.constant 0 : i32
        %dma_start3A_248 = tpu.memref_slice %arg4[%run_scoped3A_164, %run_scoped3A_165, %dma_start3A_247] : memref<8x2x128xi32, #tpu.memory_space<vmem>> -> memref<1x1x128xi32, #tpu.memory_space<vmem>>
        %dma_start3A_249 = tpu.memref_squeeze %dma_start3A_248 : memref<1x1x128xi32, #tpu.memory_space<vmem>> -> memref<128xi32, #tpu.memory_space<vmem>>
        %dma_start3A_250 = arith.constant 0 : i32
        %dma_start3A_251 = tpu.memref_slice %arg9[%dma_start3A_250] : memref<10240xf32, #tpu.memory_space<vmem_shared>> -> memref<10240xf32, #tpu.memory_space<vmem_shared>>
        tpu.enqueue_indirect_dma source(%arg6 : memref<128xf32, #tpu.memory_space<vmem>>) target(%dma_start3A_251 : memref<10240xf32, #tpu.memory_space<vmem_shared>>) offsets(%dma_start3A_249 : memref<128xi32, #tpu.memory_space<vmem>>) semaphore(%run_scoped3A_246 : memref<!tpu.dma_semaphore, #tpu.memory_space<semaphore_mem>>) {add = true}
        %dma_wait3A_252 = arith.constant 0 : i32
        %dma_wait3A_253 = tpu.memref_slice %arg4[%run_scoped3A_164, %run_scoped3A_165, %dma_wait3A_252] : memref<8x2x128xi32, #tpu.memory_space<vmem>> -> memref<1x1x128xi32, #tpu.memory_space<vmem>>
        %dma_wait3A_254 = tpu.memref_squeeze %dma_wait3A_253 : memref<1x1x128xi32, #tpu.memory_space<vmem>> -> memref<128xi32, #tpu.memory_space<vmem>>
        %dma_wait3A_255 = arith.constant 0 : i32
        %dma_wait3A_256 = tpu.memref_slice %arg9[%dma_wait3A_255] : memref<10240xf32, #tpu.memory_space<vmem_shared>> -> memref<10240xf32, #tpu.memory_space<vmem_shared>>
        tpu.wait_indirect_dma semaphore(%run_scoped3A_246 : memref<!tpu.dma_semaphore, #tpu.memory_space<semaphore_mem>>) src(%arg6 : memref<128xf32, #tpu.memory_space<vmem>>) dst(%dma_wait3A_256 : memref<10240xf32, #tpu.memory_space<vmem_shared>>)
        tpu.yield
      }) : () -> ()
      %run_scoped3A_166 = arith.constant 5 : i32
      %run_scoped3A_167 = arith.constant 1 : i32
      "tpu.region"() ({
        %run_scoped3A_246 = tpu.sem_alloc : memref<!tpu.dma_semaphore, #tpu.memory_space<semaphore_mem>>
        %dma_start3A_247 = arith.constant 0 : i32
        %dma_start3A_248 = tpu.memref_slice %arg4[%run_scoped3A_166, %run_scoped3A_167, %dma_start3A_247] : memref<8x2x128xi32, #tpu.memory_space<vmem>> -> memref<1x1x128xi32, #tpu.memory_space<vmem>>
        %dma_start3A_249 = tpu.memref_squeeze %dma_start3A_248 : memref<1x1x128xi32, #tpu.memory_space<vmem>> -> memref<128xi32, #tpu.memory_space<vmem>>
        %dma_start3A_250 = arith.constant 0 : i32
        %dma_start3A_251 = tpu.memref_slice %arg8[%dma_start3A_250] : memref<10240xf32, #tpu.memory_space<vmem_shared>> -> memref<10240xf32, #tpu.memory_space<vmem_shared>>
        tpu.enqueue_indirect_dma source(%arg6 : memref<128xf32, #tpu.memory_space<vmem>>) target(%dma_start3A_251 : memref<10240xf32, #tpu.memory_space<vmem_shared>>) offsets(%dma_start3A_249 : memref<128xi32, #tpu.memory_space<vmem>>) semaphore(%run_scoped3A_246 : memref<!tpu.dma_semaphore, #tpu.memory_space<semaphore_mem>>) {add = true}
        %dma_wait3A_252 = arith.constant 0 : i32
        %dma_wait3A_253 = tpu.memref_slice %arg4[%run_scoped3A_166, %run_scoped3A_167, %dma_wait3A_252] : memref<8x2x128xi32, #tpu.memory_space<vmem>> -> memref<1x1x128xi32, #tpu.memory_space<vmem>>
        %dma_wait3A_254 = tpu.memref_squeeze %dma_wait3A_253 : memref<1x1x128xi32, #tpu.memory_space<vmem>> -> memref<128xi32, #tpu.memory_space<vmem>>
        %dma_wait3A_255 = arith.constant 0 : i32
        %dma_wait3A_256 = tpu.memref_slice %arg8[%dma_wait3A_255] : memref<10240xf32, #tpu.memory_space<vmem_shared>> -> memref<10240xf32, #tpu.memory_space<vmem_shared>>
        tpu.wait_indirect_dma semaphore(%run_scoped3A_246 : memref<!tpu.dma_semaphore, #tpu.memory_space<semaphore_mem>>) src(%arg6 : memref<128xf32, #tpu.memory_space<vmem>>) dst(%dma_wait3A_256 : memref<10240xf32, #tpu.memory_space<vmem_shared>>)
        tpu.yield
      }) : () -> ()
      %run_scoped3A_168 = arith.constant 5 : i32
      %run_scoped3A_169 = arith.constant 0 : i32
      "tpu.region"() ({
        %run_scoped3A_246 = tpu.sem_alloc : memref<!tpu.dma_semaphore, #tpu.memory_space<semaphore_mem>>
        %dma_start3A_247 = arith.constant 0 : i32
        %dma_start3A_248 = tpu.memref_slice %arg4[%run_scoped3A_168, %run_scoped3A_169, %dma_start3A_247] : memref<8x2x128xi32, #tpu.memory_space<vmem>> -> memref<1x1x128xi32, #tpu.memory_space<vmem>>
        %dma_start3A_249 = tpu.memref_squeeze %dma_start3A_248 : memref<1x1x128xi32, #tpu.memory_space<vmem>> -> memref<128xi32, #tpu.memory_space<vmem>>
        %dma_start3A_250 = arith.constant 0 : i32
        %dma_start3A_251 = tpu.memref_slice %arg9[%dma_start3A_250] : memref<10240xf32, #tpu.memory_space<vmem_shared>> -> memref<10240xf32, #tpu.memory_space<vmem_shared>>
        tpu.enqueue_indirect_dma source(%arg6 : memref<128xf32, #tpu.memory_space<vmem>>) target(%dma_start3A_251 : memref<10240xf32, #tpu.memory_space<vmem_shared>>) offsets(%dma_start3A_249 : memref<128xi32, #tpu.memory_space<vmem>>) semaphore(%run_scoped3A_246 : memref<!tpu.dma_semaphore, #tpu.memory_space<semaphore_mem>>) {add = true}
        %dma_wait3A_252 = arith.constant 0 : i32
        %dma_wait3A_253 = tpu.memref_slice %arg4[%run_scoped3A_168, %run_scoped3A_169, %dma_wait3A_252] : memref<8x2x128xi32, #tpu.memory_space<vmem>> -> memref<1x1x128xi32, #tpu.memory_space<vmem>>
        %dma_wait3A_254 = tpu.memref_squeeze %dma_wait3A_253 : memref<1x1x128xi32, #tpu.memory_space<vmem>> -> memref<128xi32, #tpu.memory_space<vmem>>
        %dma_wait3A_255 = arith.constant 0 : i32
        %dma_wait3A_256 = tpu.memref_slice %arg9[%dma_wait3A_255] : memref<10240xf32, #tpu.memory_space<vmem_shared>> -> memref<10240xf32, #tpu.memory_space<vmem_shared>>
        tpu.wait_indirect_dma semaphore(%run_scoped3A_246 : memref<!tpu.dma_semaphore, #tpu.memory_space<semaphore_mem>>) src(%arg6 : memref<128xf32, #tpu.memory_space<vmem>>) dst(%dma_wait3A_256 : memref<10240xf32, #tpu.memory_space<vmem_shared>>)
        tpu.yield
      }) : () -> ()
      %run_scoped3A_170 = arith.constant 6 : i32
      %run_scoped3A_171 = arith.constant 1 : i32
      "tpu.region"() ({
        %run_scoped3A_246 = tpu.sem_alloc : memref<!tpu.dma_semaphore, #tpu.memory_space<semaphore_mem>>
        %dma_start3A_247 = arith.constant 0 : i32
        %dma_start3A_248 = tpu.memref_slice %arg4[%run_scoped3A_170, %run_scoped3A_171, %dma_start3A_247] : memref<8x2x128xi32, #tpu.memory_space<vmem>> -> memref<1x1x128xi32, #tpu.memory_space<vmem>>
        %dma_start3A_249 = tpu.memref_squeeze %dma_start3A_248 : memref<1x1x128xi32, #tpu.memory_space<vmem>> -> memref<128xi32, #tpu.memory_space<vmem>>
        %dma_start3A_250 = arith.constant 0 : i32
        %dma_start3A_251 = tpu.memref_slice %arg8[%dma_start3A_250] : memref<10240xf32, #tpu.memory_space<vmem_shared>> -> memref<10240xf32, #tpu.memory_space<vmem_shared>>
        tpu.enqueue_indirect_dma source(%arg6 : memref<128xf32, #tpu.memory_space<vmem>>) target(%dma_start3A_251 : memref<10240xf32, #tpu.memory_space<vmem_shared>>) offsets(%dma_start3A_249 : memref<128xi32, #tpu.memory_space<vmem>>) semaphore(%run_scoped3A_246 : memref<!tpu.dma_semaphore, #tpu.memory_space<semaphore_mem>>) {add = true}
        %dma_wait3A_252 = arith.constant 0 : i32
        %dma_wait3A_253 = tpu.memref_slice %arg4[%run_scoped3A_170, %run_scoped3A_171, %dma_wait3A_252] : memref<8x2x128xi32, #tpu.memory_space<vmem>> -> memref<1x1x128xi32, #tpu.memory_space<vmem>>
        %dma_wait3A_254 = tpu.memref_squeeze %dma_wait3A_253 : memref<1x1x128xi32, #tpu.memory_space<vmem>> -> memref<128xi32, #tpu.memory_space<vmem>>
        %dma_wait3A_255 = arith.constant 0 : i32
        %dma_wait3A_256 = tpu.memref_slice %arg8[%dma_wait3A_255] : memref<10240xf32, #tpu.memory_space<vmem_shared>> -> memref<10240xf32, #tpu.memory_space<vmem_shared>>
        tpu.wait_indirect_dma semaphore(%run_scoped3A_246 : memref<!tpu.dma_semaphore, #tpu.memory_space<semaphore_mem>>) src(%arg6 : memref<128xf32, #tpu.memory_space<vmem>>) dst(%dma_wait3A_256 : memref<10240xf32, #tpu.memory_space<vmem_shared>>)
        tpu.yield
      }) : () -> ()
      %run_scoped3A_172 = arith.constant 6 : i32
      %run_scoped3A_173 = arith.constant 0 : i32
      "tpu.region"() ({
        %run_scoped3A_246 = tpu.sem_alloc : memref<!tpu.dma_semaphore, #tpu.memory_space<semaphore_mem>>
        %dma_start3A_247 = arith.constant 0 : i32
        %dma_start3A_248 = tpu.memref_slice %arg4[%run_scoped3A_172, %run_scoped3A_173, %dma_start3A_247] : memref<8x2x128xi32, #tpu.memory_space<vmem>> -> memref<1x1x128xi32, #tpu.memory_space<vmem>>
        %dma_start3A_249 = tpu.memref_squeeze %dma_start3A_248 : memref<1x1x128xi32, #tpu.memory_space<vmem>> -> memref<128xi32, #tpu.memory_space<vmem>>
        %dma_start3A_250 = arith.constant 0 : i32
        %dma_start3A_251 = tpu.memref_slice %arg9[%dma_start3A_250] : memref<10240xf32, #tpu.memory_space<vmem_shared>> -> memref<10240xf32, #tpu.memory_space<vmem_shared>>
        tpu.enqueue_indirect_dma source(%arg6 : memref<128xf32, #tpu.memory_space<vmem>>) target(%dma_start3A_251 : memref<10240xf32, #tpu.memory_space<vmem_shared>>) offsets(%dma_start3A_249 : memref<128xi32, #tpu.memory_space<vmem>>) semaphore(%run_scoped3A_246 : memref<!tpu.dma_semaphore, #tpu.memory_space<semaphore_mem>>) {add = true}
        %dma_wait3A_252 = arith.constant 0 : i32
        %dma_wait3A_253 = tpu.memref_slice %arg4[%run_scoped3A_172, %run_scoped3A_173, %dma_wait3A_252] : memref<8x2x128xi32, #tpu.memory_space<vmem>> -> memref<1x1x128xi32, #tpu.memory_space<vmem>>
        %dma_wait3A_254 = tpu.memref_squeeze %dma_wait3A_253 : memref<1x1x128xi32, #tpu.memory_space<vmem>> -> memref<128xi32, #tpu.memory_space<vmem>>
        %dma_wait3A_255 = arith.constant 0 : i32
        %dma_wait3A_256 = tpu.memref_slice %arg9[%dma_wait3A_255] : memref<10240xf32, #tpu.memory_space<vmem_shared>> -> memref<10240xf32, #tpu.memory_space<vmem_shared>>
        tpu.wait_indirect_dma semaphore(%run_scoped3A_246 : memref<!tpu.dma_semaphore, #tpu.memory_space<semaphore_mem>>) src(%arg6 : memref<128xf32, #tpu.memory_space<vmem>>) dst(%dma_wait3A_256 : memref<10240xf32, #tpu.memory_space<vmem_shared>>)
        tpu.yield
      }) : () -> ()
      %run_scoped3A_174 = arith.constant 7 : i32
      %run_scoped3A_175 = arith.constant 1 : i32
      "tpu.region"() ({
        %run_scoped3A_246 = tpu.sem_alloc : memref<!tpu.dma_semaphore, #tpu.memory_space<semaphore_mem>>
        %dma_start3A_247 = arith.constant 0 : i32
        %dma_start3A_248 = tpu.memref_slice %arg4[%run_scoped3A_174, %run_scoped3A_175, %dma_start3A_247] : memref<8x2x128xi32, #tpu.memory_space<vmem>> -> memref<1x1x128xi32, #tpu.memory_space<vmem>>
        %dma_start3A_249 = tpu.memref_squeeze %dma_start3A_248 : memref<1x1x128xi32, #tpu.memory_space<vmem>> -> memref<128xi32, #tpu.memory_space<vmem>>
        %dma_start3A_250 = arith.constant 0 : i32
        %dma_start3A_251 = tpu.memref_slice %arg8[%dma_start3A_250] : memref<10240xf32, #tpu.memory_space<vmem_shared>> -> memref<10240xf32, #tpu.memory_space<vmem_shared>>
        tpu.enqueue_indirect_dma source(%arg6 : memref<128xf32, #tpu.memory_space<vmem>>) target(%dma_start3A_251 : memref<10240xf32, #tpu.memory_space<vmem_shared>>) offsets(%dma_start3A_249 : memref<128xi32, #tpu.memory_space<vmem>>) semaphore(%run_scoped3A_246 : memref<!tpu.dma_semaphore, #tpu.memory_space<semaphore_mem>>) {add = true}
        %dma_wait3A_252 = arith.constant 0 : i32
        %dma_wait3A_253 = tpu.memref_slice %arg4[%run_scoped3A_174, %run_scoped3A_175, %dma_wait3A_252] : memref<8x2x128xi32, #tpu.memory_space<vmem>> -> memref<1x1x128xi32, #tpu.memory_space<vmem>>
        %dma_wait3A_254 = tpu.memref_squeeze %dma_wait3A_253 : memref<1x1x128xi32, #tpu.memory_space<vmem>> -> memref<128xi32, #tpu.memory_space<vmem>>
        %dma_wait3A_255 = arith.constant 0 : i32
        %dma_wait3A_256 = tpu.memref_slice %arg8[%dma_wait3A_255] : memref<10240xf32, #tpu.memory_space<vmem_shared>> -> memref<10240xf32, #tpu.memory_space<vmem_shared>>
        tpu.wait_indirect_dma semaphore(%run_scoped3A_246 : memref<!tpu.dma_semaphore, #tpu.memory_space<semaphore_mem>>) src(%arg6 : memref<128xf32, #tpu.memory_space<vmem>>) dst(%dma_wait3A_256 : memref<10240xf32, #tpu.memory_space<vmem_shared>>)
        tpu.yield
      }) : () -> ()
      %run_scoped3A_176 = arith.constant 7 : i32
      %run_scoped3A_177 = arith.constant 0 : i32
      "tpu.region"() ({
        %run_scoped3A_246 = tpu.sem_alloc : memref<!tpu.dma_semaphore, #tpu.memory_space<semaphore_mem>>
        %dma_start3A_247 = arith.constant 0 : i32
        %dma_start3A_248 = tpu.memref_slice %arg4[%run_scoped3A_176, %run_scoped3A_177, %dma_start3A_247] : memref<8x2x128xi32, #tpu.memory_space<vmem>> -> memref<1x1x128xi32, #tpu.memory_space<vmem>>
        %dma_start3A_249 = tpu.memref_squeeze %dma_start3A_248 : memref<1x1x128xi32, #tpu.memory_space<vmem>> -> memref<128xi32, #tpu.memory_space<vmem>>
        %dma_start3A_250 = arith.constant 0 : i32
        %dma_start3A_251 = tpu.memref_slice %arg9[%dma_start3A_250] : memref<10240xf32, #tpu.memory_space<vmem_shared>> -> memref<10240xf32, #tpu.memory_space<vmem_shared>>
        tpu.enqueue_indirect_dma source(%arg6 : memref<128xf32, #tpu.memory_space<vmem>>) target(%dma_start3A_251 : memref<10240xf32, #tpu.memory_space<vmem_shared>>) offsets(%dma_start3A_249 : memref<128xi32, #tpu.memory_space<vmem>>) semaphore(%run_scoped3A_246 : memref<!tpu.dma_semaphore, #tpu.memory_space<semaphore_mem>>) {add = true}
        %dma_wait3A_252 = arith.constant 0 : i32
        %dma_wait3A_253 = tpu.memref_slice %arg4[%run_scoped3A_176, %run_scoped3A_177, %dma_wait3A_252] : memref<8x2x128xi32, #tpu.memory_space<vmem>> -> memref<1x1x128xi32, #tpu.memory_space<vmem>>
        %dma_wait3A_254 = tpu.memref_squeeze %dma_wait3A_253 : memref<1x1x128xi32, #tpu.memory_space<vmem>> -> memref<128xi32, #tpu.memory_space<vmem>>
        %dma_wait3A_255 = arith.constant 0 : i32
        %dma_wait3A_256 = tpu.memref_slice %arg9[%dma_wait3A_255] : memref<10240xf32, #tpu.memory_space<vmem_shared>> -> memref<10240xf32, #tpu.memory_space<vmem_shared>>
        tpu.wait_indirect_dma semaphore(%run_scoped3A_246 : memref<!tpu.dma_semaphore, #tpu.memory_space<semaphore_mem>>) src(%arg6 : memref<128xf32, #tpu.memory_space<vmem>>) dst(%dma_wait3A_256 : memref<10240xf32, #tpu.memory_space<vmem_shared>>)
        tpu.yield
      }) : () -> ()
      %add3A_178 = arith.constant 2 : i32
      %add3A_179 = arith.addi %mul3A_135, %add3A_178 : i32
      %dma_start3A_180 = arith.constant 0 : i32
      %dma_start3A_181 = arith.constant 0 : i32
      %dma_start3A_182 = arith.constant 0 : i32
      %dma_start3A_183 = tpu.memref_slice %arg2[%add3A, %add3A_179, %dma_start3A_180, %dma_start3A_181, %dma_start3A_182] : memref<32x10x8x2x128xi32, #tpu.memory_space<hbm>> -> memref<1x1x8x2x128xi32, #tpu.memory_space<hbm>>
      %dma_start3A_184 = tpu.memref_squeeze %dma_start3A_183 : memref<1x1x8x2x128xi32, #tpu.memory_space<hbm>> -> memref<8x2x128xi32, #tpu.memory_space<hbm>>
      %dma_start3A_185 = arith.constant 0 : i32
      %dma_start3A_186 = arith.constant 0 : i32
      %dma_start3A_187 = arith.constant 0 : i32
      %dma_start3A_188 = tpu.memref_slice %arg2[%add3A, %add3A_179, %dma_start3A_185, %dma_start3A_186, %dma_start3A_187] : memref<32x10x8x2x128xi32, #tpu.memory_space<hbm>> -> memref<1x1x8x2x128xi32, #tpu.memory_space<hbm>>
      %dma_start3A_189 = tpu.memref_squeeze %dma_start3A_188 : memref<1x1x8x2x128xi32, #tpu.memory_space<hbm>> -> memref<8x2x128xi32, #tpu.memory_space<hbm>>
      tpu.enqueue_dma source(%dma_start3A_189 : memref<8x2x128xi32, #tpu.memory_space<hbm>>) target(%arg4 : memref<8x2x128xi32, #tpu.memory_space<vmem>>) target_semaphore(%arg10 : memref<!tpu.dma_semaphore, #tpu.memory_space<semaphore_mem>>)
      %add3A_190 = arith.constant 1 : i32
      %add3A_191 = arith.addi %mul3A_135, %add3A_190 : i32
      %dma_wait3A_192 = arith.constant 0 : i32
      %dma_wait3A_193 = arith.constant 0 : i32
      %dma_wait3A_194 = arith.constant 0 : i32
      %dma_wait3A_195 = tpu.memref_slice %arg2[%add3A, %add3A_191, %dma_wait3A_192, %dma_wait3A_193, %dma_wait3A_194] : memref<32x10x8x2x128xi32, #tpu.memory_space<hbm>> -> memref<1x1x8x2x128xi32, #tpu.memory_space<hbm>>
      %dma_wait3A_196 = tpu.memref_squeeze %dma_wait3A_195 : memref<1x1x8x2x128xi32, #tpu.memory_space<hbm>> -> memref<8x2x128xi32, #tpu.memory_space<hbm>>
      %dma_wait3A_197 = arith.constant 0 : i32
      %dma_wait3A_198 = arith.constant 0 : i32
      %dma_wait3A_199 = arith.constant 0 : i32
      %dma_wait3A_200 = tpu.memref_slice %arg2[%add3A, %add3A_191, %dma_wait3A_197, %dma_wait3A_198, %dma_wait3A_199] : memref<32x10x8x2x128xi32, #tpu.memory_space<hbm>> -> memref<1x1x8x2x128xi32, #tpu.memory_space<hbm>>
      %dma_wait3A_201 = tpu.memref_squeeze %dma_wait3A_200 : memref<1x1x8x2x128xi32, #tpu.memory_space<hbm>> -> memref<8x2x128xi32, #tpu.memory_space<hbm>>
      tpu.wait_dma2 semaphore(%arg11 : memref<!tpu.dma_semaphore, #tpu.memory_space<semaphore_mem>>) src(%dma_wait3A_201 : memref<8x2x128xi32, #tpu.memory_space<hbm>>) dst(%arg5 : memref<8x2x128xi32, #tpu.memory_space<vmem>>)
      %run_scoped3A_202 = arith.constant 0 : i32
      %run_scoped3A_203 = arith.constant 1 : i32
      "tpu.region"() ({
        %run_scoped3A_246 = tpu.sem_alloc : memref<!tpu.dma_semaphore, #tpu.memory_space<semaphore_mem>>
        %dma_start3A_247 = arith.constant 0 : i32
        %dma_start3A_248 = tpu.memref_slice %arg5[%run_scoped3A_202, %run_scoped3A_203, %dma_start3A_247] : memref<8x2x128xi32, #tpu.memory_space<vmem>> -> memref<1x1x128xi32, #tpu.memory_space<vmem>>
        %dma_start3A_249 = tpu.memref_squeeze %dma_start3A_248 : memref<1x1x128xi32, #tpu.memory_space<vmem>> -> memref<128xi32, #tpu.memory_space<vmem>>
        %dma_start3A_250 = arith.constant 0 : i32
        %dma_start3A_251 = tpu.memref_slice %arg8[%dma_start3A_250] : memref<10240xf32, #tpu.memory_space<vmem_shared>> -> memref<10240xf32, #tpu.memory_space<vmem_shared>>
        tpu.enqueue_indirect_dma source(%arg6 : memref<128xf32, #tpu.memory_space<vmem>>) target(%dma_start3A_251 : memref<10240xf32, #tpu.memory_space<vmem_shared>>) offsets(%dma_start3A_249 : memref<128xi32, #tpu.memory_space<vmem>>) semaphore(%run_scoped3A_246 : memref<!tpu.dma_semaphore, #tpu.memory_space<semaphore_mem>>) {add = true}
        %dma_wait3A_252 = arith.constant 0 : i32
        %dma_wait3A_253 = tpu.memref_slice %arg5[%run_scoped3A_202, %run_scoped3A_203, %dma_wait3A_252] : memref<8x2x128xi32, #tpu.memory_space<vmem>> -> memref<1x1x128xi32, #tpu.memory_space<vmem>>
        %dma_wait3A_254 = tpu.memref_squeeze %dma_wait3A_253 : memref<1x1x128xi32, #tpu.memory_space<vmem>> -> memref<128xi32, #tpu.memory_space<vmem>>
        %dma_wait3A_255 = arith.constant 0 : i32
        %dma_wait3A_256 = tpu.memref_slice %arg8[%dma_wait3A_255] : memref<10240xf32, #tpu.memory_space<vmem_shared>> -> memref<10240xf32, #tpu.memory_space<vmem_shared>>
        tpu.wait_indirect_dma semaphore(%run_scoped3A_246 : memref<!tpu.dma_semaphore, #tpu.memory_space<semaphore_mem>>) src(%arg6 : memref<128xf32, #tpu.memory_space<vmem>>) dst(%dma_wait3A_256 : memref<10240xf32, #tpu.memory_space<vmem_shared>>)
        tpu.yield
      }) : () -> ()
      %run_scoped3A_204 = arith.constant 0 : i32
      %run_scoped3A_205 = arith.constant 0 : i32
      "tpu.region"() ({
        %run_scoped3A_246 = tpu.sem_alloc : memref<!tpu.dma_semaphore, #tpu.memory_space<semaphore_mem>>
        %dma_start3A_247 = arith.constant 0 : i32
        %dma_start3A_248 = tpu.memref_slice %arg5[%run_scoped3A_204, %run_scoped3A_205, %dma_start3A_247] : memref<8x2x128xi32, #tpu.memory_space<vmem>> -> memref<1x1x128xi32, #tpu.memory_space<vmem>>
        %dma_start3A_249 = tpu.memref_squeeze %dma_start3A_248 : memref<1x1x128xi32, #tpu.memory_space<vmem>> -> memref<128xi32, #tpu.memory_space<vmem>>
        %dma_start3A_250 = arith.constant 0 : i32
        %dma_start3A_251 = tpu.memref_slice %arg9[%dma_start3A_250] : memref<10240xf32, #tpu.memory_space<vmem_shared>> -> memref<10240xf32, #tpu.memory_space<vmem_shared>>
        tpu.enqueue_indirect_dma source(%arg6 : memref<128xf32, #tpu.memory_space<vmem>>) target(%dma_start3A_251 : memref<10240xf32, #tpu.memory_space<vmem_shared>>) offsets(%dma_start3A_249 : memref<128xi32, #tpu.memory_space<vmem>>) semaphore(%run_scoped3A_246 : memref<!tpu.dma_semaphore, #tpu.memory_space<semaphore_mem>>) {add = true}
        %dma_wait3A_252 = arith.constant 0 : i32
        %dma_wait3A_253 = tpu.memref_slice %arg5[%run_scoped3A_204, %run_scoped3A_205, %dma_wait3A_252] : memref<8x2x128xi32, #tpu.memory_space<vmem>> -> memref<1x1x128xi32, #tpu.memory_space<vmem>>
        %dma_wait3A_254 = tpu.memref_squeeze %dma_wait3A_253 : memref<1x1x128xi32, #tpu.memory_space<vmem>> -> memref<128xi32, #tpu.memory_space<vmem>>
        %dma_wait3A_255 = arith.constant 0 : i32
        %dma_wait3A_256 = tpu.memref_slice %arg9[%dma_wait3A_255] : memref<10240xf32, #tpu.memory_space<vmem_shared>> -> memref<10240xf32, #tpu.memory_space<vmem_shared>>
        tpu.wait_indirect_dma semaphore(%run_scoped3A_246 : memref<!tpu.dma_semaphore, #tpu.memory_space<semaphore_mem>>) src(%arg6 : memref<128xf32, #tpu.memory_space<vmem>>) dst(%dma_wait3A_256 : memref<10240xf32, #tpu.memory_space<vmem_shared>>)
        tpu.yield
      }) : () -> ()
      %run_scoped3A_206 = arith.constant 1 : i32
      %run_scoped3A_207 = arith.constant 1 : i32
      "tpu.region"() ({
        %run_scoped3A_246 = tpu.sem_alloc : memref<!tpu.dma_semaphore, #tpu.memory_space<semaphore_mem>>
        %dma_start3A_247 = arith.constant 0 : i32
        %dma_start3A_248 = tpu.memref_slice %arg5[%run_scoped3A_206, %run_scoped3A_207, %dma_start3A_247] : memref<8x2x128xi32, #tpu.memory_space<vmem>> -> memref<1x1x128xi32, #tpu.memory_space<vmem>>
        %dma_start3A_249 = tpu.memref_squeeze %dma_start3A_248 : memref<1x1x128xi32, #tpu.memory_space<vmem>> -> memref<128xi32, #tpu.memory_space<vmem>>
        %dma_start3A_250 = arith.constant 0 : i32
        %dma_start3A_251 = tpu.memref_slice %arg8[%dma_start3A_250] : memref<10240xf32, #tpu.memory_space<vmem_shared>> -> memref<10240xf32, #tpu.memory_space<vmem_shared>>
        tpu.enqueue_indirect_dma source(%arg6 : memref<128xf32, #tpu.memory_space<vmem>>) target(%dma_start3A_251 : memref<10240xf32, #tpu.memory_space<vmem_shared>>) offsets(%dma_start3A_249 : memref<128xi32, #tpu.memory_space<vmem>>) semaphore(%run_scoped3A_246 : memref<!tpu.dma_semaphore, #tpu.memory_space<semaphore_mem>>) {add = true}
        %dma_wait3A_252 = arith.constant 0 : i32
        %dma_wait3A_253 = tpu.memref_slice %arg5[%run_scoped3A_206, %run_scoped3A_207, %dma_wait3A_252] : memref<8x2x128xi32, #tpu.memory_space<vmem>> -> memref<1x1x128xi32, #tpu.memory_space<vmem>>
        %dma_wait3A_254 = tpu.memref_squeeze %dma_wait3A_253 : memref<1x1x128xi32, #tpu.memory_space<vmem>> -> memref<128xi32, #tpu.memory_space<vmem>>
        %dma_wait3A_255 = arith.constant 0 : i32
        %dma_wait3A_256 = tpu.memref_slice %arg8[%dma_wait3A_255] : memref<10240xf32, #tpu.memory_space<vmem_shared>> -> memref<10240xf32, #tpu.memory_space<vmem_shared>>
        tpu.wait_indirect_dma semaphore(%run_scoped3A_246 : memref<!tpu.dma_semaphore, #tpu.memory_space<semaphore_mem>>) src(%arg6 : memref<128xf32, #tpu.memory_space<vmem>>) dst(%dma_wait3A_256 : memref<10240xf32, #tpu.memory_space<vmem_shared>>)
        tpu.yield
      }) : () -> ()
      %run_scoped3A_208 = arith.constant 1 : i32
      %run_scoped3A_209 = arith.constant 0 : i32
      "tpu.region"() ({
        %run_scoped3A_246 = tpu.sem_alloc : memref<!tpu.dma_semaphore, #tpu.memory_space<semaphore_mem>>
        %dma_start3A_247 = arith.constant 0 : i32
        %dma_start3A_248 = tpu.memref_slice %arg5[%run_scoped3A_208, %run_scoped3A_209, %dma_start3A_247] : memref<8x2x128xi32, #tpu.memory_space<vmem>> -> memref<1x1x128xi32, #tpu.memory_space<vmem>>
        %dma_start3A_249 = tpu.memref_squeeze %dma_start3A_248 : memref<1x1x128xi32, #tpu.memory_space<vmem>> -> memref<128xi32, #tpu.memory_space<vmem>>
        %dma_start3A_250 = arith.constant 0 : i32
        %dma_start3A_251 = tpu.memref_slice %arg9[%dma_start3A_250] : memref<10240xf32, #tpu.memory_space<vmem_shared>> -> memref<10240xf32, #tpu.memory_space<vmem_shared>>
        tpu.enqueue_indirect_dma source(%arg6 : memref<128xf32, #tpu.memory_space<vmem>>) target(%dma_start3A_251 : memref<10240xf32, #tpu.memory_space<vmem_shared>>) offsets(%dma_start3A_249 : memref<128xi32, #tpu.memory_space<vmem>>) semaphore(%run_scoped3A_246 : memref<!tpu.dma_semaphore, #tpu.memory_space<semaphore_mem>>) {add = true}
        %dma_wait3A_252 = arith.constant 0 : i32
        %dma_wait3A_253 = tpu.memref_slice %arg5[%run_scoped3A_208, %run_scoped3A_209, %dma_wait3A_252] : memref<8x2x128xi32, #tpu.memory_space<vmem>> -> memref<1x1x128xi32, #tpu.memory_space<vmem>>
        %dma_wait3A_254 = tpu.memref_squeeze %dma_wait3A_253 : memref<1x1x128xi32, #tpu.memory_space<vmem>> -> memref<128xi32, #tpu.memory_space<vmem>>
        %dma_wait3A_255 = arith.constant 0 : i32
        %dma_wait3A_256 = tpu.memref_slice %arg9[%dma_wait3A_255] : memref<10240xf32, #tpu.memory_space<vmem_shared>> -> memref<10240xf32, #tpu.memory_space<vmem_shared>>
        tpu.wait_indirect_dma semaphore(%run_scoped3A_246 : memref<!tpu.dma_semaphore, #tpu.memory_space<semaphore_mem>>) src(%arg6 : memref<128xf32, #tpu.memory_space<vmem>>) dst(%dma_wait3A_256 : memref<10240xf32, #tpu.memory_space<vmem_shared>>)
        tpu.yield
      }) : () -> ()
      %run_scoped3A_210 = arith.constant 2 : i32
      %run_scoped3A_211 = arith.constant 1 : i32
      "tpu.region"() ({
        %run_scoped3A_246 = tpu.sem_alloc : memref<!tpu.dma_semaphore, #tpu.memory_space<semaphore_mem>>
        %dma_start3A_247 = arith.constant 0 : i32
        %dma_start3A_248 = tpu.memref_slice %arg5[%run_scoped3A_210, %run_scoped3A_211, %dma_start3A_247] : memref<8x2x128xi32, #tpu.memory_space<vmem>> -> memref<1x1x128xi32, #tpu.memory_space<vmem>>
        %dma_start3A_249 = tpu.memref_squeeze %dma_start3A_248 : memref<1x1x128xi32, #tpu.memory_space<vmem>> -> memref<128xi32, #tpu.memory_space<vmem>>
        %dma_start3A_250 = arith.constant 0 : i32
        %dma_start3A_251 = tpu.memref_slice %arg8[%dma_start3A_250] : memref<10240xf32, #tpu.memory_space<vmem_shared>> -> memref<10240xf32, #tpu.memory_space<vmem_shared>>
        tpu.enqueue_indirect_dma source(%arg6 : memref<128xf32, #tpu.memory_space<vmem>>) target(%dma_start3A_251 : memref<10240xf32, #tpu.memory_space<vmem_shared>>) offsets(%dma_start3A_249 : memref<128xi32, #tpu.memory_space<vmem>>) semaphore(%run_scoped3A_246 : memref<!tpu.dma_semaphore, #tpu.memory_space<semaphore_mem>>) {add = true}
        %dma_wait3A_252 = arith.constant 0 : i32
        %dma_wait3A_253 = tpu.memref_slice %arg5[%run_scoped3A_210, %run_scoped3A_211, %dma_wait3A_252] : memref<8x2x128xi32, #tpu.memory_space<vmem>> -> memref<1x1x128xi32, #tpu.memory_space<vmem>>
        %dma_wait3A_254 = tpu.memref_squeeze %dma_wait3A_253 : memref<1x1x128xi32, #tpu.memory_space<vmem>> -> memref<128xi32, #tpu.memory_space<vmem>>
        %dma_wait3A_255 = arith.constant 0 : i32
        %dma_wait3A_256 = tpu.memref_slice %arg8[%dma_wait3A_255] : memref<10240xf32, #tpu.memory_space<vmem_shared>> -> memref<10240xf32, #tpu.memory_space<vmem_shared>>
        tpu.wait_indirect_dma semaphore(%run_scoped3A_246 : memref<!tpu.dma_semaphore, #tpu.memory_space<semaphore_mem>>) src(%arg6 : memref<128xf32, #tpu.memory_space<vmem>>) dst(%dma_wait3A_256 : memref<10240xf32, #tpu.memory_space<vmem_shared>>)
        tpu.yield
      }) : () -> ()
      %run_scoped3A_212 = arith.constant 2 : i32
      %run_scoped3A_213 = arith.constant 0 : i32
      "tpu.region"() ({
        %run_scoped3A_246 = tpu.sem_alloc : memref<!tpu.dma_semaphore, #tpu.memory_space<semaphore_mem>>
        %dma_start3A_247 = arith.constant 0 : i32
        %dma_start3A_248 = tpu.memref_slice %arg5[%run_scoped3A_212, %run_scoped3A_213, %dma_start3A_247] : memref<8x2x128xi32, #tpu.memory_space<vmem>> -> memref<1x1x128xi32, #tpu.memory_space<vmem>>
        %dma_start3A_249 = tpu.memref_squeeze %dma_start3A_248 : memref<1x1x128xi32, #tpu.memory_space<vmem>> -> memref<128xi32, #tpu.memory_space<vmem>>
        %dma_start3A_250 = arith.constant 0 : i32
        %dma_start3A_251 = tpu.memref_slice %arg9[%dma_start3A_250] : memref<10240xf32, #tpu.memory_space<vmem_shared>> -> memref<10240xf32, #tpu.memory_space<vmem_shared>>
        tpu.enqueue_indirect_dma source(%arg6 : memref<128xf32, #tpu.memory_space<vmem>>) target(%dma_start3A_251 : memref<10240xf32, #tpu.memory_space<vmem_shared>>) offsets(%dma_start3A_249 : memref<128xi32, #tpu.memory_space<vmem>>) semaphore(%run_scoped3A_246 : memref<!tpu.dma_semaphore, #tpu.memory_space<semaphore_mem>>) {add = true}
        %dma_wait3A_252 = arith.constant 0 : i32
        %dma_wait3A_253 = tpu.memref_slice %arg5[%run_scoped3A_212, %run_scoped3A_213, %dma_wait3A_252] : memref<8x2x128xi32, #tpu.memory_space<vmem>> -> memref<1x1x128xi32, #tpu.memory_space<vmem>>
        %dma_wait3A_254 = tpu.memref_squeeze %dma_wait3A_253 : memref<1x1x128xi32, #tpu.memory_space<vmem>> -> memref<128xi32, #tpu.memory_space<vmem>>
        %dma_wait3A_255 = arith.constant 0 : i32
        %dma_wait3A_256 = tpu.memref_slice %arg9[%dma_wait3A_255] : memref<10240xf32, #tpu.memory_space<vmem_shared>> -> memref<10240xf32, #tpu.memory_space<vmem_shared>>
        tpu.wait_indirect_dma semaphore(%run_scoped3A_246 : memref<!tpu.dma_semaphore, #tpu.memory_space<semaphore_mem>>) src(%arg6 : memref<128xf32, #tpu.memory_space<vmem>>) dst(%dma_wait3A_256 : memref<10240xf32, #tpu.memory_space<vmem_shared>>)
        tpu.yield
      }) : () -> ()
      %run_scoped3A_214 = arith.constant 3 : i32
      %run_scoped3A_215 = arith.constant 1 : i32
      "tpu.region"() ({
        %run_scoped3A_246 = tpu.sem_alloc : memref<!tpu.dma_semaphore, #tpu.memory_space<semaphore_mem>>
        %dma_start3A_247 = arith.constant 0 : i32
        %dma_start3A_248 = tpu.memref_slice %arg5[%run_scoped3A_214, %run_scoped3A_215, %dma_start3A_247] : memref<8x2x128xi32, #tpu.memory_space<vmem>> -> memref<1x1x128xi32, #tpu.memory_space<vmem>>
        %dma_start3A_249 = tpu.memref_squeeze %dma_start3A_248 : memref<1x1x128xi32, #tpu.memory_space<vmem>> -> memref<128xi32, #tpu.memory_space<vmem>>
        %dma_start3A_250 = arith.constant 0 : i32
        %dma_start3A_251 = tpu.memref_slice %arg8[%dma_start3A_250] : memref<10240xf32, #tpu.memory_space<vmem_shared>> -> memref<10240xf32, #tpu.memory_space<vmem_shared>>
        tpu.enqueue_indirect_dma source(%arg6 : memref<128xf32, #tpu.memory_space<vmem>>) target(%dma_start3A_251 : memref<10240xf32, #tpu.memory_space<vmem_shared>>) offsets(%dma_start3A_249 : memref<128xi32, #tpu.memory_space<vmem>>) semaphore(%run_scoped3A_246 : memref<!tpu.dma_semaphore, #tpu.memory_space<semaphore_mem>>) {add = true}
        %dma_wait3A_252 = arith.constant 0 : i32
        %dma_wait3A_253 = tpu.memref_slice %arg5[%run_scoped3A_214, %run_scoped3A_215, %dma_wait3A_252] : memref<8x2x128xi32, #tpu.memory_space<vmem>> -> memref<1x1x128xi32, #tpu.memory_space<vmem>>
        %dma_wait3A_254 = tpu.memref_squeeze %dma_wait3A_253 : memref<1x1x128xi32, #tpu.memory_space<vmem>> -> memref<128xi32, #tpu.memory_space<vmem>>
        %dma_wait3A_255 = arith.constant 0 : i32
        %dma_wait3A_256 = tpu.memref_slice %arg8[%dma_wait3A_255] : memref<10240xf32, #tpu.memory_space<vmem_shared>> -> memref<10240xf32, #tpu.memory_space<vmem_shared>>
        tpu.wait_indirect_dma semaphore(%run_scoped3A_246 : memref<!tpu.dma_semaphore, #tpu.memory_space<semaphore_mem>>) src(%arg6 : memref<128xf32, #tpu.memory_space<vmem>>) dst(%dma_wait3A_256 : memref<10240xf32, #tpu.memory_space<vmem_shared>>)
        tpu.yield
      }) : () -> ()
      %run_scoped3A_216 = arith.constant 3 : i32
      %run_scoped3A_217 = arith.constant 0 : i32
      "tpu.region"() ({
        %run_scoped3A_246 = tpu.sem_alloc : memref<!tpu.dma_semaphore, #tpu.memory_space<semaphore_mem>>
        %dma_start3A_247 = arith.constant 0 : i32
        %dma_start3A_248 = tpu.memref_slice %arg5[%run_scoped3A_216, %run_scoped3A_217, %dma_start3A_247] : memref<8x2x128xi32, #tpu.memory_space<vmem>> -> memref<1x1x128xi32, #tpu.memory_space<vmem>>
        %dma_start3A_249 = tpu.memref_squeeze %dma_start3A_248 : memref<1x1x128xi32, #tpu.memory_space<vmem>> -> memref<128xi32, #tpu.memory_space<vmem>>
        %dma_start3A_250 = arith.constant 0 : i32
        %dma_start3A_251 = tpu.memref_slice %arg9[%dma_start3A_250] : memref<10240xf32, #tpu.memory_space<vmem_shared>> -> memref<10240xf32, #tpu.memory_space<vmem_shared>>
        tpu.enqueue_indirect_dma source(%arg6 : memref<128xf32, #tpu.memory_space<vmem>>) target(%dma_start3A_251 : memref<10240xf32, #tpu.memory_space<vmem_shared>>) offsets(%dma_start3A_249 : memref<128xi32, #tpu.memory_space<vmem>>) semaphore(%run_scoped3A_246 : memref<!tpu.dma_semaphore, #tpu.memory_space<semaphore_mem>>) {add = true}
        %dma_wait3A_252 = arith.constant 0 : i32
        %dma_wait3A_253 = tpu.memref_slice %arg5[%run_scoped3A_216, %run_scoped3A_217, %dma_wait3A_252] : memref<8x2x128xi32, #tpu.memory_space<vmem>> -> memref<1x1x128xi32, #tpu.memory_space<vmem>>
        %dma_wait3A_254 = tpu.memref_squeeze %dma_wait3A_253 : memref<1x1x128xi32, #tpu.memory_space<vmem>> -> memref<128xi32, #tpu.memory_space<vmem>>
        %dma_wait3A_255 = arith.constant 0 : i32
        %dma_wait3A_256 = tpu.memref_slice %arg9[%dma_wait3A_255] : memref<10240xf32, #tpu.memory_space<vmem_shared>> -> memref<10240xf32, #tpu.memory_space<vmem_shared>>
        tpu.wait_indirect_dma semaphore(%run_scoped3A_246 : memref<!tpu.dma_semaphore, #tpu.memory_space<semaphore_mem>>) src(%arg6 : memref<128xf32, #tpu.memory_space<vmem>>) dst(%dma_wait3A_256 : memref<10240xf32, #tpu.memory_space<vmem_shared>>)
        tpu.yield
      }) : () -> ()
      %run_scoped3A_218 = arith.constant 4 : i32
      %run_scoped3A_219 = arith.constant 1 : i32
      "tpu.region"() ({
        %run_scoped3A_246 = tpu.sem_alloc : memref<!tpu.dma_semaphore, #tpu.memory_space<semaphore_mem>>
        %dma_start3A_247 = arith.constant 0 : i32
        %dma_start3A_248 = tpu.memref_slice %arg5[%run_scoped3A_218, %run_scoped3A_219, %dma_start3A_247] : memref<8x2x128xi32, #tpu.memory_space<vmem>> -> memref<1x1x128xi32, #tpu.memory_space<vmem>>
        %dma_start3A_249 = tpu.memref_squeeze %dma_start3A_248 : memref<1x1x128xi32, #tpu.memory_space<vmem>> -> memref<128xi32, #tpu.memory_space<vmem>>
        %dma_start3A_250 = arith.constant 0 : i32
        %dma_start3A_251 = tpu.memref_slice %arg8[%dma_start3A_250] : memref<10240xf32, #tpu.memory_space<vmem_shared>> -> memref<10240xf32, #tpu.memory_space<vmem_shared>>
        tpu.enqueue_indirect_dma source(%arg6 : memref<128xf32, #tpu.memory_space<vmem>>) target(%dma_start3A_251 : memref<10240xf32, #tpu.memory_space<vmem_shared>>) offsets(%dma_start3A_249 : memref<128xi32, #tpu.memory_space<vmem>>) semaphore(%run_scoped3A_246 : memref<!tpu.dma_semaphore, #tpu.memory_space<semaphore_mem>>) {add = true}
        %dma_wait3A_252 = arith.constant 0 : i32
        %dma_wait3A_253 = tpu.memref_slice %arg5[%run_scoped3A_218, %run_scoped3A_219, %dma_wait3A_252] : memref<8x2x128xi32, #tpu.memory_space<vmem>> -> memref<1x1x128xi32, #tpu.memory_space<vmem>>
        %dma_wait3A_254 = tpu.memref_squeeze %dma_wait3A_253 : memref<1x1x128xi32, #tpu.memory_space<vmem>> -> memref<128xi32, #tpu.memory_space<vmem>>
        %dma_wait3A_255 = arith.constant 0 : i32
        %dma_wait3A_256 = tpu.memref_slice %arg8[%dma_wait3A_255] : memref<10240xf32, #tpu.memory_space<vmem_shared>> -> memref<10240xf32, #tpu.memory_space<vmem_shared>>
        tpu.wait_indirect_dma semaphore(%run_scoped3A_246 : memref<!tpu.dma_semaphore, #tpu.memory_space<semaphore_mem>>) src(%arg6 : memref<128xf32, #tpu.memory_space<vmem>>) dst(%dma_wait3A_256 : memref<10240xf32, #tpu.memory_space<vmem_shared>>)
        tpu.yield
      }) : () -> ()
      %run_scoped3A_220 = arith.constant 4 : i32
      %run_scoped3A_221 = arith.constant 0 : i32
      "tpu.region"() ({
        %run_scoped3A_246 = tpu.sem_alloc : memref<!tpu.dma_semaphore, #tpu.memory_space<semaphore_mem>>
        %dma_start3A_247 = arith.constant 0 : i32
        %dma_start3A_248 = tpu.memref_slice %arg5[%run_scoped3A_220, %run_scoped3A_221, %dma_start3A_247] : memref<8x2x128xi32, #tpu.memory_space<vmem>> -> memref<1x1x128xi32, #tpu.memory_space<vmem>>
        %dma_start3A_249 = tpu.memref_squeeze %dma_start3A_248 : memref<1x1x128xi32, #tpu.memory_space<vmem>> -> memref<128xi32, #tpu.memory_space<vmem>>
        %dma_start3A_250 = arith.constant 0 : i32
        %dma_start3A_251 = tpu.memref_slice %arg9[%dma_start3A_250] : memref<10240xf32, #tpu.memory_space<vmem_shared>> -> memref<10240xf32, #tpu.memory_space<vmem_shared>>
        tpu.enqueue_indirect_dma source(%arg6 : memref<128xf32, #tpu.memory_space<vmem>>) target(%dma_start3A_251 : memref<10240xf32, #tpu.memory_space<vmem_shared>>) offsets(%dma_start3A_249 : memref<128xi32, #tpu.memory_space<vmem>>) semaphore(%run_scoped3A_246 : memref<!tpu.dma_semaphore, #tpu.memory_space<semaphore_mem>>) {add = true}
        %dma_wait3A_252 = arith.constant 0 : i32
        %dma_wait3A_253 = tpu.memref_slice %arg5[%run_scoped3A_220, %run_scoped3A_221, %dma_wait3A_252] : memref<8x2x128xi32, #tpu.memory_space<vmem>> -> memref<1x1x128xi32, #tpu.memory_space<vmem>>
        %dma_wait3A_254 = tpu.memref_squeeze %dma_wait3A_253 : memref<1x1x128xi32, #tpu.memory_space<vmem>> -> memref<128xi32, #tpu.memory_space<vmem>>
        %dma_wait3A_255 = arith.constant 0 : i32
        %dma_wait3A_256 = tpu.memref_slice %arg9[%dma_wait3A_255] : memref<10240xf32, #tpu.memory_space<vmem_shared>> -> memref<10240xf32, #tpu.memory_space<vmem_shared>>
        tpu.wait_indirect_dma semaphore(%run_scoped3A_246 : memref<!tpu.dma_semaphore, #tpu.memory_space<semaphore_mem>>) src(%arg6 : memref<128xf32, #tpu.memory_space<vmem>>) dst(%dma_wait3A_256 : memref<10240xf32, #tpu.memory_space<vmem_shared>>)
        tpu.yield
      }) : () -> ()
      %run_scoped3A_222 = arith.constant 5 : i32
      %run_scoped3A_223 = arith.constant 1 : i32
      "tpu.region"() ({
        %run_scoped3A_246 = tpu.sem_alloc : memref<!tpu.dma_semaphore, #tpu.memory_space<semaphore_mem>>
        %dma_start3A_247 = arith.constant 0 : i32
        %dma_start3A_248 = tpu.memref_slice %arg5[%run_scoped3A_222, %run_scoped3A_223, %dma_start3A_247] : memref<8x2x128xi32, #tpu.memory_space<vmem>> -> memref<1x1x128xi32, #tpu.memory_space<vmem>>
        %dma_start3A_249 = tpu.memref_squeeze %dma_start3A_248 : memref<1x1x128xi32, #tpu.memory_space<vmem>> -> memref<128xi32, #tpu.memory_space<vmem>>
        %dma_start3A_250 = arith.constant 0 : i32
        %dma_start3A_251 = tpu.memref_slice %arg8[%dma_start3A_250] : memref<10240xf32, #tpu.memory_space<vmem_shared>> -> memref<10240xf32, #tpu.memory_space<vmem_shared>>
        tpu.enqueue_indirect_dma source(%arg6 : memref<128xf32, #tpu.memory_space<vmem>>) target(%dma_start3A_251 : memref<10240xf32, #tpu.memory_space<vmem_shared>>) offsets(%dma_start3A_249 : memref<128xi32, #tpu.memory_space<vmem>>) semaphore(%run_scoped3A_246 : memref<!tpu.dma_semaphore, #tpu.memory_space<semaphore_mem>>) {add = true}
        %dma_wait3A_252 = arith.constant 0 : i32
        %dma_wait3A_253 = tpu.memref_slice %arg5[%run_scoped3A_222, %run_scoped3A_223, %dma_wait3A_252] : memref<8x2x128xi32, #tpu.memory_space<vmem>> -> memref<1x1x128xi32, #tpu.memory_space<vmem>>
        %dma_wait3A_254 = tpu.memref_squeeze %dma_wait3A_253 : memref<1x1x128xi32, #tpu.memory_space<vmem>> -> memref<128xi32, #tpu.memory_space<vmem>>
        %dma_wait3A_255 = arith.constant 0 : i32
        %dma_wait3A_256 = tpu.memref_slice %arg8[%dma_wait3A_255] : memref<10240xf32, #tpu.memory_space<vmem_shared>> -> memref<10240xf32, #tpu.memory_space<vmem_shared>>
        tpu.wait_indirect_dma semaphore(%run_scoped3A_246 : memref<!tpu.dma_semaphore, #tpu.memory_space<semaphore_mem>>) src(%arg6 : memref<128xf32, #tpu.memory_space<vmem>>) dst(%dma_wait3A_256 : memref<10240xf32, #tpu.memory_space<vmem_shared>>)
        tpu.yield
      }) : () -> ()
      %run_scoped3A_224 = arith.constant 5 : i32
      %run_scoped3A_225 = arith.constant 0 : i32
      "tpu.region"() ({
        %run_scoped3A_246 = tpu.sem_alloc : memref<!tpu.dma_semaphore, #tpu.memory_space<semaphore_mem>>
        %dma_start3A_247 = arith.constant 0 : i32
        %dma_start3A_248 = tpu.memref_slice %arg5[%run_scoped3A_224, %run_scoped3A_225, %dma_start3A_247] : memref<8x2x128xi32, #tpu.memory_space<vmem>> -> memref<1x1x128xi32, #tpu.memory_space<vmem>>
        %dma_start3A_249 = tpu.memref_squeeze %dma_start3A_248 : memref<1x1x128xi32, #tpu.memory_space<vmem>> -> memref<128xi32, #tpu.memory_space<vmem>>
        %dma_start3A_250 = arith.constant 0 : i32
        %dma_start3A_251 = tpu.memref_slice %arg9[%dma_start3A_250] : memref<10240xf32, #tpu.memory_space<vmem_shared>> -> memref<10240xf32, #tpu.memory_space<vmem_shared>>
        tpu.enqueue_indirect_dma source(%arg6 : memref<128xf32, #tpu.memory_space<vmem>>) target(%dma_start3A_251 : memref<10240xf32, #tpu.memory_space<vmem_shared>>) offsets(%dma_start3A_249 : memref<128xi32, #tpu.memory_space<vmem>>) semaphore(%run_scoped3A_246 : memref<!tpu.dma_semaphore, #tpu.memory_space<semaphore_mem>>) {add = true}
        %dma_wait3A_252 = arith.constant 0 : i32
        %dma_wait3A_253 = tpu.memref_slice %arg5[%run_scoped3A_224, %run_scoped3A_225, %dma_wait3A_252] : memref<8x2x128xi32, #tpu.memory_space<vmem>> -> memref<1x1x128xi32, #tpu.memory_space<vmem>>
        %dma_wait3A_254 = tpu.memref_squeeze %dma_wait3A_253 : memref<1x1x128xi32, #tpu.memory_space<vmem>> -> memref<128xi32, #tpu.memory_space<vmem>>
        %dma_wait3A_255 = arith.constant 0 : i32
        %dma_wait3A_256 = tpu.memref_slice %arg9[%dma_wait3A_255] : memref<10240xf32, #tpu.memory_space<vmem_shared>> -> memref<10240xf32, #tpu.memory_space<vmem_shared>>
        tpu.wait_indirect_dma semaphore(%run_scoped3A_246 : memref<!tpu.dma_semaphore, #tpu.memory_space<semaphore_mem>>) src(%arg6 : memref<128xf32, #tpu.memory_space<vmem>>) dst(%dma_wait3A_256 : memref<10240xf32, #tpu.memory_space<vmem_shared>>)
        tpu.yield
      }) : () -> ()
      %run_scoped3A_226 = arith.constant 6 : i32
      %run_scoped3A_227 = arith.constant 1 : i32
      "tpu.region"() ({
        %run_scoped3A_246 = tpu.sem_alloc : memref<!tpu.dma_semaphore, #tpu.memory_space<semaphore_mem>>
        %dma_start3A_247 = arith.constant 0 : i32
        %dma_start3A_248 = tpu.memref_slice %arg5[%run_scoped3A_226, %run_scoped3A_227, %dma_start3A_247] : memref<8x2x128xi32, #tpu.memory_space<vmem>> -> memref<1x1x128xi32, #tpu.memory_space<vmem>>
        %dma_start3A_249 = tpu.memref_squeeze %dma_start3A_248 : memref<1x1x128xi32, #tpu.memory_space<vmem>> -> memref<128xi32, #tpu.memory_space<vmem>>
        %dma_start3A_250 = arith.constant 0 : i32
        %dma_start3A_251 = tpu.memref_slice %arg8[%dma_start3A_250] : memref<10240xf32, #tpu.memory_space<vmem_shared>> -> memref<10240xf32, #tpu.memory_space<vmem_shared>>
        tpu.enqueue_indirect_dma source(%arg6 : memref<128xf32, #tpu.memory_space<vmem>>) target(%dma_start3A_251 : memref<10240xf32, #tpu.memory_space<vmem_shared>>) offsets(%dma_start3A_249 : memref<128xi32, #tpu.memory_space<vmem>>) semaphore(%run_scoped3A_246 : memref<!tpu.dma_semaphore, #tpu.memory_space<semaphore_mem>>) {add = true}
        %dma_wait3A_252 = arith.constant 0 : i32
        %dma_wait3A_253 = tpu.memref_slice %arg5[%run_scoped3A_226, %run_scoped3A_227, %dma_wait3A_252] : memref<8x2x128xi32, #tpu.memory_space<vmem>> -> memref<1x1x128xi32, #tpu.memory_space<vmem>>
        %dma_wait3A_254 = tpu.memref_squeeze %dma_wait3A_253 : memref<1x1x128xi32, #tpu.memory_space<vmem>> -> memref<128xi32, #tpu.memory_space<vmem>>
        %dma_wait3A_255 = arith.constant 0 : i32
        %dma_wait3A_256 = tpu.memref_slice %arg8[%dma_wait3A_255] : memref<10240xf32, #tpu.memory_space<vmem_shared>> -> memref<10240xf32, #tpu.memory_space<vmem_shared>>
        tpu.wait_indirect_dma semaphore(%run_scoped3A_246 : memref<!tpu.dma_semaphore, #tpu.memory_space<semaphore_mem>>) src(%arg6 : memref<128xf32, #tpu.memory_space<vmem>>) dst(%dma_wait3A_256 : memref<10240xf32, #tpu.memory_space<vmem_shared>>)
        tpu.yield
      }) : () -> ()
      %run_scoped3A_228 = arith.constant 6 : i32
      %run_scoped3A_229 = arith.constant 0 : i32
      "tpu.region"() ({
        %run_scoped3A_246 = tpu.sem_alloc : memref<!tpu.dma_semaphore, #tpu.memory_space<semaphore_mem>>
        %dma_start3A_247 = arith.constant 0 : i32
        %dma_start3A_248 = tpu.memref_slice %arg5[%run_scoped3A_228, %run_scoped3A_229, %dma_start3A_247] : memref<8x2x128xi32, #tpu.memory_space<vmem>> -> memref<1x1x128xi32, #tpu.memory_space<vmem>>
        %dma_start3A_249 = tpu.memref_squeeze %dma_start3A_248 : memref<1x1x128xi32, #tpu.memory_space<vmem>> -> memref<128xi32, #tpu.memory_space<vmem>>
        %dma_start3A_250 = arith.constant 0 : i32
        %dma_start3A_251 = tpu.memref_slice %arg9[%dma_start3A_250] : memref<10240xf32, #tpu.memory_space<vmem_shared>> -> memref<10240xf32, #tpu.memory_space<vmem_shared>>
        tpu.enqueue_indirect_dma source(%arg6 : memref<128xf32, #tpu.memory_space<vmem>>) target(%dma_start3A_251 : memref<10240xf32, #tpu.memory_space<vmem_shared>>) offsets(%dma_start3A_249 : memref<128xi32, #tpu.memory_space<vmem>>) semaphore(%run_scoped3A_246 : memref<!tpu.dma_semaphore, #tpu.memory_space<semaphore_mem>>) {add = true}
        %dma_wait3A_252 = arith.constant 0 : i32
        %dma_wait3A_253 = tpu.memref_slice %arg5[%run_scoped3A_228, %run_scoped3A_229, %dma_wait3A_252] : memref<8x2x128xi32, #tpu.memory_space<vmem>> -> memref<1x1x128xi32, #tpu.memory_space<vmem>>
        %dma_wait3A_254 = tpu.memref_squeeze %dma_wait3A_253 : memref<1x1x128xi32, #tpu.memory_space<vmem>> -> memref<128xi32, #tpu.memory_space<vmem>>
        %dma_wait3A_255 = arith.constant 0 : i32
        %dma_wait3A_256 = tpu.memref_slice %arg9[%dma_wait3A_255] : memref<10240xf32, #tpu.memory_space<vmem_shared>> -> memref<10240xf32, #tpu.memory_space<vmem_shared>>
        tpu.wait_indirect_dma semaphore(%run_scoped3A_246 : memref<!tpu.dma_semaphore, #tpu.memory_space<semaphore_mem>>) src(%arg6 : memref<128xf32, #tpu.memory_space<vmem>>) dst(%dma_wait3A_256 : memref<10240xf32, #tpu.memory_space<vmem_shared>>)
        tpu.yield
      }) : () -> ()
      %run_scoped3A_230 = arith.constant 7 : i32
      %run_scoped3A_231 = arith.constant 1 : i32
      "tpu.region"() ({
        %run_scoped3A_246 = tpu.sem_alloc : memref<!tpu.dma_semaphore, #tpu.memory_space<semaphore_mem>>
        %dma_start3A_247 = arith.constant 0 : i32
        %dma_start3A_248 = tpu.memref_slice %arg5[%run_scoped3A_230, %run_scoped3A_231, %dma_start3A_247] : memref<8x2x128xi32, #tpu.memory_space<vmem>> -> memref<1x1x128xi32, #tpu.memory_space<vmem>>
        %dma_start3A_249 = tpu.memref_squeeze %dma_start3A_248 : memref<1x1x128xi32, #tpu.memory_space<vmem>> -> memref<128xi32, #tpu.memory_space<vmem>>
        %dma_start3A_250 = arith.constant 0 : i32
        %dma_start3A_251 = tpu.memref_slice %arg8[%dma_start3A_250] : memref<10240xf32, #tpu.memory_space<vmem_shared>> -> memref<10240xf32, #tpu.memory_space<vmem_shared>>
        tpu.enqueue_indirect_dma source(%arg6 : memref<128xf32, #tpu.memory_space<vmem>>) target(%dma_start3A_251 : memref<10240xf32, #tpu.memory_space<vmem_shared>>) offsets(%dma_start3A_249 : memref<128xi32, #tpu.memory_space<vmem>>) semaphore(%run_scoped3A_246 : memref<!tpu.dma_semaphore, #tpu.memory_space<semaphore_mem>>) {add = true}
        %dma_wait3A_252 = arith.constant 0 : i32
        %dma_wait3A_253 = tpu.memref_slice %arg5[%run_scoped3A_230, %run_scoped3A_231, %dma_wait3A_252] : memref<8x2x128xi32, #tpu.memory_space<vmem>> -> memref<1x1x128xi32, #tpu.memory_space<vmem>>
        %dma_wait3A_254 = tpu.memref_squeeze %dma_wait3A_253 : memref<1x1x128xi32, #tpu.memory_space<vmem>> -> memref<128xi32, #tpu.memory_space<vmem>>
        %dma_wait3A_255 = arith.constant 0 : i32
        %dma_wait3A_256 = tpu.memref_slice %arg8[%dma_wait3A_255] : memref<10240xf32, #tpu.memory_space<vmem_shared>> -> memref<10240xf32, #tpu.memory_space<vmem_shared>>
        tpu.wait_indirect_dma semaphore(%run_scoped3A_246 : memref<!tpu.dma_semaphore, #tpu.memory_space<semaphore_mem>>) src(%arg6 : memref<128xf32, #tpu.memory_space<vmem>>) dst(%dma_wait3A_256 : memref<10240xf32, #tpu.memory_space<vmem_shared>>)
        tpu.yield
      }) : () -> ()
      %run_scoped3A_232 = arith.constant 7 : i32
      %run_scoped3A_233 = arith.constant 0 : i32
      "tpu.region"() ({
        %run_scoped3A_246 = tpu.sem_alloc : memref<!tpu.dma_semaphore, #tpu.memory_space<semaphore_mem>>
        %dma_start3A_247 = arith.constant 0 : i32
        %dma_start3A_248 = tpu.memref_slice %arg5[%run_scoped3A_232, %run_scoped3A_233, %dma_start3A_247] : memref<8x2x128xi32, #tpu.memory_space<vmem>> -> memref<1x1x128xi32, #tpu.memory_space<vmem>>
        %dma_start3A_249 = tpu.memref_squeeze %dma_start3A_248 : memref<1x1x128xi32, #tpu.memory_space<vmem>> -> memref<128xi32, #tpu.memory_space<vmem>>
        %dma_start3A_250 = arith.constant 0 : i32
        %dma_start3A_251 = tpu.memref_slice %arg9[%dma_start3A_250] : memref<10240xf32, #tpu.memory_space<vmem_shared>> -> memref<10240xf32, #tpu.memory_space<vmem_shared>>
        tpu.enqueue_indirect_dma source(%arg6 : memref<128xf32, #tpu.memory_space<vmem>>) target(%dma_start3A_251 : memref<10240xf32, #tpu.memory_space<vmem_shared>>) offsets(%dma_start3A_249 : memref<128xi32, #tpu.memory_space<vmem>>) semaphore(%run_scoped3A_246 : memref<!tpu.dma_semaphore, #tpu.memory_space<semaphore_mem>>) {add = true}
        %dma_wait3A_252 = arith.constant 0 : i32
        %dma_wait3A_253 = tpu.memref_slice %arg5[%run_scoped3A_232, %run_scoped3A_233, %dma_wait3A_252] : memref<8x2x128xi32, #tpu.memory_space<vmem>> -> memref<1x1x128xi32, #tpu.memory_space<vmem>>
        %dma_wait3A_254 = tpu.memref_squeeze %dma_wait3A_253 : memref<1x1x128xi32, #tpu.memory_space<vmem>> -> memref<128xi32, #tpu.memory_space<vmem>>
        %dma_wait3A_255 = arith.constant 0 : i32
        %dma_wait3A_256 = tpu.memref_slice %arg9[%dma_wait3A_255] : memref<10240xf32, #tpu.memory_space<vmem_shared>> -> memref<10240xf32, #tpu.memory_space<vmem_shared>>
        tpu.wait_indirect_dma semaphore(%run_scoped3A_246 : memref<!tpu.dma_semaphore, #tpu.memory_space<semaphore_mem>>) src(%arg6 : memref<128xf32, #tpu.memory_space<vmem>>) dst(%dma_wait3A_256 : memref<10240xf32, #tpu.memory_space<vmem_shared>>)
        tpu.yield
      }) : () -> ()
      %add3A_234 = arith.constant 3 : i32
      %add3A_235 = arith.addi %mul3A_135, %add3A_234 : i32
      %dma_start3A_236 = arith.constant 0 : i32
      %dma_start3A_237 = arith.constant 0 : i32
      %dma_start3A_238 = arith.constant 0 : i32
      %dma_start3A_239 = tpu.memref_slice %arg2[%add3A, %add3A_235, %dma_start3A_236, %dma_start3A_237, %dma_start3A_238] : memref<32x10x8x2x128xi32, #tpu.memory_space<hbm>> -> memref<1x1x8x2x128xi32, #tpu.memory_space<hbm>>
      %dma_start3A_240 = tpu.memref_squeeze %dma_start3A_239 : memref<1x1x8x2x128xi32, #tpu.memory_space<hbm>> -> memref<8x2x128xi32, #tpu.memory_space<hbm>>
      %dma_start3A_241 = arith.constant 0 : i32
      %dma_start3A_242 = arith.constant 0 : i32
      %dma_start3A_243 = arith.constant 0 : i32
      %dma_start3A_244 = tpu.memref_slice %arg2[%add3A, %add3A_235, %dma_start3A_241, %dma_start3A_242, %dma_start3A_243] : memref<32x10x8x2x128xi32, #tpu.memory_space<hbm>> -> memref<1x1x8x2x128xi32, #tpu.memory_space<hbm>>
      %dma_start3A_245 = tpu.memref_squeeze %dma_start3A_244 : memref<1x1x8x2x128xi32, #tpu.memory_space<hbm>> -> memref<8x2x128xi32, #tpu.memory_space<hbm>>
      tpu.enqueue_dma source(%dma_start3A_245 : memref<8x2x128xi32, #tpu.memory_space<hbm>>) target(%arg5 : memref<8x2x128xi32, #tpu.memory_space<vmem>>) target_semaphore(%arg11 : memref<!tpu.dma_semaphore, #tpu.memory_space<semaphore_mem>>)
    }
    %scan3A_39 = arith.constant 4 : i32
    %dma_wait3A = arith.constant 8 : i32
    %dma_wait3A_40 = arith.constant 0 : i32
    %dma_wait3A_41 = arith.constant 0 : i32
    %dma_wait3A_42 = arith.constant 0 : i32
    %dma_wait3A_43 = tpu.memref_slice %arg2[%add3A, %dma_wait3A, %dma_wait3A_40, %dma_wait3A_41, %dma_wait3A_42] : memref<32x10x8x2x128xi32, #tpu.memory_space<hbm>> -> memref<1x1x8x2x128xi32, #tpu.memory_space<hbm>>
    %dma_wait3A_44 = tpu.memref_squeeze %dma_wait3A_43 : memref<1x1x8x2x128xi32, #tpu.memory_space<hbm>> -> memref<8x2x128xi32, #tpu.memory_space<hbm>>
    %dma_wait3A_45 = arith.constant 0 : i32
    %dma_wait3A_46 = arith.constant 0 : i32
    %dma_wait3A_47 = arith.constant 0 : i32
    %dma_wait3A_48 = tpu.memref_slice %arg2[%add3A, %dma_wait3A, %dma_wait3A_45, %dma_wait3A_46, %dma_wait3A_47] : memref<32x10x8x2x128xi32, #tpu.memory_space<hbm>> -> memref<1x1x8x2x128xi32, #tpu.memory_space<hbm>>
    %dma_wait3A_49 = tpu.memref_squeeze %dma_wait3A_48 : memref<1x1x8x2x128xi32, #tpu.memory_space<hbm>> -> memref<8x2x128xi32, #tpu.memory_space<hbm>>
    tpu.wait_dma2 semaphore(%arg10 : memref<!tpu.dma_semaphore, #tpu.memory_space<semaphore_mem>>) src(%dma_wait3A_49 : memref<8x2x128xi32, #tpu.memory_space<hbm>>) dst(%arg4 : memref<8x2x128xi32, #tpu.memory_space<vmem>>)
    %run_scoped3A = arith.constant 0 : i32
    %run_scoped3A_50 = arith.constant 1 : i32
    "tpu.region"() ({
      %run_scoped3A_129 = tpu.sem_alloc : memref<!tpu.dma_semaphore, #tpu.memory_space<semaphore_mem>>
      %dma_start3A_130 = arith.constant 0 : i32
      %dma_start3A_131 = tpu.memref_slice %arg4[%run_scoped3A, %run_scoped3A_50, %dma_start3A_130] : memref<8x2x128xi32, #tpu.memory_space<vmem>> -> memref<1x1x128xi32, #tpu.memory_space<vmem>>
      %dma_start3A_132 = tpu.memref_squeeze %dma_start3A_131 : memref<1x1x128xi32, #tpu.memory_space<vmem>> -> memref<128xi32, #tpu.memory_space<vmem>>
      %dma_start3A_133 = arith.constant 0 : i32
      %dma_start3A_134 = tpu.memref_slice %arg8[%dma_start3A_133] : memref<10240xf32, #tpu.memory_space<vmem_shared>> -> memref<10240xf32, #tpu.memory_space<vmem_shared>>
      tpu.enqueue_indirect_dma source(%arg6 : memref<128xf32, #tpu.memory_space<vmem>>) target(%dma_start3A_134 : memref<10240xf32, #tpu.memory_space<vmem_shared>>) offsets(%dma_start3A_132 : memref<128xi32, #tpu.memory_space<vmem>>) semaphore(%run_scoped3A_129 : memref<!tpu.dma_semaphore, #tpu.memory_space<semaphore_mem>>) {add = true}
      %dma_wait3A_135 = arith.constant 0 : i32
      %dma_wait3A_136 = tpu.memref_slice %arg4[%run_scoped3A, %run_scoped3A_50, %dma_wait3A_135] : memref<8x2x128xi32, #tpu.memory_space<vmem>> -> memref<1x1x128xi32, #tpu.memory_space<vmem>>
      %dma_wait3A_137 = tpu.memref_squeeze %dma_wait3A_136 : memref<1x1x128xi32, #tpu.memory_space<vmem>> -> memref<128xi32, #tpu.memory_space<vmem>>
      %dma_wait3A_138 = arith.constant 0 : i32
      %dma_wait3A_139 = tpu.memref_slice %arg8[%dma_wait3A_138] : memref<10240xf32, #tpu.memory_space<vmem_shared>> -> memref<10240xf32, #tpu.memory_space<vmem_shared>>
      tpu.wait_indirect_dma semaphore(%run_scoped3A_129 : memref<!tpu.dma_semaphore, #tpu.memory_space<semaphore_mem>>) src(%arg6 : memref<128xf32, #tpu.memory_space<vmem>>) dst(%dma_wait3A_139 : memref<10240xf32, #tpu.memory_space<vmem_shared>>)
      tpu.yield
    }) : () -> ()
    %run_scoped3A_51 = arith.constant 0 : i32
    %run_scoped3A_52 = arith.constant 0 : i32
    "tpu.region"() ({
      %run_scoped3A_129 = tpu.sem_alloc : memref<!tpu.dma_semaphore, #tpu.memory_space<semaphore_mem>>
      %dma_start3A_130 = arith.constant 0 : i32
      %dma_start3A_131 = tpu.memref_slice %arg4[%run_scoped3A_51, %run_scoped3A_52, %dma_start3A_130] : memref<8x2x128xi32, #tpu.memory_space<vmem>> -> memref<1x1x128xi32, #tpu.memory_space<vmem>>
      %dma_start3A_132 = tpu.memref_squeeze %dma_start3A_131 : memref<1x1x128xi32, #tpu.memory_space<vmem>> -> memref<128xi32, #tpu.memory_space<vmem>>
      %dma_start3A_133 = arith.constant 0 : i32
      %dma_start3A_134 = tpu.memref_slice %arg9[%dma_start3A_133] : memref<10240xf32, #tpu.memory_space<vmem_shared>> -> memref<10240xf32, #tpu.memory_space<vmem_shared>>
      tpu.enqueue_indirect_dma source(%arg6 : memref<128xf32, #tpu.memory_space<vmem>>) target(%dma_start3A_134 : memref<10240xf32, #tpu.memory_space<vmem_shared>>) offsets(%dma_start3A_132 : memref<128xi32, #tpu.memory_space<vmem>>) semaphore(%run_scoped3A_129 : memref<!tpu.dma_semaphore, #tpu.memory_space<semaphore_mem>>) {add = true}
      %dma_wait3A_135 = arith.constant 0 : i32
      %dma_wait3A_136 = tpu.memref_slice %arg4[%run_scoped3A_51, %run_scoped3A_52, %dma_wait3A_135] : memref<8x2x128xi32, #tpu.memory_space<vmem>> -> memref<1x1x128xi32, #tpu.memory_space<vmem>>
      %dma_wait3A_137 = tpu.memref_squeeze %dma_wait3A_136 : memref<1x1x128xi32, #tpu.memory_space<vmem>> -> memref<128xi32, #tpu.memory_space<vmem>>
      %dma_wait3A_138 = arith.constant 0 : i32
      %dma_wait3A_139 = tpu.memref_slice %arg9[%dma_wait3A_138] : memref<10240xf32, #tpu.memory_space<vmem_shared>> -> memref<10240xf32, #tpu.memory_space<vmem_shared>>
      tpu.wait_indirect_dma semaphore(%run_scoped3A_129 : memref<!tpu.dma_semaphore, #tpu.memory_space<semaphore_mem>>) src(%arg6 : memref<128xf32, #tpu.memory_space<vmem>>) dst(%dma_wait3A_139 : memref<10240xf32, #tpu.memory_space<vmem_shared>>)
      tpu.yield
    }) : () -> ()
    %run_scoped3A_53 = arith.constant 1 : i32
    %run_scoped3A_54 = arith.constant 1 : i32
    "tpu.region"() ({
      %run_scoped3A_129 = tpu.sem_alloc : memref<!tpu.dma_semaphore, #tpu.memory_space<semaphore_mem>>
      %dma_start3A_130 = arith.constant 0 : i32
      %dma_start3A_131 = tpu.memref_slice %arg4[%run_scoped3A_53, %run_scoped3A_54, %dma_start3A_130] : memref<8x2x128xi32, #tpu.memory_space<vmem>> -> memref<1x1x128xi32, #tpu.memory_space<vmem>>
      %dma_start3A_132 = tpu.memref_squeeze %dma_start3A_131 : memref<1x1x128xi32, #tpu.memory_space<vmem>> -> memref<128xi32, #tpu.memory_space<vmem>>
      %dma_start3A_133 = arith.constant 0 : i32
      %dma_start3A_134 = tpu.memref_slice %arg8[%dma_start3A_133] : memref<10240xf32, #tpu.memory_space<vmem_shared>> -> memref<10240xf32, #tpu.memory_space<vmem_shared>>
      tpu.enqueue_indirect_dma source(%arg6 : memref<128xf32, #tpu.memory_space<vmem>>) target(%dma_start3A_134 : memref<10240xf32, #tpu.memory_space<vmem_shared>>) offsets(%dma_start3A_132 : memref<128xi32, #tpu.memory_space<vmem>>) semaphore(%run_scoped3A_129 : memref<!tpu.dma_semaphore, #tpu.memory_space<semaphore_mem>>) {add = true}
      %dma_wait3A_135 = arith.constant 0 : i32
      %dma_wait3A_136 = tpu.memref_slice %arg4[%run_scoped3A_53, %run_scoped3A_54, %dma_wait3A_135] : memref<8x2x128xi32, #tpu.memory_space<vmem>> -> memref<1x1x128xi32, #tpu.memory_space<vmem>>
      %dma_wait3A_137 = tpu.memref_squeeze %dma_wait3A_136 : memref<1x1x128xi32, #tpu.memory_space<vmem>> -> memref<128xi32, #tpu.memory_space<vmem>>
      %dma_wait3A_138 = arith.constant 0 : i32
      %dma_wait3A_139 = tpu.memref_slice %arg8[%dma_wait3A_138] : memref<10240xf32, #tpu.memory_space<vmem_shared>> -> memref<10240xf32, #tpu.memory_space<vmem_shared>>
      tpu.wait_indirect_dma semaphore(%run_scoped3A_129 : memref<!tpu.dma_semaphore, #tpu.memory_space<semaphore_mem>>) src(%arg6 : memref<128xf32, #tpu.memory_space<vmem>>) dst(%dma_wait3A_139 : memref<10240xf32, #tpu.memory_space<vmem_shared>>)
      tpu.yield
    }) : () -> ()
    %run_scoped3A_55 = arith.constant 1 : i32
    %run_scoped3A_56 = arith.constant 0 : i32
    "tpu.region"() ({
      %run_scoped3A_129 = tpu.sem_alloc : memref<!tpu.dma_semaphore, #tpu.memory_space<semaphore_mem>>
      %dma_start3A_130 = arith.constant 0 : i32
      %dma_start3A_131 = tpu.memref_slice %arg4[%run_scoped3A_55, %run_scoped3A_56, %dma_start3A_130] : memref<8x2x128xi32, #tpu.memory_space<vmem>> -> memref<1x1x128xi32, #tpu.memory_space<vmem>>
      %dma_start3A_132 = tpu.memref_squeeze %dma_start3A_131 : memref<1x1x128xi32, #tpu.memory_space<vmem>> -> memref<128xi32, #tpu.memory_space<vmem>>
      %dma_start3A_133 = arith.constant 0 : i32
      %dma_start3A_134 = tpu.memref_slice %arg9[%dma_start3A_133] : memref<10240xf32, #tpu.memory_space<vmem_shared>> -> memref<10240xf32, #tpu.memory_space<vmem_shared>>
      tpu.enqueue_indirect_dma source(%arg6 : memref<128xf32, #tpu.memory_space<vmem>>) target(%dma_start3A_134 : memref<10240xf32, #tpu.memory_space<vmem_shared>>) offsets(%dma_start3A_132 : memref<128xi32, #tpu.memory_space<vmem>>) semaphore(%run_scoped3A_129 : memref<!tpu.dma_semaphore, #tpu.memory_space<semaphore_mem>>) {add = true}
      %dma_wait3A_135 = arith.constant 0 : i32
      %dma_wait3A_136 = tpu.memref_slice %arg4[%run_scoped3A_55, %run_scoped3A_56, %dma_wait3A_135] : memref<8x2x128xi32, #tpu.memory_space<vmem>> -> memref<1x1x128xi32, #tpu.memory_space<vmem>>
      %dma_wait3A_137 = tpu.memref_squeeze %dma_wait3A_136 : memref<1x1x128xi32, #tpu.memory_space<vmem>> -> memref<128xi32, #tpu.memory_space<vmem>>
      %dma_wait3A_138 = arith.constant 0 : i32
      %dma_wait3A_139 = tpu.memref_slice %arg9[%dma_wait3A_138] : memref<10240xf32, #tpu.memory_space<vmem_shared>> -> memref<10240xf32, #tpu.memory_space<vmem_shared>>
      tpu.wait_indirect_dma semaphore(%run_scoped3A_129 : memref<!tpu.dma_semaphore, #tpu.memory_space<semaphore_mem>>) src(%arg6 : memref<128xf32, #tpu.memory_space<vmem>>) dst(%dma_wait3A_139 : memref<10240xf32, #tpu.memory_space<vmem_shared>>)
      tpu.yield
    }) : () -> ()
    %run_scoped3A_57 = arith.constant 2 : i32
    %run_scoped3A_58 = arith.constant 1 : i32
    "tpu.region"() ({
      %run_scoped3A_129 = tpu.sem_alloc : memref<!tpu.dma_semaphore, #tpu.memory_space<semaphore_mem>>
      %dma_start3A_130 = arith.constant 0 : i32
      %dma_start3A_131 = tpu.memref_slice %arg4[%run_scoped3A_57, %run_scoped3A_58, %dma_start3A_130] : memref<8x2x128xi32, #tpu.memory_space<vmem>> -> memref<1x1x128xi32, #tpu.memory_space<vmem>>
      %dma_start3A_132 = tpu.memref_squeeze %dma_start3A_131 : memref<1x1x128xi32, #tpu.memory_space<vmem>> -> memref<128xi32, #tpu.memory_space<vmem>>
      %dma_start3A_133 = arith.constant 0 : i32
      %dma_start3A_134 = tpu.memref_slice %arg8[%dma_start3A_133] : memref<10240xf32, #tpu.memory_space<vmem_shared>> -> memref<10240xf32, #tpu.memory_space<vmem_shared>>
      tpu.enqueue_indirect_dma source(%arg6 : memref<128xf32, #tpu.memory_space<vmem>>) target(%dma_start3A_134 : memref<10240xf32, #tpu.memory_space<vmem_shared>>) offsets(%dma_start3A_132 : memref<128xi32, #tpu.memory_space<vmem>>) semaphore(%run_scoped3A_129 : memref<!tpu.dma_semaphore, #tpu.memory_space<semaphore_mem>>) {add = true}
      %dma_wait3A_135 = arith.constant 0 : i32
      %dma_wait3A_136 = tpu.memref_slice %arg4[%run_scoped3A_57, %run_scoped3A_58, %dma_wait3A_135] : memref<8x2x128xi32, #tpu.memory_space<vmem>> -> memref<1x1x128xi32, #tpu.memory_space<vmem>>
      %dma_wait3A_137 = tpu.memref_squeeze %dma_wait3A_136 : memref<1x1x128xi32, #tpu.memory_space<vmem>> -> memref<128xi32, #tpu.memory_space<vmem>>
      %dma_wait3A_138 = arith.constant 0 : i32
      %dma_wait3A_139 = tpu.memref_slice %arg8[%dma_wait3A_138] : memref<10240xf32, #tpu.memory_space<vmem_shared>> -> memref<10240xf32, #tpu.memory_space<vmem_shared>>
      tpu.wait_indirect_dma semaphore(%run_scoped3A_129 : memref<!tpu.dma_semaphore, #tpu.memory_space<semaphore_mem>>) src(%arg6 : memref<128xf32, #tpu.memory_space<vmem>>) dst(%dma_wait3A_139 : memref<10240xf32, #tpu.memory_space<vmem_shared>>)
      tpu.yield
    }) : () -> ()
    %run_scoped3A_59 = arith.constant 2 : i32
    %run_scoped3A_60 = arith.constant 0 : i32
    "tpu.region"() ({
      %run_scoped3A_129 = tpu.sem_alloc : memref<!tpu.dma_semaphore, #tpu.memory_space<semaphore_mem>>
      %dma_start3A_130 = arith.constant 0 : i32
      %dma_start3A_131 = tpu.memref_slice %arg4[%run_scoped3A_59, %run_scoped3A_60, %dma_start3A_130] : memref<8x2x128xi32, #tpu.memory_space<vmem>> -> memref<1x1x128xi32, #tpu.memory_space<vmem>>
      %dma_start3A_132 = tpu.memref_squeeze %dma_start3A_131 : memref<1x1x128xi32, #tpu.memory_space<vmem>> -> memref<128xi32, #tpu.memory_space<vmem>>
      %dma_start3A_133 = arith.constant 0 : i32
      %dma_start3A_134 = tpu.memref_slice %arg9[%dma_start3A_133] : memref<10240xf32, #tpu.memory_space<vmem_shared>> -> memref<10240xf32, #tpu.memory_space<vmem_shared>>
      tpu.enqueue_indirect_dma source(%arg6 : memref<128xf32, #tpu.memory_space<vmem>>) target(%dma_start3A_134 : memref<10240xf32, #tpu.memory_space<vmem_shared>>) offsets(%dma_start3A_132 : memref<128xi32, #tpu.memory_space<vmem>>) semaphore(%run_scoped3A_129 : memref<!tpu.dma_semaphore, #tpu.memory_space<semaphore_mem>>) {add = true}
      %dma_wait3A_135 = arith.constant 0 : i32
      %dma_wait3A_136 = tpu.memref_slice %arg4[%run_scoped3A_59, %run_scoped3A_60, %dma_wait3A_135] : memref<8x2x128xi32, #tpu.memory_space<vmem>> -> memref<1x1x128xi32, #tpu.memory_space<vmem>>
      %dma_wait3A_137 = tpu.memref_squeeze %dma_wait3A_136 : memref<1x1x128xi32, #tpu.memory_space<vmem>> -> memref<128xi32, #tpu.memory_space<vmem>>
      %dma_wait3A_138 = arith.constant 0 : i32
      %dma_wait3A_139 = tpu.memref_slice %arg9[%dma_wait3A_138] : memref<10240xf32, #tpu.memory_space<vmem_shared>> -> memref<10240xf32, #tpu.memory_space<vmem_shared>>
      tpu.wait_indirect_dma semaphore(%run_scoped3A_129 : memref<!tpu.dma_semaphore, #tpu.memory_space<semaphore_mem>>) src(%arg6 : memref<128xf32, #tpu.memory_space<vmem>>) dst(%dma_wait3A_139 : memref<10240xf32, #tpu.memory_space<vmem_shared>>)
      tpu.yield
    }) : () -> ()
    %run_scoped3A_61 = arith.constant 3 : i32
    %run_scoped3A_62 = arith.constant 1 : i32
    "tpu.region"() ({
      %run_scoped3A_129 = tpu.sem_alloc : memref<!tpu.dma_semaphore, #tpu.memory_space<semaphore_mem>>
      %dma_start3A_130 = arith.constant 0 : i32
      %dma_start3A_131 = tpu.memref_slice %arg4[%run_scoped3A_61, %run_scoped3A_62, %dma_start3A_130] : memref<8x2x128xi32, #tpu.memory_space<vmem>> -> memref<1x1x128xi32, #tpu.memory_space<vmem>>
      %dma_start3A_132 = tpu.memref_squeeze %dma_start3A_131 : memref<1x1x128xi32, #tpu.memory_space<vmem>> -> memref<128xi32, #tpu.memory_space<vmem>>
      %dma_start3A_133 = arith.constant 0 : i32
      %dma_start3A_134 = tpu.memref_slice %arg8[%dma_start3A_133] : memref<10240xf32, #tpu.memory_space<vmem_shared>> -> memref<10240xf32, #tpu.memory_space<vmem_shared>>
      tpu.enqueue_indirect_dma source(%arg6 : memref<128xf32, #tpu.memory_space<vmem>>) target(%dma_start3A_134 : memref<10240xf32, #tpu.memory_space<vmem_shared>>) offsets(%dma_start3A_132 : memref<128xi32, #tpu.memory_space<vmem>>) semaphore(%run_scoped3A_129 : memref<!tpu.dma_semaphore, #tpu.memory_space<semaphore_mem>>) {add = true}
      %dma_wait3A_135 = arith.constant 0 : i32
      %dma_wait3A_136 = tpu.memref_slice %arg4[%run_scoped3A_61, %run_scoped3A_62, %dma_wait3A_135] : memref<8x2x128xi32, #tpu.memory_space<vmem>> -> memref<1x1x128xi32, #tpu.memory_space<vmem>>
      %dma_wait3A_137 = tpu.memref_squeeze %dma_wait3A_136 : memref<1x1x128xi32, #tpu.memory_space<vmem>> -> memref<128xi32, #tpu.memory_space<vmem>>
      %dma_wait3A_138 = arith.constant 0 : i32
      %dma_wait3A_139 = tpu.memref_slice %arg8[%dma_wait3A_138] : memref<10240xf32, #tpu.memory_space<vmem_shared>> -> memref<10240xf32, #tpu.memory_space<vmem_shared>>
      tpu.wait_indirect_dma semaphore(%run_scoped3A_129 : memref<!tpu.dma_semaphore, #tpu.memory_space<semaphore_mem>>) src(%arg6 : memref<128xf32, #tpu.memory_space<vmem>>) dst(%dma_wait3A_139 : memref<10240xf32, #tpu.memory_space<vmem_shared>>)
      tpu.yield
    }) : () -> ()
    %run_scoped3A_63 = arith.constant 3 : i32
    %run_scoped3A_64 = arith.constant 0 : i32
    "tpu.region"() ({
      %run_scoped3A_129 = tpu.sem_alloc : memref<!tpu.dma_semaphore, #tpu.memory_space<semaphore_mem>>
      %dma_start3A_130 = arith.constant 0 : i32
      %dma_start3A_131 = tpu.memref_slice %arg4[%run_scoped3A_63, %run_scoped3A_64, %dma_start3A_130] : memref<8x2x128xi32, #tpu.memory_space<vmem>> -> memref<1x1x128xi32, #tpu.memory_space<vmem>>
      %dma_start3A_132 = tpu.memref_squeeze %dma_start3A_131 : memref<1x1x128xi32, #tpu.memory_space<vmem>> -> memref<128xi32, #tpu.memory_space<vmem>>
      %dma_start3A_133 = arith.constant 0 : i32
      %dma_start3A_134 = tpu.memref_slice %arg9[%dma_start3A_133] : memref<10240xf32, #tpu.memory_space<vmem_shared>> -> memref<10240xf32, #tpu.memory_space<vmem_shared>>
      tpu.enqueue_indirect_dma source(%arg6 : memref<128xf32, #tpu.memory_space<vmem>>) target(%dma_start3A_134 : memref<10240xf32, #tpu.memory_space<vmem_shared>>) offsets(%dma_start3A_132 : memref<128xi32, #tpu.memory_space<vmem>>) semaphore(%run_scoped3A_129 : memref<!tpu.dma_semaphore, #tpu.memory_space<semaphore_mem>>) {add = true}
      %dma_wait3A_135 = arith.constant 0 : i32
      %dma_wait3A_136 = tpu.memref_slice %arg4[%run_scoped3A_63, %run_scoped3A_64, %dma_wait3A_135] : memref<8x2x128xi32, #tpu.memory_space<vmem>> -> memref<1x1x128xi32, #tpu.memory_space<vmem>>
      %dma_wait3A_137 = tpu.memref_squeeze %dma_wait3A_136 : memref<1x1x128xi32, #tpu.memory_space<vmem>> -> memref<128xi32, #tpu.memory_space<vmem>>
      %dma_wait3A_138 = arith.constant 0 : i32
      %dma_wait3A_139 = tpu.memref_slice %arg9[%dma_wait3A_138] : memref<10240xf32, #tpu.memory_space<vmem_shared>> -> memref<10240xf32, #tpu.memory_space<vmem_shared>>
      tpu.wait_indirect_dma semaphore(%run_scoped3A_129 : memref<!tpu.dma_semaphore, #tpu.memory_space<semaphore_mem>>) src(%arg6 : memref<128xf32, #tpu.memory_space<vmem>>) dst(%dma_wait3A_139 : memref<10240xf32, #tpu.memory_space<vmem_shared>>)
      tpu.yield
    }) : () -> ()
    %run_scoped3A_65 = arith.constant 4 : i32
    %run_scoped3A_66 = arith.constant 1 : i32
    "tpu.region"() ({
      %run_scoped3A_129 = tpu.sem_alloc : memref<!tpu.dma_semaphore, #tpu.memory_space<semaphore_mem>>
      %dma_start3A_130 = arith.constant 0 : i32
      %dma_start3A_131 = tpu.memref_slice %arg4[%run_scoped3A_65, %run_scoped3A_66, %dma_start3A_130] : memref<8x2x128xi32, #tpu.memory_space<vmem>> -> memref<1x1x128xi32, #tpu.memory_space<vmem>>
      %dma_start3A_132 = tpu.memref_squeeze %dma_start3A_131 : memref<1x1x128xi32, #tpu.memory_space<vmem>> -> memref<128xi32, #tpu.memory_space<vmem>>
      %dma_start3A_133 = arith.constant 0 : i32
      %dma_start3A_134 = tpu.memref_slice %arg8[%dma_start3A_133] : memref<10240xf32, #tpu.memory_space<vmem_shared>> -> memref<10240xf32, #tpu.memory_space<vmem_shared>>
      tpu.enqueue_indirect_dma source(%arg6 : memref<128xf32, #tpu.memory_space<vmem>>) target(%dma_start3A_134 : memref<10240xf32, #tpu.memory_space<vmem_shared>>) offsets(%dma_start3A_132 : memref<128xi32, #tpu.memory_space<vmem>>) semaphore(%run_scoped3A_129 : memref<!tpu.dma_semaphore, #tpu.memory_space<semaphore_mem>>) {add = true}
      %dma_wait3A_135 = arith.constant 0 : i32
      %dma_wait3A_136 = tpu.memref_slice %arg4[%run_scoped3A_65, %run_scoped3A_66, %dma_wait3A_135] : memref<8x2x128xi32, #tpu.memory_space<vmem>> -> memref<1x1x128xi32, #tpu.memory_space<vmem>>
      %dma_wait3A_137 = tpu.memref_squeeze %dma_wait3A_136 : memref<1x1x128xi32, #tpu.memory_space<vmem>> -> memref<128xi32, #tpu.memory_space<vmem>>
      %dma_wait3A_138 = arith.constant 0 : i32
      %dma_wait3A_139 = tpu.memref_slice %arg8[%dma_wait3A_138] : memref<10240xf32, #tpu.memory_space<vmem_shared>> -> memref<10240xf32, #tpu.memory_space<vmem_shared>>
      tpu.wait_indirect_dma semaphore(%run_scoped3A_129 : memref<!tpu.dma_semaphore, #tpu.memory_space<semaphore_mem>>) src(%arg6 : memref<128xf32, #tpu.memory_space<vmem>>) dst(%dma_wait3A_139 : memref<10240xf32, #tpu.memory_space<vmem_shared>>)
      tpu.yield
    }) : () -> ()
    %run_scoped3A_67 = arith.constant 4 : i32
    %run_scoped3A_68 = arith.constant 0 : i32
    "tpu.region"() ({
      %run_scoped3A_129 = tpu.sem_alloc : memref<!tpu.dma_semaphore, #tpu.memory_space<semaphore_mem>>
      %dma_start3A_130 = arith.constant 0 : i32
      %dma_start3A_131 = tpu.memref_slice %arg4[%run_scoped3A_67, %run_scoped3A_68, %dma_start3A_130] : memref<8x2x128xi32, #tpu.memory_space<vmem>> -> memref<1x1x128xi32, #tpu.memory_space<vmem>>
      %dma_start3A_132 = tpu.memref_squeeze %dma_start3A_131 : memref<1x1x128xi32, #tpu.memory_space<vmem>> -> memref<128xi32, #tpu.memory_space<vmem>>
      %dma_start3A_133 = arith.constant 0 : i32
      %dma_start3A_134 = tpu.memref_slice %arg9[%dma_start3A_133] : memref<10240xf32, #tpu.memory_space<vmem_shared>> -> memref<10240xf32, #tpu.memory_space<vmem_shared>>
      tpu.enqueue_indirect_dma source(%arg6 : memref<128xf32, #tpu.memory_space<vmem>>) target(%dma_start3A_134 : memref<10240xf32, #tpu.memory_space<vmem_shared>>) offsets(%dma_start3A_132 : memref<128xi32, #tpu.memory_space<vmem>>) semaphore(%run_scoped3A_129 : memref<!tpu.dma_semaphore, #tpu.memory_space<semaphore_mem>>) {add = true}
      %dma_wait3A_135 = arith.constant 0 : i32
      %dma_wait3A_136 = tpu.memref_slice %arg4[%run_scoped3A_67, %run_scoped3A_68, %dma_wait3A_135] : memref<8x2x128xi32, #tpu.memory_space<vmem>> -> memref<1x1x128xi32, #tpu.memory_space<vmem>>
      %dma_wait3A_137 = tpu.memref_squeeze %dma_wait3A_136 : memref<1x1x128xi32, #tpu.memory_space<vmem>> -> memref<128xi32, #tpu.memory_space<vmem>>
      %dma_wait3A_138 = arith.constant 0 : i32
      %dma_wait3A_139 = tpu.memref_slice %arg9[%dma_wait3A_138] : memref<10240xf32, #tpu.memory_space<vmem_shared>> -> memref<10240xf32, #tpu.memory_space<vmem_shared>>
      tpu.wait_indirect_dma semaphore(%run_scoped3A_129 : memref<!tpu.dma_semaphore, #tpu.memory_space<semaphore_mem>>) src(%arg6 : memref<128xf32, #tpu.memory_space<vmem>>) dst(%dma_wait3A_139 : memref<10240xf32, #tpu.memory_space<vmem_shared>>)
      tpu.yield
    }) : () -> ()
    %run_scoped3A_69 = arith.constant 5 : i32
    %run_scoped3A_70 = arith.constant 1 : i32
    "tpu.region"() ({
      %run_scoped3A_129 = tpu.sem_alloc : memref<!tpu.dma_semaphore, #tpu.memory_space<semaphore_mem>>
      %dma_start3A_130 = arith.constant 0 : i32
      %dma_start3A_131 = tpu.memref_slice %arg4[%run_scoped3A_69, %run_scoped3A_70, %dma_start3A_130] : memref<8x2x128xi32, #tpu.memory_space<vmem>> -> memref<1x1x128xi32, #tpu.memory_space<vmem>>
      %dma_start3A_132 = tpu.memref_squeeze %dma_start3A_131 : memref<1x1x128xi32, #tpu.memory_space<vmem>> -> memref<128xi32, #tpu.memory_space<vmem>>
      %dma_start3A_133 = arith.constant 0 : i32
      %dma_start3A_134 = tpu.memref_slice %arg8[%dma_start3A_133] : memref<10240xf32, #tpu.memory_space<vmem_shared>> -> memref<10240xf32, #tpu.memory_space<vmem_shared>>
      tpu.enqueue_indirect_dma source(%arg6 : memref<128xf32, #tpu.memory_space<vmem>>) target(%dma_start3A_134 : memref<10240xf32, #tpu.memory_space<vmem_shared>>) offsets(%dma_start3A_132 : memref<128xi32, #tpu.memory_space<vmem>>) semaphore(%run_scoped3A_129 : memref<!tpu.dma_semaphore, #tpu.memory_space<semaphore_mem>>) {add = true}
      %dma_wait3A_135 = arith.constant 0 : i32
      %dma_wait3A_136 = tpu.memref_slice %arg4[%run_scoped3A_69, %run_scoped3A_70, %dma_wait3A_135] : memref<8x2x128xi32, #tpu.memory_space<vmem>> -> memref<1x1x128xi32, #tpu.memory_space<vmem>>
      %dma_wait3A_137 = tpu.memref_squeeze %dma_wait3A_136 : memref<1x1x128xi32, #tpu.memory_space<vmem>> -> memref<128xi32, #tpu.memory_space<vmem>>
      %dma_wait3A_138 = arith.constant 0 : i32
      %dma_wait3A_139 = tpu.memref_slice %arg8[%dma_wait3A_138] : memref<10240xf32, #tpu.memory_space<vmem_shared>> -> memref<10240xf32, #tpu.memory_space<vmem_shared>>
      tpu.wait_indirect_dma semaphore(%run_scoped3A_129 : memref<!tpu.dma_semaphore, #tpu.memory_space<semaphore_mem>>) src(%arg6 : memref<128xf32, #tpu.memory_space<vmem>>) dst(%dma_wait3A_139 : memref<10240xf32, #tpu.memory_space<vmem_shared>>)
      tpu.yield
    }) : () -> ()
    %run_scoped3A_71 = arith.constant 5 : i32
    %run_scoped3A_72 = arith.constant 0 : i32
    "tpu.region"() ({
      %run_scoped3A_129 = tpu.sem_alloc : memref<!tpu.dma_semaphore, #tpu.memory_space<semaphore_mem>>
      %dma_start3A_130 = arith.constant 0 : i32
      %dma_start3A_131 = tpu.memref_slice %arg4[%run_scoped3A_71, %run_scoped3A_72, %dma_start3A_130] : memref<8x2x128xi32, #tpu.memory_space<vmem>> -> memref<1x1x128xi32, #tpu.memory_space<vmem>>
      %dma_start3A_132 = tpu.memref_squeeze %dma_start3A_131 : memref<1x1x128xi32, #tpu.memory_space<vmem>> -> memref<128xi32, #tpu.memory_space<vmem>>
      %dma_start3A_133 = arith.constant 0 : i32
      %dma_start3A_134 = tpu.memref_slice %arg9[%dma_start3A_133] : memref<10240xf32, #tpu.memory_space<vmem_shared>> -> memref<10240xf32, #tpu.memory_space<vmem_shared>>
      tpu.enqueue_indirect_dma source(%arg6 : memref<128xf32, #tpu.memory_space<vmem>>) target(%dma_start3A_134 : memref<10240xf32, #tpu.memory_space<vmem_shared>>) offsets(%dma_start3A_132 : memref<128xi32, #tpu.memory_space<vmem>>) semaphore(%run_scoped3A_129 : memref<!tpu.dma_semaphore, #tpu.memory_space<semaphore_mem>>) {add = true}
      %dma_wait3A_135 = arith.constant 0 : i32
      %dma_wait3A_136 = tpu.memref_slice %arg4[%run_scoped3A_71, %run_scoped3A_72, %dma_wait3A_135] : memref<8x2x128xi32, #tpu.memory_space<vmem>> -> memref<1x1x128xi32, #tpu.memory_space<vmem>>
      %dma_wait3A_137 = tpu.memref_squeeze %dma_wait3A_136 : memref<1x1x128xi32, #tpu.memory_space<vmem>> -> memref<128xi32, #tpu.memory_space<vmem>>
      %dma_wait3A_138 = arith.constant 0 : i32
      %dma_wait3A_139 = tpu.memref_slice %arg9[%dma_wait3A_138] : memref<10240xf32, #tpu.memory_space<vmem_shared>> -> memref<10240xf32, #tpu.memory_space<vmem_shared>>
      tpu.wait_indirect_dma semaphore(%run_scoped3A_129 : memref<!tpu.dma_semaphore, #tpu.memory_space<semaphore_mem>>) src(%arg6 : memref<128xf32, #tpu.memory_space<vmem>>) dst(%dma_wait3A_139 : memref<10240xf32, #tpu.memory_space<vmem_shared>>)
      tpu.yield
    }) : () -> ()
    %run_scoped3A_73 = arith.constant 6 : i32
    %run_scoped3A_74 = arith.constant 1 : i32
    "tpu.region"() ({
      %run_scoped3A_129 = tpu.sem_alloc : memref<!tpu.dma_semaphore, #tpu.memory_space<semaphore_mem>>
      %dma_start3A_130 = arith.constant 0 : i32
      %dma_start3A_131 = tpu.memref_slice %arg4[%run_scoped3A_73, %run_scoped3A_74, %dma_start3A_130] : memref<8x2x128xi32, #tpu.memory_space<vmem>> -> memref<1x1x128xi32, #tpu.memory_space<vmem>>
      %dma_start3A_132 = tpu.memref_squeeze %dma_start3A_131 : memref<1x1x128xi32, #tpu.memory_space<vmem>> -> memref<128xi32, #tpu.memory_space<vmem>>
      %dma_start3A_133 = arith.constant 0 : i32
      %dma_start3A_134 = tpu.memref_slice %arg8[%dma_start3A_133] : memref<10240xf32, #tpu.memory_space<vmem_shared>> -> memref<10240xf32, #tpu.memory_space<vmem_shared>>
      tpu.enqueue_indirect_dma source(%arg6 : memref<128xf32, #tpu.memory_space<vmem>>) target(%dma_start3A_134 : memref<10240xf32, #tpu.memory_space<vmem_shared>>) offsets(%dma_start3A_132 : memref<128xi32, #tpu.memory_space<vmem>>) semaphore(%run_scoped3A_129 : memref<!tpu.dma_semaphore, #tpu.memory_space<semaphore_mem>>) {add = true}
      %dma_wait3A_135 = arith.constant 0 : i32
      %dma_wait3A_136 = tpu.memref_slice %arg4[%run_scoped3A_73, %run_scoped3A_74, %dma_wait3A_135] : memref<8x2x128xi32, #tpu.memory_space<vmem>> -> memref<1x1x128xi32, #tpu.memory_space<vmem>>
      %dma_wait3A_137 = tpu.memref_squeeze %dma_wait3A_136 : memref<1x1x128xi32, #tpu.memory_space<vmem>> -> memref<128xi32, #tpu.memory_space<vmem>>
      %dma_wait3A_138 = arith.constant 0 : i32
      %dma_wait3A_139 = tpu.memref_slice %arg8[%dma_wait3A_138] : memref<10240xf32, #tpu.memory_space<vmem_shared>> -> memref<10240xf32, #tpu.memory_space<vmem_shared>>
      tpu.wait_indirect_dma semaphore(%run_scoped3A_129 : memref<!tpu.dma_semaphore, #tpu.memory_space<semaphore_mem>>) src(%arg6 : memref<128xf32, #tpu.memory_space<vmem>>) dst(%dma_wait3A_139 : memref<10240xf32, #tpu.memory_space<vmem_shared>>)
      tpu.yield
    }) : () -> ()
    %run_scoped3A_75 = arith.constant 6 : i32
    %run_scoped3A_76 = arith.constant 0 : i32
    "tpu.region"() ({
      %run_scoped3A_129 = tpu.sem_alloc : memref<!tpu.dma_semaphore, #tpu.memory_space<semaphore_mem>>
      %dma_start3A_130 = arith.constant 0 : i32
      %dma_start3A_131 = tpu.memref_slice %arg4[%run_scoped3A_75, %run_scoped3A_76, %dma_start3A_130] : memref<8x2x128xi32, #tpu.memory_space<vmem>> -> memref<1x1x128xi32, #tpu.memory_space<vmem>>
      %dma_start3A_132 = tpu.memref_squeeze %dma_start3A_131 : memref<1x1x128xi32, #tpu.memory_space<vmem>> -> memref<128xi32, #tpu.memory_space<vmem>>
      %dma_start3A_133 = arith.constant 0 : i32
      %dma_start3A_134 = tpu.memref_slice %arg9[%dma_start3A_133] : memref<10240xf32, #tpu.memory_space<vmem_shared>> -> memref<10240xf32, #tpu.memory_space<vmem_shared>>
      tpu.enqueue_indirect_dma source(%arg6 : memref<128xf32, #tpu.memory_space<vmem>>) target(%dma_start3A_134 : memref<10240xf32, #tpu.memory_space<vmem_shared>>) offsets(%dma_start3A_132 : memref<128xi32, #tpu.memory_space<vmem>>) semaphore(%run_scoped3A_129 : memref<!tpu.dma_semaphore, #tpu.memory_space<semaphore_mem>>) {add = true}
      %dma_wait3A_135 = arith.constant 0 : i32
      %dma_wait3A_136 = tpu.memref_slice %arg4[%run_scoped3A_75, %run_scoped3A_76, %dma_wait3A_135] : memref<8x2x128xi32, #tpu.memory_space<vmem>> -> memref<1x1x128xi32, #tpu.memory_space<vmem>>
      %dma_wait3A_137 = tpu.memref_squeeze %dma_wait3A_136 : memref<1x1x128xi32, #tpu.memory_space<vmem>> -> memref<128xi32, #tpu.memory_space<vmem>>
      %dma_wait3A_138 = arith.constant 0 : i32
      %dma_wait3A_139 = tpu.memref_slice %arg9[%dma_wait3A_138] : memref<10240xf32, #tpu.memory_space<vmem_shared>> -> memref<10240xf32, #tpu.memory_space<vmem_shared>>
      tpu.wait_indirect_dma semaphore(%run_scoped3A_129 : memref<!tpu.dma_semaphore, #tpu.memory_space<semaphore_mem>>) src(%arg6 : memref<128xf32, #tpu.memory_space<vmem>>) dst(%dma_wait3A_139 : memref<10240xf32, #tpu.memory_space<vmem_shared>>)
      tpu.yield
    }) : () -> ()
    %run_scoped3A_77 = arith.constant 7 : i32
    %run_scoped3A_78 = arith.constant 1 : i32
    "tpu.region"() ({
      %run_scoped3A_129 = tpu.sem_alloc : memref<!tpu.dma_semaphore, #tpu.memory_space<semaphore_mem>>
      %dma_start3A_130 = arith.constant 0 : i32
      %dma_start3A_131 = tpu.memref_slice %arg4[%run_scoped3A_77, %run_scoped3A_78, %dma_start3A_130] : memref<8x2x128xi32, #tpu.memory_space<vmem>> -> memref<1x1x128xi32, #tpu.memory_space<vmem>>
      %dma_start3A_132 = tpu.memref_squeeze %dma_start3A_131 : memref<1x1x128xi32, #tpu.memory_space<vmem>> -> memref<128xi32, #tpu.memory_space<vmem>>
      %dma_start3A_133 = arith.constant 0 : i32
      %dma_start3A_134 = tpu.memref_slice %arg8[%dma_start3A_133] : memref<10240xf32, #tpu.memory_space<vmem_shared>> -> memref<10240xf32, #tpu.memory_space<vmem_shared>>
      tpu.enqueue_indirect_dma source(%arg6 : memref<128xf32, #tpu.memory_space<vmem>>) target(%dma_start3A_134 : memref<10240xf32, #tpu.memory_space<vmem_shared>>) offsets(%dma_start3A_132 : memref<128xi32, #tpu.memory_space<vmem>>) semaphore(%run_scoped3A_129 : memref<!tpu.dma_semaphore, #tpu.memory_space<semaphore_mem>>) {add = true}
      %dma_wait3A_135 = arith.constant 0 : i32
      %dma_wait3A_136 = tpu.memref_slice %arg4[%run_scoped3A_77, %run_scoped3A_78, %dma_wait3A_135] : memref<8x2x128xi32, #tpu.memory_space<vmem>> -> memref<1x1x128xi32, #tpu.memory_space<vmem>>
      %dma_wait3A_137 = tpu.memref_squeeze %dma_wait3A_136 : memref<1x1x128xi32, #tpu.memory_space<vmem>> -> memref<128xi32, #tpu.memory_space<vmem>>
      %dma_wait3A_138 = arith.constant 0 : i32
      %dma_wait3A_139 = tpu.memref_slice %arg8[%dma_wait3A_138] : memref<10240xf32, #tpu.memory_space<vmem_shared>> -> memref<10240xf32, #tpu.memory_space<vmem_shared>>
      tpu.wait_indirect_dma semaphore(%run_scoped3A_129 : memref<!tpu.dma_semaphore, #tpu.memory_space<semaphore_mem>>) src(%arg6 : memref<128xf32, #tpu.memory_space<vmem>>) dst(%dma_wait3A_139 : memref<10240xf32, #tpu.memory_space<vmem_shared>>)
      tpu.yield
    }) : () -> ()
    %run_scoped3A_79 = arith.constant 7 : i32
    %run_scoped3A_80 = arith.constant 0 : i32
    "tpu.region"() ({
      %run_scoped3A_129 = tpu.sem_alloc : memref<!tpu.dma_semaphore, #tpu.memory_space<semaphore_mem>>
      %dma_start3A_130 = arith.constant 0 : i32
      %dma_start3A_131 = tpu.memref_slice %arg4[%run_scoped3A_79, %run_scoped3A_80, %dma_start3A_130] : memref<8x2x128xi32, #tpu.memory_space<vmem>> -> memref<1x1x128xi32, #tpu.memory_space<vmem>>
      %dma_start3A_132 = tpu.memref_squeeze %dma_start3A_131 : memref<1x1x128xi32, #tpu.memory_space<vmem>> -> memref<128xi32, #tpu.memory_space<vmem>>
      %dma_start3A_133 = arith.constant 0 : i32
      %dma_start3A_134 = tpu.memref_slice %arg9[%dma_start3A_133] : memref<10240xf32, #tpu.memory_space<vmem_shared>> -> memref<10240xf32, #tpu.memory_space<vmem_shared>>
      tpu.enqueue_indirect_dma source(%arg6 : memref<128xf32, #tpu.memory_space<vmem>>) target(%dma_start3A_134 : memref<10240xf32, #tpu.memory_space<vmem_shared>>) offsets(%dma_start3A_132 : memref<128xi32, #tpu.memory_space<vmem>>) semaphore(%run_scoped3A_129 : memref<!tpu.dma_semaphore, #tpu.memory_space<semaphore_mem>>) {add = true}
      %dma_wait3A_135 = arith.constant 0 : i32
      %dma_wait3A_136 = tpu.memref_slice %arg4[%run_scoped3A_79, %run_scoped3A_80, %dma_wait3A_135] : memref<8x2x128xi32, #tpu.memory_space<vmem>> -> memref<1x1x128xi32, #tpu.memory_space<vmem>>
      %dma_wait3A_137 = tpu.memref_squeeze %dma_wait3A_136 : memref<1x1x128xi32, #tpu.memory_space<vmem>> -> memref<128xi32, #tpu.memory_space<vmem>>
      %dma_wait3A_138 = arith.constant 0 : i32
      %dma_wait3A_139 = tpu.memref_slice %arg9[%dma_wait3A_138] : memref<10240xf32, #tpu.memory_space<vmem_shared>> -> memref<10240xf32, #tpu.memory_space<vmem_shared>>
      tpu.wait_indirect_dma semaphore(%run_scoped3A_129 : memref<!tpu.dma_semaphore, #tpu.memory_space<semaphore_mem>>) src(%arg6 : memref<128xf32, #tpu.memory_space<vmem>>) dst(%dma_wait3A_139 : memref<10240xf32, #tpu.memory_space<vmem_shared>>)
      tpu.yield
    }) : () -> ()
    %dma_wait3A_81 = arith.constant 9 : i32
    %dma_wait3A_82 = arith.constant 0 : i32
    %dma_wait3A_83 = arith.constant 0 : i32
    %dma_wait3A_84 = arith.constant 0 : i32
    %dma_wait3A_85 = tpu.memref_slice %arg2[%add3A, %dma_wait3A_81, %dma_wait3A_82, %dma_wait3A_83, %dma_wait3A_84] : memref<32x10x8x2x128xi32, #tpu.memory_space<hbm>> -> memref<1x1x8x2x128xi32, #tpu.memory_space<hbm>>
    %dma_wait3A_86 = tpu.memref_squeeze %dma_wait3A_85 : memref<1x1x8x2x128xi32, #tpu.memory_space<hbm>> -> memref<8x2x128xi32, #tpu.memory_space<hbm>>
    %dma_wait3A_87 = arith.constant 0 : i32
    %dma_wait3A_88 = arith.constant 0 : i32
    %dma_wait3A_89 = arith.constant 0 : i32
    %dma_wait3A_90 = tpu.memref_slice %arg2[%add3A, %dma_wait3A_81, %dma_wait3A_87, %dma_wait3A_88, %dma_wait3A_89] : memref<32x10x8x2x128xi32, #tpu.memory_space<hbm>> -> memref<1x1x8x2x128xi32, #tpu.memory_space<hbm>>
    %dma_wait3A_91 = tpu.memref_squeeze %dma_wait3A_90 : memref<1x1x8x2x128xi32, #tpu.memory_space<hbm>> -> memref<8x2x128xi32, #tpu.memory_space<hbm>>
    tpu.wait_dma2 semaphore(%arg11 : memref<!tpu.dma_semaphore, #tpu.memory_space<semaphore_mem>>) src(%dma_wait3A_91 : memref<8x2x128xi32, #tpu.memory_space<hbm>>) dst(%arg5 : memref<8x2x128xi32, #tpu.memory_space<vmem>>)
    %run_scoped3A_92 = arith.constant 0 : i32
    %run_scoped3A_93 = arith.constant 1 : i32
    "tpu.region"() ({
      %run_scoped3A_129 = tpu.sem_alloc : memref<!tpu.dma_semaphore, #tpu.memory_space<semaphore_mem>>
      %dma_start3A_130 = arith.constant 0 : i32
      %dma_start3A_131 = tpu.memref_slice %arg5[%run_scoped3A_92, %run_scoped3A_93, %dma_start3A_130] : memref<8x2x128xi32, #tpu.memory_space<vmem>> -> memref<1x1x128xi32, #tpu.memory_space<vmem>>
      %dma_start3A_132 = tpu.memref_squeeze %dma_start3A_131 : memref<1x1x128xi32, #tpu.memory_space<vmem>> -> memref<128xi32, #tpu.memory_space<vmem>>
      %dma_start3A_133 = arith.constant 0 : i32
      %dma_start3A_134 = tpu.memref_slice %arg8[%dma_start3A_133] : memref<10240xf32, #tpu.memory_space<vmem_shared>> -> memref<10240xf32, #tpu.memory_space<vmem_shared>>
      tpu.enqueue_indirect_dma source(%arg6 : memref<128xf32, #tpu.memory_space<vmem>>) target(%dma_start3A_134 : memref<10240xf32, #tpu.memory_space<vmem_shared>>) offsets(%dma_start3A_132 : memref<128xi32, #tpu.memory_space<vmem>>) semaphore(%run_scoped3A_129 : memref<!tpu.dma_semaphore, #tpu.memory_space<semaphore_mem>>) {add = true}
      %dma_wait3A_135 = arith.constant 0 : i32
      %dma_wait3A_136 = tpu.memref_slice %arg5[%run_scoped3A_92, %run_scoped3A_93, %dma_wait3A_135] : memref<8x2x128xi32, #tpu.memory_space<vmem>> -> memref<1x1x128xi32, #tpu.memory_space<vmem>>
      %dma_wait3A_137 = tpu.memref_squeeze %dma_wait3A_136 : memref<1x1x128xi32, #tpu.memory_space<vmem>> -> memref<128xi32, #tpu.memory_space<vmem>>
      %dma_wait3A_138 = arith.constant 0 : i32
      %dma_wait3A_139 = tpu.memref_slice %arg8[%dma_wait3A_138] : memref<10240xf32, #tpu.memory_space<vmem_shared>> -> memref<10240xf32, #tpu.memory_space<vmem_shared>>
      tpu.wait_indirect_dma semaphore(%run_scoped3A_129 : memref<!tpu.dma_semaphore, #tpu.memory_space<semaphore_mem>>) src(%arg6 : memref<128xf32, #tpu.memory_space<vmem>>) dst(%dma_wait3A_139 : memref<10240xf32, #tpu.memory_space<vmem_shared>>)
      tpu.yield
    }) : () -> ()
    %run_scoped3A_94 = arith.constant 0 : i32
    %run_scoped3A_95 = arith.constant 0 : i32
    "tpu.region"() ({
      %run_scoped3A_129 = tpu.sem_alloc : memref<!tpu.dma_semaphore, #tpu.memory_space<semaphore_mem>>
      %dma_start3A_130 = arith.constant 0 : i32
      %dma_start3A_131 = tpu.memref_slice %arg5[%run_scoped3A_94, %run_scoped3A_95, %dma_start3A_130] : memref<8x2x128xi32, #tpu.memory_space<vmem>> -> memref<1x1x128xi32, #tpu.memory_space<vmem>>
      %dma_start3A_132 = tpu.memref_squeeze %dma_start3A_131 : memref<1x1x128xi32, #tpu.memory_space<vmem>> -> memref<128xi32, #tpu.memory_space<vmem>>
      %dma_start3A_133 = arith.constant 0 : i32
      %dma_start3A_134 = tpu.memref_slice %arg9[%dma_start3A_133] : memref<10240xf32, #tpu.memory_space<vmem_shared>> -> memref<10240xf32, #tpu.memory_space<vmem_shared>>
      tpu.enqueue_indirect_dma source(%arg6 : memref<128xf32, #tpu.memory_space<vmem>>) target(%dma_start3A_134 : memref<10240xf32, #tpu.memory_space<vmem_shared>>) offsets(%dma_start3A_132 : memref<128xi32, #tpu.memory_space<vmem>>) semaphore(%run_scoped3A_129 : memref<!tpu.dma_semaphore, #tpu.memory_space<semaphore_mem>>) {add = true}
      %dma_wait3A_135 = arith.constant 0 : i32
      %dma_wait3A_136 = tpu.memref_slice %arg5[%run_scoped3A_94, %run_scoped3A_95, %dma_wait3A_135] : memref<8x2x128xi32, #tpu.memory_space<vmem>> -> memref<1x1x128xi32, #tpu.memory_space<vmem>>
      %dma_wait3A_137 = tpu.memref_squeeze %dma_wait3A_136 : memref<1x1x128xi32, #tpu.memory_space<vmem>> -> memref<128xi32, #tpu.memory_space<vmem>>
      %dma_wait3A_138 = arith.constant 0 : i32
      %dma_wait3A_139 = tpu.memref_slice %arg9[%dma_wait3A_138] : memref<10240xf32, #tpu.memory_space<vmem_shared>> -> memref<10240xf32, #tpu.memory_space<vmem_shared>>
      tpu.wait_indirect_dma semaphore(%run_scoped3A_129 : memref<!tpu.dma_semaphore, #tpu.memory_space<semaphore_mem>>) src(%arg6 : memref<128xf32, #tpu.memory_space<vmem>>) dst(%dma_wait3A_139 : memref<10240xf32, #tpu.memory_space<vmem_shared>>)
      tpu.yield
    }) : () -> ()
    %run_scoped3A_96 = arith.constant 1 : i32
    %run_scoped3A_97 = arith.constant 1 : i32
    "tpu.region"() ({
      %run_scoped3A_129 = tpu.sem_alloc : memref<!tpu.dma_semaphore, #tpu.memory_space<semaphore_mem>>
      %dma_start3A_130 = arith.constant 0 : i32
      %dma_start3A_131 = tpu.memref_slice %arg5[%run_scoped3A_96, %run_scoped3A_97, %dma_start3A_130] : memref<8x2x128xi32, #tpu.memory_space<vmem>> -> memref<1x1x128xi32, #tpu.memory_space<vmem>>
      %dma_start3A_132 = tpu.memref_squeeze %dma_start3A_131 : memref<1x1x128xi32, #tpu.memory_space<vmem>> -> memref<128xi32, #tpu.memory_space<vmem>>
      %dma_start3A_133 = arith.constant 0 : i32
      %dma_start3A_134 = tpu.memref_slice %arg8[%dma_start3A_133] : memref<10240xf32, #tpu.memory_space<vmem_shared>> -> memref<10240xf32, #tpu.memory_space<vmem_shared>>
      tpu.enqueue_indirect_dma source(%arg6 : memref<128xf32, #tpu.memory_space<vmem>>) target(%dma_start3A_134 : memref<10240xf32, #tpu.memory_space<vmem_shared>>) offsets(%dma_start3A_132 : memref<128xi32, #tpu.memory_space<vmem>>) semaphore(%run_scoped3A_129 : memref<!tpu.dma_semaphore, #tpu.memory_space<semaphore_mem>>) {add = true}
      %dma_wait3A_135 = arith.constant 0 : i32
      %dma_wait3A_136 = tpu.memref_slice %arg5[%run_scoped3A_96, %run_scoped3A_97, %dma_wait3A_135] : memref<8x2x128xi32, #tpu.memory_space<vmem>> -> memref<1x1x128xi32, #tpu.memory_space<vmem>>
      %dma_wait3A_137 = tpu.memref_squeeze %dma_wait3A_136 : memref<1x1x128xi32, #tpu.memory_space<vmem>> -> memref<128xi32, #tpu.memory_space<vmem>>
      %dma_wait3A_138 = arith.constant 0 : i32
      %dma_wait3A_139 = tpu.memref_slice %arg8[%dma_wait3A_138] : memref<10240xf32, #tpu.memory_space<vmem_shared>> -> memref<10240xf32, #tpu.memory_space<vmem_shared>>
      tpu.wait_indirect_dma semaphore(%run_scoped3A_129 : memref<!tpu.dma_semaphore, #tpu.memory_space<semaphore_mem>>) src(%arg6 : memref<128xf32, #tpu.memory_space<vmem>>) dst(%dma_wait3A_139 : memref<10240xf32, #tpu.memory_space<vmem_shared>>)
      tpu.yield
    }) : () -> ()
    %run_scoped3A_98 = arith.constant 1 : i32
    %run_scoped3A_99 = arith.constant 0 : i32
    "tpu.region"() ({
      %run_scoped3A_129 = tpu.sem_alloc : memref<!tpu.dma_semaphore, #tpu.memory_space<semaphore_mem>>
      %dma_start3A_130 = arith.constant 0 : i32
      %dma_start3A_131 = tpu.memref_slice %arg5[%run_scoped3A_98, %run_scoped3A_99, %dma_start3A_130] : memref<8x2x128xi32, #tpu.memory_space<vmem>> -> memref<1x1x128xi32, #tpu.memory_space<vmem>>
      %dma_start3A_132 = tpu.memref_squeeze %dma_start3A_131 : memref<1x1x128xi32, #tpu.memory_space<vmem>> -> memref<128xi32, #tpu.memory_space<vmem>>
      %dma_start3A_133 = arith.constant 0 : i32
      %dma_start3A_134 = tpu.memref_slice %arg9[%dma_start3A_133] : memref<10240xf32, #tpu.memory_space<vmem_shared>> -> memref<10240xf32, #tpu.memory_space<vmem_shared>>
      tpu.enqueue_indirect_dma source(%arg6 : memref<128xf32, #tpu.memory_space<vmem>>) target(%dma_start3A_134 : memref<10240xf32, #tpu.memory_space<vmem_shared>>) offsets(%dma_start3A_132 : memref<128xi32, #tpu.memory_space<vmem>>) semaphore(%run_scoped3A_129 : memref<!tpu.dma_semaphore, #tpu.memory_space<semaphore_mem>>) {add = true}
      %dma_wait3A_135 = arith.constant 0 : i32
      %dma_wait3A_136 = tpu.memref_slice %arg5[%run_scoped3A_98, %run_scoped3A_99, %dma_wait3A_135] : memref<8x2x128xi32, #tpu.memory_space<vmem>> -> memref<1x1x128xi32, #tpu.memory_space<vmem>>
      %dma_wait3A_137 = tpu.memref_squeeze %dma_wait3A_136 : memref<1x1x128xi32, #tpu.memory_space<vmem>> -> memref<128xi32, #tpu.memory_space<vmem>>
      %dma_wait3A_138 = arith.constant 0 : i32
      %dma_wait3A_139 = tpu.memref_slice %arg9[%dma_wait3A_138] : memref<10240xf32, #tpu.memory_space<vmem_shared>> -> memref<10240xf32, #tpu.memory_space<vmem_shared>>
      tpu.wait_indirect_dma semaphore(%run_scoped3A_129 : memref<!tpu.dma_semaphore, #tpu.memory_space<semaphore_mem>>) src(%arg6 : memref<128xf32, #tpu.memory_space<vmem>>) dst(%dma_wait3A_139 : memref<10240xf32, #tpu.memory_space<vmem_shared>>)
      tpu.yield
    }) : () -> ()
    %run_scoped3A_100 = arith.constant 2 : i32
    %run_scoped3A_101 = arith.constant 1 : i32
    "tpu.region"() ({
      %run_scoped3A_129 = tpu.sem_alloc : memref<!tpu.dma_semaphore, #tpu.memory_space<semaphore_mem>>
      %dma_start3A_130 = arith.constant 0 : i32
      %dma_start3A_131 = tpu.memref_slice %arg5[%run_scoped3A_100, %run_scoped3A_101, %dma_start3A_130] : memref<8x2x128xi32, #tpu.memory_space<vmem>> -> memref<1x1x128xi32, #tpu.memory_space<vmem>>
      %dma_start3A_132 = tpu.memref_squeeze %dma_start3A_131 : memref<1x1x128xi32, #tpu.memory_space<vmem>> -> memref<128xi32, #tpu.memory_space<vmem>>
      %dma_start3A_133 = arith.constant 0 : i32
      %dma_start3A_134 = tpu.memref_slice %arg8[%dma_start3A_133] : memref<10240xf32, #tpu.memory_space<vmem_shared>> -> memref<10240xf32, #tpu.memory_space<vmem_shared>>
      tpu.enqueue_indirect_dma source(%arg6 : memref<128xf32, #tpu.memory_space<vmem>>) target(%dma_start3A_134 : memref<10240xf32, #tpu.memory_space<vmem_shared>>) offsets(%dma_start3A_132 : memref<128xi32, #tpu.memory_space<vmem>>) semaphore(%run_scoped3A_129 : memref<!tpu.dma_semaphore, #tpu.memory_space<semaphore_mem>>) {add = true}
      %dma_wait3A_135 = arith.constant 0 : i32
      %dma_wait3A_136 = tpu.memref_slice %arg5[%run_scoped3A_100, %run_scoped3A_101, %dma_wait3A_135] : memref<8x2x128xi32, #tpu.memory_space<vmem>> -> memref<1x1x128xi32, #tpu.memory_space<vmem>>
      %dma_wait3A_137 = tpu.memref_squeeze %dma_wait3A_136 : memref<1x1x128xi32, #tpu.memory_space<vmem>> -> memref<128xi32, #tpu.memory_space<vmem>>
      %dma_wait3A_138 = arith.constant 0 : i32
      %dma_wait3A_139 = tpu.memref_slice %arg8[%dma_wait3A_138] : memref<10240xf32, #tpu.memory_space<vmem_shared>> -> memref<10240xf32, #tpu.memory_space<vmem_shared>>
      tpu.wait_indirect_dma semaphore(%run_scoped3A_129 : memref<!tpu.dma_semaphore, #tpu.memory_space<semaphore_mem>>) src(%arg6 : memref<128xf32, #tpu.memory_space<vmem>>) dst(%dma_wait3A_139 : memref<10240xf32, #tpu.memory_space<vmem_shared>>)
      tpu.yield
    }) : () -> ()
    %run_scoped3A_102 = arith.constant 2 : i32
    %run_scoped3A_103 = arith.constant 0 : i32
    "tpu.region"() ({
      %run_scoped3A_129 = tpu.sem_alloc : memref<!tpu.dma_semaphore, #tpu.memory_space<semaphore_mem>>
      %dma_start3A_130 = arith.constant 0 : i32
      %dma_start3A_131 = tpu.memref_slice %arg5[%run_scoped3A_102, %run_scoped3A_103, %dma_start3A_130] : memref<8x2x128xi32, #tpu.memory_space<vmem>> -> memref<1x1x128xi32, #tpu.memory_space<vmem>>
      %dma_start3A_132 = tpu.memref_squeeze %dma_start3A_131 : memref<1x1x128xi32, #tpu.memory_space<vmem>> -> memref<128xi32, #tpu.memory_space<vmem>>
      %dma_start3A_133 = arith.constant 0 : i32
      %dma_start3A_134 = tpu.memref_slice %arg9[%dma_start3A_133] : memref<10240xf32, #tpu.memory_space<vmem_shared>> -> memref<10240xf32, #tpu.memory_space<vmem_shared>>
      tpu.enqueue_indirect_dma source(%arg6 : memref<128xf32, #tpu.memory_space<vmem>>) target(%dma_start3A_134 : memref<10240xf32, #tpu.memory_space<vmem_shared>>) offsets(%dma_start3A_132 : memref<128xi32, #tpu.memory_space<vmem>>) semaphore(%run_scoped3A_129 : memref<!tpu.dma_semaphore, #tpu.memory_space<semaphore_mem>>) {add = true}
      %dma_wait3A_135 = arith.constant 0 : i32
      %dma_wait3A_136 = tpu.memref_slice %arg5[%run_scoped3A_102, %run_scoped3A_103, %dma_wait3A_135] : memref<8x2x128xi32, #tpu.memory_space<vmem>> -> memref<1x1x128xi32, #tpu.memory_space<vmem>>
      %dma_wait3A_137 = tpu.memref_squeeze %dma_wait3A_136 : memref<1x1x128xi32, #tpu.memory_space<vmem>> -> memref<128xi32, #tpu.memory_space<vmem>>
      %dma_wait3A_138 = arith.constant 0 : i32
      %dma_wait3A_139 = tpu.memref_slice %arg9[%dma_wait3A_138] : memref<10240xf32, #tpu.memory_space<vmem_shared>> -> memref<10240xf32, #tpu.memory_space<vmem_shared>>
      tpu.wait_indirect_dma semaphore(%run_scoped3A_129 : memref<!tpu.dma_semaphore, #tpu.memory_space<semaphore_mem>>) src(%arg6 : memref<128xf32, #tpu.memory_space<vmem>>) dst(%dma_wait3A_139 : memref<10240xf32, #tpu.memory_space<vmem_shared>>)
      tpu.yield
    }) : () -> ()
    %run_scoped3A_104 = arith.constant 3 : i32
    %run_scoped3A_105 = arith.constant 1 : i32
    "tpu.region"() ({
      %run_scoped3A_129 = tpu.sem_alloc : memref<!tpu.dma_semaphore, #tpu.memory_space<semaphore_mem>>
      %dma_start3A_130 = arith.constant 0 : i32
      %dma_start3A_131 = tpu.memref_slice %arg5[%run_scoped3A_104, %run_scoped3A_105, %dma_start3A_130] : memref<8x2x128xi32, #tpu.memory_space<vmem>> -> memref<1x1x128xi32, #tpu.memory_space<vmem>>
      %dma_start3A_132 = tpu.memref_squeeze %dma_start3A_131 : memref<1x1x128xi32, #tpu.memory_space<vmem>> -> memref<128xi32, #tpu.memory_space<vmem>>
      %dma_start3A_133 = arith.constant 0 : i32
      %dma_start3A_134 = tpu.memref_slice %arg8[%dma_start3A_133] : memref<10240xf32, #tpu.memory_space<vmem_shared>> -> memref<10240xf32, #tpu.memory_space<vmem_shared>>
      tpu.enqueue_indirect_dma source(%arg6 : memref<128xf32, #tpu.memory_space<vmem>>) target(%dma_start3A_134 : memref<10240xf32, #tpu.memory_space<vmem_shared>>) offsets(%dma_start3A_132 : memref<128xi32, #tpu.memory_space<vmem>>) semaphore(%run_scoped3A_129 : memref<!tpu.dma_semaphore, #tpu.memory_space<semaphore_mem>>) {add = true}
      %dma_wait3A_135 = arith.constant 0 : i32
      %dma_wait3A_136 = tpu.memref_slice %arg5[%run_scoped3A_104, %run_scoped3A_105, %dma_wait3A_135] : memref<8x2x128xi32, #tpu.memory_space<vmem>> -> memref<1x1x128xi32, #tpu.memory_space<vmem>>
      %dma_wait3A_137 = tpu.memref_squeeze %dma_wait3A_136 : memref<1x1x128xi32, #tpu.memory_space<vmem>> -> memref<128xi32, #tpu.memory_space<vmem>>
      %dma_wait3A_138 = arith.constant 0 : i32
      %dma_wait3A_139 = tpu.memref_slice %arg8[%dma_wait3A_138] : memref<10240xf32, #tpu.memory_space<vmem_shared>> -> memref<10240xf32, #tpu.memory_space<vmem_shared>>
      tpu.wait_indirect_dma semaphore(%run_scoped3A_129 : memref<!tpu.dma_semaphore, #tpu.memory_space<semaphore_mem>>) src(%arg6 : memref<128xf32, #tpu.memory_space<vmem>>) dst(%dma_wait3A_139 : memref<10240xf32, #tpu.memory_space<vmem_shared>>)
      tpu.yield
    }) : () -> ()
    %run_scoped3A_106 = arith.constant 3 : i32
    %run_scoped3A_107 = arith.constant 0 : i32
    "tpu.region"() ({
      %run_scoped3A_129 = tpu.sem_alloc : memref<!tpu.dma_semaphore, #tpu.memory_space<semaphore_mem>>
      %dma_start3A_130 = arith.constant 0 : i32
      %dma_start3A_131 = tpu.memref_slice %arg5[%run_scoped3A_106, %run_scoped3A_107, %dma_start3A_130] : memref<8x2x128xi32, #tpu.memory_space<vmem>> -> memref<1x1x128xi32, #tpu.memory_space<vmem>>
      %dma_start3A_132 = tpu.memref_squeeze %dma_start3A_131 : memref<1x1x128xi32, #tpu.memory_space<vmem>> -> memref<128xi32, #tpu.memory_space<vmem>>
      %dma_start3A_133 = arith.constant 0 : i32
      %dma_start3A_134 = tpu.memref_slice %arg9[%dma_start3A_133] : memref<10240xf32, #tpu.memory_space<vmem_shared>> -> memref<10240xf32, #tpu.memory_space<vmem_shared>>
      tpu.enqueue_indirect_dma source(%arg6 : memref<128xf32, #tpu.memory_space<vmem>>) target(%dma_start3A_134 : memref<10240xf32, #tpu.memory_space<vmem_shared>>) offsets(%dma_start3A_132 : memref<128xi32, #tpu.memory_space<vmem>>) semaphore(%run_scoped3A_129 : memref<!tpu.dma_semaphore, #tpu.memory_space<semaphore_mem>>) {add = true}
      %dma_wait3A_135 = arith.constant 0 : i32
      %dma_wait3A_136 = tpu.memref_slice %arg5[%run_scoped3A_106, %run_scoped3A_107, %dma_wait3A_135] : memref<8x2x128xi32, #tpu.memory_space<vmem>> -> memref<1x1x128xi32, #tpu.memory_space<vmem>>
      %dma_wait3A_137 = tpu.memref_squeeze %dma_wait3A_136 : memref<1x1x128xi32, #tpu.memory_space<vmem>> -> memref<128xi32, #tpu.memory_space<vmem>>
      %dma_wait3A_138 = arith.constant 0 : i32
      %dma_wait3A_139 = tpu.memref_slice %arg9[%dma_wait3A_138] : memref<10240xf32, #tpu.memory_space<vmem_shared>> -> memref<10240xf32, #tpu.memory_space<vmem_shared>>
      tpu.wait_indirect_dma semaphore(%run_scoped3A_129 : memref<!tpu.dma_semaphore, #tpu.memory_space<semaphore_mem>>) src(%arg6 : memref<128xf32, #tpu.memory_space<vmem>>) dst(%dma_wait3A_139 : memref<10240xf32, #tpu.memory_space<vmem_shared>>)
      tpu.yield
    }) : () -> ()
    %run_scoped3A_108 = arith.constant 4 : i32
    %run_scoped3A_109 = arith.constant 1 : i32
    "tpu.region"() ({
      %run_scoped3A_129 = tpu.sem_alloc : memref<!tpu.dma_semaphore, #tpu.memory_space<semaphore_mem>>
      %dma_start3A_130 = arith.constant 0 : i32
      %dma_start3A_131 = tpu.memref_slice %arg5[%run_scoped3A_108, %run_scoped3A_109, %dma_start3A_130] : memref<8x2x128xi32, #tpu.memory_space<vmem>> -> memref<1x1x128xi32, #tpu.memory_space<vmem>>
      %dma_start3A_132 = tpu.memref_squeeze %dma_start3A_131 : memref<1x1x128xi32, #tpu.memory_space<vmem>> -> memref<128xi32, #tpu.memory_space<vmem>>
      %dma_start3A_133 = arith.constant 0 : i32
      %dma_start3A_134 = tpu.memref_slice %arg8[%dma_start3A_133] : memref<10240xf32, #tpu.memory_space<vmem_shared>> -> memref<10240xf32, #tpu.memory_space<vmem_shared>>
      tpu.enqueue_indirect_dma source(%arg6 : memref<128xf32, #tpu.memory_space<vmem>>) target(%dma_start3A_134 : memref<10240xf32, #tpu.memory_space<vmem_shared>>) offsets(%dma_start3A_132 : memref<128xi32, #tpu.memory_space<vmem>>) semaphore(%run_scoped3A_129 : memref<!tpu.dma_semaphore, #tpu.memory_space<semaphore_mem>>) {add = true}
      %dma_wait3A_135 = arith.constant 0 : i32
      %dma_wait3A_136 = tpu.memref_slice %arg5[%run_scoped3A_108, %run_scoped3A_109, %dma_wait3A_135] : memref<8x2x128xi32, #tpu.memory_space<vmem>> -> memref<1x1x128xi32, #tpu.memory_space<vmem>>
      %dma_wait3A_137 = tpu.memref_squeeze %dma_wait3A_136 : memref<1x1x128xi32, #tpu.memory_space<vmem>> -> memref<128xi32, #tpu.memory_space<vmem>>
      %dma_wait3A_138 = arith.constant 0 : i32
      %dma_wait3A_139 = tpu.memref_slice %arg8[%dma_wait3A_138] : memref<10240xf32, #tpu.memory_space<vmem_shared>> -> memref<10240xf32, #tpu.memory_space<vmem_shared>>
      tpu.wait_indirect_dma semaphore(%run_scoped3A_129 : memref<!tpu.dma_semaphore, #tpu.memory_space<semaphore_mem>>) src(%arg6 : memref<128xf32, #tpu.memory_space<vmem>>) dst(%dma_wait3A_139 : memref<10240xf32, #tpu.memory_space<vmem_shared>>)
      tpu.yield
    }) : () -> ()
    %run_scoped3A_110 = arith.constant 4 : i32
    %run_scoped3A_111 = arith.constant 0 : i32
    "tpu.region"() ({
      %run_scoped3A_129 = tpu.sem_alloc : memref<!tpu.dma_semaphore, #tpu.memory_space<semaphore_mem>>
      %dma_start3A_130 = arith.constant 0 : i32
      %dma_start3A_131 = tpu.memref_slice %arg5[%run_scoped3A_110, %run_scoped3A_111, %dma_start3A_130] : memref<8x2x128xi32, #tpu.memory_space<vmem>> -> memref<1x1x128xi32, #tpu.memory_space<vmem>>
      %dma_start3A_132 = tpu.memref_squeeze %dma_start3A_131 : memref<1x1x128xi32, #tpu.memory_space<vmem>> -> memref<128xi32, #tpu.memory_space<vmem>>
      %dma_start3A_133 = arith.constant 0 : i32
      %dma_start3A_134 = tpu.memref_slice %arg9[%dma_start3A_133] : memref<10240xf32, #tpu.memory_space<vmem_shared>> -> memref<10240xf32, #tpu.memory_space<vmem_shared>>
      tpu.enqueue_indirect_dma source(%arg6 : memref<128xf32, #tpu.memory_space<vmem>>) target(%dma_start3A_134 : memref<10240xf32, #tpu.memory_space<vmem_shared>>) offsets(%dma_start3A_132 : memref<128xi32, #tpu.memory_space<vmem>>) semaphore(%run_scoped3A_129 : memref<!tpu.dma_semaphore, #tpu.memory_space<semaphore_mem>>) {add = true}
      %dma_wait3A_135 = arith.constant 0 : i32
      %dma_wait3A_136 = tpu.memref_slice %arg5[%run_scoped3A_110, %run_scoped3A_111, %dma_wait3A_135] : memref<8x2x128xi32, #tpu.memory_space<vmem>> -> memref<1x1x128xi32, #tpu.memory_space<vmem>>
      %dma_wait3A_137 = tpu.memref_squeeze %dma_wait3A_136 : memref<1x1x128xi32, #tpu.memory_space<vmem>> -> memref<128xi32, #tpu.memory_space<vmem>>
      %dma_wait3A_138 = arith.constant 0 : i32
      %dma_wait3A_139 = tpu.memref_slice %arg9[%dma_wait3A_138] : memref<10240xf32, #tpu.memory_space<vmem_shared>> -> memref<10240xf32, #tpu.memory_space<vmem_shared>>
      tpu.wait_indirect_dma semaphore(%run_scoped3A_129 : memref<!tpu.dma_semaphore, #tpu.memory_space<semaphore_mem>>) src(%arg6 : memref<128xf32, #tpu.memory_space<vmem>>) dst(%dma_wait3A_139 : memref<10240xf32, #tpu.memory_space<vmem_shared>>)
      tpu.yield
    }) : () -> ()
    %run_scoped3A_112 = arith.constant 5 : i32
    %run_scoped3A_113 = arith.constant 1 : i32
    "tpu.region"() ({
      %run_scoped3A_129 = tpu.sem_alloc : memref<!tpu.dma_semaphore, #tpu.memory_space<semaphore_mem>>
      %dma_start3A_130 = arith.constant 0 : i32
      %dma_start3A_131 = tpu.memref_slice %arg5[%run_scoped3A_112, %run_scoped3A_113, %dma_start3A_130] : memref<8x2x128xi32, #tpu.memory_space<vmem>> -> memref<1x1x128xi32, #tpu.memory_space<vmem>>
      %dma_start3A_132 = tpu.memref_squeeze %dma_start3A_131 : memref<1x1x128xi32, #tpu.memory_space<vmem>> -> memref<128xi32, #tpu.memory_space<vmem>>
      %dma_start3A_133 = arith.constant 0 : i32
      %dma_start3A_134 = tpu.memref_slice %arg8[%dma_start3A_133] : memref<10240xf32, #tpu.memory_space<vmem_shared>> -> memref<10240xf32, #tpu.memory_space<vmem_shared>>
      tpu.enqueue_indirect_dma source(%arg6 : memref<128xf32, #tpu.memory_space<vmem>>) target(%dma_start3A_134 : memref<10240xf32, #tpu.memory_space<vmem_shared>>) offsets(%dma_start3A_132 : memref<128xi32, #tpu.memory_space<vmem>>) semaphore(%run_scoped3A_129 : memref<!tpu.dma_semaphore, #tpu.memory_space<semaphore_mem>>) {add = true}
      %dma_wait3A_135 = arith.constant 0 : i32
      %dma_wait3A_136 = tpu.memref_slice %arg5[%run_scoped3A_112, %run_scoped3A_113, %dma_wait3A_135] : memref<8x2x128xi32, #tpu.memory_space<vmem>> -> memref<1x1x128xi32, #tpu.memory_space<vmem>>
      %dma_wait3A_137 = tpu.memref_squeeze %dma_wait3A_136 : memref<1x1x128xi32, #tpu.memory_space<vmem>> -> memref<128xi32, #tpu.memory_space<vmem>>
      %dma_wait3A_138 = arith.constant 0 : i32
      %dma_wait3A_139 = tpu.memref_slice %arg8[%dma_wait3A_138] : memref<10240xf32, #tpu.memory_space<vmem_shared>> -> memref<10240xf32, #tpu.memory_space<vmem_shared>>
      tpu.wait_indirect_dma semaphore(%run_scoped3A_129 : memref<!tpu.dma_semaphore, #tpu.memory_space<semaphore_mem>>) src(%arg6 : memref<128xf32, #tpu.memory_space<vmem>>) dst(%dma_wait3A_139 : memref<10240xf32, #tpu.memory_space<vmem_shared>>)
      tpu.yield
    }) : () -> ()
    %run_scoped3A_114 = arith.constant 5 : i32
    %run_scoped3A_115 = arith.constant 0 : i32
    "tpu.region"() ({
      %run_scoped3A_129 = tpu.sem_alloc : memref<!tpu.dma_semaphore, #tpu.memory_space<semaphore_mem>>
      %dma_start3A_130 = arith.constant 0 : i32
      %dma_start3A_131 = tpu.memref_slice %arg5[%run_scoped3A_114, %run_scoped3A_115, %dma_start3A_130] : memref<8x2x128xi32, #tpu.memory_space<vmem>> -> memref<1x1x128xi32, #tpu.memory_space<vmem>>
      %dma_start3A_132 = tpu.memref_squeeze %dma_start3A_131 : memref<1x1x128xi32, #tpu.memory_space<vmem>> -> memref<128xi32, #tpu.memory_space<vmem>>
      %dma_start3A_133 = arith.constant 0 : i32
      %dma_start3A_134 = tpu.memref_slice %arg9[%dma_start3A_133] : memref<10240xf32, #tpu.memory_space<vmem_shared>> -> memref<10240xf32, #tpu.memory_space<vmem_shared>>
      tpu.enqueue_indirect_dma source(%arg6 : memref<128xf32, #tpu.memory_space<vmem>>) target(%dma_start3A_134 : memref<10240xf32, #tpu.memory_space<vmem_shared>>) offsets(%dma_start3A_132 : memref<128xi32, #tpu.memory_space<vmem>>) semaphore(%run_scoped3A_129 : memref<!tpu.dma_semaphore, #tpu.memory_space<semaphore_mem>>) {add = true}
      %dma_wait3A_135 = arith.constant 0 : i32
      %dma_wait3A_136 = tpu.memref_slice %arg5[%run_scoped3A_114, %run_scoped3A_115, %dma_wait3A_135] : memref<8x2x128xi32, #tpu.memory_space<vmem>> -> memref<1x1x128xi32, #tpu.memory_space<vmem>>
      %dma_wait3A_137 = tpu.memref_squeeze %dma_wait3A_136 : memref<1x1x128xi32, #tpu.memory_space<vmem>> -> memref<128xi32, #tpu.memory_space<vmem>>
      %dma_wait3A_138 = arith.constant 0 : i32
      %dma_wait3A_139 = tpu.memref_slice %arg9[%dma_wait3A_138] : memref<10240xf32, #tpu.memory_space<vmem_shared>> -> memref<10240xf32, #tpu.memory_space<vmem_shared>>
      tpu.wait_indirect_dma semaphore(%run_scoped3A_129 : memref<!tpu.dma_semaphore, #tpu.memory_space<semaphore_mem>>) src(%arg6 : memref<128xf32, #tpu.memory_space<vmem>>) dst(%dma_wait3A_139 : memref<10240xf32, #tpu.memory_space<vmem_shared>>)
      tpu.yield
    }) : () -> ()
    %run_scoped3A_116 = arith.constant 6 : i32
    %run_scoped3A_117 = arith.constant 1 : i32
    "tpu.region"() ({
      %run_scoped3A_129 = tpu.sem_alloc : memref<!tpu.dma_semaphore, #tpu.memory_space<semaphore_mem>>
      %dma_start3A_130 = arith.constant 0 : i32
      %dma_start3A_131 = tpu.memref_slice %arg5[%run_scoped3A_116, %run_scoped3A_117, %dma_start3A_130] : memref<8x2x128xi32, #tpu.memory_space<vmem>> -> memref<1x1x128xi32, #tpu.memory_space<vmem>>
      %dma_start3A_132 = tpu.memref_squeeze %dma_start3A_131 : memref<1x1x128xi32, #tpu.memory_space<vmem>> -> memref<128xi32, #tpu.memory_space<vmem>>
      %dma_start3A_133 = arith.constant 0 : i32
      %dma_start3A_134 = tpu.memref_slice %arg8[%dma_start3A_133] : memref<10240xf32, #tpu.memory_space<vmem_shared>> -> memref<10240xf32, #tpu.memory_space<vmem_shared>>
      tpu.enqueue_indirect_dma source(%arg6 : memref<128xf32, #tpu.memory_space<vmem>>) target(%dma_start3A_134 : memref<10240xf32, #tpu.memory_space<vmem_shared>>) offsets(%dma_start3A_132 : memref<128xi32, #tpu.memory_space<vmem>>) semaphore(%run_scoped3A_129 : memref<!tpu.dma_semaphore, #tpu.memory_space<semaphore_mem>>) {add = true}
      %dma_wait3A_135 = arith.constant 0 : i32
      %dma_wait3A_136 = tpu.memref_slice %arg5[%run_scoped3A_116, %run_scoped3A_117, %dma_wait3A_135] : memref<8x2x128xi32, #tpu.memory_space<vmem>> -> memref<1x1x128xi32, #tpu.memory_space<vmem>>
      %dma_wait3A_137 = tpu.memref_squeeze %dma_wait3A_136 : memref<1x1x128xi32, #tpu.memory_space<vmem>> -> memref<128xi32, #tpu.memory_space<vmem>>
      %dma_wait3A_138 = arith.constant 0 : i32
      %dma_wait3A_139 = tpu.memref_slice %arg8[%dma_wait3A_138] : memref<10240xf32, #tpu.memory_space<vmem_shared>> -> memref<10240xf32, #tpu.memory_space<vmem_shared>>
      tpu.wait_indirect_dma semaphore(%run_scoped3A_129 : memref<!tpu.dma_semaphore, #tpu.memory_space<semaphore_mem>>) src(%arg6 : memref<128xf32, #tpu.memory_space<vmem>>) dst(%dma_wait3A_139 : memref<10240xf32, #tpu.memory_space<vmem_shared>>)
      tpu.yield
    }) : () -> ()
    %run_scoped3A_118 = arith.constant 6 : i32
    %run_scoped3A_119 = arith.constant 0 : i32
    "tpu.region"() ({
      %run_scoped3A_129 = tpu.sem_alloc : memref<!tpu.dma_semaphore, #tpu.memory_space<semaphore_mem>>
      %dma_start3A_130 = arith.constant 0 : i32
      %dma_start3A_131 = tpu.memref_slice %arg5[%run_scoped3A_118, %run_scoped3A_119, %dma_start3A_130] : memref<8x2x128xi32, #tpu.memory_space<vmem>> -> memref<1x1x128xi32, #tpu.memory_space<vmem>>
      %dma_start3A_132 = tpu.memref_squeeze %dma_start3A_131 : memref<1x1x128xi32, #tpu.memory_space<vmem>> -> memref<128xi32, #tpu.memory_space<vmem>>
      %dma_start3A_133 = arith.constant 0 : i32
      %dma_start3A_134 = tpu.memref_slice %arg9[%dma_start3A_133] : memref<10240xf32, #tpu.memory_space<vmem_shared>> -> memref<10240xf32, #tpu.memory_space<vmem_shared>>
      tpu.enqueue_indirect_dma source(%arg6 : memref<128xf32, #tpu.memory_space<vmem>>) target(%dma_start3A_134 : memref<10240xf32, #tpu.memory_space<vmem_shared>>) offsets(%dma_start3A_132 : memref<128xi32, #tpu.memory_space<vmem>>) semaphore(%run_scoped3A_129 : memref<!tpu.dma_semaphore, #tpu.memory_space<semaphore_mem>>) {add = true}
      %dma_wait3A_135 = arith.constant 0 : i32
      %dma_wait3A_136 = tpu.memref_slice %arg5[%run_scoped3A_118, %run_scoped3A_119, %dma_wait3A_135] : memref<8x2x128xi32, #tpu.memory_space<vmem>> -> memref<1x1x128xi32, #tpu.memory_space<vmem>>
      %dma_wait3A_137 = tpu.memref_squeeze %dma_wait3A_136 : memref<1x1x128xi32, #tpu.memory_space<vmem>> -> memref<128xi32, #tpu.memory_space<vmem>>
      %dma_wait3A_138 = arith.constant 0 : i32
      %dma_wait3A_139 = tpu.memref_slice %arg9[%dma_wait3A_138] : memref<10240xf32, #tpu.memory_space<vmem_shared>> -> memref<10240xf32, #tpu.memory_space<vmem_shared>>
      tpu.wait_indirect_dma semaphore(%run_scoped3A_129 : memref<!tpu.dma_semaphore, #tpu.memory_space<semaphore_mem>>) src(%arg6 : memref<128xf32, #tpu.memory_space<vmem>>) dst(%dma_wait3A_139 : memref<10240xf32, #tpu.memory_space<vmem_shared>>)
      tpu.yield
    }) : () -> ()
    %run_scoped3A_120 = arith.constant 7 : i32
    %run_scoped3A_121 = arith.constant 1 : i32
    "tpu.region"() ({
      %run_scoped3A_129 = tpu.sem_alloc : memref<!tpu.dma_semaphore, #tpu.memory_space<semaphore_mem>>
      %dma_start3A_130 = arith.constant 0 : i32
      %dma_start3A_131 = tpu.memref_slice %arg5[%run_scoped3A_120, %run_scoped3A_121, %dma_start3A_130] : memref<8x2x128xi32, #tpu.memory_space<vmem>> -> memref<1x1x128xi32, #tpu.memory_space<vmem>>
      %dma_start3A_132 = tpu.memref_squeeze %dma_start3A_131 : memref<1x1x128xi32, #tpu.memory_space<vmem>> -> memref<128xi32, #tpu.memory_space<vmem>>
      %dma_start3A_133 = arith.constant 0 : i32
      %dma_start3A_134 = tpu.memref_slice %arg8[%dma_start3A_133] : memref<10240xf32, #tpu.memory_space<vmem_shared>> -> memref<10240xf32, #tpu.memory_space<vmem_shared>>
      tpu.enqueue_indirect_dma source(%arg6 : memref<128xf32, #tpu.memory_space<vmem>>) target(%dma_start3A_134 : memref<10240xf32, #tpu.memory_space<vmem_shared>>) offsets(%dma_start3A_132 : memref<128xi32, #tpu.memory_space<vmem>>) semaphore(%run_scoped3A_129 : memref<!tpu.dma_semaphore, #tpu.memory_space<semaphore_mem>>) {add = true}
      %dma_wait3A_135 = arith.constant 0 : i32
      %dma_wait3A_136 = tpu.memref_slice %arg5[%run_scoped3A_120, %run_scoped3A_121, %dma_wait3A_135] : memref<8x2x128xi32, #tpu.memory_space<vmem>> -> memref<1x1x128xi32, #tpu.memory_space<vmem>>
      %dma_wait3A_137 = tpu.memref_squeeze %dma_wait3A_136 : memref<1x1x128xi32, #tpu.memory_space<vmem>> -> memref<128xi32, #tpu.memory_space<vmem>>
      %dma_wait3A_138 = arith.constant 0 : i32
      %dma_wait3A_139 = tpu.memref_slice %arg8[%dma_wait3A_138] : memref<10240xf32, #tpu.memory_space<vmem_shared>> -> memref<10240xf32, #tpu.memory_space<vmem_shared>>
      tpu.wait_indirect_dma semaphore(%run_scoped3A_129 : memref<!tpu.dma_semaphore, #tpu.memory_space<semaphore_mem>>) src(%arg6 : memref<128xf32, #tpu.memory_space<vmem>>) dst(%dma_wait3A_139 : memref<10240xf32, #tpu.memory_space<vmem_shared>>)
      tpu.yield
    }) : () -> ()
    %run_scoped3A_122 = arith.constant 7 : i32
    %run_scoped3A_123 = arith.constant 0 : i32
    "tpu.region"() ({
      %run_scoped3A_129 = tpu.sem_alloc : memref<!tpu.dma_semaphore, #tpu.memory_space<semaphore_mem>>
      %dma_start3A_130 = arith.constant 0 : i32
      %dma_start3A_131 = tpu.memref_slice %arg5[%run_scoped3A_122, %run_scoped3A_123, %dma_start3A_130] : memref<8x2x128xi32, #tpu.memory_space<vmem>> -> memref<1x1x128xi32, #tpu.memory_space<vmem>>
      %dma_start3A_132 = tpu.memref_squeeze %dma_start3A_131 : memref<1x1x128xi32, #tpu.memory_space<vmem>> -> memref<128xi32, #tpu.memory_space<vmem>>
      %dma_start3A_133 = arith.constant 0 : i32
      %dma_start3A_134 = tpu.memref_slice %arg9[%dma_start3A_133] : memref<10240xf32, #tpu.memory_space<vmem_shared>> -> memref<10240xf32, #tpu.memory_space<vmem_shared>>
      tpu.enqueue_indirect_dma source(%arg6 : memref<128xf32, #tpu.memory_space<vmem>>) target(%dma_start3A_134 : memref<10240xf32, #tpu.memory_space<vmem_shared>>) offsets(%dma_start3A_132 : memref<128xi32, #tpu.memory_space<vmem>>) semaphore(%run_scoped3A_129 : memref<!tpu.dma_semaphore, #tpu.memory_space<semaphore_mem>>) {add = true}
      %dma_wait3A_135 = arith.constant 0 : i32
      %dma_wait3A_136 = tpu.memref_slice %arg5[%run_scoped3A_122, %run_scoped3A_123, %dma_wait3A_135] : memref<8x2x128xi32, #tpu.memory_space<vmem>> -> memref<1x1x128xi32, #tpu.memory_space<vmem>>
      %dma_wait3A_137 = tpu.memref_squeeze %dma_wait3A_136 : memref<1x1x128xi32, #tpu.memory_space<vmem>> -> memref<128xi32, #tpu.memory_space<vmem>>
      %dma_wait3A_138 = arith.constant 0 : i32
      %dma_wait3A_139 = tpu.memref_slice %arg9[%dma_wait3A_138] : memref<10240xf32, #tpu.memory_space<vmem_shared>> -> memref<10240xf32, #tpu.memory_space<vmem_shared>>
      tpu.wait_indirect_dma semaphore(%run_scoped3A_129 : memref<!tpu.dma_semaphore, #tpu.memory_space<semaphore_mem>>) src(%arg6 : memref<128xf32, #tpu.memory_space<vmem>>) dst(%dma_wait3A_139 : memref<10240xf32, #tpu.memory_space<vmem_shared>>)
      tpu.yield
    }) : () -> ()
    %barrier3A_124 = arith.constant 0 : index
    tpu.barrier barrier_id(%barrier3A_124)
    %mul3A_125 = arith.constant 640 : i32
    %mul3A_126 = arith.muli %arg1, %mul3A_125 : i32
    %run_scoped3A_127 = arith.constant 0 : i32
    "tpu.region"() ({
      %run_scoped3A_129 = tpu.sem_alloc : memref<!tpu.dma_semaphore, #tpu.memory_space<semaphore_mem>>
      %dma_start3A_130 = tpu.memref_slice %arg3[%arg0, %run_scoped3A_127, %mul3A_126] : memref<2x2x10240xf32, #tpu.memory_space<hbm>> -> memref<1x1x640xf32, #tpu.memory_space<hbm>>
      %dma_start3A_131 = tpu.memref_squeeze %dma_start3A_130 : memref<1x1x640xf32, #tpu.memory_space<hbm>> -> memref<640xf32, #tpu.memory_space<hbm>>
      %dma_start3A_132 = tpu.memref_slice %arg8[%mul3A_126] : memref<10240xf32, #tpu.memory_space<vmem_shared>> -> memref<640xf32, #tpu.memory_space<vmem_shared>>
      tpu.enqueue_dma source(%dma_start3A_132 : memref<640xf32, #tpu.memory_space<vmem_shared>>) target(%dma_start3A_131 : memref<640xf32, #tpu.memory_space<hbm>>) target_semaphore(%run_scoped3A_129 : memref<!tpu.dma_semaphore, #tpu.memory_space<semaphore_mem>>)
      %dma_wait3A_133 = tpu.memref_slice %arg3[%arg0, %run_scoped3A_127, %mul3A_126] : memref<2x2x10240xf32, #tpu.memory_space<hbm>> -> memref<1x1x640xf32, #tpu.memory_space<hbm>>
      %dma_wait3A_134 = tpu.memref_squeeze %dma_wait3A_133 : memref<1x1x640xf32, #tpu.memory_space<hbm>> -> memref<640xf32, #tpu.memory_space<hbm>>
      %dma_wait3A_135 = tpu.memref_slice %arg8[%mul3A_126] : memref<10240xf32, #tpu.memory_space<vmem_shared>> -> memref<640xf32, #tpu.memory_space<vmem_shared>>
      tpu.wait_dma2 semaphore(%run_scoped3A_129 : memref<!tpu.dma_semaphore, #tpu.memory_space<semaphore_mem>>) src(%dma_wait3A_135 : memref<640xf32, #tpu.memory_space<vmem_shared>>) dst(%dma_wait3A_134 : memref<640xf32, #tpu.memory_space<hbm>>)
      tpu.yield
    }) : () -> ()
    %run_scoped3A_128 = arith.constant 1 : i32
    "tpu.region"() ({
      %run_scoped3A_129 = tpu.sem_alloc : memref<!tpu.dma_semaphore, #tpu.memory_space<semaphore_mem>>
      %dma_start3A_130 = tpu.memref_slice %arg3[%arg0, %run_scoped3A_128, %mul3A_126] : memref<2x2x10240xf32, #tpu.memory_space<hbm>> -> memref<1x1x640xf32, #tpu.memory_space<hbm>>
      %dma_start3A_131 = tpu.memref_squeeze %dma_start3A_130 : memref<1x1x640xf32, #tpu.memory_space<hbm>> -> memref<640xf32, #tpu.memory_space<hbm>>
      %dma_start3A_132 = tpu.memref_slice %arg9[%mul3A_126] : memref<10240xf32, #tpu.memory_space<vmem_shared>> -> memref<640xf32, #tpu.memory_space<vmem_shared>>
      tpu.enqueue_dma source(%dma_start3A_132 : memref<640xf32, #tpu.memory_space<vmem_shared>>) target(%dma_start3A_131 : memref<640xf32, #tpu.memory_space<hbm>>) target_semaphore(%run_scoped3A_129 : memref<!tpu.dma_semaphore, #tpu.memory_space<semaphore_mem>>)
      %dma_wait3A_133 = tpu.memref_slice %arg3[%arg0, %run_scoped3A_128, %mul3A_126] : memref<2x2x10240xf32, #tpu.memory_space<hbm>> -> memref<1x1x640xf32, #tpu.memory_space<hbm>>
      %dma_wait3A_134 = tpu.memref_squeeze %dma_wait3A_133 : memref<1x1x640xf32, #tpu.memory_space<hbm>> -> memref<640xf32, #tpu.memory_space<hbm>>
      %dma_wait3A_135 = tpu.memref_slice %arg9[%mul3A_126] : memref<10240xf32, #tpu.memory_space<vmem_shared>> -> memref<640xf32, #tpu.memory_space<vmem_shared>>
      tpu.wait_dma2 semaphore(%run_scoped3A_129 : memref<!tpu.dma_semaphore, #tpu.memory_space<semaphore_mem>>) src(%dma_wait3A_135 : memref<640xf32, #tpu.memory_space<vmem_shared>>) dst(%dma_wait3A_134 : memref<640xf32, #tpu.memory_space<hbm>>)
      tpu.yield
    }) : () -> ()
    return
  }
}

module attributes {stable_mosaic.version = 14 : i64} {
  func.func @_scale_body(%arg0: i32, %arg1: memref<2x2x1280xf32, #tpu.memory_space<vmem>>, %arg2: memref<1280x128xf32, #tpu.memory_space<vmem>>, %arg3: memref<1280x128xf32, #tpu.memory_space<vmem>>) attributes {dimension_semantics = [#tpu.dimension_semantics<arbitrary>], iteration_bounds = array<i64: 8>, scalar_prefetch = 0 : i64, scratch_operands = 0 : i64, tpu.core_type = #tpu.core_type<tc>, window_params = [{transform_indices = @transform_0, window_bounds = array<i64: 2, 2, 1280>}, {transform_indices = @transform_1, window_bounds = array<i64: 1280, 128>}, {transform_indices = @transform_2, window_bounds = array<i64: 1280, 128>}]} {
    %get3A = arith.constant 0 : index
    %get3A_0 = arith.constant 1 : index
    %get3A_1 = arith.constant 0 : index
    %get3A_2 = vector.load %arg1[%get3A, %get3A_0, %get3A_1] : memref<2x2x1280xf32, #tpu.memory_space<vmem>>, vector<1x1x1280xf32>
    %get3A_3 = vector.shape_cast %get3A_2 : vector<1x1x1280xf32> to vector<1280xf32>
    %get3A_4 = arith.constant 1 : index
    %get3A_5 = arith.constant 1 : index
    %get3A_6 = arith.constant 0 : index
    %get3A_7 = vector.load %arg1[%get3A_4, %get3A_5, %get3A_6] : memref<2x2x1280xf32, #tpu.memory_space<vmem>>, vector<1x1x1280xf32>
    %get3A_8 = vector.shape_cast %get3A_7 : vector<1x1x1280xf32> to vector<1280xf32>
    %add3A = arith.addf %get3A_3, %get3A_8 : vector<1280xf32>
    %gt3A = arith.constant 0.000000e+00 : f32
    %gt3A_9 = vector.broadcast %gt3A : f32 to vector<1280xf32>
    %gt3A_10 = arith.cmpf ogt, %add3A, %gt3A_9 : vector<1280xf32>
    %rsqrt3A = math.rsqrt %add3A : vector<1280xf32>
    %jit3A = arith.constant 0.000000e+00 : f32
    %broadcast_in_dim3A = vector.broadcast %jit3A : f32 to vector<1280xf32>
    %select_n3A = arith.select %gt3A_10, %rsqrt3A, %broadcast_in_dim3A : vector<1280xi1>, vector<1280xf32>
    %mul3A = arith.constant 1280 : i32
    %mul3A_11 = arith.muli %arg0, %mul3A : i32
    %iota3A = tpu.iota {dimensions = array<i32: 0>} : vector<1280x1xi32>
    %add3A_12 = vector.broadcast %mul3A_11 : i32 to vector<1280x1xi32>
    %add3A_13 = arith.addi %add3A_12, %iota3A : vector<1280x1xi32>
    %lt3A = arith.constant 10000 : i32
    %lt3A_14 = vector.broadcast %lt3A : i32 to vector<1280x1xi32>
    %lt3A_15 = arith.cmpi slt, %add3A_13, %lt3A_14 : vector<1280x1xi32>
    %get3A_16 = arith.constant 0 : index
    %get3A_17 = arith.constant 0 : index
    %get3A_18 = vector.load %arg2[%get3A_16, %get3A_17] : memref<1280x128xf32, #tpu.memory_space<vmem>>, vector<1280x128xf32>
    %broadcast_in_dim3A_19 = vector.shape_cast %select_n3A : vector<1280xf32> to vector<1280x1xf32>
    %mul3A_20 = vector.broadcast %broadcast_in_dim3A_19 : vector<1280x1xf32> to vector<1280x128xf32>
    %mul3A_21 = arith.mulf %get3A_18, %mul3A_20 : vector<1280x128xf32>
    %jit3A_22 = arith.constant 0.000000e+00 : f32
    %broadcast_in_dim3A_23 = vector.shape_cast %lt3A_15 : vector<1280x1xi1> to vector<1280x1xi1>
    %broadcast_in_dim3A_24 = vector.broadcast %broadcast_in_dim3A_23 : vector<1280x1xi1> to vector<1280x128xi1>
    %broadcast_in_dim3A_25 = vector.broadcast %jit3A_22 : f32 to vector<1280x128xf32>
    %select_n3A_26 = arith.select %broadcast_in_dim3A_24, %mul3A_21, %broadcast_in_dim3A_25 : vector<1280x128xi1>, vector<1280x128xf32>
    %swap3A = arith.constant 0 : index
    %swap3A_27 = arith.constant 0 : index
    %swap3A_28 = vector.load %arg3[%swap3A, %swap3A_27] : memref<1280x128xf32, #tpu.memory_space<vmem>>, vector<1280x128xf32>
    tpu.vector_store %arg3[%swap3A, %swap3A_27], %select_n3A_26 {strides = array<i32>} : memref<1280x128xf32, #tpu.memory_space<vmem>>, vector<1280x128xf32>,
    return
  }
  func.func @transform_0(%arg0: i32) -> (i32, i32, i32) {
    %c0_i32 = arith.constant 0 : i32
    %c0_i32_0 = arith.constant 0 : i32
    %c0_i32_1 = arith.constant 0 : i32
    return %c0_i32, %c0_i32_0, %arg0 : i32, i32, i32
  }
  func.func @transform_1(%arg0: i32) -> (i32, i32) {
    %c0_i32 = arith.constant 0 : i32
    %c0_i32_0 = arith.constant 0 : i32
    return %arg0, %c0_i32 : i32, i32
  }
  func.func @transform_2(%arg0: i32) -> (i32, i32) {
    %c0_i32 = arith.constant 0 : i32
    %c0_i32_0 = arith.constant 0 : i32
    return %arg0, %c0_i32 : i32, i32
  }
}

module attributes {stable_mosaic.version = 14 : i64} {
  func.func @_combine_body(%arg0: i32, %arg1: memref<2x2x1280xf32, #tpu.memory_space<vmem>>, %arg2: memref<2x1280x128xf32, #tpu.memory_space<vmem>>, %arg3: memref<1280x128xf32, #tpu.memory_space<vmem>>) attributes {dimension_semantics = [#tpu.dimension_semantics<arbitrary>], iteration_bounds = array<i64: 8>, scalar_prefetch = 0 : i64, scratch_operands = 0 : i64, tpu.core_type = #tpu.core_type<tc>, window_params = [{transform_indices = @transform_0, window_bounds = array<i64: 2, 2, 1280>}, {transform_indices = @transform_1, window_bounds = array<i64: 2, 1280, 128>}, {transform_indices = @transform_2, window_bounds = array<i64: 1280, 128>}]} {
    %get3A = arith.constant 0 : index
    %get3A_0 = arith.constant 0 : index
    %get3A_1 = arith.constant 0 : index
    %get3A_2 = vector.load %arg1[%get3A, %get3A_0, %get3A_1] : memref<2x2x1280xf32, #tpu.memory_space<vmem>>, vector<1x1x1280xf32>
    %get3A_3 = vector.shape_cast %get3A_2 : vector<1x1x1280xf32> to vector<1280xf32>
    %get3A_4 = arith.constant 1 : index
    %get3A_5 = arith.constant 0 : index
    %get3A_6 = arith.constant 0 : index
    %get3A_7 = vector.load %arg1[%get3A_4, %get3A_5, %get3A_6] : memref<2x2x1280xf32, #tpu.memory_space<vmem>>, vector<1x1x1280xf32>
    %get3A_8 = vector.shape_cast %get3A_7 : vector<1x1x1280xf32> to vector<1280xf32>
    %add3A = arith.addf %get3A_3, %get3A_8 : vector<1280xf32>
    %gt3A = arith.constant 0.000000e+00 : f32
    %gt3A_9 = vector.broadcast %gt3A : f32 to vector<1280xf32>
    %gt3A_10 = arith.cmpf ogt, %add3A, %gt3A_9 : vector<1280xf32>
    %rsqrt3A = math.rsqrt %add3A : vector<1280xf32>
    %jit3A = arith.constant 0.000000e+00 : f32
    %broadcast_in_dim3A = vector.broadcast %jit3A : f32 to vector<1280xf32>
    %select_n3A = arith.select %gt3A_10, %rsqrt3A, %broadcast_in_dim3A : vector<1280xi1>, vector<1280xf32>
    %get3A_11 = arith.constant 0 : index
    %get3A_12 = arith.constant 0 : index
    %get3A_13 = arith.constant 0 : index
    %get3A_14 = vector.load %arg2[%get3A_11, %get3A_12, %get3A_13] : memref<2x1280x128xf32, #tpu.memory_space<vmem>>, vector<1x1280x128xf32>
    %get3A_15 = vector.shape_cast %get3A_14 : vector<1x1280x128xf32> to vector<1280x128xf32>
    %get3A_16 = arith.constant 1 : index
    %get3A_17 = arith.constant 0 : index
    %get3A_18 = arith.constant 0 : index
    %get3A_19 = vector.load %arg2[%get3A_16, %get3A_17, %get3A_18] : memref<2x1280x128xf32, #tpu.memory_space<vmem>>, vector<1x1280x128xf32>
    %get3A_20 = vector.shape_cast %get3A_19 : vector<1x1280x128xf32> to vector<1280x128xf32>
    %add3A_21 = arith.addf %get3A_15, %get3A_20 : vector<1280x128xf32>
    %broadcast_in_dim3A_22 = vector.shape_cast %select_n3A : vector<1280xf32> to vector<1280x1xf32>
    %mul3A = vector.broadcast %broadcast_in_dim3A_22 : vector<1280x1xf32> to vector<1280x128xf32>
    %mul3A_23 = arith.mulf %add3A_21, %mul3A : vector<1280x128xf32>
    %swap3A = arith.constant 0 : index
    %swap3A_24 = arith.constant 0 : index
    %swap3A_25 = vector.load %arg3[%swap3A, %swap3A_24] : memref<1280x128xf32, #tpu.memory_space<vmem>>, vector<1280x128xf32>
    tpu.vector_store %arg3[%swap3A, %swap3A_24], %mul3A_23 {strides = array<i32>} : memref<1280x128xf32, #tpu.memory_space<vmem>>, vector<1280x128xf32>,
    return
  }
  func.func @transform_0(%arg0: i32) -> (i32, i32, i32) {
    %c0_i32 = arith.constant 0 : i32
    %c0_i32_0 = arith.constant 0 : i32
    %c0_i32_1 = arith.constant 0 : i32
    return %c0_i32, %c0_i32_0, %arg0 : i32, i32, i32
  }
  func.func @transform_1(%arg0: i32) -> (i32, i32, i32) {
    %c0_i32 = arith.constant 0 : i32
    %c0_i32_0 = arith.constant 0 : i32
    %c0_i32_1 = arith.constant 0 : i32
    return %c0_i32, %arg0, %c0_i32_0 : i32, i32, i32
  }
  func.func @transform_2(%arg0: i32) -> (i32, i32) {
    %c0_i32 = arith.constant 0 : i32
    %c0_i32_0 = arith.constant 0 : i32
    return %arg0, %c0_i32 : i32, i32
  }
}

</mosaic_0001>

<sc_bundles>
// kernel: kernel.6.cloned.1.call-start
scs
__scs_entry_jumppad:
0x0: {  	(pc) =	sbr.rel $0x88, $3  }
0x1: {  	(tag) =	ssettag $0x0;
	lr =	simm.s32 $0x1  }
0x2: {  	[smem:$0x3F9F] =	sst lr;
	_ =	strace $0xD0000000  }
0x3: {  	_ = 	snop  }
0x4: {  	_ = 	snop  }
0x5: {  	_ = 	snop  }
0x6: {  	_ = 	snop  }
0x7: {  	_ = 	snop  }
__scs_overlays_trampoline_lowered:
0x8: {  	[smem:$0x3FAE] =	sst s0  }
0x9: {  	[smem:$0x3FAF] =	sst s1  }
0xa: {  	[smem:$0x3FB0] =	sst s2  }
0xb: {  	[smem:$0x3FB1] =	sst s3  }
0xc: {  	[smem:$0x3FB2] =	sst s4  }
0xd: {  	[smem:$0x3FB3] =	sst s5  }
0xe: {  	[smem:$0x3FB4] =	sst s6  }
0xf: {  	[smem:$0x3FB5] =	sst s7  }
0x10: {  	[smem:$0x3FB6] =	sst s8  }
0x11: {  	[smem:$0x3FB7] =	sst s9;
	s0 =	simm.s32 @!p0 $0x0  }
0x12: {  	s1 =	sld [smem:$0x3F9D];
	s0 =	simm.s32 @p0 $0x1  }
0x13: {  	[smem:$0x3FB8] =	sst s0;
	s0 =	simm.s32 @!p1 $0x0  }
0x14: {  	s2 =	sld [smem:$0x3F9C];
	s0 =	simm.s32 @p1 $0x1  }
0x15: {  	[smem:$0x3FB9] =	sst s0;
	s0 =	simm.s32 @!p2 $0x0  }
0x16: {  	s3 =	sld [smem:$0x3FDB];
	s0 =	simm.s32 @p2 $0x1  }
0x17: {  	s4 =	simm.s32 $0x1BF5;
	[smem:$0x3FBB] =	sst s0  }
0x18: {  	s0 =	sld [smem:$0x3F9E];
	_ =	swait.ge [sflag:s4], $0x0  }
0x19: {  	s7 =	sld [smem:$0x3F9F]  }
0x1a: {  	s8 =	sadd.s32 $0xFFFFE003, lr  }
0x1b: {  	s9 =	sadd.s32 $0xFFFFFEF7, lr;
	s5 =	simm.s32 $0xFFFFFFFF;
	p2 =	slt.u32 s8, $0xFFFFF086  }
0x1c: {  	p1 =	slt.u32 s9, $0xF7A;
	s5 =	simm.s32 @!p2 $0x0  }
0x1d: {  	s5 =	simm.s32 @p1 $0x1;
	p0 =	seq.s32 s7, s2  }
0x1e: {  	s7 =	smul.u32 @!p0 $0xF7A, s2;
	p2 =	seq.s32 @!p0 s5, $0x0  }
0x1f: {  	s9 =	smul.u32 $0xF7A, s1;
	s8 =	simm.s32 @!p0 $0x1BF5;
	p2 =	por !p2, p0  }
0x20: {  	[sflag:s8] =	ssyncset.s32 @!p0 $0xFFFFF086;
	s6 =	sadd.s32 @!p0 s3, s7;
	s7 =	simm.s32 @!p0 $0x108  }
0x21: {  	s3 =	sadd.s32 s3, s9;
	s6 =	sadd.s32 @!p0 $0x88, s6;
	s7 =	simm.s32 @p2 $0x1082  }
0x22: {  	[simem:s7], [sflag:s8] =	dma.local @!p0 [hbm:s6], $0xF7A  }
0x23: {  	s9 =	sor.u32 $0xD0000000, s2;
	s6 =	simm.s32 $0x108;
	_ =	swait.ge @!p0 [sflag:s8], $0x0  }
0x24: {  	s3 =	sadd.s32 $0x88, s3;
	s6 =	simm.s32 @!p1 $0x1082;
	[sflag:s4] =	ssyncset.s32 $0xFFFFF086  }
0x25: {  	[simem:s6], [sflag:s4] =	dma.local [hbm:s3], $0xF7A  }
0x26: {  	[smem:$0x3F9F] =	sst s1;
	(tag) =	ssettag s2;
	_ =	strace s9  }
0x27: {  	s1 =	sld [smem:$0x3FAF]  }
0x28: {  	s2 =	sld [smem:$0x3FB0]  }
0x29: {  	s4 =	sld [smem:$0x3FB2]  }
0x2a: {  	p0 =	seq.s32 s5, $0x0;
	s5 =	sld [smem:$0x3FB3]  }
0x2b: {  	s6 =	sld [smem:$0x3FB4]  }
0x2c: {  	s7 =	sld [smem:$0x3FB5]  }
0x2d: {  	s3 =	simm.s32 $0x108;
	s8 =	sld [smem:$0x3FB6]  }
0x2e: {  	s3 =	simm.s32 @!p0 $0x1082;
	s9 =	sld [smem:$0x3FB7]  }
0x2f: {  	lr =	sadd.s32 s0, s3;
	s0 =	sld [smem:$0x3FAE]  }
0x30: {  	s3 =	sld [smem:$0x3FB1]  }
0x31: {  	[smem:$0x3FBA] =	sst s10  }
0x32: {  	s10 =	sld [smem:$0x3FB8];
	_ =	sdelay $0x3  }
0x33: {  	p0 =	seq.s32 s10, $0x1;
	s10 =	sld [smem:$0x3FBA];
	_ =	sdelay $0x3  }
0x34: {  	[smem:$0x3FBA] =	sst s10  }
0x35: {  	s10 =	sld [smem:$0x3FB9];
	_ =	sdelay $0x3  }
0x36: {  	p1 =	seq.s32 s10, $0x1;
	s10 =	sld [smem:$0x3FBA];
	_ =	sdelay $0x3  }
0x37: {  	[smem:$0x3FBA] =	sst s10  }
0x38: {  	s10 =	sld [smem:$0x3FBB]  }
0x39: {  	_ = 	snop;
	(pc) =	sbr.ind lr, $3  }
0x3a: {  	_ = 	snop  }
0x3b: {  	_ = 	snop  }
0x3c: {  	p2 =	seq.s32 s10, $0x1;
	s10 =	sld [smem:$0x3FBA]  }
0x3d: {  	_ =	shalt  }
0x3e: {  	_ =	shalt  }
0x3f: {  	_ =	shalt  }
0x40: {  	_ =	shalt  }
0x41: {  	_ =	shalt  }
0x42: {  	_ =	shalt  }
0x43: {  	_ =	shalt  }
0x44: {  	_ =	shalt  }
0x45: {  	_ =	shalt  }
0x46: {  	_ =	shalt  }
0x47: {  	_ =	shalt  }
0x48: {  	_ =	shalt  }
0x49: {  	_ =	shalt  }
0x4a: {  	_ =	shalt  }
0x4b: {  	_ =	shalt  }
0x4c: {  	_ =	shalt  }
0x4d: {  	_ =	shalt  }
0x4e: {  	_ =	shalt  }
0x4f: {  	_ =	shalt  }
0x50: {  	_ =	shalt  }
0x51: {  	_ =	shalt  }
0x52: {  	_ =	shalt  }
0x53: {  	_ =	shalt  }
0x54: {  	_ =	shalt  }
0x55: {  	_ =	shalt  }
0x56: {  	_ =	shalt  }
0x57: {  	_ =	shalt  }
0x58: {  	_ =	shalt  }
0x59: {  	_ =	shalt  }
0x5a: {  	_ =	shalt  }
0x5b: {  	_ =	shalt  }
0x5c: {  	_ =	shalt  }
0x5d: {  	_ =	shalt  }
0x5e: {  	_ =	shalt  }
0x5f: {  	_ =	shalt  }
0x60: {  	_ =	shalt  }
0x61: {  	_ =	shalt  }
0x62: {  	_ =	shalt  }
0x63: {  	_ =	shalt  }
0x64: {  	_ =	shalt  }
0x65: {  	_ =	shalt  }
0x66: {  	_ =	shalt  }
0x67: {  	_ =	shalt  }
0x68: {  	_ =	shalt  }
0x69: {  	_ =	shalt  }
0x6a: {  	_ =	shalt  }
0x6b: {  	_ =	shalt  }
0x6c: {  	_ =	shalt  }
0x6d: {  	_ =	shalt  }
0x6e: {  	_ =	shalt  }
0x6f: {  	_ =	shalt  }
0x70: {  	_ =	shalt  }
0x71: {  	_ =	shalt  }
0x72: {  	_ =	shalt  }
0x73: {  	_ =	shalt  }
0x74: {  	_ =	shalt  }
0x75: {  	_ =	shalt  }
0x76: {  	_ =	shalt  }
0x77: {  	_ =	shalt  }
0x78: {  	_ =	shalt  }
0x79: {  	_ =	shalt  }
0x7a: {  	_ =	shalt  }
0x7b: {  	_ =	shalt  }
0x7c: {  	_ =	shalt  }
0x7d: {  	_ =	shalt  }
0x7e: {  	_ =	shalt  }
0x7f: {  	_ =	shalt  }
0x80: {  	_ =	shalt  }
0x81: {  	_ =	shalt  }
0x82: {  	_ =	shalt  }
0x83: {  	_ =	shalt  }
0x84: {  	_ =	shalt  }
0x85: {  	_ =	shalt  }
0x86: {  	_ =	shalt  }
0x87: {  	_ =	shalt  }
.Lfunc_end0:
.L_simem_size_0:
called_computation_lowered:
.L_overlay_start_0:
0x88: {  	s2 =	sld [smem:$0x3FD9]  }
0x89: {  	s3 =	sld [smem:$0x3FFE];
	_ =	sdelay $0x1  }
0x8a: {  	s1 =	srdreg.scid  }
0x8b: {  	s0 =	sand.u32 $0x1, s1  }
0x8c: {  	s17 =	sshll.u32 s0, $0xA;
	s2 =	sadd.s32 s3, s2  }
0x8d: {  	s2 =	sadd.s32 s2, s17  }
0x8e: {  	[smem:$0x3FC6] =	sst s2  }
0x8f: {  	_ = 	snop  }
0x90: {  	s2 =	sld [smem:$0x3FD0];
	(tm) =	ssettm $0x1  }
0x91: {  	s18 =	sld [smem:$0x3FFB];
	_ =	sdelay $0x3  }
0x92: {  	_ =	strace s18  }
0x93: {  	s3 =	sld [smem:$0x3FFC];
	_ =	sdelay $0x3  }
0x94: {  	_ =	strace s3  }
0x95: {  	s3 =	sld [smem:$0x3FFD];
	_ =	sdelay $0x3  }
0x96: {  	_ =	strace s3  }
0x97: {  	_ =	strace $0x8FFFFFFF  }
0x98: {  	s19 =	sld [smem:$0x3FDB];
	_ =	sdelay $0x1  }
0x99: {  	s4 =	simm.s32 $_scs_section_size  }
0x9a: {  	s5 =	simm.s32 $_size__tile_overlayer_lowered;
	s6 =	simm.s32 $_tile_overlayer_lowered  }
0x9b: {  	s22 =	simm.s32 $0x1BFF;
	s21 =	sshll.u32 s6, $0x1;
	s3 =	sadd.s32 s4, s19  }
0x9c: {  	s7 =	simm.s32 $0x0;
	s20 =	sshll.u32 s5, $0x1;
	s5 =	sadd.s32 s21, s3  }
0x9d: {  	[timem:s7], [sflag:s22] =	dma.local [hbm:s5], s20  }
0x9e: {  	_ =	swait.ge [sflag:s22], s20  }
0x9f: {  	s4 =	ssub.s32 $0x0, s20;
	[sflag:s22] =	ssyncset.done $0x0  }
0xa0: {  	[sflag:s22] =	ssyncadd.s32 s4;
	_ =	sdelay $0x1  }
0xa1: {  	s23 =	simm.s32 $0x1B8B  }
0xa2: {  	_ =	swait.ge [sflag:s23], $0x1  }
0xa3: {  	[sflag:s23] =	ssyncset.done $0x0  }
0xa4: {  	s25 =	simm.s32 $0x1B8E;
	s24 =	sld [smem:$0x3FFE];
	[sflag:s23] =	ssyncadd.s32 $0xFFFFFFFF  }
0xa5: {  	s26 =	simm.s32 $execute0_lowered;
	[smem:$0x3FD2] =	sst s25  }
0xa6: {  	s5 =	sshll.u32 s26, $0x1;
	_ =	strace $0x80000046;
	[dreg:$0x1] =	wrdreg $0xFFFFFFFF  }
0xa7: {  	s28 =	simm.s32 $_size_execute0_lowered;
	s3 =	sadd.s32 s3, s5;
	[dreg:$0x0] =	wrdreg $0x0  }
0xa8: {  	s5 =	sshll.u32 s28, $0x1;
	[dreg:$0x2] =	wrdreg s3  }
0xa9: {  	[dreg:$0x3] =	wrdreg s5  }
0xaa: {  	[dreg:$0x4] =	wrdreg $0xC0  }
0xab: {  	_ =	task [dreg:s7], $0x5FFFF  }
0xac: {  	[dreg:$0x1] =	wrdreg $0xFFFFFFFF  }
0xad: {  	[dreg:$0x0] =	wrdreg $0x60  }
0xae: {  	[dreg:$0x2] =	wrdreg s2  }
0xaf: {  	[dreg:$0x3] =	wrdreg s24  }
0xb0: {  	[dreg:$0x4] =	wrdreg $0x13000  }
0xb1: {  	[dreg:$0x5] =	wrdreg $0x15800  }
0xb2: {  	[dreg:$0x6] =	wrdreg $0x9  }
0xb3: {  	_ =	task.clear_ibuf [dreg:s7], $0x7FFFF;
	_ =	strace $0x90000046  }
0xb4: {  	s29 =	simm.s32 $0x9;
	_ =	strace $0x80000048  }
0xb5: {  	_ =	swait.ge [sflag:s29], $0x1  }
0xb6: {  	[sflag:s29] =	ssyncadd.s32 $0xFFFFFFFF  }
0xb7: {  	_ =	strace $0x90000048  }
0xb8: {  	_ =	sfence  }
0xb9: {  	s30 =	sld [smem:$0x0];
	_ =	sdelay $0x2  }
0xba: {  	s31 =	sshll.u32 s1, $0xD;
	s1 =	sshrl.u32 s1, $0x2  }
0xbb: {  	s3 =	sand.u32 $0x4000, s31;
	s1 =	sadd.s32 s1, s30  }
0xbc: {  	s0 =	sor.u32 s3, s0;
	s1 =	sshll.u32 s1, $0x11  }
0xbd: {  	s0 =	sor.u32 s1, s0  }
0xbe: {  	s0 =	sadd.s32 $0x8F2B, s0  }
0xbf: {  	[sflag:s0] =	ssyncadd.remote.s32 $0x1  }
0xc0: {  	_ =	sfence.sel $0xFFFF  }
0xc1: {  	[dreg:$0x0] =	wrdreg $0xFFFFFFFF;
	(pc) =	sbr.abs _section_cstart, $3  }
0xc2: {  	[dreg:$0x1] =	wrdreg $0xFFFFFFFF  }
0xc3: {  	_ =	task.clear_ibuf [dreg:s7], $0x2FFFF;
	_ =	strace $0x9FFFFFFF  }
0xc4: {  	(tm) =	ssettm $0x7FFFFFFF  }
0xc5: {  	_ =	shalt  }
tec
execute0_lowered:
.L_overlay_start_1:
0x0: {  	(tag) =	ssettag $0x1  }
0x1: {  	s29 =	rddreg [dreg:$0x0]  }
0x2: {  	s0 =	rddreg [dreg:$0x1]  }
0x3: {  	s2 =	rddreg [dreg:$0x2]  }
0x4: {  	s4 =	rddreg [dreg:$0x3]  }
0x5: {  	s1 =	srdreg.scid;
	s9 =	stileid.u32;
	s5 =	simm.s32 $0x0  }
0x6: {  	s15 =	simm.s32 $0x3;
	s16 =	simm.s32 $0x800;
	s17 =	simm.s32 $0x1  }
0x7: {  	s14 =	simm.s32 $0x700;
	s10 =	simm.s32 $0x880;
	s11 =	simm.s32 $0x980  }
0x8: {  	s12 =	simm.s32 $0x900;
	s13 =	simm.s32 $0xB00;
	s7 =	smul.u32 $0x500, s9  }
0x9: {  	s30 =	simm.s32 $0x0;
	s1 =	sand.u32 $0x1, s1;
	s8 =	smul.u32 $0x5000, s9  }
0xa: {  	[smem:$0x7FF] =	sst s5;
	s3 =	smul.u32 $0x5000, s1;
	s6 =	sshll.u32 s1, $0x4  }
0xb: {  	_ =	strace $0x80000047;
	s18 =	smul.u32 $0x50000, s1;
	s1 =	ssub.s32 $0x2, s1  }
0xc: {  	s6 =	sor.u32 s9, s6;
	s19 =	sshrl.u32 s1, $0x1;
	s9 =	smul.u32 $0x280, s9  }
0xd: {  	s6 =	smul.u32 $0x5000, s6;
	s3 =	sadd.s32 s7, s3;
	s1 =	ssub.s32 s1, s19  }
0xe: {  	s21 =	sadd.s32 s8, s18;
	s18 =	simm.s32 $0x80;
	s19 =	simm.s32 $0x1000  }
0xf: {  	s8 =	simm.s32 $0xB80;
	s3 =	sshrl.u32 s3, $0x3;
	s28 =	sadd.s32 s9, s2  }
0x10: {  	s23 =	sadd.s32 $0x1800, s21;
	s31 =	sadd.s32 s9, s4;
	s1 =	smax.u32 s1, $0x1  }
0x11: {  	s26 =	sadd.s32 $0x1000, s21;
	s9 =	simm.s32 $0x2;
	s21 =	simm.s32 $0xD80  }
0x12: {  	s0 =	sadd.s32 s3, s0;
	s20 =	sshrl.u32 s6, $0x3;
	[dreg:$0xc] =	wrdreg s1  }
0x13: {  	s3 =	sshrl.u32 s23, $0x3;
	[dreg:$0xd] =	wrdreg s26;
	s6 =	simm.s32 $0xA00  }
0x14: {  	s1 =	simm.s32 $0xC80;
	s23 =	simm.s32 $0xE80;
	[dreg:$0x6] =	wrdreg s28  }
0x15: {  	s26 =	simm.s32 $0xF00;
	[dreg:$0x8] =	wrdreg s31;
	s22 =	sadd.s32 s29, s20  }
0x16: {  	s24 =	sadd.s32 $0x1600, s0;
	s0 =	sadd.s32 $0x1610, s0;
	[dreg:$0x7] =	wrdreg s22  }
0x17: {  	s25 =	sadd.s32 s3, s29;
	s3 =	simm.s32 $0x780;
	[dreg:$0xa] =	wrdreg s24  }
0x18: {  	s20 =	simm.s32 $0xC00;
	s7 =	sadd.s32 $0x100, s22;
	[dreg:$0xb] =	wrdreg s0  }
0x19: {  	[dreg:$0x5] =	wrdreg s25;
	s22 =	simm.s32 $0xD00;
	s24 =	simm.s32 $0xE00  }
0x1a: {  	v0 =	vimm.f32 $0.0e+00;
	v1 =	vimm.f32 $1.000000000e+00;
	s25 =	simm.s32 $0xF80;
	[dreg:$0x9] =	wrdreg s7;
	s7 =	simm.s32 $0xA80  }
.LBB2_1:
0x1b: {  	[tilespmem:$0x1080] =	vst v0  }
0x1c: {  	[tilespmem:$0x1090] =	vst v0  }
0x1d: {  	[tilespmem:$0x10A0] =	vst v0  }
0x1e: {  	[tilespmem:$0x10B0] =	vst v0  }
0x1f: {  	[tilespmem:$0x10C0] =	vst v0  }
0x20: {  	[tilespmem:$0x10D0] =	vst v0  }
0x21: {  	[tilespmem:$0x10E0] =	vst v0  }
0x22: {  	[tilespmem:$0x10F0] =	vst v0  }
0x23: {  	[tilespmem:$0x1100] =	vst v0  }
0x24: {  	[tilespmem:$0x1110] =	vst v0  }
0x25: {  	[tilespmem:$0x1120] =	vst v0  }
0x26: {  	[tilespmem:$0x1130] =	vst v0  }
0x27: {  	[tilespmem:$0x1140] =	vst v0  }
0x28: {  	[tilespmem:$0x1150] =	vst v0  }
0x29: {  	[tilespmem:$0x1160] =	vst v0  }
0x2a: {  	[tilespmem:$0x1170] =	vst v0  }
0x2b: {  	[tilespmem:$0x1180] =	vst v0  }
0x2c: {  	[tilespmem:$0x1190] =	vst v0  }
0x2d: {  	[tilespmem:$0x11A0] =	vst v0  }
0x2e: {  	[tilespmem:$0x11B0] =	vst v0  }
0x2f: {  	[tilespmem:$0x11C0] =	vst v0  }
0x30: {  	[tilespmem:$0x11D0] =	vst v0  }
0x31: {  	[tilespmem:$0x11E0] =	vst v0  }
0x32: {  	[tilespmem:$0x11F0] =	vst v0  }
0x33: {  	[tilespmem:$0x1200] =	vst v0  }
0x34: {  	[tilespmem:$0x1210] =	vst v0  }
0x35: {  	[tilespmem:$0x1220] =	vst v0  }
0x36: {  	[tilespmem:$0x1230] =	vst v0  }
0x37: {  	[tilespmem:$0x1240] =	vst v0  }
0x38: {  	[tilespmem:$0x1250] =	vst v0  }
0x39: {  	[tilespmem:$0x1260] =	vst v0  }
0x3a: {  	[tilespmem:$0x1270] =	vst v0  }
0x3b: {  	[tilespmem:$0x1280] =	vst v0  }
0x3c: {  	[tilespmem:$0x1290] =	vst v0  }
0x3d: {  	[tilespmem:$0x12A0] =	vst v0  }
0x3e: {  	[tilespmem:$0x12B0] =	vst v0  }
0x3f: {  	[tilespmem:$0x12C0] =	vst v0  }
0x40: {  	[tilespmem:$0x12D0] =	vst v0  }
0x41: {  	[tilespmem:$0x12E0] =	vst v0  }
0x42: {  	[tilespmem:$0x12F0] =	vst v0  }
0x43: {  	[tilespmem:$0x1000] =	vst v1  }
0x44: {  	[tilespmem:$0x1010] =	vst v1  }
0x45: {  	[tilespmem:$0x1020] =	vst v1  }
0x46: {  	[tilespmem:$0x1030] =	vst v1  }
0x47: {  	[tilespmem:$0x1040] =	vst v1  }
0x48: {  	[tilespmem:$0x1050] =	vst v1  }
0x49: {  	[tilespmem:$0x1060] =	vst v1  }
0x4a: {  	[dreg:$0xe] =	wrdreg s30;
	[tilespmem:$0x1070] =	vst v1;
	s0 =	simm.s32 $0x1080  }
0x4b: {  	[spmem:s28] =	stream.linear.scatter [tilespmem:s0], [sflag:$0x3], $0x280, $0x38;
	[tilespmem:$0x1800] =	vst v63  }
0x4c: {  	_ =	swait.ge [sflag:s15], $0x280  }
0x4d: {  	[sflag:s15] =	ssyncset.done $0x0  }
0x4e: {  	[sflag:s15] =	ssyncadd.s32 $0xFFFFFD80  }
0x4f: {  	[spmem:s31] =	stream.linear.scatter [tilespmem:s0], [sflag:$0x3], $0x280, $0x38;
	[tilespmem:$0x1800] =	vst v63  }
0x50: {  	_ =	swait.ge [sflag:s15], $0x280  }
0x51: {  	[sflag:s15] =	ssyncset.done $0x0  }
0x52: {  	[sflag:s15] =	ssyncadd.s32 $0xFFFFFD80  }
0x53: {  	[bflag:$0x0] =	sbarrier.arrive $0xFFFF  }
0x54: {  	s31 =	rddreg [dreg:$0x7]  }
0x55: {  	[tilespmem:s5], [sflag:$0x1] =	stream.linear.gather [hbm4b:s31+s5], $0x800, $0x38;
	[tilespmem:$0x1800] =	vst v63  }
0x56: {  	s31 =	rddreg [dreg:$0x9]  }
0x57: {  	[tilespmem:s16], [sflag:$0x2] =	stream.linear.gather [hbm4b:s31+s5], $0x800, $0x38;
	[tilespmem:$0x1800] =	vst v63  }
0x58: {  	_ =	swait.ge [sflag:s17], $0x800  }
0x59: {  	[sflag:s17] =	ssyncset.done $0x0  }
0x5a: {  	[sflag:s17] =	ssyncadd.s32 $0xFFFFF800  }
0x5b: {  	[spmem:s2] =	stream.indirect.scatter.add.f32 [tilespmem:s19], [sflag:$0x3], $0x1, s18, s18, $0xb8;
	[tilespmem:$0x1800] =	vst v63  }
0x5c: {  	_ =	swait.ge [sflag:s15], $0x80  }
0x5d: {  	[sflag:s15] =	ssyncset.done $0x0  }
0x5e: {  	[sflag:s15] =	ssyncadd.s32 $0xFFFFFF80  }
0x5f: {  	[spmem:s4] =	stream.indirect.scatter.add.f32 [tilespmem:s19], [sflag:$0x3], $0x1, s5, s18, $0xb8;
	[tilespmem:$0x1800] =	vst v63  }
0x60: {  	_ =	swait.ge [sflag:s15], $0x80  }
0x61: {  	[sflag:s15] =	ssyncset.done $0x0  }
0x62: {  	s31 =	simm.s32 $0x180;
	[sflag:s15] =	ssyncadd.s32 $0xFFFFFF80  }
0x63: {  	[spmem:s2] =	stream.indirect.scatter.add.f32 [tilespmem:s19], [sflag:$0x3], $0x1, s31, s18, $0xb8;
	[tilespmem:$0x1800] =	vst v63  }
0x64: {  	_ =	swait.ge [sflag:s15], $0x80  }
0x65: {  	[sflag:s15] =	ssyncset.done $0x0  }
0x66: {  	s31 =	simm.s32 $0x100;
	[sflag:s15] =	ssyncadd.s32 $0xFFFFFF80  }
0x67: {  	[spmem:s4] =	stream.indirect.scatter.add.f32 [tilespmem:s19], [sflag:$0x3], $0x1, s31, s18, $0xb8;
	[tilespmem:$0x1800] =	vst v63  }
0x68: {  	_ =	swait.ge [sflag:s15], $0x80  }
0x69: {  	[sflag:s15] =	ssyncset.done $0x0  }
0x6a: {  	s31 =	simm.s32 $0x280;
	[sflag:s15] =	ssyncadd.s32 $0xFFFFFF80  }
0x6b: {  	[spmem:s2] =	stream.indirect.scatter.add.f32 [tilespmem:s19], [sflag:$0x3], $0x1, s31, s18, $0xb8;
	[tilespmem:$0x1800] =	vst v63  }
0x6c: {  	_ =	swait.ge [sflag:s15], $0x80  }
0x6d: {  	[sflag:s15] =	ssyncset.done $0x0  }
0x6e: {  	s31 =	simm.s32 $0x200;
	[sflag:s15] =	ssyncadd.s32 $0xFFFFFF80  }
0x6f: {  	[spmem:s4] =	stream.indirect.scatter.add.f32 [tilespmem:s19], [sflag:$0x3], $0x1, s31, s18, $0xb8;
	[tilespmem:$0x1800] =	vst v63  }
0x70: {  	_ =	swait.ge [sflag:s15], $0x80  }
0x71: {  	[sflag:s15] =	ssyncset.done $0x0  }
0x72: {  	s31 =	simm.s32 $0x380;
	[sflag:s15] =	ssyncadd.s32 $0xFFFFFF80  }
0x73: {  	[spmem:s2] =	stream.indirect.scatter.add.f32 [tilespmem:s19], [sflag:$0x3], $0x1, s31, s18, $0xb8;
	[tilespmem:$0x1800] =	vst v63  }
0x74: {  	_ =	swait.ge [sflag:s15], $0x80  }
0x75: {  	[sflag:s15] =	ssyncset.done $0x0  }
0x76: {  	s31 =	simm.s32 $0x300;
	[sflag:s15] =	ssyncadd.s32 $0xFFFFFF80  }
0x77: {  	[spmem:s4] =	stream.indirect.scatter.add.f32 [tilespmem:s19], [sflag:$0x3], $0x1, s31, s18, $0xb8;
	[tilespmem:$0x1800] =	vst v63  }
0x78: {  	_ =	swait.ge [sflag:s15], $0x80  }
0x79: {  	[sflag:s15] =	ssyncset.done $0x0  }
0x7a: {  	s31 =	simm.s32 $0x480;
	[sflag:s15] =	ssyncadd.s32 $0xFFFFFF80  }
0x7b: {  	[spmem:s2] =	stream.indirect.scatter.add.f32 [tilespmem:s19], [sflag:$0x3], $0x1, s31, s18, $0xb8;
	[tilespmem:$0x1800] =	vst v63  }
0x7c: {  	_ =	swait.ge [sflag:s15], $0x80  }
0x7d: {  	[sflag:s15] =	ssyncset.done $0x0  }
0x7e: {  	s31 =	simm.s32 $0x400;
	[sflag:s15] =	ssyncadd.s32 $0xFFFFFF80  }
0x7f: {  	[spmem:s4] =	stream.indirect.scatter.add.f32 [tilespmem:s19], [sflag:$0x3], $0x1, s31, s18, $0xb8;
	[tilespmem:$0x1800] =	vst v63  }
0x80: {  	_ =	swait.ge [sflag:s15], $0x80  }
0x81: {  	[sflag:s15] =	ssyncset.done $0x0  }
0x82: {  	s31 =	simm.s32 $0x580;
	[sflag:s15] =	ssyncadd.s32 $0xFFFFFF80  }
0x83: {  	[spmem:s2] =	stream.indirect.scatter.add.f32 [tilespmem:s19], [sflag:$0x3], $0x1, s31, s18, $0xb8;
	[tilespmem:$0x1800] =	vst v63  }
0x84: {  	_ =	swait.ge [sflag:s15], $0x80  }
0x85: {  	[sflag:s15] =	ssyncset.done $0x0  }
0x86: {  	s31 =	simm.s32 $0x500;
	[sflag:s15] =	ssyncadd.s32 $0xFFFFFF80  }
0x87: {  	[spmem:s4] =	stream.indirect.scatter.add.f32 [tilespmem:s19], [sflag:$0x3], $0x1, s31, s18, $0xb8;
	[tilespmem:$0x1800] =	vst v63  }
0x88: {  	_ =	swait.ge [sflag:s15], $0x80  }
0x89: {  	[sflag:s15] =	ssyncset.done $0x0  }
0x8a: {  	s31 =	simm.s32 $0x680;
	[sflag:s15] =	ssyncadd.s32 $0xFFFFFF80  }
0x8b: {  	[spmem:s2] =	stream.indirect.scatter.add.f32 [tilespmem:s19], [sflag:$0x3], $0x1, s31, s18, $0xb8;
	[tilespmem:$0x1800] =	vst v63  }
0x8c: {  	_ =	swait.ge [sflag:s15], $0x80  }
0x8d: {  	[sflag:s15] =	ssyncset.done $0x0  }
0x8e: {  	s31 =	simm.s32 $0x600;
	[sflag:s15] =	ssyncadd.s32 $0xFFFFFF80  }
0x8f: {  	[spmem:s4] =	stream.indirect.scatter.add.f32 [tilespmem:s19], [sflag:$0x3], $0x1, s31, s18, $0xb8;
	[tilespmem:$0x1800] =	vst v63  }
0x90: {  	_ =	swait.ge [sflag:s15], $0x80  }
0x91: {  	[sflag:s15] =	ssyncset.done $0x0  }
0x92: {  	[sflag:s15] =	ssyncadd.s32 $0xFFFFFF80  }
0x93: {  	[spmem:s2] =	stream.indirect.scatter.add.f32 [tilespmem:s19], [sflag:$0x3], $0x1, s3, s18, $0xb8;
	[tilespmem:$0x1800] =	vst v63  }
0x94: {  	_ =	swait.ge [sflag:s15], $0x80  }
0x95: {  	[sflag:s15] =	ssyncset.done $0x0  }
0x96: {  	[sflag:s15] =	ssyncadd.s32 $0xFFFFFF80  }
0x97: {  	[spmem:s4] =	stream.indirect.scatter.add.f32 [tilespmem:s19], [sflag:$0x3], $0x1, s14, s18, $0xb8;
	[tilespmem:$0x1800] =	vst v63  }
0x98: {  	_ =	swait.ge [sflag:s15], $0x80  }
0x99: {  	s31 =	rddreg [dreg:$0xd]  }
0x9a: {  	[sflag:s15] =	ssyncset.done $0x0;
	s28 =	sshrl.u32 s31, $0x3  }
0x9b: {  	[sflag:s15] =	ssyncadd.s32 $0xFFFFFF80;
	s28 =	sadd.s32 s29, s28  }
0x9c: {  	[tilespmem:s5], [sflag:$0x1] =	stream.linear.gather [hbm4b:s28+s5], $0x800, $0x38;
	[tilespmem:$0x1800] =	vst v63  }
0x9d: {  	_ =	swait.ge [sflag:s9], $0x800  }
0x9e: {  	[sflag:s9] =	ssyncset.done $0x0  }
0x9f: {  	[sflag:s9] =	ssyncadd.s32 $0xFFFFF800  }
0xa0: {  	[spmem:s2] =	stream.indirect.scatter.add.f32 [tilespmem:s19], [sflag:$0x3], $0x1, s10, s18, $0xb8;
	[tilespmem:$0x1800] =	vst v63  }
0xa1: {  	_ =	swait.ge [sflag:s15], $0x80  }
0xa2: {  	[sflag:s15] =	ssyncset.done $0x0  }
0xa3: {  	[sflag:s15] =	ssyncadd.s32 $0xFFFFFF80  }
0xa4: {  	[spmem:s4] =	stream.indirect.scatter.add.f32 [tilespmem:s19], [sflag:$0x3], $0x1, s16, s18, $0xb8;
	[tilespmem:$0x1800] =	vst v63  }
0xa5: {  	_ =	swait.ge [sflag:s15], $0x80  }
0xa6: {  	[sflag:s15] =	ssyncset.done $0x0  }
0xa7: {  	[sflag:s15] =	ssyncadd.s32 $0xFFFFFF80  }
0xa8: {  	[spmem:s2] =	stream.indirect.scatter.add.f32 [tilespmem:s19], [sflag:$0x3], $0x1, s11, s18, $0xb8;
	[tilespmem:$0x1800] =	vst v63  }
0xa9: {  	_ =	swait.ge [sflag:s15], $0x80  }
0xaa: {  	[sflag:s15] =	ssyncset.done $0x0  }
0xab: {  	[sflag:s15] =	ssyncadd.s32 $0xFFFFFF80  }
0xac: {  	[spmem:s4] =	stream.indirect.scatter.add.f32 [tilespmem:s19], [sflag:$0x3], $0x1, s12, s18, $0xb8;
	[tilespmem:$0x1800] =	vst v63  }
0xad: {  	_ =	swait.ge [sflag:s15], $0x80  }
0xae: {  	[sflag:s15] =	ssyncset.done $0x0  }
0xaf: {  	[sflag:s15] =	ssyncadd.s32 $0xFFFFFF80  }
0xb0: {  	[spmem:s2] =	stream.indirect.scatter.add.f32 [tilespmem:s19], [sflag:$0x3], $0x1, s7, s18, $0xb8;
	[tilespmem:$0x1800] =	vst v63  }
0xb1: {  	_ =	swait.ge [sflag:s15], $0x80  }
0xb2: {  	[sflag:s15] =	ssyncset.done $0x0  }
0xb3: {  	[sflag:s15] =	ssyncadd.s32 $0xFFFFFF80  }
0xb4: {  	[spmem:s4] =	stream.indirect.scatter.add.f32 [tilespmem:s19], [sflag:$0x3], $0x1, s6, s18, $0xb8;
	[tilespmem:$0x1800] =	vst v63  }
0xb5: {  	_ =	swait.ge [sflag:s15], $0x80  }
0xb6: {  	[sflag:s15] =	ssyncset.done $0x0  }
0xb7: {  	[sflag:s15] =	ssyncadd.s32 $0xFFFFFF80  }
0xb8: {  	[spmem:s2] =	stream.indirect.scatter.add.f32 [tilespmem:s19], [sflag:$0x3], $0x1, s8, s18, $0xb8;
	[tilespmem:$0x1800] =	vst v63  }
0xb9: {  	_ =	swait.ge [sflag:s15], $0x80  }
0xba: {  	[sflag:s15] =	ssyncset.done $0x0  }
0xbb: {  	[sflag:s15] =	ssyncadd.s32 $0xFFFFFF80  }
0xbc: {  	[spmem:s4] =	stream.indirect.scatter.add.f32 [tilespmem:s19], [sflag:$0x3], $0x1, s13, s18, $0xb8;
	[tilespmem:$0x1800] =	vst v63  }
0xbd: {  	_ =	swait.ge [sflag:s15], $0x80  }
0xbe: {  	[sflag:s15] =	ssyncset.done $0x0  }
0xbf: {  	[sflag:s15] =	ssyncadd.s32 $0xFFFFFF80  }
0xc0: {  	[spmem:s2] =	stream.indirect.scatter.add.f32 [tilespmem:s19], [sflag:$0x3], $0x1, s1, s18, $0xb8;
	[tilespmem:$0x1800] =	vst v63  }
0xc1: {  	_ =	swait.ge [sflag:s15], $0x80  }
0xc2: {  	[sflag:s15] =	ssyncset.done $0x0  }
0xc3: {  	[sflag:s15] =	ssyncadd.s32 $0xFFFFFF80  }
0xc4: {  	[spmem:s4] =	stream.indirect.scatter.add.f32 [tilespmem:s19], [sflag:$0x3], $0x1, s20, s18, $0xb8;
	[tilespmem:$0x1800] =	vst v63  }
0xc5: {  	_ =	swait.ge [sflag:s15], $0x80  }
0xc6: {  	[sflag:s15] =	ssyncset.done $0x0  }
0xc7: {  	[sflag:s15] =	ssyncadd.s32 $0xFFFFFF80  }
0xc8: {  	[spmem:s2] =	stream.indirect.scatter.add.f32 [tilespmem:s19], [sflag:$0x3], $0x1, s21, s18, $0xb8;
	[tilespmem:$0x1800] =	vst v63  }
0xc9: {  	_ =	swait.ge [sflag:s15], $0x80  }
0xca: {  	[sflag:s15] =	ssyncset.done $0x0  }
0xcb: {  	[sflag:s15] =	ssyncadd.s32 $0xFFFFFF80  }
0xcc: {  	[spmem:s4] =	stream.indirect.scatter.add.f32 [tilespmem:s19], [sflag:$0x3], $0x1, s22, s18, $0xb8;
	[tilespmem:$0x1800] =	vst v63  }
0xcd: {  	_ =	swait.ge [sflag:s15], $0x80  }
0xce: {  	[sflag:s15] =	ssyncset.done $0x0  }
0xcf: {  	[sflag:s15] =	ssyncadd.s32 $0xFFFFFF80  }
0xd0: {  	[spmem:s2] =	stream.indirect.scatter.add.f32 [tilespmem:s19], [sflag:$0x3], $0x1, s23, s18, $0xb8;
	[tilespmem:$0x1800] =	vst v63  }
0xd1: {  	_ =	swait.ge [sflag:s15], $0x80  }
0xd2: {  	[sflag:s15] =	ssyncset.done $0x0  }
0xd3: {  	[sflag:s15] =	ssyncadd.s32 $0xFFFFFF80  }
0xd4: {  	[spmem:s4] =	stream.indirect.scatter.add.f32 [tilespmem:s19], [sflag:$0x3], $0x1, s24, s18, $0xb8;
	[tilespmem:$0x1800] =	vst v63  }
0xd5: {  	_ =	swait.ge [sflag:s15], $0x80  }
0xd6: {  	[sflag:s15] =	ssyncset.done $0x0  }
0xd7: {  	[sflag:s15] =	ssyncadd.s32 $0xFFFFFF80  }
0xd8: {  	[spmem:s2] =	stream.indirect.scatter.add.f32 [tilespmem:s19], [sflag:$0x3], $0x1, s25, s18, $0xb8;
	[tilespmem:$0x1800] =	vst v63  }
0xd9: {  	_ =	swait.ge [sflag:s15], $0x80  }
0xda: {  	[sflag:s15] =	ssyncset.done $0x0  }
0xdb: {  	[sflag:s15] =	ssyncadd.s32 $0xFFFFFF80  }
0xdc: {  	[spmem:s4] =	stream.indirect.scatter.add.f32 [tilespmem:s19], [sflag:$0x3], $0x1, s26, s18, $0xb8;
	[tilespmem:$0x1800] =	vst v63  }
0xdd: {  	s0 =	smov.u32 s29;
	_ =	swait.ge [sflag:s15], $0x80  }
0xde: {  	s28 =	simm.s32 $0x200;
	s29 =	rddreg [dreg:$0x5];
	[sflag:s15] =	ssyncset.done $0x0  }
0xdf: {  	[sflag:s15] =	ssyncadd.s32 $0xFFFFFF80;
	s30 =	sadd.s32 $0x0, s29;
	s29 =	sadd.s32 $0x1000, s31  }
.LBB2_2:
0xe0: {  	[tilespmem:s16], [sflag:$0x2] =	stream.linear.gather [hbm4b:s30+s5], $0x800, $0x38;
	[tilespmem:$0x1800] =	vst v63  }
0xe1: {  	_ =	swait.ge [sflag:s17], $0x800  }
0xe2: {  	[sflag:s17] =	ssyncset.done $0x0  }
0xe3: {  	[sflag:s17] =	ssyncadd.s32 $0xFFFFF800  }
0xe4: {  	[spmem:s2] =	stream.indirect.scatter.add.f32 [tilespmem:s19], [sflag:$0x3], $0x1, s18, s18, $0xb8;
	[tilespmem:$0x1800] =	vst v63  }
0xe5: {  	_ =	swait.ge [sflag:s15], $0x80  }
0xe6: {  	[sflag:s15] =	ssyncset.done $0x0  }
0xe7: {  	[sflag:s15] =	ssyncadd.s32 $0xFFFFFF80  }
0xe8: {  	[spmem:s4] =	stream.indirect.scatter.add.f32 [tilespmem:s19], [sflag:$0x3], $0x1, s5, s18, $0xb8;
	[tilespmem:$0x1800] =	vst v63  }
0xe9: {  	_ =	swait.ge [sflag:s15], $0x80  }
0xea: {  	[sflag:s15] =	ssyncset.done $0x0  }
0xeb: {  	s31 =	simm.s32 $0x180;
	[sflag:s15] =	ssyncadd.s32 $0xFFFFFF80  }
0xec: {  	[spmem:s2] =	stream.indirect.scatter.add.f32 [tilespmem:s19], [sflag:$0x3], $0x1, s31, s18, $0xb8;
	[tilespmem:$0x1800] =	vst v63  }
0xed: {  	_ =	swait.ge [sflag:s15], $0x80  }
0xee: {  	[sflag:s15] =	ssyncset.done $0x0  }
0xef: {  	s31 =	simm.s32 $0x100;
	[sflag:s15] =	ssyncadd.s32 $0xFFFFFF80  }
0xf0: {  	[spmem:s4] =	stream.indirect.scatter.add.f32 [tilespmem:s19], [sflag:$0x3], $0x1, s31, s18, $0xb8;
	[tilespmem:$0x1800] =	vst v63  }
0xf1: {  	_ =	swait.ge [sflag:s15], $0x80  }
0xf2: {  	[sflag:s15] =	ssyncset.done $0x0  }
0xf3: {  	s31 =	simm.s32 $0x280;
	[sflag:s15] =	ssyncadd.s32 $0xFFFFFF80  }
0xf4: {  	[spmem:s2] =	stream.indirect.scatter.add.f32 [tilespmem:s19], [sflag:$0x3], $0x1, s31, s18, $0xb8;
	[tilespmem:$0x1800] =	vst v63  }
0xf5: {  	_ =	swait.ge [sflag:s15], $0x80  }
0xf6: {  	[sflag:s15] =	ssyncset.done $0x0  }
0xf7: {  	s31 =	simm.s32 $0x200;
	[sflag:s15] =	ssyncadd.s32 $0xFFFFFF80  }
0xf8: {  	[spmem:s4] =	stream.indirect.scatter.add.f32 [tilespmem:s19], [sflag:$0x3], $0x1, s31, s18, $0xb8;
	[tilespmem:$0x1800] =	vst v63  }
0xf9: {  	_ =	swait.ge [sflag:s15], $0x80  }
0xfa: {  	[sflag:s15] =	ssyncset.done $0x0  }
0xfb: {  	s31 =	simm.s32 $0x380;
	[sflag:s15] =	ssyncadd.s32 $0xFFFFFF80  }
0xfc: {  	[spmem:s2] =	stream.indirect.scatter.add.f32 [tilespmem:s19], [sflag:$0x3], $0x1, s31, s18, $0xb8;
	[tilespmem:$0x1800] =	vst v63  }
0xfd: {  	_ =	swait.ge [sflag:s15], $0x80  }
0xfe: {  	[sflag:s15] =	ssyncset.done $0x0  }
0xff: {  	s31 =	simm.s32 $0x300;
	[sflag:s15] =	ssyncadd.s32 $0xFFFFFF80  }
0x100: {  	[spmem:s4] =	stream.indirect.scatter.add.f32 [tilespmem:s19], [sflag:$0x3], $0x1, s31, s18, $0xb8;
	[tilespmem:$0x1800] =	vst v63  }
0x101: {  	_ =	swait.ge [sflag:s15], $0x80  }
0x102: {  	[sflag:s15] =	ssyncset.done $0x0  }
0x103: {  	s31 =	simm.s32 $0x480;
	[sflag:s15] =	ssyncadd.s32 $0xFFFFFF80  }
0x104: {  	[spmem:s2] =	stream.indirect.scatter.add.f32 [tilespmem:s19], [sflag:$0x3], $0x1, s31, s18, $0xb8;
	[tilespmem:$0x1800] =	vst v63  }
0x105: {  	_ =	swait.ge [sflag:s15], $0x80  }
0x106: {  	[sflag:s15] =	ssyncset.done $0x0  }
0x107: {  	s31 =	simm.s32 $0x400;
	[sflag:s15] =	ssyncadd.s32 $0xFFFFFF80  }
0x108: {  	[spmem:s4] =	stream.indirect.scatter.add.f32 [tilespmem:s19], [sflag:$0x3], $0x1, s31, s18, $0xb8;
	[tilespmem:$0x1800] =	vst v63  }
0x109: {  	_ =	swait.ge [sflag:s15], $0x80  }
0x10a: {  	[sflag:s15] =	ssyncset.done $0x0  }
0x10b: {  	s31 =	simm.s32 $0x580;
	[sflag:s15] =	ssyncadd.s32 $0xFFFFFF80  }
0x10c: {  	[spmem:s2] =	stream.indirect.scatter.add.f32 [tilespmem:s19], [sflag:$0x3], $0x1, s31, s18, $0xb8;
	[tilespmem:$0x1800] =	vst v63  }
0x10d: {  	_ =	swait.ge [sflag:s15], $0x80  }
0x10e: {  	[sflag:s15] =	ssyncset.done $0x0  }
0x10f: {  	s31 =	simm.s32 $0x500;
	[sflag:s15] =	ssyncadd.s32 $0xFFFFFF80  }
0x110: {  	[spmem:s4] =	stream.indirect.scatter.add.f32 [tilespmem:s19], [sflag:$0x3], $0x1, s31, s18, $0xb8;
	[tilespmem:$0x1800] =	vst v63  }
0x111: {  	_ =	swait.ge [sflag:s15], $0x80  }
0x112: {  	[sflag:s15] =	ssyncset.done $0x0  }
0x113: {  	s31 =	simm.s32 $0x680;
	[sflag:s15] =	ssyncadd.s32 $0xFFFFFF80  }
0x114: {  	[spmem:s2] =	stream.indirect.scatter.add.f32 [tilespmem:s19], [sflag:$0x3], $0x1, s31, s18, $0xb8;
	[tilespmem:$0x1800] =	vst v63  }
0x115: {  	_ =	swait.ge [sflag:s15], $0x80  }
0x116: {  	[sflag:s15] =	ssyncset.done $0x0  }
0x117: {  	s31 =	simm.s32 $0x600;
	[sflag:s15] =	ssyncadd.s32 $0xFFFFFF80  }
0x118: {  	[spmem:s4] =	stream.indirect.scatter.add.f32 [tilespmem:s19], [sflag:$0x3], $0x1, s31, s18, $0xb8;
	[tilespmem:$0x1800] =	vst v63  }
0x119: {  	_ =	swait.ge [sflag:s15], $0x80  }
0x11a: {  	[sflag:s15] =	ssyncset.done $0x0  }
0x11b: {  	[sflag:s15] =	ssyncadd.s32 $0xFFFFFF80  }
0x11c: {  	[spmem:s2] =	stream.indirect.scatter.add.f32 [tilespmem:s19], [sflag:$0x3], $0x1, s3, s18, $0xb8;
	[tilespmem:$0x1800] =	vst v63  }
0x11d: {  	_ =	swait.ge [sflag:s15], $0x80  }
0x11e: {  	[sflag:s15] =	ssyncset.done $0x0  }
0x11f: {  	[sflag:s15] =	ssyncadd.s32 $0xFFFFFF80  }
0x120: {  	[spmem:s4] =	stream.indirect.scatter.add.f32 [tilespmem:s19], [sflag:$0x3], $0x1, s14, s18, $0xb8;
	[tilespmem:$0x1800] =	vst v63  }
0x121: {  	_ =	swait.ge [sflag:s15], $0x80  }
0x122: {  	s31 =	sshrl.u32 s29, $0x3;
	[sflag:s15] =	ssyncset.done $0x0  }
0x123: {  	s31 =	sadd.s32 s0, s31;
	[sflag:s15] =	ssyncadd.s32 $0xFFFFFF80  }
0x124: {  	[tilespmem:s5], [sflag:$0x1] =	stream.linear.gather [hbm4b:s31+s5], $0x800, $0x38;
	[tilespmem:$0x1800] =	vst v63  }
0x125: {  	_ =	swait.ge [sflag:s9], $0x800  }
0x126: {  	[sflag:s9] =	ssyncset.done $0x0  }
0x127: {  	[sflag:s9] =	ssyncadd.s32 $0xFFFFF800  }
0x128: {  	[spmem:s2] =	stream.indirect.scatter.add.f32 [tilespmem:s19], [sflag:$0x3], $0x1, s10, s18, $0xb8;
	[tilespmem:$0x1800] =	vst v63  }
0x129: {  	_ =	swait.ge [sflag:s15], $0x80  }
0x12a: {  	[sflag:s15] =	ssyncset.done $0x0  }
0x12b: {  	[sflag:s15] =	ssyncadd.s32 $0xFFFFFF80  }
0x12c: {  	[spmem:s4] =	stream.indirect.scatter.add.f32 [tilespmem:s19], [sflag:$0x3], $0x1, s16, s18, $0xb8;
	[tilespmem:$0x1800] =	vst v63  }
0x12d: {  	_ =	swait.ge [sflag:s15], $0x80  }
0x12e: {  	[sflag:s15] =	ssyncset.done $0x0  }
0x12f: {  	[sflag:s15] =	ssyncadd.s32 $0xFFFFFF80  }
0x130: {  	[spmem:s2] =	stream.indirect.scatter.add.f32 [tilespmem:s19], [sflag:$0x3], $0x1, s11, s18, $0xb8;
	[tilespmem:$0x1800] =	vst v63  }
0x131: {  	_ =	swait.ge [sflag:s15], $0x80  }
0x132: {  	[sflag:s15] =	ssyncset.done $0x0  }
0x133: {  	[sflag:s15] =	ssyncadd.s32 $0xFFFFFF80  }
0x134: {  	[spmem:s4] =	stream.indirect.scatter.add.f32 [tilespmem:s19], [sflag:$0x3], $0x1, s12, s18, $0xb8;
	[tilespmem:$0x1800] =	vst v63  }
0x135: {  	_ =	swait.ge [sflag:s15], $0x80  }
0x136: {  	[sflag:s15] =	ssyncset.done $0x0  }
0x137: {  	[sflag:s15] =	ssyncadd.s32 $0xFFFFFF80  }
0x138: {  	[spmem:s2] =	stream.indirect.scatter.add.f32 [tilespmem:s19], [sflag:$0x3], $0x1, s7, s18, $0xb8;
	[tilespmem:$0x1800] =	vst v63  }
0x139: {  	_ =	swait.ge [sflag:s15], $0x80  }
0x13a: {  	[sflag:s15] =	ssyncset.done $0x0  }
0x13b: {  	[sflag:s15] =	ssyncadd.s32 $0xFFFFFF80  }
0x13c: {  	[spmem:s4] =	stream.indirect.scatter.add.f32 [tilespmem:s19], [sflag:$0x3], $0x1, s6, s18, $0xb8;
	[tilespmem:$0x1800] =	vst v63  }
0x13d: {  	_ =	swait.ge [sflag:s15], $0x80  }
0x13e: {  	[sflag:s15] =	ssyncset.done $0x0  }
0x13f: {  	[sflag:s15] =	ssyncadd.s32 $0xFFFFFF80  }
0x140: {  	[spmem:s2] =	stream.indirect.scatter.add.f32 [tilespmem:s19], [sflag:$0x3], $0x1, s8, s18, $0xb8;
	[tilespmem:$0x1800] =	vst v63  }
0x141: {  	_ =	swait.ge [sflag:s15], $0x80  }
0x142: {  	[sflag:s15] =	ssyncset.done $0x0  }
0x143: {  	[sflag:s15] =	ssyncadd.s32 $0xFFFFFF80  }
0x144: {  	[spmem:s4] =	stream.indirect.scatter.add.f32 [tilespmem:s19], [sflag:$0x3], $0x1, s13, s18, $0xb8;
	[tilespmem:$0x1800] =	vst v63  }
0x145: {  	_ =	swait.ge [sflag:s15], $0x80  }
0x146: {  	[sflag:s15] =	ssyncset.done $0x0  }
0x147: {  	[sflag:s15] =	ssyncadd.s32 $0xFFFFFF80  }
0x148: {  	[spmem:s2] =	stream.indirect.scatter.add.f32 [tilespmem:s19], [sflag:$0x3], $0x1, s1, s18, $0xb8;
	[tilespmem:$0x1800] =	vst v63  }
0x149: {  	_ =	swait.ge [sflag:s15], $0x80  }
0x14a: {  	[sflag:s15] =	ssyncset.done $0x0  }
0x14b: {  	[sflag:s15] =	ssyncadd.s32 $0xFFFFFF80  }
0x14c: {  	[spmem:s4] =	stream.indirect.scatter.add.f32 [tilespmem:s19], [sflag:$0x3], $0x1, s20, s18, $0xb8;
	[tilespmem:$0x1800] =	vst v63  }
0x14d: {  	_ =	swait.ge [sflag:s15], $0x80  }
0x14e: {  	[sflag:s15] =	ssyncset.done $0x0  }
0x14f: {  	[sflag:s15] =	ssyncadd.s32 $0xFFFFFF80  }
0x150: {  	[spmem:s2] =	stream.indirect.scatter.add.f32 [tilespmem:s19], [sflag:$0x3], $0x1, s21, s18, $0xb8;
	[tilespmem:$0x1800] =	vst v63  }
0x151: {  	_ =	swait.ge [sflag:s15], $0x80  }
0x152: {  	[sflag:s15] =	ssyncset.done $0x0  }
0x153: {  	[sflag:s15] =	ssyncadd.s32 $0xFFFFFF80  }
0x154: {  	[spmem:s4] =	stream.indirect.scatter.add.f32 [tilespmem:s19], [sflag:$0x3], $0x1, s22, s18, $0xb8;
	[tilespmem:$0x1800] =	vst v63  }
0x155: {  	_ =	swait.ge [sflag:s15], $0x80  }
0x156: {  	[sflag:s15] =	ssyncset.done $0x0  }
0x157: {  	[sflag:s15] =	ssyncadd.s32 $0xFFFFFF80  }
0x158: {  	[spmem:s2] =	stream.indirect.scatter.add.f32 [tilespmem:s19], [sflag:$0x3], $0x1, s23, s18, $0xb8;
	[tilespmem:$0x1800] =	vst v63  }
0x159: {  	_ =	swait.ge [sflag:s15], $0x80  }
0x15a: {  	[sflag:s15] =	ssyncset.done $0x0  }
0x15b: {  	[sflag:s15] =	ssyncadd.s32 $0xFFFFFF80  }
0x15c: {  	[spmem:s4] =	stream.indirect.scatter.add.f32 [tilespmem:s19], [sflag:$0x3], $0x1, s24, s18, $0xb8;
	[tilespmem:$0x1800] =	vst v63  }
0x15d: {  	_ =	swait.ge [sflag:s15], $0x80  }
0x15e: {  	[sflag:s15] =	ssyncset.done $0x0  }
0x15f: {  	[sflag:s15] =	ssyncadd.s32 $0xFFFFFF80  }
0x160: {  	[spmem:s2] =	stream.indirect.scatter.add.f32 [tilespmem:s19], [sflag:$0x3], $0x1, s25, s18, $0xb8;
	[tilespmem:$0x1800] =	vst v63  }
0x161: {  	_ =	swait.ge [sflag:s15], $0x80  }
0x162: {  	p0 =	sne.s32 s28, $0x600;
	[sflag:s15] =	ssyncset.done $0x0  }
.Ltmp0:
0x163: {  	[sflag:s15] =	ssyncadd.s32 $0xFFFFFF80;
	(pc) =	sbr.rel @p0 .LBB2_2-.Ltmp0, $4  }
0x164: {  	[spmem:s4] =	stream.indirect.scatter.add.f32 [tilespmem:s19], [sflag:$0x3], $0x1, s26, s18, $0xb8;
	[tilespmem:$0x1800] =	vst v63  }
0x165: {  	s30 =	smov.u32 s28;
	_ =	swait.ge [sflag:s15], $0x80  }
0x166: {  	s28 =	sadd.s32 $0x200, s28;
	[sflag:s15] =	ssyncset.done $0x0;
	s31 =	rddreg [dreg:$0x5]  }
0x167: {  	s29 =	sadd.s32 $0x1000, s29;
	[sflag:s15] =	ssyncadd.s32 $0xFFFFFF80;
	s30 =	sadd.s32 s30, s31  }
0x168: {  	[tilespmem:s16], [sflag:$0x2] =	stream.linear.gather [hbm4b:s30+s5], $0x800, $0x38;
	[tilespmem:$0x1800] =	vst v63  }
0x169: {  	_ =	swait.ge [sflag:s17], $0x800  }
0x16a: {  	[sflag:s17] =	ssyncset.done $0x0  }
0x16b: {  	[sflag:s17] =	ssyncadd.s32 $0xFFFFF800  }
0x16c: {  	[spmem:s2] =	stream.indirect.scatter.add.f32 [tilespmem:s19], [sflag:$0x3], $0x1, s18, s18, $0xb8;
	[tilespmem:$0x1800] =	vst v63  }
0x16d: {  	_ =	swait.ge [sflag:s15], $0x80  }
0x16e: {  	[sflag:s15] =	ssyncset.done $0x0  }
0x16f: {  	[sflag:s15] =	ssyncadd.s32 $0xFFFFFF80  }
0x170: {  	[spmem:s4] =	stream.indirect.scatter.add.f32 [tilespmem:s19], [sflag:$0x3], $0x1, s5, s18, $0xb8;
	[tilespmem:$0x1800] =	vst v63  }
0x171: {  	_ =	swait.ge [sflag:s15], $0x80  }
0x172: {  	[sflag:s15] =	ssyncset.done $0x0  }
0x173: {  	s28 =	simm.s32 $0x180;
	[sflag:s15] =	ssyncadd.s32 $0xFFFFFF80  }
0x174: {  	[spmem:s2] =	stream.indirect.scatter.add.f32 [tilespmem:s19], [sflag:$0x3], $0x1, s28, s18, $0xb8;
	[tilespmem:$0x1800] =	vst v63  }
0x175: {  	_ =	swait.ge [sflag:s15], $0x80  }
0x176: {  	[sflag:s15] =	ssyncset.done $0x0  }
0x177: {  	s28 =	simm.s32 $0x100;
	[sflag:s15] =	ssyncadd.s32 $0xFFFFFF80  }
0x178: {  	[spmem:s4] =	stream.indirect.scatter.add.f32 [tilespmem:s19], [sflag:$0x3], $0x1, s28, s18, $0xb8;
	[tilespmem:$0x1800] =	vst v63  }
0x179: {  	_ =	swait.ge [sflag:s15], $0x80  }
0x17a: {  	[sflag:s15] =	ssyncset.done $0x0  }
0x17b: {  	s28 =	simm.s32 $0x280;
	[sflag:s15] =	ssyncadd.s32 $0xFFFFFF80  }
0x17c: {  	[spmem:s2] =	stream.indirect.scatter.add.f32 [tilespmem:s19], [sflag:$0x3], $0x1, s28, s18, $0xb8;
	[tilespmem:$0x1800] =	vst v63  }
0x17d: {  	_ =	swait.ge [sflag:s15], $0x80  }
0x17e: {  	[sflag:s15] =	ssyncset.done $0x0  }
0x17f: {  	s28 =	simm.s32 $0x200;
	[sflag:s15] =	ssyncadd.s32 $0xFFFFFF80  }
0x180: {  	[spmem:s4] =	stream.indirect.scatter.add.f32 [tilespmem:s19], [sflag:$0x3], $0x1, s28, s18, $0xb8;
	[tilespmem:$0x1800] =	vst v63  }
0x181: {  	_ =	swait.ge [sflag:s15], $0x80  }
0x182: {  	[sflag:s15] =	ssyncset.done $0x0  }
0x183: {  	s28 =	simm.s32 $0x380;
	[sflag:s15] =	ssyncadd.s32 $0xFFFFFF80  }
0x184: {  	[spmem:s2] =	stream.indirect.scatter.add.f32 [tilespmem:s19], [sflag:$0x3], $0x1, s28, s18, $0xb8;
	[tilespmem:$0x1800] =	vst v63  }
0x185: {  	_ =	swait.ge [sflag:s15], $0x80  }
0x186: {  	[sflag:s15] =	ssyncset.done $0x0  }
0x187: {  	s28 =	simm.s32 $0x300;
	[sflag:s15] =	ssyncadd.s32 $0xFFFFFF80  }
0x188: {  	[spmem:s4] =	stream.indirect.scatter.add.f32 [tilespmem:s19], [sflag:$0x3], $0x1, s28, s18, $0xb8;
	[tilespmem:$0x1800] =	vst v63  }
0x189: {  	_ =	swait.ge [sflag:s15], $0x80  }
0x18a: {  	[sflag:s15] =	ssyncset.done $0x0  }
0x18b: {  	s28 =	simm.s32 $0x480;
	[sflag:s15] =	ssyncadd.s32 $0xFFFFFF80  }
0x18c: {  	[spmem:s2] =	stream.indirect.scatter.add.f32 [tilespmem:s19], [sflag:$0x3], $0x1, s28, s18, $0xb8;
	[tilespmem:$0x1800] =	vst v63  }
0x18d: {  	_ =	swait.ge [sflag:s15], $0x80  }
0x18e: {  	[sflag:s15] =	ssyncset.done $0x0  }
0x18f: {  	s28 =	simm.s32 $0x400;
	[sflag:s15] =	ssyncadd.s32 $0xFFFFFF80  }
0x190: {  	[spmem:s4] =	stream.indirect.scatter.add.f32 [tilespmem:s19], [sflag:$0x3], $0x1, s28, s18, $0xb8;
	[tilespmem:$0x1800] =	vst v63  }
0x191: {  	_ =	swait.ge [sflag:s15], $0x80  }
0x192: {  	[sflag:s15] =	ssyncset.done $0x0  }
0x193: {  	s28 =	simm.s32 $0x580;
	[sflag:s15] =	ssyncadd.s32 $0xFFFFFF80  }
0x194: {  	[spmem:s2] =	stream.indirect.scatter.add.f32 [tilespmem:s19], [sflag:$0x3], $0x1, s28, s18, $0xb8;
	[tilespmem:$0x1800] =	vst v63  }
0x195: {  	_ =	swait.ge [sflag:s15], $0x80  }
0x196: {  	[sflag:s15] =	ssyncset.done $0x0  }
0x197: {  	s28 =	simm.s32 $0x500;
	[sflag:s15] =	ssyncadd.s32 $0xFFFFFF80  }
0x198: {  	[spmem:s4] =	stream.indirect.scatter.add.f32 [tilespmem:s19], [sflag:$0x3], $0x1, s28, s18, $0xb8;
	[tilespmem:$0x1800] =	vst v63  }
0x199: {  	_ =	swait.ge [sflag:s15], $0x80  }
0x19a: {  	[sflag:s15] =	ssyncset.done $0x0  }
0x19b: {  	s28 =	simm.s32 $0x680;
	[sflag:s15] =	ssyncadd.s32 $0xFFFFFF80  }
0x19c: {  	[spmem:s2] =	stream.indirect.scatter.add.f32 [tilespmem:s19], [sflag:$0x3], $0x1, s28, s18, $0xb8;
	[tilespmem:$0x1800] =	vst v63  }
0x19d: {  	_ =	swait.ge [sflag:s15], $0x80  }
0x19e: {  	[sflag:s15] =	ssyncset.done $0x0  }
0x19f: {  	s28 =	simm.s32 $0x600;
	[sflag:s15] =	ssyncadd.s32 $0xFFFFFF80  }
0x1a0: {  	[spmem:s4] =	stream.indirect.scatter.add.f32 [tilespmem:s19], [sflag:$0x3], $0x1, s28, s18, $0xb8;
	[tilespmem:$0x1800] =	vst v63  }
0x1a1: {  	_ =	swait.ge [sflag:s15], $0x80  }
0x1a2: {  	[sflag:s15] =	ssyncset.done $0x0  }
0x1a3: {  	[sflag:s15] =	ssyncadd.s32 $0xFFFFFF80  }
0x1a4: {  	[spmem:s2] =	stream.indirect.scatter.add.f32 [tilespmem:s19], [sflag:$0x3], $0x1, s3, s18, $0xb8;
	[tilespmem:$0x1800] =	vst v63  }
0x1a5: {  	_ =	swait.ge [sflag:s15], $0x80  }
0x1a6: {  	[sflag:s15] =	ssyncset.done $0x0  }
0x1a7: {  	[sflag:s15] =	ssyncadd.s32 $0xFFFFFF80  }
0x1a8: {  	[spmem:s4] =	stream.indirect.scatter.add.f32 [tilespmem:s19], [sflag:$0x3], $0x1, s14, s18, $0xb8;
	[tilespmem:$0x1800] =	vst v63  }
0x1a9: {  	_ =	swait.ge [sflag:s15], $0x80  }
0x1aa: {  	[sflag:s15] =	ssyncset.done $0x0  }
0x1ab: {  	[sflag:s15] =	ssyncadd.s32 $0xFFFFFF80  }
0x1ac: {  	_ =	swait.ge [sflag:s9], $0x800  }
0x1ad: {  	[sflag:s9] =	ssyncset.done $0x0  }
0x1ae: {  	[sflag:s9] =	ssyncadd.s32 $0xFFFFF800  }
0x1af: {  	[spmem:s2] =	stream.indirect.scatter.add.f32 [tilespmem:s19], [sflag:$0x3], $0x1, s10, s18, $0xb8;
	[tilespmem:$0x1800] =	vst v63  }
0x1b0: {  	_ =	swait.ge [sflag:s15], $0x80  }
0x1b1: {  	[sflag:s15] =	ssyncset.done $0x0  }
0x1b2: {  	[sflag:s15] =	ssyncadd.s32 $0xFFFFFF80  }
0x1b3: {  	[spmem:s4] =	stream.indirect.scatter.add.f32 [tilespmem:s19], [sflag:$0x3], $0x1, s16, s18, $0xb8;
	[tilespmem:$0x1800] =	vst v63  }
0x1b4: {  	_ =	swait.ge [sflag:s15], $0x80  }
0x1b5: {  	[sflag:s15] =	ssyncset.done $0x0  }
0x1b6: {  	[sflag:s15] =	ssyncadd.s32 $0xFFFFFF80  }
0x1b7: {  	[spmem:s2] =	stream.indirect.scatter.add.f32 [tilespmem:s19], [sflag:$0x3], $0x1, s11, s18, $0xb8;
	[tilespmem:$0x1800] =	vst v63  }
0x1b8: {  	_ =	swait.ge [sflag:s15], $0x80  }
0x1b9: {  	[sflag:s15] =	ssyncset.done $0x0  }
0x1ba: {  	[sflag:s15] =	ssyncadd.s32 $0xFFFFFF80  }
0x1bb: {  	[spmem:s4] =	stream.indirect.scatter.add.f32 [tilespmem:s19], [sflag:$0x3], $0x1, s12, s18, $0xb8;
	[tilespmem:$0x1800] =	vst v63  }
0x1bc: {  	_ =	swait.ge [sflag:s15], $0x80  }
0x1bd: {  	[sflag:s15] =	ssyncset.done $0x0  }
0x1be: {  	[sflag:s15] =	ssyncadd.s32 $0xFFFFFF80  }
0x1bf: {  	[spmem:s2] =	stream.indirect.scatter.add.f32 [tilespmem:s19], [sflag:$0x3], $0x1, s7, s18, $0xb8;
	[tilespmem:$0x1800] =	vst v63  }
0x1c0: {  	_ =	swait.ge [sflag:s15], $0x80  }
0x1c1: {  	[sflag:s15] =	ssyncset.done $0x0  }
0x1c2: {  	[sflag:s15] =	ssyncadd.s32 $0xFFFFFF80  }
0x1c3: {  	[spmem:s4] =	stream.indirect.scatter.add.f32 [tilespmem:s19], [sflag:$0x3], $0x1, s6, s18, $0xb8;
	[tilespmem:$0x1800] =	vst v63  }
0x1c4: {  	_ =	swait.ge [sflag:s15], $0x80  }
0x1c5: {  	[sflag:s15] =	ssyncset.done $0x0  }
0x1c6: {  	[sflag:s15] =	ssyncadd.s32 $0xFFFFFF80  }
0x1c7: {  	[spmem:s2] =	stream.indirect.scatter.add.f32 [tilespmem:s19], [sflag:$0x3], $0x1, s8, s18, $0xb8;
	[tilespmem:$0x1800] =	vst v63  }
0x1c8: {  	_ =	swait.ge [sflag:s15], $0x80  }
0x1c9: {  	[sflag:s15] =	ssyncset.done $0x0  }
0x1ca: {  	[sflag:s15] =	ssyncadd.s32 $0xFFFFFF80  }
0x1cb: {  	[spmem:s4] =	stream.indirect.scatter.add.f32 [tilespmem:s19], [sflag:$0x3], $0x1, s13, s18, $0xb8;
	[tilespmem:$0x1800] =	vst v63  }
0x1cc: {  	_ =	swait.ge [sflag:s15], $0x80  }
0x1cd: {  	[sflag:s15] =	ssyncset.done $0x0  }
0x1ce: {  	[sflag:s15] =	ssyncadd.s32 $0xFFFFFF80  }
0x1cf: {  	[spmem:s2] =	stream.indirect.scatter.add.f32 [tilespmem:s19], [sflag:$0x3], $0x1, s1, s18, $0xb8;
	[tilespmem:$0x1800] =	vst v63  }
0x1d0: {  	_ =	swait.ge [sflag:s15], $0x80  }
0x1d1: {  	[sflag:s15] =	ssyncset.done $0x0  }
0x1d2: {  	[sflag:s15] =	ssyncadd.s32 $0xFFFFFF80  }
0x1d3: {  	[spmem:s4] =	stream.indirect.scatter.add.f32 [tilespmem:s19], [sflag:$0x3], $0x1, s20, s18, $0xb8;
	[tilespmem:$0x1800] =	vst v63  }
0x1d4: {  	_ =	swait.ge [sflag:s15], $0x80  }
0x1d5: {  	[sflag:s15] =	ssyncset.done $0x0  }
0x1d6: {  	[sflag:s15] =	ssyncadd.s32 $0xFFFFFF80  }
0x1d7: {  	[spmem:s2] =	stream.indirect.scatter.add.f32 [tilespmem:s19], [sflag:$0x3], $0x1, s21, s18, $0xb8;
	[tilespmem:$0x1800] =	vst v63  }
0x1d8: {  	_ =	swait.ge [sflag:s15], $0x80  }
0x1d9: {  	[sflag:s15] =	ssyncset.done $0x0  }
0x1da: {  	[sflag:s15] =	ssyncadd.s32 $0xFFFFFF80  }
0x1db: {  	[spmem:s4] =	stream.indirect.scatter.add.f32 [tilespmem:s19], [sflag:$0x3], $0x1, s22, s18, $0xb8;
	[tilespmem:$0x1800] =	vst v63  }
0x1dc: {  	_ =	swait.ge [sflag:s15], $0x80  }
0x1dd: {  	[sflag:s15] =	ssyncset.done $0x0  }
0x1de: {  	[sflag:s15] =	ssyncadd.s32 $0xFFFFFF80  }
0x1df: {  	[spmem:s2] =	stream.indirect.scatter.add.f32 [tilespmem:s19], [sflag:$0x3], $0x1, s23, s18, $0xb8;
	[tilespmem:$0x1800] =	vst v63  }
0x1e0: {  	_ =	swait.ge [sflag:s15], $0x80  }
0x1e1: {  	[sflag:s15] =	ssyncset.done $0x0  }
0x1e2: {  	[sflag:s15] =	ssyncadd.s32 $0xFFFFFF80  }
0x1e3: {  	[spmem:s4] =	stream.indirect.scatter.add.f32 [tilespmem:s19], [sflag:$0x3], $0x1, s24, s18, $0xb8;
	[tilespmem:$0x1800] =	vst v63  }
0x1e4: {  	_ =	swait.ge [sflag:s15], $0x80  }
0x1e5: {  	[sflag:s15] =	ssyncset.done $0x0  }
0x1e6: {  	[sflag:s15] =	ssyncadd.s32 $0xFFFFFF80  }
0x1e7: {  	[spmem:s2] =	stream.indirect.scatter.add.f32 [tilespmem:s19], [sflag:$0x3], $0x1, s25, s18, $0xb8;
	[tilespmem:$0x1800] =	vst v63  }
0x1e8: {  	_ =	swait.ge [sflag:s15], $0x80  }
0x1e9: {  	[sflag:s15] =	ssyncset.done $0x0  }
0x1ea: {  	[sflag:s15] =	ssyncadd.s32 $0xFFFFFF80  }
0x1eb: {  	[spmem:s4] =	stream.indirect.scatter.add.f32 [tilespmem:s19], [sflag:$0x3], $0x1, s26, s18, $0xb8;
	[tilespmem:$0x1800] =	vst v63  }
0x1ec: {  	_ =	swait.ge [sflag:s15], $0x80  }
0x1ed: {  	s28 =	stileid.u32;
	[sflag:s15] =	ssyncset.done $0x0  }
0x1ee: {  	s28 =	sshll.u32 s28, $0x6;
	[sflag:s15] =	ssyncadd.s32 $0xFFFFFF80  }
0x1ef: {  	s3 =	sor.u32 $0x1C03, s28;
	[bflag:$0x0] =	sbarrier.arrive $0xFFFF  }
0x1f0: {  	[dreg:$0xf] =	wrdreg s3  }
0x1f1: {  	s29 =	rddreg [dreg:$0x6]  }
0x1f2: {  	s30 =	simm.s32 $0x10;
	s31 =	rddreg [dreg:$0xa]  }
0x1f3: {  	s28 =	simm.s32 $0x20;
	s29 =	sshrl.u32 s29, $0x3;
	s3 =	rddreg [dreg:$0xf]  }
0x1f4: {  	[hbm:s31@s28], [sflag:s3] =	dma.strided [spmem:s29@s30], $0x50, s17, $0x10   }
0x1f5: {  	_ =	swait.ge [sflag:s15], $0x50  }
0x1f6: {  	s3 =	rddreg [dreg:$0x8]  }
0x1f7: {  	s30 =	rddreg [dreg:$0xb]  }
0x1f8: {  	s31 =	simm.s32 $0x20;
	[sflag:s15] =	ssyncset.done $0x0;
	s28 =	rddreg [dreg:$0xf]  }
0x1f9: {  	[sflag:s15] =	ssyncadd.s32 $0xFFFFFFB0;
	s29 =	sshrl.u32 s3, $0x3;
	s3 =	simm.s32 $0x10  }
0x1fa: {  	[hbm:s30@s31], [sflag:s28] =	dma.strided [spmem:s29@s3], $0x50, s17, $0x10   }
0x1fb: {  	s31 =	rddreg [dreg:$0x8];
	_ =	swait.ge [sflag:s15], $0x50  }
0x1fc: {  	s30 =	rddreg [dreg:$0xe]  }
0x1fd: {  	s28 =	rddreg [dreg:$0xc];
	s30 =	sadd.s32 $0x1, s30  }
0x1fe: {  	p0 =	sne.s32 s30, s28  }
.Ltmp1:
0x1ff: {  	_ = 	snop;
	(pc) =	sbr.rel @p0 .LBB2_1-.Ltmp1, $3  }
0x200: {  	_ =	sdelay $0x1  }
0x201: {  	s3 =	simm.s32 $0x780;
	[sflag:s15] =	ssyncset.done $0x0  }
0x202: {  	s29 =	smov.u32 s0;
	[sflag:s15] =	ssyncadd.s32 $0xFFFFFFB0;
	s28 =	rddreg [dreg:$0x6]  }
0x203: {  	_ =	sfence.sel $0x180000  }
0x204: {  	[bflag:$0x0] =	sbarrier.arrive $0xFFFF  }
0x205: {  	_ =	strace $0x90000047  }
0x206: {  	s0 =	stileid.u32;
	[bflag:$0x2] =	sbarrier.arrive $0xFFFF  }
0x207: {  	p0 =	sne.s32 s0, $0x0;
	s0 =	rddreg [dreg:$0x4]  }
0x208: {  	s0 =	sadd.s32 @!p0 $0x100000, s0  }
0x209: {  	[sflag:s0] =	ssyncadd.tile.s32 @!p0 $0x1;
	_ =	shalt  }
.Lfunc_end2:
_tile_overlayer_lowered:
.L_overlay_start_2:
0x20a: {  	(tag) =	ssettag $0x2  }
0x20b: {  	s0 =	rddreg [dreg:$0x0];
	s2 =	stileid.u32  }
0x20c: {  	s1 =	rddreg [dreg:$0x1];
	p0 =	sne.s32 s2, $0x0  }
0x20d: {  	s3 =	rddreg [dreg:$0x2];
	[bflag:$0x3] =	sbarrier.arrive $0xFFFF;
	s2 =	simm.s32 @!p0 $0x1C03  }
0x20e: {  	[timem:s3], [sflag:s2] =	dma.local @!p0 [hbm:s0], s1  }
0x20f: {  	s0 =	simm.s32 @!p0 $0x3  }
0x210: {  	_ =	swait.ge @!p0 [sflag:s0], s1  }
0x211: {  	s1 =	ssub.s32 @!p0 $0x0, s1;
	[sflag:s0] =	ssyncset.done @!p0 $0x0  }
0x212: {  	[sflag:s0] =	ssyncadd.s32 @!p0 s1  }
0x213: {  	[bflag:$0x3] =	sbarrier.arrive $0xFFFF  }
0x214: {  	_ =	shalt  }

// kernel: kernel.9.cloned.1.call-start
scs
__scs_entry_jumppad:
0x0: {  	(pc) =	sbr.rel $0x88, $3  }
0x1: {  	(tag) =	ssettag $0x0;
	lr =	simm.s32 $0x1  }
0x2: {  	[smem:$0x3F9F] =	sst lr;
	_ =	strace $0xD0000000  }
0x3: {  	_ = 	snop  }
0x4: {  	_ = 	snop  }
0x5: {  	_ = 	snop  }
0x6: {  	_ = 	snop  }
0x7: {  	_ = 	snop  }
__scs_overlays_trampoline_lowered:
0x8: {  	[smem:$0x3FAE] =	sst s0  }
0x9: {  	[smem:$0x3FAF] =	sst s1  }
0xa: {  	[smem:$0x3FB0] =	sst s2  }
0xb: {  	[smem:$0x3FB1] =	sst s3  }
0xc: {  	[smem:$0x3FB2] =	sst s4  }
0xd: {  	[smem:$0x3FB3] =	sst s5  }
0xe: {  	[smem:$0x3FB4] =	sst s6  }
0xf: {  	[smem:$0x3FB5] =	sst s7  }
0x10: {  	[smem:$0x3FB6] =	sst s8  }
0x11: {  	[smem:$0x3FB7] =	sst s9;
	s0 =	simm.s32 @!p0 $0x0  }
0x12: {  	s1 =	sld [smem:$0x3F9D];
	s0 =	simm.s32 @p0 $0x1  }
0x13: {  	[smem:$0x3FB8] =	sst s0;
	s0 =	simm.s32 @!p1 $0x0  }
0x14: {  	s2 =	sld [smem:$0x3F9C];
	s0 =	simm.s32 @p1 $0x1  }
0x15: {  	[smem:$0x3FB9] =	sst s0;
	s0 =	simm.s32 @!p2 $0x0  }
0x16: {  	s3 =	sld [smem:$0x3FDB];
	s0 =	simm.s32 @p2 $0x1  }
0x17: {  	s4 =	simm.s32 $0x1BF5;
	[smem:$0x3FBB] =	sst s0  }
0x18: {  	s0 =	sld [smem:$0x3F9E];
	_ =	swait.ge [sflag:s4], $0x0  }
0x19: {  	s7 =	sld [smem:$0x3F9F]  }
0x1a: {  	s8 =	sadd.s32 $0xFFFFE003, lr  }
0x1b: {  	s9 =	sadd.s32 $0xFFFFFEF7, lr;
	s5 =	simm.s32 $0xFFFFFFFF;
	p2 =	slt.u32 s8, $0xFFFFF086  }
0x1c: {  	p1 =	slt.u32 s9, $0xF7A;
	s5 =	simm.s32 @!p2 $0x0  }
0x1d: {  	s5 =	simm.s32 @p1 $0x1;
	p0 =	seq.s32 s7, s2  }
0x1e: {  	s7 =	smul.u32 @!p0 $0xF7A, s2;
	p2 =	seq.s32 @!p0 s5, $0x0  }
0x1f: {  	s9 =	smul.u32 $0xF7A, s1;
	s8 =	simm.s32 @!p0 $0x1BF5;
	p2 =	por !p2, p0  }
0x20: {  	[sflag:s8] =	ssyncset.s32 @!p0 $0xFFFFF086;
	s6 =	sadd.s32 @!p0 s3, s7;
	s7 =	simm.s32 @!p0 $0x108  }
0x21: {  	s3 =	sadd.s32 s3, s9;
	s6 =	sadd.s32 @!p0 $0x88, s6;
	s7 =	simm.s32 @p2 $0x1082  }
0x22: {  	[simem:s7], [sflag:s8] =	dma.local @!p0 [hbm:s6], $0xF7A  }
0x23: {  	s9 =	sor.u32 $0xD0000000, s2;
	s6 =	simm.s32 $0x108;
	_ =	swait.ge @!p0 [sflag:s8], $0x0  }
0x24: {  	s3 =	sadd.s32 $0x88, s3;
	s6 =	simm.s32 @!p1 $0x1082;
	[sflag:s4] =	ssyncset.s32 $0xFFFFF086  }
0x25: {  	[simem:s6], [sflag:s4] =	dma.local [hbm:s3], $0xF7A  }
0x26: {  	[smem:$0x3F9F] =	sst s1;
	(tag) =	ssettag s2;
	_ =	strace s9  }
0x27: {  	s1 =	sld [smem:$0x3FAF]  }
0x28: {  	s2 =	sld [smem:$0x3FB0]  }
0x29: {  	s4 =	sld [smem:$0x3FB2]  }
0x2a: {  	p0 =	seq.s32 s5, $0x0;
	s5 =	sld [smem:$0x3FB3]  }
0x2b: {  	s6 =	sld [smem:$0x3FB4]  }
0x2c: {  	s7 =	sld [smem:$0x3FB5]  }
0x2d: {  	s3 =	simm.s32 $0x108;
	s8 =	sld [smem:$0x3FB6]  }
0x2e: {  	s3 =	simm.s32 @!p0 $0x1082;
	s9 =	sld [smem:$0x3FB7]  }
0x2f: {  	lr =	sadd.s32 s0, s3;
	s0 =	sld [smem:$0x3FAE]  }
0x30: {  	s3 =	sld [smem:$0x3FB1]  }
0x31: {  	[smem:$0x3FBA] =	sst s10  }
0x32: {  	s10 =	sld [smem:$0x3FB8];
	_ =	sdelay $0x3  }
0x33: {  	p0 =	seq.s32 s10, $0x1;
	s10 =	sld [smem:$0x3FBA];
	_ =	sdelay $0x3  }
0x34: {  	[smem:$0x3FBA] =	sst s10  }
0x35: {  	s10 =	sld [smem:$0x3FB9];
	_ =	sdelay $0x3  }
0x36: {  	p1 =	seq.s32 s10, $0x1;
	s10 =	sld [smem:$0x3FBA];
	_ =	sdelay $0x3  }
0x37: {  	[smem:$0x3FBA] =	sst s10  }
0x38: {  	s10 =	sld [smem:$0x3FBB]  }
0x39: {  	_ = 	snop;
	(pc) =	sbr.ind lr, $3  }
0x3a: {  	_ = 	snop  }
0x3b: {  	_ = 	snop  }
0x3c: {  	p2 =	seq.s32 s10, $0x1;
	s10 =	sld [smem:$0x3FBA]  }
0x3d: {  	_ =	shalt  }
0x3e: {  	_ =	shalt  }
0x3f: {  	_ =	shalt  }
0x40: {  	_ =	shalt  }
0x41: {  	_ =	shalt  }
0x42: {  	_ =	shalt  }
0x43: {  	_ =	shalt  }
0x44: {  	_ =	shalt  }
0x45: {  	_ =	shalt  }
0x46: {  	_ =	shalt  }
0x47: {  	_ =	shalt  }
0x48: {  	_ =	shalt  }
0x49: {  	_ =	shalt  }
0x4a: {  	_ =	shalt  }
0x4b: {  	_ =	shalt  }
0x4c: {  	_ =	shalt  }
0x4d: {  	_ =	shalt  }
0x4e: {  	_ =	shalt  }
0x4f: {  	_ =	shalt  }
0x50: {  	_ =	shalt  }
0x51: {  	_ =	shalt  }
0x52: {  	_ =	shalt  }
0x53: {  	_ =	shalt  }
0x54: {  	_ =	shalt  }
0x55: {  	_ =	shalt  }
0x56: {  	_ =	shalt  }
0x57: {  	_ =	shalt  }
0x58: {  	_ =	shalt  }
0x59: {  	_ =	shalt  }
0x5a: {  	_ =	shalt  }
0x5b: {  	_ =	shalt  }
0x5c: {  	_ =	shalt  }
0x5d: {  	_ =	shalt  }
0x5e: {  	_ =	shalt  }
0x5f: {  	_ =	shalt  }
0x60: {  	_ =	shalt  }
0x61: {  	_ =	shalt  }
0x62: {  	_ =	shalt  }
0x63: {  	_ =	shalt  }
0x64: {  	_ =	shalt  }
0x65: {  	_ =	shalt  }
0x66: {  	_ =	shalt  }
0x67: {  	_ =	shalt  }
0x68: {  	_ =	shalt  }
0x69: {  	_ =	shalt  }
0x6a: {  	_ =	shalt  }
0x6b: {  	_ =	shalt  }
0x6c: {  	_ =	shalt  }
0x6d: {  	_ =	shalt  }
0x6e: {  	_ =	shalt  }
0x6f: {  	_ =	shalt  }
0x70: {  	_ =	shalt  }
0x71: {  	_ =	shalt  }
0x72: {  	_ =	shalt  }
0x73: {  	_ =	shalt  }
0x74: {  	_ =	shalt  }
0x75: {  	_ =	shalt  }
0x76: {  	_ =	shalt  }
0x77: {  	_ =	shalt  }
0x78: {  	_ =	shalt  }
0x79: {  	_ =	shalt  }
0x7a: {  	_ =	shalt  }
0x7b: {  	_ =	shalt  }
0x7c: {  	_ =	shalt  }
0x7d: {  	_ =	shalt  }
0x7e: {  	_ =	shalt  }
0x7f: {  	_ =	shalt  }
0x80: {  	_ =	shalt  }
0x81: {  	_ =	shalt  }
0x82: {  	_ =	shalt  }
0x83: {  	_ =	shalt  }
0x84: {  	_ =	shalt  }
0x85: {  	_ =	shalt  }
0x86: {  	_ =	shalt  }
0x87: {  	_ =	shalt  }
.Lfunc_end0:
.L_simem_size_0:
called_computation.1_lowered:
.L_overlay_start_0:
0x88: {  	s2 =	sld [smem:$0x3FD9]  }
0x89: {  	s3 =	sld [smem:$0x3FFE];
	_ =	sdelay $0x1  }
0x8a: {  	s1 =	srdreg.scid  }
0x8b: {  	s0 =	sand.u32 $0x1, s1  }
0x8c: {  	s17 =	sshll.u32 s0, $0xA;
	s2 =	sadd.s32 s3, s2  }
0x8d: {  	s2 =	sadd.s32 s2, s17  }
0x8e: {  	[smem:$0x3FC6] =	sst s2  }
0x8f: {  	_ = 	snop  }
0x90: {  	s2 =	sld [smem:$0x3FD0];
	(tm) =	ssettm $0x1  }
0x91: {  	s18 =	sld [smem:$0x3FFB];
	_ =	sdelay $0x3  }
0x92: {  	_ =	strace s18  }
0x93: {  	s3 =	sld [smem:$0x3FFC];
	_ =	sdelay $0x3  }
0x94: {  	_ =	strace s3  }
0x95: {  	s3 =	sld [smem:$0x3FFD];
	_ =	sdelay $0x3  }
0x96: {  	_ =	strace s3  }
0x97: {  	_ =	strace $0x8FFFFFFF  }
0x98: {  	s19 =	sld [smem:$0x3FDB];
	_ =	sdelay $0x1  }
0x99: {  	s4 =	simm.s32 $_scs_section_size  }
0x9a: {  	s5 =	simm.s32 $_size__tile_overlayer_lowered;
	s6 =	simm.s32 $_tile_overlayer_lowered  }
0x9b: {  	s22 =	simm.s32 $0x1BFF;
	s21 =	sshll.u32 s6, $0x1;
	s3 =	sadd.s32 s4, s19  }
0x9c: {  	s7 =	simm.s32 $0x0;
	s20 =	sshll.u32 s5, $0x1;
	s5 =	sadd.s32 s21, s3  }
0x9d: {  	[timem:s7], [sflag:s22] =	dma.local [hbm:s5], s20  }
0x9e: {  	_ =	swait.ge [sflag:s22], s20  }
0x9f: {  	s4 =	ssub.s32 $0x0, s20;
	[sflag:s22] =	ssyncset.done $0x0  }
0xa0: {  	[sflag:s22] =	ssyncadd.s32 s4;
	_ =	sdelay $0x1  }
0xa1: {  	s23 =	simm.s32 $0x1B8B  }
0xa2: {  	_ =	swait.ge [sflag:s23], $0x1  }
0xa3: {  	[sflag:s23] =	ssyncset.done $0x0  }
0xa4: {  	s25 =	simm.s32 $0x1B8E;
	s24 =	sld [smem:$0x3FFE];
	[sflag:s23] =	ssyncadd.s32 $0xFFFFFFFF  }
0xa5: {  	s26 =	simm.s32 $execute0_lowered;
	[smem:$0x3FD2] =	sst s25  }
0xa6: {  	s5 =	sshll.u32 s26, $0x1;
	_ =	strace $0x80000049;
	[dreg:$0x1] =	wrdreg $0xFFFFFFFF  }
0xa7: {  	s28 =	simm.s32 $_size_execute0_lowered;
	s3 =	sadd.s32 s3, s5;
	[dreg:$0x0] =	wrdreg $0x0  }
0xa8: {  	s5 =	sshll.u32 s28, $0x1;
	[dreg:$0x2] =	wrdreg s3  }
0xa9: {  	[dreg:$0x3] =	wrdreg s5  }
0xaa: {  	[dreg:$0x4] =	wrdreg $0xC0  }
0xab: {  	_ =	task [dreg:s7], $0x5FFFF  }
0xac: {  	[dreg:$0x1] =	wrdreg $0xFFFFFFFF  }
0xad: {  	[dreg:$0x0] =	wrdreg $0x60  }
0xae: {  	[dreg:$0x2] =	wrdreg s24  }
0xaf: {  	[dreg:$0x3] =	wrdreg s2  }
0xb0: {  	[dreg:$0x4] =	wrdreg $0x90000  }
0xb1: {  	[dreg:$0x5] =	wrdreg $0x9  }
0xb2: {  	_ =	task.clear_ibuf [dreg:s7], $0x6FFFF;
	_ =	strace $0x90000049  }
0xb3: {  	s29 =	simm.s32 $0x9;
	_ =	strace $0x8000004B  }
0xb4: {  	_ =	swait.ge [sflag:s29], $0x1  }
0xb5: {  	[sflag:s29] =	ssyncadd.s32 $0xFFFFFFFF  }
0xb6: {  	_ =	strace $0x9000004B  }
0xb7: {  	_ =	sfence  }
0xb8: {  	s30 =	sld [smem:$0x0];
	_ =	sdelay $0x2  }
0xb9: {  	s31 =	sshll.u32 s1, $0xD;
	s1 =	sshrl.u32 s1, $0x2  }
0xba: {  	s3 =	sand.u32 $0x4000, s31;
	s1 =	sadd.s32 s1, s30  }
0xbb: {  	s0 =	sor.u32 s3, s0;
	s1 =	sshll.u32 s1, $0x11  }
0xbc: {  	s0 =	sor.u32 s1, s0  }
0xbd: {  	s0 =	sadd.s32 $0x8F2B, s0  }
0xbe: {  	[sflag:s0] =	ssyncadd.remote.s32 $0x1  }
0xbf: {  	_ =	sfence.sel $0xFFFF  }
0xc0: {  	[dreg:$0x0] =	wrdreg $0xFFFFFFFF;
	(pc) =	sbr.abs _section_cstart, $3  }
0xc1: {  	[dreg:$0x1] =	wrdreg $0xFFFFFFFF  }
0xc2: {  	_ =	task.clear_ibuf [dreg:s7], $0x2FFFF;
	_ =	strace $0x9FFFFFFF  }
0xc3: {  	(tm) =	ssettm $0x7FFFFFFF  }
tec
execute0_lowered:
.L_overlay_start_1:
0x0: {  	(tag) =	ssettag $0x1  }
0x1: {  	s0 =	rddreg [dreg:$0x0]  }
0x2: {  	s1 =	srdreg.scid;
	s13 =	rddreg [dreg:$0x1]  }
0x3: {  	s9 =	stileid.u32;
	s3 =	rddreg [dreg:$0x2]  }
0x4: {  	s4 =	simm.s32 $0x0;
	s10 =	simm.s32 $0x2;
	s11 =	simm.s32 $0x980  }
0x5: {  	s14 =	simm.s32 $0xB00;
	s28 =	simm.s32 $0xE00;
	s29 =	simm.s32 $0xD80  }
0x6: {  	s30 =	simm.s32 $0xF00;
	s31 =	simm.s32 $0xE80;
	s5 =	smul.u32 $0x14000, s9  }
0x7: {  	s1 =	sand.u32 $0x1, s1;
	[smem:$0x7FF] =	sst s4;
	s6 =	smul.u32 $0x50000, s9  }
0x8: {  	s2 =	smul.u32 $0x140000, s1;
	_ =	strace $0x8000004A;
	s15 =	ssub.s32 $0x2, s1  }
0x9: {  	s8 =	sshll.u32 s1, $0x4;
	s1 =	smul.u32 $0x50000, s1;
	s7 =	sshrl.u32 s15, $0x1  }
0xa: {  	s8 =	sor.u32 s9, s8;
	s6 =	sshrl.u32 s6, $0x2;
	s9 =	smul.u32 $0x5000, s9  }
0xb: {  	s2 =	sadd.s32 s5, s2;
	s5 =	sadd.s32 $0x1600, s0;
	s12 =	sadd.s32 s6, s3  }
0xc: {  	s16 =	smul.u32 $0x5000, s8;
	s2 =	sshrl.u32 s2, $0x3;
	s17 =	sadd.s32 $0x4000, s12  }
0xd: {  	s18 =	sadd.s32 $0x8000, s12;
	s1 =	sadd.s32 s9, s1;
	[dreg:$0x5] =	wrdreg s12  }
0xe: {  	s19 =	sadd.s32 $0xC000, s12;
	s21 =	sadd.s32 $0x10000, s12;
	[dreg:$0x6] =	wrdreg s17  }
0xf: {  	s0 =	sadd.s32 s2, s0;
	s2 =	ssub.s32 s15, s7;
	[dreg:$0x7] =	wrdreg s18  }
0x10: {  	[dreg:$0x8] =	wrdreg s19;
	s6 =	sshrl.u32 s16, $0x3;
	s20 =	sadd.s32 $0x1800, s1  }
0x11: {  	[dreg:$0x9] =	wrdreg s21;
	s26 =	sadd.s32 $0x1000, s1;
	s16 =	simm.s32 $0x1000  }
0x12: {  	s17 =	simm.s32 $0x3;
	s18 =	simm.s32 $0x5;
	s19 =	simm.s32 $0x800  }
0x13: {  	s1 =	simm.s32 $0x1;
	s15 =	simm.s32 $0xA80;
	s21 =	simm.s32 $0xC00  }
0x14: {  	s22 =	sadd.s32 s13, s6;
	s23 =	sshrl.u32 s20, $0x3;
	s0 =	sadd.s32 $0x29600, s0  }
0x15: {  	s2 =	smax.u32 s2, $0x1;
	[dreg:$0xe] =	wrdreg s26;
	s20 =	simm.s32 $0x80  }
0x16: {  	s6 =	simm.s32 $0xA00;
	s26 =	simm.s32 $0xC80;
	[dreg:$0xa] =	wrdreg s22  }
0x17: {  	s24 =	sadd.s32 $0x100, s22;
	[dreg:$0xc] =	wrdreg s0;
	s25 =	sadd.s32 s23, s13  }
0x18: {  	[dreg:$0xd] =	wrdreg s2;
	s22 =	simm.s32 $0x5000;
	s0 =	simm.s32 $0x0  }
0x19: {  	s2 =	simm.s32 $0x880;
	s23 =	simm.s32 $0xB80;
	[dreg:$0xb] =	wrdreg s24  }
0x1a: {  	v0 =	vimm.f32 $0.0e+00;
	[dreg:$0x4] =	wrdreg s25;
	s24 =	simm.s32 $0x4;
	s25 =	simm.s32 $0xD00  }
.LBB2_1:
0x1b: {  	[dreg:$0xf] =	wrdreg s0;
	s7 =	simm.s32 $0x0;
	s8 =	simm.s32 $0x200  }
.LBB2_2:
0x1c: {  	p0 =	sne.s32 s8, $0xFE00;
	[tilespmem:s7+$0x1070] =	vst v0  }
0x1d: {  	[tilespmem:s7+$0x1000] =	vst v0  }
0x1e: {  	[tilespmem:s7+$0x1010] =	vst v0  }
.Ltmp0:
0x1f: {  	[tilespmem:s7+$0x1020] =	vst v0;
	(pc) =	sbr.rel @p0 .LBB2_2-.Ltmp0, $4  }
0x20: {  	[tilespmem:s7+$0x1030] =	vst v0  }
0x21: {  	[tilespmem:s7+$0x1040] =	vst v0  }
0x22: {  	[tilespmem:s7+$0x1050] =	vst v0  }
0x23: {  	[tilespmem:s7+$0x1060] =	vst v0;
	s7 =	sshra.s32 s8, $0x2;
	s8 =	sadd.s32 $0x200, s8  }
0x24: {  	[tilespmem:s7+$0x1070] =	vst v0  }
0x25: {  	[tilespmem:s7+$0x1000] =	vst v0  }
0x26: {  	[tilespmem:s7+$0x1010] =	vst v0  }
0x27: {  	[tilespmem:s7+$0x1020] =	vst v0  }
0x28: {  	[tilespmem:s7+$0x1030] =	vst v0  }
0x29: {  	[tilespmem:s7+$0x1040] =	vst v0  }
0x2a: {  	[tilespmem:s7+$0x1050] =	vst v0  }
0x2b: {  	[tilespmem:s7+$0x1060] =	vst v0  }
0x2c: {  	[spmem:s12] =	stream.linear.scatter [tilespmem:s16], [sflag:$0x3], $0x4000, $0x38;
	[tilespmem:$0x1D000] =	vst v63  }
0x2d: {  	s0 =	rddreg [dreg:$0x6]  }
0x2e: {  	[spmem:s0] =	stream.linear.scatter [tilespmem:s16], [sflag:$0x3], $0x4000, $0x38;
	[tilespmem:$0x1D000] =	vst v63  }
0x2f: {  	s8 =	rddreg [dreg:$0x7]  }
0x30: {  	[spmem:s8] =	stream.linear.scatter [tilespmem:s16], [sflag:$0x3], $0x4000, $0x38;
	[tilespmem:$0x1D000] =	vst v63  }
0x31: {  	s9 =	rddreg [dreg:$0x8]  }
0x32: {  	[spmem:s9] =	stream.linear.scatter [tilespmem:s16], [sflag:$0x3], $0x4000, $0x38;
	[tilespmem:$0x1D000] =	vst v63  }
0x33: {  	s12 =	rddreg [dreg:$0x9]  }
0x34: {  	[spmem:s12] =	stream.linear.scatter [tilespmem:s16], [sflag:$0x3], $0x4000, $0x38;
	[tilespmem:$0x1D000] =	vst v63  }
0x35: {  	_ =	swait.ge [sflag:s17], $0x4000  }
0x36: {  	[sflag:s17] =	ssyncset.done $0x0  }
0x37: {  	[sflag:s17] =	ssyncadd.s32 $0xFFFFC000  }
0x38: {  	_ =	swait.ge [sflag:s17], $0x4000  }
0x39: {  	[sflag:s17] =	ssyncset.done $0x0  }
0x3a: {  	[sflag:s17] =	ssyncadd.s32 $0xFFFFC000  }
0x3b: {  	_ =	swait.ge [sflag:s17], $0x4000  }
0x3c: {  	[sflag:s17] =	ssyncset.done $0x0  }
0x3d: {  	[sflag:s17] =	ssyncadd.s32 $0xFFFFC000  }
0x3e: {  	_ =	swait.ge [sflag:s17], $0x4000  }
0x3f: {  	[sflag:s17] =	ssyncset.done $0x0  }
0x40: {  	[sflag:s17] =	ssyncadd.s32 $0xFFFFC000  }
0x41: {  	_ =	swait.ge [sflag:s17], $0x4000  }
0x42: {  	[sflag:s17] =	ssyncset.done $0x0  }
0x43: {  	[sflag:s17] =	ssyncadd.s32 $0xFFFFC000  }
0x44: {  	[bflag:$0x0] =	sbarrier.arrive $0xFFFF  }
0x45: {  	s0 =	simm.s32 $0x0;
	s8 =	rddreg [dreg:$0xa]  }
0x46: {  	[tilespmem:s0], [sflag:$0x5] =	stream.linear.gather [hbm4b:s8+s0], $0x800, $0x38;
	[tilespmem:$0x1D000] =	vst v63  }
0x47: {  	_ =	swait.ge [sflag:s18], $0x800  }
0x48: {  	[sflag:s18] =	ssyncset.done $0x0  }
0x49: {  	s9 =	rddreg [dreg:$0xb];
	[sflag:s18] =	ssyncadd.s32 $0xFFFFF800  }
0x4a: {  	[tilespmem:s19], [sflag:$0x2] =	stream.linear.gather [hbm4b:s9+s0], $0x800, $0x38;
	[tilespmem:$0x1D000] =	vst v63  }
0x4b: {  	_ = 	snop  }
0x4c: {  	[tilespmem:s16], [sflag:$0x3] =	stream.indirect.gather [hbm4b:s5+s20], $0x80, s0, s20, $0xb8;
	[tilespmem:$0x1D000] =	vst v63  }
0x4d: {  	s0 =	simm.s32 $0x100  }
0x4e: {  	[tilespmem:s22], [sflag:$0x4] =	stream.indirect.gather [hbm4b:s5+s20], $0x80, s0, s20, $0xb8;
	[tilespmem:$0x1D000] =	vst v63  }
0x4f: {  	_ =	swait.ge [sflag:s17], $0x4000  }
0x50: {  	[sflag:s17] =	ssyncset.done $0x0  }
0x51: {  	[sflag:s17] =	ssyncadd.s32 $0xFFFFC000  }
0x52: {  	[spmem:s3] =	stream.indirect.scatter.add.f32 [tilespmem:s16], [sflag:$0x5], $0x80, s20, s20, $0xb8;
	[tilespmem:$0x1D000] =	vst v63  }
0x53: {  	_ =	swait.ge [sflag:s18], $0x4000  }
0x54: {  	[sflag:s18] =	ssyncset.done $0x0  }
0x55: {  	s12 =	simm.s32 $0x200;
	[sflag:s18] =	ssyncadd.s32 $0xFFFFC000  }
0x56: {  	[tilespmem:s16], [sflag:$0x3] =	stream.indirect.gather [hbm4b:s5+s20], $0x80, s12, s20, $0xb8;
	[tilespmem:$0x1D000] =	vst v63  }
0x57: {  	_ =	swait.ge [sflag:s24], $0x4000  }
0x58: {  	[sflag:s24] =	ssyncset.done $0x0  }
0x59: {  	s7 =	simm.s32 $0x180;
	[sflag:s24] =	ssyncadd.s32 $0xFFFFC000  }
0x5a: {  	[spmem:s3] =	stream.indirect.scatter.add.f32 [tilespmem:s22], [sflag:$0x5], $0x80, s7, s20, $0xb8;
	[tilespmem:$0x1D000] =	vst v63  }
0x5b: {  	_ =	swait.ge [sflag:s18], $0x4000  }
0x5c: {  	[sflag:s18] =	ssyncset.done $0x0  }
0x5d: {  	s8 =	simm.s32 $0x300;
	[sflag:s18] =	ssyncadd.s32 $0xFFFFC000  }
0x5e: {  	[tilespmem:s22], [sflag:$0x4] =	stream.indirect.gather [hbm4b:s5+s20], $0x80, s8, s20, $0xb8;
	[tilespmem:$0x1D000] =	vst v63  }
0x5f: {  	_ =	swait.ge [sflag:s17], $0x4000  }
0x60: {  	[sflag:s17] =	ssyncset.done $0x0  }
0x61: {  	s9 =	simm.s32 $0x280;
	[sflag:s17] =	ssyncadd.s32 $0xFFFFC000  }
0x62: {  	[spmem:s3] =	stream.indirect.scatter.add.f32 [tilespmem:s16], [sflag:$0x5], $0x80, s9, s20, $0xb8;
	[tilespmem:$0x1D000] =	vst v63  }
0x63: {  	_ =	swait.ge [sflag:s18], $0x4000  }
0x64: {  	[sflag:s18] =	ssyncset.done $0x0  }
0x65: {  	s12 =	simm.s32 $0x400;
	[sflag:s18] =	ssyncadd.s32 $0xFFFFC000  }
0x66: {  	[tilespmem:s16], [sflag:$0x3] =	stream.indirect.gather [hbm4b:s5+s20], $0x80, s12, s20, $0xb8;
	[tilespmem:$0x1D000] =	vst v63  }
0x67: {  	_ =	swait.ge [sflag:s24], $0x4000  }
0x68: {  	[sflag:s24] =	ssyncset.done $0x0  }
0x69: {  	s7 =	simm.s32 $0x380;
	[sflag:s24] =	ssyncadd.s32 $0xFFFFC000  }
0x6a: {  	[spmem:s3] =	stream.indirect.scatter.add.f32 [tilespmem:s22], [sflag:$0x5], $0x80, s7, s20, $0xb8;
	[tilespmem:$0x1D000] =	vst v63  }
0x6b: {  	_ =	swait.ge [sflag:s18], $0x4000  }
0x6c: {  	[sflag:s18] =	ssyncset.done $0x0  }
0x6d: {  	s8 =	simm.s32 $0x500;
	[sflag:s18] =	ssyncadd.s32 $0xFFFFC000  }
0x6e: {  	[tilespmem:s22], [sflag:$0x4] =	stream.indirect.gather [hbm4b:s5+s20], $0x80, s8, s20, $0xb8;
	[tilespmem:$0x1D000] =	vst v63  }
0x6f: {  	_ =	swait.ge [sflag:s17], $0x4000  }
0x70: {  	[sflag:s17] =	ssyncset.done $0x0  }
0x71: {  	s9 =	simm.s32 $0x480;
	[sflag:s17] =	ssyncadd.s32 $0xFFFFC000  }
0x72: {  	[spmem:s3] =	stream.indirect.scatter.add.f32 [tilespmem:s16], [sflag:$0x5], $0x80, s9, s20, $0xb8;
	[tilespmem:$0x1D000] =	vst v63  }
0x73: {  	_ =	swait.ge [sflag:s18], $0x4000  }
0x74: {  	[sflag:s18] =	ssyncset.done $0x0  }
0x75: {  	s12 =	simm.s32 $0x600;
	[sflag:s18] =	ssyncadd.s32 $0xFFFFC000  }
0x76: {  	[tilespmem:s16], [sflag:$0x3] =	stream.indirect.gather [hbm4b:s5+s20], $0x80, s12, s20, $0xb8;
	[tilespmem:$0x1D000] =	vst v63  }
0x77: {  	_ =	swait.ge [sflag:s24], $0x4000  }
0x78: {  	[sflag:s24] =	ssyncset.done $0x0  }
0x79: {  	s7 =	simm.s32 $0x580;
	[sflag:s24] =	ssyncadd.s32 $0xFFFFC000  }
0x7a: {  	[spmem:s3] =	stream.indirect.scatter.add.f32 [tilespmem:s22], [sflag:$0x5], $0x80, s7, s20, $0xb8;
	[tilespmem:$0x1D000] =	vst v63  }
0x7b: {  	_ =	swait.ge [sflag:s18], $0x4000  }
0x7c: {  	[sflag:s18] =	ssyncset.done $0x0  }
0x7d: {  	s8 =	simm.s32 $0x700;
	[sflag:s18] =	ssyncadd.s32 $0xFFFFC000  }
0x7e: {  	[tilespmem:s22], [sflag:$0x4] =	stream.indirect.gather [hbm4b:s5+s20], $0x80, s8, s20, $0xb8;
	[tilespmem:$0x1D000] =	vst v63  }
0x7f: {  	_ =	swait.ge [sflag:s17], $0x4000  }
0x80: {  	[sflag:s17] =	ssyncset.done $0x0  }
0x81: {  	s9 =	simm.s32 $0x680;
	[sflag:s17] =	ssyncadd.s32 $0xFFFFC000  }
0x82: {  	[spmem:s3] =	stream.indirect.scatter.add.f32 [tilespmem:s16], [sflag:$0x5], $0x80, s9, s20, $0xb8;
	[tilespmem:$0x1D000] =	vst v63  }
0x83: {  	_ =	swait.ge [sflag:s18], $0x4000  }
0x84: {  	[sflag:s18] =	ssyncset.done $0x0  }
0x85: {  	[sflag:s18] =	ssyncadd.s32 $0xFFFFC000  }
0x86: {  	_ =	swait.ge [sflag:s10], $0x800  }
0x87: {  	[sflag:s10] =	ssyncset.done $0x0  }
0x88: {  	[sflag:s10] =	ssyncadd.s32 $0xFFFFF800  }
0x89: {  	[tilespmem:s16], [sflag:$0x3] =	stream.indirect.gather [hbm4b:s5+s20], $0x80, s19, s20, $0xb8;
	[tilespmem:$0x1D000] =	vst v63  }
0x8a: {  	_ =	swait.ge [sflag:s24], $0x4000  }
0x8b: {  	[sflag:s24] =	ssyncset.done $0x0  }
0x8c: {  	s12 =	simm.s32 $0x780;
	[sflag:s24] =	ssyncadd.s32 $0xFFFFC000  }
0x8d: {  	[spmem:s3] =	stream.indirect.scatter.add.f32 [tilespmem:s22], [sflag:$0x5], $0x80, s12, s20, $0xb8;
	[tilespmem:$0x1D000] =	vst v63  }
0x8e: {  	_ =	swait.ge [sflag:s18], $0x4000  }
0x8f: {  	s12 =	rddreg [dreg:$0xe]  }
0x90: {  	[sflag:s18] =	ssyncset.done $0x0;
	s0 =	sshrl.u32 s12, $0x3  }
0x91: {  	[sflag:s18] =	ssyncadd.s32 $0xFFFFC000;
	s7 =	sadd.s32 s13, s0  }
0x92: {  	[tilespmem:s4], [sflag:$0x1] =	stream.linear.gather [hbm4b:s7+s4], $0x800, $0x38;
	[tilespmem:$0x1D000] =	vst v63  }
0x93: {  	s8 =	simm.s32 $0x900  }
0x94: {  	[tilespmem:s22], [sflag:$0x4] =	stream.indirect.gather [hbm4b:s5+s20], $0x80, s8, s20, $0xb8;
	[tilespmem:$0x1D000] =	vst v63  }
0x95: {  	_ =	swait.ge [sflag:s17], $0x4000  }
0x96: {  	[sflag:s17] =	ssyncset.done $0x0  }
0x97: {  	[sflag:s17] =	ssyncadd.s32 $0xFFFFC000  }
0x98: {  	[spmem:s3] =	stream.indirect.scatter.add.f32 [tilespmem:s16], [sflag:$0x5], $0x80, s2, s20, $0xb8;
	[tilespmem:$0x1D000] =	vst v63  }
0x99: {  	_ =	swait.ge [sflag:s18], $0x4000  }
0x9a: {  	[sflag:s18] =	ssyncset.done $0x0  }
0x9b: {  	[sflag:s18] =	ssyncadd.s32 $0xFFFFC000  }
0x9c: {  	[tilespmem:s16], [sflag:$0x3] =	stream.indirect.gather [hbm4b:s5+s20], $0x80, s6, s20, $0xb8;
	[tilespmem:$0x1D000] =	vst v63  }
0x9d: {  	_ =	swait.ge [sflag:s24], $0x4000  }
0x9e: {  	[sflag:s24] =	ssyncset.done $0x0  }
0x9f: {  	[sflag:s24] =	ssyncadd.s32 $0xFFFFC000  }
0xa0: {  	[spmem:s3] =	stream.indirect.scatter.add.f32 [tilespmem:s22], [sflag:$0x5], $0x80, s11, s20, $0xb8;
	[tilespmem:$0x1D000] =	vst v63  }
0xa1: {  	_ =	swait.ge [sflag:s18], $0x4000  }
0xa2: {  	[sflag:s18] =	ssyncset.done $0x0  }
0xa3: {  	[sflag:s18] =	ssyncadd.s32 $0xFFFFC000  }
0xa4: {  	[tilespmem:s22], [sflag:$0x4] =	stream.indirect.gather [hbm4b:s5+s20], $0x80, s14, s20, $0xb8;
	[tilespmem:$0x1D000] =	vst v63  }
0xa5: {  	_ =	swait.ge [sflag:s17], $0x4000  }
0xa6: {  	[sflag:s17] =	ssyncset.done $0x0  }
0xa7: {  	[sflag:s17] =	ssyncadd.s32 $0xFFFFC000  }
0xa8: {  	[spmem:s3] =	stream.indirect.scatter.add.f32 [tilespmem:s16], [sflag:$0x5], $0x80, s15, s20, $0xb8;
	[tilespmem:$0x1D000] =	vst v63  }
0xa9: {  	_ =	swait.ge [sflag:s18], $0x4000  }
0xaa: {  	[sflag:s18] =	ssyncset.done $0x0  }
0xab: {  	[sflag:s18] =	ssyncadd.s32 $0xFFFFC000  }
0xac: {  	[tilespmem:s16], [sflag:$0x3] =	stream.indirect.gather [hbm4b:s5+s20], $0x80, s21, s20, $0xb8;
	[tilespmem:$0x1D000] =	vst v63  }
0xad: {  	_ =	swait.ge [sflag:s24], $0x4000  }
0xae: {  	[sflag:s24] =	ssyncset.done $0x0  }
0xaf: {  	[sflag:s24] =	ssyncadd.s32 $0xFFFFC000  }
0xb0: {  	[spmem:s3] =	stream.indirect.scatter.add.f32 [tilespmem:s22], [sflag:$0x5], $0x80, s23, s20, $0xb8;
	[tilespmem:$0x1D000] =	vst v63  }
0xb1: {  	_ =	swait.ge [sflag:s18], $0x4000  }
0xb2: {  	[sflag:s18] =	ssyncset.done $0x0  }
0xb3: {  	[sflag:s18] =	ssyncadd.s32 $0xFFFFC000  }
0xb4: {  	[tilespmem:s22], [sflag:$0x4] =	stream.indirect.gather [hbm4b:s5+s20], $0x80, s25, s20, $0xb8;
	[tilespmem:$0x1D000] =	vst v63  }
0xb5: {  	_ =	swait.ge [sflag:s17], $0x4000  }
0xb6: {  	[sflag:s17] =	ssyncset.done $0x0  }
0xb7: {  	[sflag:s17] =	ssyncadd.s32 $0xFFFFC000  }
0xb8: {  	[spmem:s3] =	stream.indirect.scatter.add.f32 [tilespmem:s16], [sflag:$0x5], $0x80, s26, s20, $0xb8;
	[tilespmem:$0x1D000] =	vst v63  }
0xb9: {  	_ =	swait.ge [sflag:s18], $0x4000  }
0xba: {  	[sflag:s18] =	ssyncset.done $0x0  }
0xbb: {  	[sflag:s18] =	ssyncadd.s32 $0xFFFFC000  }
0xbc: {  	[tilespmem:s16], [sflag:$0x3] =	stream.indirect.gather [hbm4b:s5+s20], $0x80, s28, s20, $0xb8;
	[tilespmem:$0x1D000] =	vst v63  }
0xbd: {  	_ =	swait.ge [sflag:s24], $0x4000  }
0xbe: {  	[sflag:s24] =	ssyncset.done $0x0  }
0xbf: {  	[sflag:s24] =	ssyncadd.s32 $0xFFFFC000  }
0xc0: {  	[spmem:s3] =	stream.indirect.scatter.add.f32 [tilespmem:s22], [sflag:$0x5], $0x80, s29, s20, $0xb8;
	[tilespmem:$0x1D000] =	vst v63  }
0xc1: {  	_ =	swait.ge [sflag:s18], $0x4000  }
0xc2: {  	[sflag:s18] =	ssyncset.done $0x0  }
0xc3: {  	[sflag:s18] =	ssyncadd.s32 $0xFFFFC000  }
0xc4: {  	[tilespmem:s22], [sflag:$0x4] =	stream.indirect.gather [hbm4b:s5+s20], $0x80, s30, s20, $0xb8;
	[tilespmem:$0x1D000] =	vst v63  }
0xc5: {  	_ =	swait.ge [sflag:s17], $0x4000  }
0xc6: {  	[sflag:s17] =	ssyncset.done $0x0  }
0xc7: {  	[sflag:s17] =	ssyncadd.s32 $0xFFFFC000  }
0xc8: {  	[spmem:s3] =	stream.indirect.scatter.add.f32 [tilespmem:s16], [sflag:$0x5], $0x80, s31, s20, $0xb8;
	[tilespmem:$0x1D000] =	vst v63  }
0xc9: {  	_ =	swait.ge [sflag:s18], $0x4000  }
0xca: {  	[sflag:s18] =	ssyncset.done $0x0  }
0xcb: {  	[sflag:s18] =	ssyncadd.s32 $0xFFFFC000  }
0xcc: {  	_ =	swait.ge [sflag:s1], $0x800  }
0xcd: {  	[sflag:s1] =	ssyncset.done $0x0  }
0xce: {  	[sflag:s1] =	ssyncadd.s32 $0xFFFFF800  }
0xcf: {  	[tilespmem:s16], [sflag:$0x3] =	stream.indirect.gather [hbm4b:s5+s20], $0x80, s4, s20, $0xb8;
	[tilespmem:$0x1D000] =	vst v63  }
0xd0: {  	_ =	swait.ge [sflag:s24], $0x4000  }
0xd1: {  	[sflag:s24] =	ssyncset.done $0x0  }
0xd2: {  	s0 =	simm.s32 $0xF80;
	[sflag:s24] =	ssyncadd.s32 $0xFFFFC000  }
0xd3: {  	[spmem:s3] =	stream.indirect.scatter.add.f32 [tilespmem:s22], [sflag:$0x5], $0x80, s0, s20, $0xb8;
	[tilespmem:$0x1D000] =	vst v63  }
0xd4: {  	_ =	swait.ge [sflag:s18], $0x4000  }
0xd5: {  	s7 =	simm.s32 $0x200;
	s9 =	rddreg [dreg:$0x4];
	[sflag:s18] =	ssyncset.done $0x0  }
0xd6: {  	s8 =	sadd.s32 $0x1000, s12;
	[sflag:s18] =	ssyncadd.s32 $0xFFFFC000;
	s9 =	sadd.s32 $0x0, s9  }
.LBB2_4:
0xd7: {  	[tilespmem:s19], [sflag:$0x2] =	stream.linear.gather [hbm4b:s9+s4], $0x800, $0x38;
	[tilespmem:$0x1D000] =	vst v63  }
0xd8: {  	s12 =	simm.s32 $0x100  }
0xd9: {  	[tilespmem:s22], [sflag:$0x4] =	stream.indirect.gather [hbm4b:s5+s20], $0x80, s12, s20, $0xb8;
	[tilespmem:$0x1D000] =	vst v63  }
0xda: {  	_ =	swait.ge [sflag:s17], $0x4000  }
0xdb: {  	[sflag:s17] =	ssyncset.done $0x0  }
0xdc: {  	[sflag:s17] =	ssyncadd.s32 $0xFFFFC000  }
0xdd: {  	[spmem:s3] =	stream.indirect.scatter.add.f32 [tilespmem:s16], [sflag:$0x5], $0x80, s20, s20, $0xb8;
	[tilespmem:$0x1D000] =	vst v63  }
0xde: {  	_ =	swait.ge [sflag:s18], $0x4000  }
0xdf: {  	[sflag:s18] =	ssyncset.done $0x0  }
0xe0: {  	s12 =	simm.s32 $0x200;
	[sflag:s18] =	ssyncadd.s32 $0xFFFFC000  }
0xe1: {  	[tilespmem:s16], [sflag:$0x3] =	stream.indirect.gather [hbm4b:s5+s20], $0x80, s12, s20, $0xb8;
	[tilespmem:$0x1D000] =	vst v63  }
0xe2: {  	_ =	swait.ge [sflag:s24], $0x4000  }
0xe3: {  	[sflag:s24] =	ssyncset.done $0x0  }
0xe4: {  	s12 =	simm.s32 $0x180;
	[sflag:s24] =	ssyncadd.s32 $0xFFFFC000  }
0xe5: {  	[spmem:s3] =	stream.indirect.scatter.add.f32 [tilespmem:s22], [sflag:$0x5], $0x80, s12, s20, $0xb8;
	[tilespmem:$0x1D000] =	vst v63  }
0xe6: {  	_ =	swait.ge [sflag:s18], $0x4000  }
0xe7: {  	[sflag:s18] =	ssyncset.done $0x0  }
0xe8: {  	s12 =	simm.s32 $0x300;
	[sflag:s18] =	ssyncadd.s32 $0xFFFFC000  }
0xe9: {  	[tilespmem:s22], [sflag:$0x4] =	stream.indirect.gather [hbm4b:s5+s20], $0x80, s12, s20, $0xb8;
	[tilespmem:$0x1D000] =	vst v63  }
0xea: {  	_ =	swait.ge [sflag:s17], $0x4000  }
0xeb: {  	[sflag:s17] =	ssyncset.done $0x0  }
0xec: {  	s12 =	simm.s32 $0x280;
	[sflag:s17] =	ssyncadd.s32 $0xFFFFC000  }
0xed: {  	[spmem:s3] =	stream.indirect.scatter.add.f32 [tilespmem:s16], [sflag:$0x5], $0x80, s12, s20, $0xb8;
	[tilespmem:$0x1D000] =	vst v63  }
0xee: {  	_ =	swait.ge [sflag:s18], $0x4000  }
0xef: {  	[sflag:s18] =	ssyncset.done $0x0  }
0xf0: {  	s12 =	simm.s32 $0x400;
	[sflag:s18] =	ssyncadd.s32 $0xFFFFC000  }
0xf1: {  	[tilespmem:s16], [sflag:$0x3] =	stream.indirect.gather [hbm4b:s5+s20], $0x80, s12, s20, $0xb8;
	[tilespmem:$0x1D000] =	vst v63  }
0xf2: {  	_ =	swait.ge [sflag:s24], $0x4000  }
0xf3: {  	[sflag:s24] =	ssyncset.done $0x0  }
0xf4: {  	s12 =	simm.s32 $0x380;
	[sflag:s24] =	ssyncadd.s32 $0xFFFFC000  }
0xf5: {  	[spmem:s3] =	stream.indirect.scatter.add.f32 [tilespmem:s22], [sflag:$0x5], $0x80, s12, s20, $0xb8;
	[tilespmem:$0x1D000] =	vst v63  }
0xf6: {  	_ =	swait.ge [sflag:s18], $0x4000  }
0xf7: {  	[sflag:s18] =	ssyncset.done $0x0  }
0xf8: {  	s12 =	simm.s32 $0x500;
	[sflag:s18] =	ssyncadd.s32 $0xFFFFC000  }
0xf9: {  	[tilespmem:s22], [sflag:$0x4] =	stream.indirect.gather [hbm4b:s5+s20], $0x80, s12, s20, $0xb8;
	[tilespmem:$0x1D000] =	vst v63  }
0xfa: {  	_ =	swait.ge [sflag:s17], $0x4000  }
0xfb: {  	[sflag:s17] =	ssyncset.done $0x0  }
0xfc: {  	s12 =	simm.s32 $0x480;
	[sflag:s17] =	ssyncadd.s32 $0xFFFFC000  }
0xfd: {  	[spmem:s3] =	stream.indirect.scatter.add.f32 [tilespmem:s16], [sflag:$0x5], $0x80, s12, s20, $0xb8;
	[tilespmem:$0x1D000] =	vst v63  }
0xfe: {  	_ =	swait.ge [sflag:s18], $0x4000  }
0xff: {  	[sflag:s18] =	ssyncset.done $0x0  }
0x100: {  	s12 =	simm.s32 $0x600;
	[sflag:s18] =	ssyncadd.s32 $0xFFFFC000  }
0x101: {  	[tilespmem:s16], [sflag:$0x3] =	stream.indirect.gather [hbm4b:s5+s20], $0x80, s12, s20, $0xb8;
	[tilespmem:$0x1D000] =	vst v63  }
0x102: {  	_ =	swait.ge [sflag:s24], $0x4000  }
0x103: {  	[sflag:s24] =	ssyncset.done $0x0  }
0x104: {  	s12 =	simm.s32 $0x580;
	[sflag:s24] =	ssyncadd.s32 $0xFFFFC000  }
0x105: {  	[spmem:s3] =	stream.indirect.scatter.add.f32 [tilespmem:s22], [sflag:$0x5], $0x80, s12, s20, $0xb8;
	[tilespmem:$0x1D000] =	vst v63  }
0x106: {  	_ =	swait.ge [sflag:s18], $0x4000  }
0x107: {  	[sflag:s18] =	ssyncset.done $0x0  }
0x108: {  	s12 =	simm.s32 $0x700;
	[sflag:s18] =	ssyncadd.s32 $0xFFFFC000  }
0x109: {  	[tilespmem:s22], [sflag:$0x4] =	stream.indirect.gather [hbm4b:s5+s20], $0x80, s12, s20, $0xb8;
	[tilespmem:$0x1D000] =	vst v63  }
0x10a: {  	_ =	swait.ge [sflag:s17], $0x4000  }
0x10b: {  	[sflag:s17] =	ssyncset.done $0x0  }
0x10c: {  	s12 =	simm.s32 $0x680;
	[sflag:s17] =	ssyncadd.s32 $0xFFFFC000  }
0x10d: {  	[spmem:s3] =	stream.indirect.scatter.add.f32 [tilespmem:s16], [sflag:$0x5], $0x80, s12, s20, $0xb8;
	[tilespmem:$0x1D000] =	vst v63  }
0x10e: {  	_ =	swait.ge [sflag:s18], $0x4000  }
0x10f: {  	[sflag:s18] =	ssyncset.done $0x0  }
0x110: {  	[sflag:s18] =	ssyncadd.s32 $0xFFFFC000  }
0x111: {  	_ =	swait.ge [sflag:s10], $0x800  }
0x112: {  	[sflag:s10] =	ssyncset.done $0x0  }
0x113: {  	[sflag:s10] =	ssyncadd.s32 $0xFFFFF800  }
0x114: {  	[tilespmem:s16], [sflag:$0x3] =	stream.indirect.gather [hbm4b:s5+s20], $0x80, s19, s20, $0xb8;
	[tilespmem:$0x1D000] =	vst v63  }
0x115: {  	_ =	swait.ge [sflag:s24], $0x4000  }
0x116: {  	[sflag:s24] =	ssyncset.done $0x0  }
0x117: {  	s12 =	simm.s32 $0x780;
	[sflag:s24] =	ssyncadd.s32 $0xFFFFC000  }
0x118: {  	[spmem:s3] =	stream.indirect.scatter.add.f32 [tilespmem:s22], [sflag:$0x5], $0x80, s12, s20, $0xb8;
	[tilespmem:$0x1D000] =	vst v63  }
0x119: {  	_ =	swait.ge [sflag:s18], $0x4000  }
0x11a: {  	s12 =	sshrl.u32 s8, $0x3;
	[sflag:s18] =	ssyncset.done $0x0  }
0x11b: {  	s12 =	sadd.s32 s13, s12;
	[sflag:s18] =	ssyncadd.s32 $0xFFFFC000  }
0x11c: {  	[tilespmem:s4], [sflag:$0x1] =	stream.linear.gather [hbm4b:s12+s4], $0x800, $0x38;
	[tilespmem:$0x1D000] =	vst v63  }
0x11d: {  	s12 =	simm.s32 $0x900  }
0x11e: {  	[tilespmem:s22], [sflag:$0x4] =	stream.indirect.gather [hbm4b:s5+s20], $0x80, s12, s20, $0xb8;
	[tilespmem:$0x1D000] =	vst v63  }
0x11f: {  	_ =	swait.ge [sflag:s17], $0x4000  }
0x120: {  	[sflag:s17] =	ssyncset.done $0x0  }
0x121: {  	[sflag:s17] =	ssyncadd.s32 $0xFFFFC000  }
0x122: {  	[spmem:s3] =	stream.indirect.scatter.add.f32 [tilespmem:s16], [sflag:$0x5], $0x80, s2, s20, $0xb8;
	[tilespmem:$0x1D000] =	vst v63  }
0x123: {  	_ =	swait.ge [sflag:s18], $0x4000  }
0x124: {  	[sflag:s18] =	ssyncset.done $0x0  }
0x125: {  	[sflag:s18] =	ssyncadd.s32 $0xFFFFC000  }
0x126: {  	[tilespmem:s16], [sflag:$0x3] =	stream.indirect.gather [hbm4b:s5+s20], $0x80, s6, s20, $0xb8;
	[tilespmem:$0x1D000] =	vst v63  }
0x127: {  	_ =	swait.ge [sflag:s24], $0x4000  }
0x128: {  	[sflag:s24] =	ssyncset.done $0x0  }
0x129: {  	[sflag:s24] =	ssyncadd.s32 $0xFFFFC000  }
0x12a: {  	[spmem:s3] =	stream.indirect.scatter.add.f32 [tilespmem:s22], [sflag:$0x5], $0x80, s11, s20, $0xb8;
	[tilespmem:$0x1D000] =	vst v63  }
0x12b: {  	_ =	swait.ge [sflag:s18], $0x4000  }
0x12c: {  	[sflag:s18] =	ssyncset.done $0x0  }
0x12d: {  	[sflag:s18] =	ssyncadd.s32 $0xFFFFC000  }
0x12e: {  	[tilespmem:s22], [sflag:$0x4] =	stream.indirect.gather [hbm4b:s5+s20], $0x80, s14, s20, $0xb8;
	[tilespmem:$0x1D000] =	vst v63  }
0x12f: {  	_ =	swait.ge [sflag:s17], $0x4000  }
0x130: {  	[sflag:s17] =	ssyncset.done $0x0  }
0x131: {  	[sflag:s17] =	ssyncadd.s32 $0xFFFFC000  }
0x132: {  	[spmem:s3] =	stream.indirect.scatter.add.f32 [tilespmem:s16], [sflag:$0x5], $0x80, s15, s20, $0xb8;
	[tilespmem:$0x1D000] =	vst v63  }
0x133: {  	_ =	swait.ge [sflag:s18], $0x4000  }
0x134: {  	[sflag:s18] =	ssyncset.done $0x0  }
0x135: {  	[sflag:s18] =	ssyncadd.s32 $0xFFFFC000  }
0x136: {  	[tilespmem:s16], [sflag:$0x3] =	stream.indirect.gather [hbm4b:s5+s20], $0x80, s21, s20, $0xb8;
	[tilespmem:$0x1D000] =	vst v63  }
0x137: {  	_ =	swait.ge [sflag:s24], $0x4000  }
0x138: {  	[sflag:s24] =	ssyncset.done $0x0  }
0x139: {  	[sflag:s24] =	ssyncadd.s32 $0xFFFFC000  }
0x13a: {  	[spmem:s3] =	stream.indirect.scatter.add.f32 [tilespmem:s22], [sflag:$0x5], $0x80, s23, s20, $0xb8;
	[tilespmem:$0x1D000] =	vst v63  }
0x13b: {  	_ =	swait.ge [sflag:s18], $0x4000  }
0x13c: {  	[sflag:s18] =	ssyncset.done $0x0  }
0x13d: {  	[sflag:s18] =	ssyncadd.s32 $0xFFFFC000  }
0x13e: {  	[tilespmem:s22], [sflag:$0x4] =	stream.indirect.gather [hbm4b:s5+s20], $0x80, s25, s20, $0xb8;
	[tilespmem:$0x1D000] =	vst v63  }
0x13f: {  	_ =	swait.ge [sflag:s17], $0x4000  }
0x140: {  	[sflag:s17] =	ssyncset.done $0x0  }
0x141: {  	[sflag:s17] =	ssyncadd.s32 $0xFFFFC000  }
0x142: {  	[spmem:s3] =	stream.indirect.scatter.add.f32 [tilespmem:s16], [sflag:$0x5], $0x80, s26, s20, $0xb8;
	[tilespmem:$0x1D000] =	vst v63  }
0x143: {  	_ =	swait.ge [sflag:s18], $0x4000  }
0x144: {  	[sflag:s18] =	ssyncset.done $0x0  }
0x145: {  	[sflag:s18] =	ssyncadd.s32 $0xFFFFC000  }
0x146: {  	[tilespmem:s16], [sflag:$0x3] =	stream.indirect.gather [hbm4b:s5+s20], $0x80, s28, s20, $0xb8;
	[tilespmem:$0x1D000] =	vst v63  }
0x147: {  	_ =	swait.ge [sflag:s24], $0x4000  }
0x148: {  	[sflag:s24] =	ssyncset.done $0x0  }
0x149: {  	[sflag:s24] =	ssyncadd.s32 $0xFFFFC000  }
0x14a: {  	[spmem:s3] =	stream.indirect.scatter.add.f32 [tilespmem:s22], [sflag:$0x5], $0x80, s29, s20, $0xb8;
	[tilespmem:$0x1D000] =	vst v63  }
0x14b: {  	_ =	swait.ge [sflag:s18], $0x4000  }
0x14c: {  	[sflag:s18] =	ssyncset.done $0x0  }
0x14d: {  	[sflag:s18] =	ssyncadd.s32 $0xFFFFC000  }
0x14e: {  	[tilespmem:s22], [sflag:$0x4] =	stream.indirect.gather [hbm4b:s5+s20], $0x80, s30, s20, $0xb8;
	[tilespmem:$0x1D000] =	vst v63  }
0x14f: {  	_ =	swait.ge [sflag:s17], $0x4000  }
0x150: {  	[sflag:s17] =	ssyncset.done $0x0  }
0x151: {  	[sflag:s17] =	ssyncadd.s32 $0xFFFFC000  }
0x152: {  	[spmem:s3] =	stream.indirect.scatter.add.f32 [tilespmem:s16], [sflag:$0x5], $0x80, s31, s20, $0xb8;
	[tilespmem:$0x1D000] =	vst v63  }
0x153: {  	_ =	swait.ge [sflag:s18], $0x4000  }
0x154: {  	[sflag:s18] =	ssyncset.done $0x0  }
0x155: {  	[sflag:s18] =	ssyncadd.s32 $0xFFFFC000  }
0x156: {  	_ =	swait.ge [sflag:s1], $0x800  }
0x157: {  	[sflag:s1] =	ssyncset.done $0x0  }
0x158: {  	[sflag:s1] =	ssyncadd.s32 $0xFFFFF800  }
0x159: {  	[tilespmem:s16], [sflag:$0x3] =	stream.indirect.gather [hbm4b:s5+s20], $0x80, s4, s20, $0xb8;
	[tilespmem:$0x1D000] =	vst v63  }
0x15a: {  	_ =	swait.ge [sflag:s24], $0x4000  }
0x15b: {  	p0 =	sne.s32 s7, $0x600;
	[sflag:s24] =	ssyncset.done $0x0  }
.Ltmp1:
0x15c: {  	[sflag:s24] =	ssyncadd.s32 $0xFFFFC000;
	(pc) =	sbr.rel @p0 .LBB2_4-.Ltmp1, $4  }
0x15d: {  	[spmem:s3] =	stream.indirect.scatter.add.f32 [tilespmem:s22], [sflag:$0x5], $0x80, s0, s20, $0xb8;
	[tilespmem:$0x1D000] =	vst v63  }
0x15e: {  	s9 =	smov.u32 s7;
	_ =	swait.ge [sflag:s18], $0x4000  }
0x15f: {  	s7 =	sadd.s32 $0x200, s7;
	[sflag:s18] =	ssyncset.done $0x0;
	s12 =	rddreg [dreg:$0x4]  }
0x160: {  	s8 =	sadd.s32 $0x1000, s8;
	[sflag:s18] =	ssyncadd.s32 $0xFFFFC000;
	s9 =	sadd.s32 s9, s12  }
0x161: {  	[tilespmem:s19], [sflag:$0x2] =	stream.linear.gather [hbm4b:s9+s4], $0x800, $0x38;
	[tilespmem:$0x1D000] =	vst v63  }
0x162: {  	s7 =	simm.s32 $0x100  }
0x163: {  	[tilespmem:s22], [sflag:$0x4] =	stream.indirect.gather [hbm4b:s5+s20], $0x80, s7, s20, $0xb8;
	[tilespmem:$0x1D000] =	vst v63  }
0x164: {  	_ =	swait.ge [sflag:s17], $0x4000  }
0x165: {  	[sflag:s17] =	ssyncset.done $0x0  }
0x166: {  	[sflag:s17] =	ssyncadd.s32 $0xFFFFC000  }
0x167: {  	[spmem:s3] =	stream.indirect.scatter.add.f32 [tilespmem:s16], [sflag:$0x5], $0x80, s20, s20, $0xb8;
	[tilespmem:$0x1D000] =	vst v63  }
0x168: {  	_ =	swait.ge [sflag:s18], $0x4000  }
0x169: {  	[sflag:s18] =	ssyncset.done $0x0  }
0x16a: {  	s8 =	simm.s32 $0x200;
	[sflag:s18] =	ssyncadd.s32 $0xFFFFC000  }
0x16b: {  	[tilespmem:s16], [sflag:$0x3] =	stream.indirect.gather [hbm4b:s5+s20], $0x80, s8, s20, $0xb8;
	[tilespmem:$0x1D000] =	vst v63  }
0x16c: {  	_ =	swait.ge [sflag:s24], $0x4000  }
0x16d: {  	[sflag:s24] =	ssyncset.done $0x0  }
0x16e: {  	s9 =	simm.s32 $0x180;
	[sflag:s24] =	ssyncadd.s32 $0xFFFFC000  }
0x16f: {  	[spmem:s3] =	stream.indirect.scatter.add.f32 [tilespmem:s22], [sflag:$0x5], $0x80, s9, s20, $0xb8;
	[tilespmem:$0x1D000] =	vst v63  }
0x170: {  	_ =	swait.ge [sflag:s18], $0x4000  }
0x171: {  	[sflag:s18] =	ssyncset.done $0x0  }
0x172: {  	s12 =	simm.s32 $0x300;
	[sflag:s18] =	ssyncadd.s32 $0xFFFFC000  }
0x173: {  	[tilespmem:s22], [sflag:$0x4] =	stream.indirect.gather [hbm4b:s5+s20], $0x80, s12, s20, $0xb8;
	[tilespmem:$0x1D000] =	vst v63  }
0x174: {  	_ =	swait.ge [sflag:s17], $0x4000  }
0x175: {  	[sflag:s17] =	ssyncset.done $0x0  }
0x176: {  	s8 =	simm.s32 $0x280;
	[sflag:s17] =	ssyncadd.s32 $0xFFFFC000  }
0x177: {  	[spmem:s3] =	stream.indirect.scatter.add.f32 [tilespmem:s16], [sflag:$0x5], $0x80, s8, s20, $0xb8;
	[tilespmem:$0x1D000] =	vst v63  }
0x178: {  	_ =	swait.ge [sflag:s18], $0x4000  }
0x179: {  	[sflag:s18] =	ssyncset.done $0x0  }
0x17a: {  	s9 =	simm.s32 $0x400;
	[sflag:s18] =	ssyncadd.s32 $0xFFFFC000  }
0x17b: {  	[tilespmem:s16], [sflag:$0x3] =	stream.indirect.gather [hbm4b:s5+s20], $0x80, s9, s20, $0xb8;
	[tilespmem:$0x1D000] =	vst v63  }
0x17c: {  	_ =	swait.ge [sflag:s24], $0x4000  }
0x17d: {  	[sflag:s24] =	ssyncset.done $0x0  }
0x17e: {  	s12 =	simm.s32 $0x380;
	[sflag:s24] =	ssyncadd.s32 $0xFFFFC000  }
0x17f: {  	[spmem:s3] =	stream.indirect.scatter.add.f32 [tilespmem:s22], [sflag:$0x5], $0x80, s12, s20, $0xb8;
	[tilespmem:$0x1D000] =	vst v63  }
0x180: {  	_ =	swait.ge [sflag:s18], $0x4000  }
0x181: {  	[sflag:s18] =	ssyncset.done $0x0  }
0x182: {  	s8 =	simm.s32 $0x500;
	[sflag:s18] =	ssyncadd.s32 $0xFFFFC000  }
0x183: {  	[tilespmem:s22], [sflag:$0x4] =	stream.indirect.gather [hbm4b:s5+s20], $0x80, s8, s20, $0xb8;
	[tilespmem:$0x1D000] =	vst v63  }
0x184: {  	_ =	swait.ge [sflag:s17], $0x4000  }
0x185: {  	[sflag:s17] =	ssyncset.done $0x0  }
0x186: {  	s9 =	simm.s32 $0x480;
	[sflag:s17] =	ssyncadd.s32 $0xFFFFC000  }
0x187: {  	[spmem:s3] =	stream.indirect.scatter.add.f32 [tilespmem:s16], [sflag:$0x5], $0x80, s9, s20, $0xb8;
	[tilespmem:$0x1D000] =	vst v63  }
0x188: {  	_ =	swait.ge [sflag:s18], $0x4000  }
0x189: {  	[sflag:s18] =	ssyncset.done $0x0  }
0x18a: {  	s12 =	simm.s32 $0x600;
	[sflag:s18] =	ssyncadd.s32 $0xFFFFC000  }
0x18b: {  	[tilespmem:s16], [sflag:$0x3] =	stream.indirect.gather [hbm4b:s5+s20], $0x80, s12, s20, $0xb8;
	[tilespmem:$0x1D000] =	vst v63  }
0x18c: {  	_ =	swait.ge [sflag:s24], $0x4000  }
0x18d: {  	[sflag:s24] =	ssyncset.done $0x0  }
0x18e: {  	s8 =	simm.s32 $0x580;
	[sflag:s24] =	ssyncadd.s32 $0xFFFFC000  }
0x18f: {  	[spmem:s3] =	stream.indirect.scatter.add.f32 [tilespmem:s22], [sflag:$0x5], $0x80, s8, s20, $0xb8;
	[tilespmem:$0x1D000] =	vst v63  }
0x190: {  	_ =	swait.ge [sflag:s18], $0x4000  }
0x191: {  	[sflag:s18] =	ssyncset.done $0x0  }
0x192: {  	s9 =	simm.s32 $0x700;
	[sflag:s18] =	ssyncadd.s32 $0xFFFFC000  }
0x193: {  	[tilespmem:s22], [sflag:$0x4] =	stream.indirect.gather [hbm4b:s5+s20], $0x80, s9, s20, $0xb8;
	[tilespmem:$0x1D000] =	vst v63  }
0x194: {  	_ =	swait.ge [sflag:s17], $0x4000  }
0x195: {  	[sflag:s17] =	ssyncset.done $0x0  }
0x196: {  	s12 =	simm.s32 $0x680;
	[sflag:s17] =	ssyncadd.s32 $0xFFFFC000  }
0x197: {  	[spmem:s3] =	stream.indirect.scatter.add.f32 [tilespmem:s16], [sflag:$0x5], $0x80, s12, s20, $0xb8;
	[tilespmem:$0x1D000] =	vst v63  }
0x198: {  	_ =	swait.ge [sflag:s18], $0x4000  }
0x199: {  	[sflag:s18] =	ssyncset.done $0x0  }
0x19a: {  	[sflag:s18] =	ssyncadd.s32 $0xFFFFC000  }
0x19b: {  	_ =	swait.ge [sflag:s10], $0x800  }
0x19c: {  	[sflag:s10] =	ssyncset.done $0x0  }
0x19d: {  	[sflag:s10] =	ssyncadd.s32 $0xFFFFF800  }
0x19e: {  	[tilespmem:s16], [sflag:$0x3] =	stream.indirect.gather [hbm4b:s5+s20], $0x80, s19, s20, $0xb8;
	[tilespmem:$0x1D000] =	vst v63  }
0x19f: {  	_ =	swait.ge [sflag:s24], $0x4000  }
0x1a0: {  	[sflag:s24] =	ssyncset.done $0x0  }
0x1a1: {  	s8 =	simm.s32 $0x780;
	[sflag:s24] =	ssyncadd.s32 $0xFFFFC000  }
0x1a2: {  	[spmem:s3] =	stream.indirect.scatter.add.f32 [tilespmem:s22], [sflag:$0x5], $0x80, s8, s20, $0xb8;
	[tilespmem:$0x1D000] =	vst v63  }
0x1a3: {  	_ =	swait.ge [sflag:s18], $0x4000  }
0x1a4: {  	[sflag:s18] =	ssyncset.done $0x0  }
0x1a5: {  	s9 =	simm.s32 $0x900;
	[sflag:s18] =	ssyncadd.s32 $0xFFFFC000  }
0x1a6: {  	[tilespmem:s22], [sflag:$0x4] =	stream.indirect.gather [hbm4b:s5+s20], $0x80, s9, s20, $0xb8;
	[tilespmem:$0x1D000] =	vst v63  }
0x1a7: {  	_ =	swait.ge [sflag:s17], $0x4000  }
0x1a8: {  	[sflag:s17] =	ssyncset.done $0x0  }
0x1a9: {  	[sflag:s17] =	ssyncadd.s32 $0xFFFFC000  }
0x1aa: {  	[spmem:s3] =	stream.indirect.scatter.add.f32 [tilespmem:s16], [sflag:$0x5], $0x80, s2, s20, $0xb8;
	[tilespmem:$0x1D000] =	vst v63  }
0x1ab: {  	_ =	swait.ge [sflag:s18], $0x4000  }
0x1ac: {  	[sflag:s18] =	ssyncset.done $0x0  }
0x1ad: {  	[sflag:s18] =	ssyncadd.s32 $0xFFFFC000  }
0x1ae: {  	[tilespmem:s16], [sflag:$0x3] =	stream.indirect.gather [hbm4b:s5+s20], $0x80, s6, s20, $0xb8;
	[tilespmem:$0x1D000] =	vst v63  }
0x1af: {  	_ =	swait.ge [sflag:s24], $0x4000  }
0x1b0: {  	[sflag:s24] =	ssyncset.done $0x0  }
0x1b1: {  	[sflag:s24] =	ssyncadd.s32 $0xFFFFC000  }
0x1b2: {  	[spmem:s3] =	stream.indirect.scatter.add.f32 [tilespmem:s22], [sflag:$0x5], $0x80, s11, s20, $0xb8;
	[tilespmem:$0x1D000] =	vst v63  }
0x1b3: {  	_ =	swait.ge [sflag:s18], $0x4000  }
0x1b4: {  	[sflag:s18] =	ssyncset.done $0x0  }
0x1b5: {  	[sflag:s18] =	ssyncadd.s32 $0xFFFFC000  }
0x1b6: {  	[tilespmem:s22], [sflag:$0x4] =	stream.indirect.gather [hbm4b:s5+s20], $0x80, s14, s20, $0xb8;
	[tilespmem:$0x1D000] =	vst v63  }
0x1b7: {  	_ =	swait.ge [sflag:s17], $0x4000  }
0x1b8: {  	[sflag:s17] =	ssyncset.done $0x0  }
0x1b9: {  	[sflag:s17] =	ssyncadd.s32 $0xFFFFC000  }
0x1ba: {  	[spmem:s3] =	stream.indirect.scatter.add.f32 [tilespmem:s16], [sflag:$0x5], $0x80, s15, s20, $0xb8;
	[tilespmem:$0x1D000] =	vst v63  }
0x1bb: {  	_ =	swait.ge [sflag:s18], $0x4000  }
0x1bc: {  	[sflag:s18] =	ssyncset.done $0x0  }
0x1bd: {  	[sflag:s18] =	ssyncadd.s32 $0xFFFFC000  }
0x1be: {  	[tilespmem:s16], [sflag:$0x3] =	stream.indirect.gather [hbm4b:s5+s20], $0x80, s21, s20, $0xb8;
	[tilespmem:$0x1D000] =	vst v63  }
0x1bf: {  	_ =	swait.ge [sflag:s24], $0x4000  }
0x1c0: {  	[sflag:s24] =	ssyncset.done $0x0  }
0x1c1: {  	[sflag:s24] =	ssyncadd.s32 $0xFFFFC000  }
0x1c2: {  	[spmem:s3] =	stream.indirect.scatter.add.f32 [tilespmem:s22], [sflag:$0x5], $0x80, s23, s20, $0xb8;
	[tilespmem:$0x1D000] =	vst v63  }
0x1c3: {  	_ =	swait.ge [sflag:s18], $0x4000  }
0x1c4: {  	[sflag:s18] =	ssyncset.done $0x0  }
0x1c5: {  	[sflag:s18] =	ssyncadd.s32 $0xFFFFC000  }
0x1c6: {  	[tilespmem:s22], [sflag:$0x4] =	stream.indirect.gather [hbm4b:s5+s20], $0x80, s25, s20, $0xb8;
	[tilespmem:$0x1D000] =	vst v63  }
0x1c7: {  	_ =	swait.ge [sflag:s17], $0x4000  }
0x1c8: {  	[sflag:s17] =	ssyncset.done $0x0  }
0x1c9: {  	[sflag:s17] =	ssyncadd.s32 $0xFFFFC000  }
0x1ca: {  	[spmem:s3] =	stream.indirect.scatter.add.f32 [tilespmem:s16], [sflag:$0x5], $0x80, s26, s20, $0xb8;
	[tilespmem:$0x1D000] =	vst v63  }
0x1cb: {  	_ =	swait.ge [sflag:s18], $0x4000  }
0x1cc: {  	[sflag:s18] =	ssyncset.done $0x0  }
0x1cd: {  	[sflag:s18] =	ssyncadd.s32 $0xFFFFC000  }
0x1ce: {  	[tilespmem:s16], [sflag:$0x3] =	stream.indirect.gather [hbm4b:s5+s20], $0x80, s28, s20, $0xb8;
	[tilespmem:$0x1D000] =	vst v63  }
0x1cf: {  	_ =	swait.ge [sflag:s24], $0x4000  }
0x1d0: {  	[sflag:s24] =	ssyncset.done $0x0  }
0x1d1: {  	[sflag:s24] =	ssyncadd.s32 $0xFFFFC000  }
0x1d2: {  	[spmem:s3] =	stream.indirect.scatter.add.f32 [tilespmem:s22], [sflag:$0x5], $0x80, s29, s20, $0xb8;
	[tilespmem:$0x1D000] =	vst v63  }
0x1d3: {  	_ =	swait.ge [sflag:s18], $0x4000  }
0x1d4: {  	[sflag:s18] =	ssyncset.done $0x0  }
0x1d5: {  	[sflag:s18] =	ssyncadd.s32 $0xFFFFC000  }
0x1d6: {  	[tilespmem:s22], [sflag:$0x4] =	stream.indirect.gather [hbm4b:s5+s20], $0x80, s30, s20, $0xb8;
	[tilespmem:$0x1D000] =	vst v63  }
0x1d7: {  	_ =	swait.ge [sflag:s17], $0x4000  }
0x1d8: {  	[sflag:s17] =	ssyncset.done $0x0  }
0x1d9: {  	[sflag:s17] =	ssyncadd.s32 $0xFFFFC000  }
0x1da: {  	[spmem:s3] =	stream.indirect.scatter.add.f32 [tilespmem:s16], [sflag:$0x5], $0x80, s31, s20, $0xb8;
	[tilespmem:$0x1D000] =	vst v63  }
0x1db: {  	_ =	swait.ge [sflag:s18], $0x4000  }
0x1dc: {  	[sflag:s18] =	ssyncset.done $0x0  }
0x1dd: {  	[sflag:s18] =	ssyncadd.s32 $0xFFFFC000  }
0x1de: {  	_ =	swait.ge [sflag:s24], $0x4000  }
0x1df: {  	[sflag:s24] =	ssyncset.done $0x0  }
0x1e0: {  	[sflag:s24] =	ssyncadd.s32 $0xFFFFC000  }
0x1e1: {  	[spmem:s3] =	stream.indirect.scatter.add.f32 [tilespmem:s22], [sflag:$0x5], $0x80, s0, s20, $0xb8;
	[tilespmem:$0x1D000] =	vst v63  }
0x1e2: {  	_ =	swait.ge [sflag:s18], $0x4000  }
0x1e3: {  	[sflag:s18] =	ssyncset.done $0x0  }
0x1e4: {  	[sflag:s18] =	ssyncadd.s32 $0xFFFFC000  }
0x1e5: {  	s12 =	stileid.u32;
	[bflag:$0x0] =	sbarrier.arrive $0xFFFF  }
0x1e6: {  	s7 =	sshll.u32 s12, $0x6;
	s12 =	rddreg [dreg:$0x5]  }
0x1e7: {  	s7 =	sor.u32 $0x1C05, s7;
	s0 =	rddreg [dreg:$0xc];
	s8 =	sshrl.u32 s12, $0x3  }
0x1e8: {  	[hbm:s0], [sflag:s7] =	dma.local [spmem:s8], $0x2800  }
0x1e9: {  	_ =	swait.ge [sflag:s18], $0x2800  }
0x1ea: {  	s8 =	rddreg [dreg:$0xf]  }
0x1eb: {  	s9 =	rddreg [dreg:$0xd];
	s0 =	sadd.s32 $0x1, s8  }
0x1ec: {  	p0 =	sne.s32 s0, s9  }
.Ltmp2:
0x1ed: {  	_ = 	snop;
	(pc) =	sbr.rel @p0 .LBB2_1-.Ltmp2, $3  }
0x1ee: {  	_ =	sdelay $0x1  }
0x1ef: {  	[sflag:s18] =	ssyncset.done $0x0  }
0x1f0: {  	[sflag:s18] =	ssyncadd.s32 $0xFFFFD800  }
0x1f1: {  	_ =	sfence.sel $0x180000  }
0x1f2: {  	[bflag:$0x0] =	sbarrier.arrive $0xFFFF  }
0x1f3: {  	_ =	strace $0x9000004A  }
0x1f4: {  	s0 =	stileid.u32;
	[bflag:$0x2] =	sbarrier.arrive $0xFFFF  }
0x1f5: {  	p0 =	sne.s32 s0, $0x0;
	s0 =	rddreg [dreg:$0x3]  }
0x1f6: {  	s0 =	sadd.s32 @!p0 $0x100000, s0  }
0x1f7: {  	[sflag:s0] =	ssyncadd.tile.s32 @!p0 $0x1;
	_ =	shalt  }
.Lfunc_end2:
_tile_overlayer_lowered:
.L_overlay_start_2:
0x1f8: {  	(tag) =	ssettag $0x2  }
0x1f9: {  	s0 =	rddreg [dreg:$0x0];
	s2 =	stileid.u32  }
0x1fa: {  	s1 =	rddreg [dreg:$0x1];
	p0 =	sne.s32 s2, $0x0  }
0x1fb: {  	s3 =	rddreg [dreg:$0x2];
	[bflag:$0x3] =	sbarrier.arrive $0xFFFF;
	s2 =	simm.s32 @!p0 $0x1C05  }
0x1fc: {  	[timem:s3], [sflag:s2] =	dma.local @!p0 [hbm:s0], s1  }
0x1fd: {  	s0 =	simm.s32 @!p0 $0x5  }
0x1fe: {  	_ =	swait.ge @!p0 [sflag:s0], s1  }
0x1ff: {  	s1 =	ssub.s32 @!p0 $0x0, s1;
	[sflag:s0] =	ssyncset.done @!p0 $0x0  }
0x200: {  	[sflag:s0] =	ssyncadd.s32 @!p0 s1  }
0x201: {  	[bflag:$0x3] =	sbarrier.arrive $0xFFFF  }
0x202: {  	_ =	shalt  }

</sc_bundles>
